<compile_context>
chip_gen: v7x
topology: tpu7x:2x2x1
jax: 0.10.2.dev20260603
libtpu: 0.0.44.dev20260713+nightly
codegen_flags: <defaults>
</compile_context>

<pallas_src>
import jax
import jax.numpy as jnp
from jax import lax
from jax.experimental import pallas as pl
from jax.experimental.pallas import tpu as pltpu
from jax.experimental.pallas import tpu_sc as plsc

_N = 50000
_E = 800000
_G = 256
_NUM_TACTICS = 1000

_NC, _NS = 2, 16
_NP = 50176
_EP = 819200
_ER = _EP // 128
_RPT = _ER // _NS
_BB = 4
_NB = _RPT // _BB
_ZR = _NP // _NS

_NPN = 53248
_NRW = _NPN // 128 // (_NC * _NS)


def _dot(a, b):
    return jnp.dot(a, b, precision=lax.Precision.HIGHEST)



def _edge_body(ytall, src4, dstp, zrows, s4, sidx, didx, rows, acc, gsem):
    c = lax.axis_index("c")
    s = lax.axis_index("s")
    for jj in range(2):
        chunk = c * 2 + jj
        pltpu.sync_copy(zrows, acc.at[pl.ds(s * _ZR, _ZR)])
        plsc.subcore_barrier()

        def batch_body(b, carry):
            row0 = s * _RPT + b * _BB
            pltpu.sync_copy(src4.at[chunk, pl.ds(row0, _BB), :], sidx)
            pltpu.sync_copy(dstp.at[pl.ds(row0, _BB), :], didx)
            cps = [
                pltpu.async_copy(ytall.at[sidx.at[j]],
                                 rows.at[pl.ds(j * 128, 128)], gsem)
                for j in range(_BB)
            ]
            for cp in cps:
                cp.wait()
            aps = [
                pltpu.async_copy(rows.at[pl.ds(j * 128, 128)],
                                 acc.at[didx.at[j]], gsem, add=True)
                for j in range(_BB)
            ]
            for ap in aps:
                ap.wait()
            return carry

        lax.fori_loop(0, _NB, batch_body, 0)
        plsc.subcore_barrier()
        pltpu.sync_copy(acc.at[pl.ds(s * _ZR, _ZR)],
                        s4.at[chunk, pl.ds(s * _ZR, _ZR), :])
        plsc.subcore_barrier()


def _edge_segsum(ytall, src4, dstp, zrows):
    f = pl.kernel(
        _edge_body,
        out_type=jax.ShapeDtypeStruct((4, _NP, 32), jnp.float32),
        mesh=plsc.VectorSubcoreMesh(core_axis_name="c", subcore_axis_name="s",
                                    num_cores=_NC, num_subcores=_NS),
        scratch_types=[
            pltpu.VMEM((_BB, 128), jnp.int32),
            pltpu.VMEM((_BB, 128), jnp.int32),
            pltpu.VMEM((_BB * 128, 32), jnp.float32),
            pltpu.VMEM_SHARED((_NP, 32), jnp.float32),
            pltpu.SemaphoreType.DMA,
        ],
        compiler_params=pltpu.CompilerParams(use_tc_tiling_on_sc=False),
    )
    return f(ytall, src4, dstp, zrows)



_DB = 20
_DRW = _EP // 128 // (_NC * _NS)
_DNB = _DRW // _DB
_DH = _NP // 32
_DGT = 4 * _DH // _NS


def _deg_body(dhi4, dlo, eye32, zrows_d, deg_out, hidx, lidx, rows, acc, gsem):
    c = lax.axis_index("c")
    s = lax.axis_index("s")
    w = s * _NC + c
    g = s % 4
    pltpu.sync_copy(zrows_d, acc.at[pl.ds(s * _DGT, _DGT)])
    plsc.subcore_barrier()

    def batch_body(b, carry):
        row0 = w * _DRW + b * _DB
        pltpu.sync_copy(dhi4.at[g, pl.ds(row0, _DB), :], hidx)
        pltpu.sync_copy(dlo.at[pl.ds(row0, _DB), :], lidx)
        cps = [
            pltpu.async_copy(eye32.at[lidx.at[j]],
                             rows.at[pl.ds(j * 128, 128)], gsem)
            for j in range(_DB)
        ]
        for cp in cps:
            cp.wait()
        aps = [
            pltpu.async_copy(rows.at[pl.ds(j * 128, 128)],
                             acc.at[hidx.at[j]], gsem, add=True)
            for j in range(_DB)
        ]
        for ap in aps:
            ap.wait()
        return carry

    lax.fori_loop(0, _DNB, batch_body, 0)
    plsc.subcore_barrier()
    pltpu.sync_copy(acc.at[pl.ds(s * _DGT, _DGT)],
                    deg_out.at[c, pl.ds(s * _DGT, _DGT), :])


def _deg_count(dhi4, dlo, eye32, zrows_d):
    f = pl.kernel(
        _deg_body,
        out_type=jax.ShapeDtypeStruct((_NC, 4 * _DH, 32), jnp.float32),
        mesh=plsc.VectorSubcoreMesh(core_axis_name="c", subcore_axis_name="s",
                                    num_cores=_NC, num_subcores=_NS),
        scratch_types=[
            pltpu.VMEM((_DB, 128), jnp.int32),
            pltpu.VMEM((_DB, 128), jnp.int32),
            pltpu.VMEM((_DB * 128, 32), jnp.float32),
            pltpu.VMEM_SHARED((4 * _DH, 32), jnp.float32),
            pltpu.SemaphoreType.DMA,
        ],
        compiler_params=pltpu.CompilerParams(use_tc_tiling_on_sc=False),
    )
    return f(dhi4, dlo, eye32, zrows_d)



def _node_body(t1s, tt1s, pbsz, t1n, tt1n, pbnz, pb2z, it_h, tt_h, pb_h,
               hs_out, y_out, s2_out, iti, tti, pbi, rhs, ry, rs2, gsem):
    c = lax.axis_index("c")
    s = lax.axis_index("s")
    w = s * _NC + c
    r0 = w * _NRW
    pltpu.sync_copy(it_h.at[pl.ds(r0, _NRW), :], iti)
    pltpu.sync_copy(tt_h.at[pl.ds(r0, _NRW), :], tti)
    pltpu.sync_copy(pb_h.at[pl.ds(r0, _NRW), :], pbi)

    def jb(j, carry):
        base = (r0 + j) * 128
        g1 = pltpu.async_copy(t1s.at[iti.at[j]], rhs, gsem)
        g2 = pltpu.async_copy(t1n.at[iti.at[j]], ry, gsem)
        g3 = pltpu.async_copy(pb2z.at[pbi.at[j]], rs2, gsem)
        g1.wait()
        g2.wait()
        g3.wait()
        a1 = pltpu.async_copy(tt1s.at[tti.at[j]], rhs, gsem, add=True)
        a2 = pltpu.async_copy(pbsz.at[pbi.at[j]], rhs, gsem, add=True)
        a3 = pltpu.async_copy(tt1n.at[tti.at[j]], ry, gsem, add=True)
        a4 = pltpu.async_copy(pbnz.at[pbi.at[j]], ry, gsem, add=True)
        a1.wait()
        a2.wait()
        a3.wait()
        a4.wait()
        pltpu.sync_copy(rhs, hs_out.at[pl.ds(base, 128)])
        pltpu.sync_copy(ry, y_out.at[pl.ds(base, 128)])
        pltpu.sync_copy(rs2, s2_out.at[pl.ds(base, 128)])
        return carry

    lax.fori_loop(0, _NRW, jb, 0)


def _node_gather(t1s, tt1s, pbsz, t1n, tt1n, pbnz, pb2z, it_h, tt_h, pb_h):
    f = pl.kernel(
        _node_body,
        out_type=(jax.ShapeDtypeStruct((_NPN, 128), jnp.float32),
                  jax.ShapeDtypeStruct((_NPN, 128), jnp.float32),
                  jax.ShapeDtypeStruct((_NPN, 128), jnp.float32)),
        mesh=plsc.VectorSubcoreMesh(core_axis_name="c", subcore_axis_name="s",
                                    num_cores=_NC, num_subcores=_NS),
        scratch_types=[
            pltpu.VMEM((_NRW, 128), jnp.int32),
            pltpu.VMEM((_NRW, 128), jnp.int32),
            pltpu.VMEM((_NRW, 128), jnp.int32),
            pltpu.VMEM((128, 128), jnp.float32),
            pltpu.VMEM((128, 128), jnp.float32),
            pltpu.VMEM((128, 128), jnp.float32),
            pltpu.SemaphoreType.DMA,
        ],
        compiler_params=pltpu.CompilerParams(use_tc_tiling_on_sc=False),
    )
    return f(t1s, tt1s, pbsz, t1n, tt1n, pbnz, pb2z, it_h, tt_h, pb_h)



def _fold_body(te, ta, wp, bp, w1s, w1n, w1sem, w2sem,
               t1s, t1n, tt1s, tt1n, wfs, wfn, wf2, cs, cn, c2):
    t1s[...] = _dot(te[...], w1s[0:32, :])
    t1n[...] = _dot(te[...], w1n[0:32, :])
    tt1s[...] = _dot(ta[...], w1s[32:96, :])
    tt1n[...] = _dot(ta[...], w1n[32:96, :])
    vs = w1s[96:160, :] + w1sem[...]
    vn = w1n[96:160, :]
    v2 = w2sem[...]
    wfs[...] = _dot(wp[...], vs)
    wfn[...] = _dot(wp[...], vn)
    wf2[...] = _dot(wp[...], v2)
    cs[...] = jnp.broadcast_to(_dot(bp[...], vs), (8, 128))
    cn[...] = jnp.broadcast_to(_dot(bp[...], vn), (8, 128))
    c2[...] = jnp.broadcast_to(_dot(bp[...], v2), (8, 128))


def _fold_tables(te, ta, wp, bp, w1s, w1n, w1sem, w2sem):
    outs = [jax.ShapeDtypeStruct(s, jnp.float32) for s in
            [(32, 128), (32, 128), (1008, 128), (1008, 128),
             (768, 128), (768, 128), (768, 128),
             (8, 128), (8, 128), (8, 128)]]
    return pl.pallas_call(_fold_body, out_shape=outs)(
        te, ta, wp, bp, w1s, w1n, w1sem, w2sem)


_BKP = 20096


def _bank_body(bank, wfs, wfn, wf2, cs, cn, c2, pbs, pbn, pb2):
    b = bank[...]
    pbs[...] = _dot(b, wfs[...]) + cs[0:1, :]
    pbn[...] = _dot(b, wfn[...]) + cn[0:1, :]
    pb2[...] = _dot(b, wf2[...]) + c2[0:1, :]


def _bank_tables(bank_pad, wfs, wfn, wf2, cs, cn, c2):
    nb = _BKP // 128
    blk = lambda i: (i, 0)
    full = lambda i: (0, 0)
    return pl.pallas_call(
        _bank_body,
        grid=(nb,),
        in_specs=[pl.BlockSpec((128, 768), blk),
                  pl.BlockSpec((768, 128), full), pl.BlockSpec((768, 128), full),
                  pl.BlockSpec((768, 128), full),
                  pl.BlockSpec((8, 128), full), pl.BlockSpec((8, 128), full),
                  pl.BlockSpec((8, 128), full)],
        out_specs=[pl.BlockSpec((128, 128), blk)] * 3,
        out_shape=[jax.ShapeDtypeStruct((_BKP, 128), jnp.float32)] * 3,
    )(bank_pad, wfs, wfn, wf2, cs, cn, c2)



def _mid_body(hs1, s1, sem2, degp, w2s, w2n, b1, b2, hs2, y2):
    deg = jnp.sum(degp[...], axis=0)
    di = 1.0 / jnp.maximum(deg, 1.0)
    h1 = jnp.maximum(hs1[...] + b1[...] + s1[...] * di[:, None], 0.0)
    hs2[...] = _dot(h1, w2s[...]) + sem2[...] + b2[...]
    y2[...] = _dot(h1, w2n[...])


def _mid(hs1, s1, sem2, degp, w2s, w2n, b1, b2):
    nb = _NP // 512
    blk = lambda i: (i, 0)
    full = lambda i: (0, 0)
    return pl.pallas_call(
        _mid_body,
        grid=(nb,),
        in_specs=[pl.BlockSpec((512, 128), blk), pl.BlockSpec((512, 128), blk),
                  pl.BlockSpec((512, 128), blk),
                  pl.BlockSpec((8, 512), lambda i: (0, i)),
                  pl.BlockSpec((128, 128), full), pl.BlockSpec((128, 128), full),
                  pl.BlockSpec((1, 128), full), pl.BlockSpec((1, 128), full)],
        out_specs=[pl.BlockSpec((512, 128), blk)] * 2,
        out_shape=[jax.ShapeDtypeStruct((_NP, 128), jnp.float32)] * 2,
    )(hs1, s1, sem2, degp, w2s, w2n, b1, b2)



def _pool_body(hs2, s2, degp, batchp, wc1, bc1, wc2, bc2, out, sums, cnt):
    pid = pl.program_id(0)
    nb = pl.num_programs(0)

    @pl.when(pid == 0)
    def _():
        sums[...] = jnp.zeros_like(sums)
        cnt[...] = jnp.zeros_like(cnt)

    deg = jnp.sum(degp[...], axis=0)
    di = 1.0 / jnp.maximum(deg, 1.0)
    h2 = jnp.maximum(hs2[...] + s2[...] * di[:, None], 0.0)
    bb = batchp[0, :]
    oh = (lax.broadcasted_iota(jnp.int32, (_G, 512), 0) == bb[None, :]
          ).astype(jnp.float32)
    sums[...] += _dot(oh, h2)
    cnt[...] += jnp.broadcast_to(jnp.sum(oh, axis=1, keepdims=True), (_G, 128))

    @pl.when(pid == nb - 1)
    def _():
        gr = sums[...] / jnp.maximum(cnt[...], 1.0)
        h = jnp.maximum(_dot(gr, wc1[...]) + bc1[...], 0.0)
        out[...] = _dot(h, wc2[...]) + bc2[...]


def _pool_head(hs2, s2, degp, batchp, wc1, bc1, wc2, bc2):
    nb = _NP // 512
    blk = lambda i: (i, 0)
    full = lambda i: (0, 0)
    return pl.pallas_call(
        _pool_body,
        grid=(nb,),
        in_specs=[pl.BlockSpec((512, 128), blk), pl.BlockSpec((512, 128), blk),
                  pl.BlockSpec((8, 512), lambda i: (0, i)),
                  pl.BlockSpec((1, 512), lambda i: (0, i)),
                  pl.BlockSpec((128, 128), full), pl.BlockSpec((1, 128), full),
                  pl.BlockSpec((128, _NUM_TACTICS), full),
                  pl.BlockSpec((1, _NUM_TACTICS), full)],
        out_specs=pl.BlockSpec((_G, _NUM_TACTICS), full),
        out_shape=jax.ShapeDtypeStruct((_G, _NUM_TACTICS), jnp.float32),
        scratch_shapes=[pltpu.VMEM((_G, 128), jnp.float32),
                        pltpu.VMEM((_G, 128), jnp.float32)],
    )(hs2, s2, degp, batchp, wc1, bc1, wc2, bc2)



def _to_tall(y):
    return y[:_NP].reshape(_NP, 4, 32).transpose(1, 0, 2).reshape(4 * _NP, 32)


def _from_s4(s4):
    return s4.transpose(1, 0, 2).reshape(_NP, 128)


def _pad_rows(a, n):
    return jnp.pad(a, ((0, n - a.shape[0]),) + ((0, 0),) * (a.ndim - 1))


def kernel(node_type, node_tactic_id, state_lm_id, edge_index, batch, type_emb,
           tactic_emb, state_lm_bank, W_proj, b_proj, W1_self, W1_neigh, W1_sem,
           b1, W2_self, W2_neigh, W2_sem, b2, Wc1, bc1, Wc2, bc2):
    ta_pad = _pad_rows(tactic_emb, 1008)
    (t1s, t1n, tt1s, tt1n, wfs, wfn, wf2, cs, cn, c2) = _fold_tables(
        type_emb, ta_pad, W_proj, b_proj.reshape(1, 64),
        W1_self, W1_neigh, W1_sem, W2_sem)
    bank_pad = _pad_rows(state_lm_bank, _BKP)
    pbs, pbn, pb2 = _bank_tables(bank_pad, wfs, wfn, wf2, cs, cn, c2)
    z8 = jnp.zeros((8, 128), jnp.float32)
    pbsz = jnp.concatenate([z8, pbs])
    pbnz = jnp.concatenate([z8, pbn])
    pb2z = jnp.concatenate([z8, pb2])

    mask = state_lm_id >= 0
    shifted = jnp.clip(node_tactic_id + 1, 0, _NUM_TACTICS)
    pb_idx = jnp.where(mask, 8 + jnp.where(mask, state_lm_id, 0), 0)
    it_h = jnp.pad(node_type, (0, _NPN - _N)).reshape(_NPN // 128, 128)
    tt_h = jnp.pad(shifted, (0, _NPN - _N)).reshape(_NPN // 128, 128)
    pb_h = jnp.pad(pb_idx, (0, _NPN - _N)).reshape(_NPN // 128, 128)

    hs1pre, y1, sem2c = _node_gather(t1s, tt1s, pbsz, t1n, tt1n, pbnz, pb2z,
                                     it_h, tt_h, pb_h)

    src, dst = edge_index[0], edge_index[1]
    srcp = jnp.pad(src, (0, _EP - _E))
    dstp_flat = jnp.pad(dst, (0, _EP - _E), constant_values=_N)
    src4 = (srcp[None, :] + (jnp.arange(4, dtype=jnp.int32) * _NP)[:, None]
            ).reshape(4, _ER, 128)
    dstp = dstp_flat.reshape(_ER, 128)
    zrows = jnp.zeros((_ZR, 32), jnp.float32)

    dhi_flat = dstp_flat >> 5
    dhi4 = (dhi_flat[None, :] + (jnp.arange(4, dtype=jnp.int32) * _DH)[:, None]
            ).reshape(4, _ER, 128)
    dlo = (dstp_flat & 31).reshape(_ER, 128)
    deg_parts = _deg_count(dhi4, dlo, jnp.eye(32, dtype=jnp.float32),
                           jnp.zeros((_DGT, 32), jnp.float32))
    degp = deg_parts.reshape(_NC * 4, _NP)

    S1 = _from_s4(_edge_segsum(_to_tall(y1), src4, dstp, zrows))
    hs2pre, y2 = _mid(hs1pre[:_NP], S1, sem2c[:_NP], degp,
                      W2_self, W2_neigh, b1.reshape(1, 128), b2.reshape(1, 128))

    S2 = _from_s4(_edge_segsum(_to_tall(y2), src4, dstp, zrows))
    batchp = jnp.pad(batch, (0, _NP - _N), constant_values=_G
                     ).reshape(1, _NP)
    return _pool_head(hs2pre, S2, degp, batchp,
                      Wc1, bc1.reshape(1, 128), Wc2,
                      bc2.reshape(1, _NUM_TACTICS))

# --- scband reference (transcript-rebuilt; emitter-appended) ---
"""Pipeline reference for scband-proof-gnn-next-tactic-15917148799638 (READ-ONLY COPY).

The authoritative reference and input builder live on the scoring server;
editing this copy changes nothing except your own understanding.
"""

import jax, jax.numpy as jnp
import numpy as np

N = 50000
E = 800000
G = 256
NUM_NODE_TYPES = 32
NUM_TACTICS = 1000
LM_DIM = 768
BANK = 20000
TYPE_D = 32
TAC_D = 64
SEM_D = 64
HID = 128
IN_D = TYPE_D + TAC_D + SEM_D


def setup_inputs(seed: int = 0):
    key = jax.random.key(seed)
    ks = jax.random.split(key, 24)
    s = 0.02
    inp = {}
    inp['node_type'] = jax.random.randint(ks[0], (N,), 0, NUM_NODE_TYPES, dtype=jnp.int32)
    inp['node_tactic_id'] = jax.random.randint(ks[1], (N,), 0, NUM_TACTICS, dtype=jnp.int32)
    inp['state_lm_id'] = jax.random.randint(ks[2], (N,), 0, BANK, dtype=jnp.int32)
    inp['edge_index'] = jax.random.randint(ks[3], (2, E), 0, N, dtype=jnp.int32)
    inp['batch'] = jnp.sort(jax.random.randint(ks[4], (N,), 0, G, dtype=jnp.int32))
    inp['type_emb'] = jax.random.normal(ks[5], (NUM_NODE_TYPES, TYPE_D), jnp.float32) * s
    inp['tactic_emb'] = jax.random.normal(ks[6], (NUM_TACTICS + 1, TAC_D), jnp.float32) * s
    inp['state_lm_bank'] = jax.random.normal(ks[7], (BANK, LM_DIM), jnp.float32) * s
    inp['W_proj'] = jax.random.normal(ks[8], (LM_DIM, SEM_D), jnp.float32) * s
    inp['b_proj'] = jnp.zeros((SEM_D,), jnp.float32)
    inp['W1_self'] = jax.random.normal(ks[9], (IN_D, HID), jnp.float32) * s
    inp['W1_neigh'] = jax.random.normal(ks[10], (IN_D, HID), jnp.float32) * s
    inp['W1_sem'] = jax.random.normal(ks[11], (SEM_D, HID), jnp.float32) * s
    inp['b1'] = jnp.zeros((HID,), jnp.float32)
    inp['W2_self'] = jax.random.normal(ks[12], (HID, HID), jnp.float32) * s
    inp['W2_neigh'] = jax.random.normal(ks[13], (HID, HID), jnp.float32) * s
    inp['W2_sem'] = jax.random.normal(ks[14], (SEM_D, HID), jnp.float32) * s
    inp['b2'] = jnp.zeros((HID,), jnp.float32)
    inp['Wc1'] = jax.random.normal(ks[15], (HID, HID), jnp.float32) * s
    inp['bc1'] = jnp.zeros((HID,), jnp.float32)
    inp['Wc2'] = jax.random.normal(ks[16], (HID, NUM_TACTICS), jnp.float32) * s
    inp['bc2'] = jnp.zeros((NUM_TACTICS,), jnp.float32)
    return inp


def _sage_conv(x, edge_index, sem, W_self, W_neigh, W_sem, b):
    src = edge_index[0]
    dst = edge_index[1]
    msg = jnp.take(x, src, axis=0)
    agg = jax.ops.segment_sum(msg, dst, num_segments=N)
    deg = jax.ops.segment_sum(jnp.ones((E,), x.dtype), dst, num_segments=N)
    agg = agg / jnp.clip(deg, 1.0, None)[:, None]
    return x @ W_self + agg @ W_neigh + sem @ W_sem + b


def reference(node_type, node_tactic_id, state_lm_id, edge_index, batch, type_emb, tactic_emb, state_lm_bank, W_proj, b_proj, W1_self, W1_neigh, W1_sem, b1, W2_self, W2_neigh, W2_sem, b2, Wc1, bc1, Wc2, bc2):
    t_type = jnp.take(type_emb, node_type, axis=0)
    shifted = jnp.clip(node_tactic_id + 1, 0, NUM_TACTICS)
    t_tac = jnp.take(tactic_emb, shifted, axis=0)
    mask = state_lm_id >= 0
    safe_id = jnp.where(mask, state_lm_id, 0)
    lm_vecs = jnp.take(state_lm_bank, safe_id, axis=0)
    sem = jnp.where(mask[:, None], lm_vecs @ W_proj + b_proj, 0.0)
    x = jnp.concatenate([t_type, t_tac, sem], axis=-1)
    x = jax.nn.relu(_sage_conv(x, edge_index, sem, W1_self, W1_neigh, W1_sem, b1))
    x = jax.nn.relu(_sage_conv(x, edge_index, sem, W2_self, W2_neigh, W2_sem, b2))
    sums = jax.ops.segment_sum(x, batch, num_segments=G)
    cnt = jax.ops.segment_sum(jnp.ones((N,), x.dtype), batch, num_segments=G)
    graph_repr = sums / jnp.clip(cnt, 1.0, None)[:, None]
    h = jax.nn.relu(graph_repr @ Wc1 + bc1)
    return h @ Wc2 + bc2

if __name__ == "__main__":
    import jax
    _d = setup_inputs()
    print(jax.jit(kernel)(*tuple(_d.values())))

</pallas_src>

<mosaic_0001>
#map = affine_map<(d0, d1) -> (0, 0)>
#map1 = affine_map<(d0, d1) -> (0, 0, 0)>
module attributes {stable_mosaic.version = 14 : i64} {
  func.func @_edge_body(%arg0: i32, %arg1: i32, %arg2: memref<200704x32xf32, #tpu.memory_space<hbm>>, %arg3: memref<4x6400x128xi32, #tpu.memory_space<hbm>>, %arg4: memref<6400x128xi32, #tpu.memory_space<hbm>>, %arg5: memref<3136x32xf32, #tpu.memory_space<hbm>>, %arg6: memref<4x50176x32xf32, #tpu.memory_space<hbm>>, %arg7: memref<4x128xi32, #tpu.memory_space<vmem>>, %arg8: memref<4x128xi32, #tpu.memory_space<vmem>>, %arg9: memref<512x32xf32, #tpu.memory_space<vmem>>, %arg10: memref<50176x32xf32, #tpu.memory_space<vmem_shared>>, %arg11: memref<!tpu.dma_semaphore, #tpu.memory_space<semaphore_mem>>) attributes {dimension_semantics = [#tpu.dimension_semantics<core_parallel>, #tpu.dimension_semantics<subcore_parallel>], iteration_bounds = array<i64: 2, 16>, scalar_prefetch = 0 : i64, scratch_operands = 5 : i64, tpu.core_type = #tpu.core_type<sc_vector_subcore>, window_params = [{transform_indices = #map}, {transform_indices = #map1}, {transform_indices = #map}, {transform_indices = #map}, {transform_indices = #map1}]} {
    %mul3A = arith.constant 2 : i32
    %mul3A_0 = arith.muli %arg0, %mul3A : i32
    %add3A = arith.constant 0 : i32
    %add3A_1 = arith.addi %mul3A_0, %add3A : i32
    %mul3A_2 = arith.constant 3136 : i32
    %mul3A_3 = arith.muli %arg1, %mul3A_2 : i32
    "tpu.region"() ({
      %run_scoped3A = tpu.sem_alloc : memref<!tpu.dma_semaphore, #tpu.memory_space<semaphore_mem>>
      %dma_start3A = arith.constant 0 : i32
      %dma_start3A_34 = tpu.memref_slice %arg10[%mul3A_3, %dma_start3A] : memref<50176x32xf32, #tpu.memory_space<vmem_shared>> -> memref<3136x32xf32, #tpu.memory_space<vmem_shared>>
      tpu.enqueue_dma source(%arg5 : memref<3136x32xf32, #tpu.memory_space<hbm>>) target(%dma_start3A_34 : memref<3136x32xf32, #tpu.memory_space<vmem_shared>>) target_semaphore(%run_scoped3A : memref<!tpu.dma_semaphore, #tpu.memory_space<semaphore_mem>>)
      %dma_wait3A = arith.constant 0 : i32
      %dma_wait3A_35 = tpu.memref_slice %arg10[%mul3A_3, %dma_wait3A] : memref<50176x32xf32, #tpu.memory_space<vmem_shared>> -> memref<3136x32xf32, #tpu.memory_space<vmem_shared>>
      tpu.wait_dma2 semaphore(%run_scoped3A : memref<!tpu.dma_semaphore, #tpu.memory_space<semaphore_mem>>) src(%arg5 : memref<3136x32xf32, #tpu.memory_space<hbm>>) dst(%dma_wait3A_35 : memref<3136x32xf32, #tpu.memory_space<vmem_shared>>)
      tpu.yield
    }) : () -> ()
    %barrier3A = arith.constant 0 : index
    tpu.barrier barrier_id(%barrier3A)
    %scan3A = arith.constant 0 : i32
    %scan3A_4 = arith.constant 0 : i32
    %scan3A_5 = arith.constant 100 : i32
    %scan3A_6 = arith.addi %scan3A_4, %scan3A_5 : i32
    %scan3A_7 = arith.constant 1 : i32
    scf.for %scan3A_34 = %scan3A_4 to %scan3A_6 step %scan3A_7  : i32 {
      %mul3A_35 = arith.constant 400 : i32
      %mul3A_36 = arith.muli %arg1, %mul3A_35 : i32
      %mul3A_37 = arith.constant 4 : i32
      %mul3A_38 = arith.muli %scan3A_34, %mul3A_37 : i32
      %add3A_39 = arith.addi %mul3A_36, %mul3A_38 : i32
      "tpu.region"() ({
        %run_scoped3A = tpu.sem_alloc : memref<!tpu.dma_semaphore, #tpu.memory_space<semaphore_mem>>
        %dma_start3A_198 = arith.constant 0 : i32
        %dma_start3A_199 = tpu.memref_slice %arg3[%add3A_1, %add3A_39, %dma_start3A_198] : memref<4x6400x128xi32, #tpu.memory_space<hbm>> -> memref<1x4x128xi32, #tpu.memory_space<hbm>>
        %dma_start3A_200 = tpu.memref_squeeze %dma_start3A_199 : memref<1x4x128xi32, #tpu.memory_space<hbm>> -> memref<4x128xi32, #tpu.memory_space<hbm>>
        %dma_start3A_201 = arith.constant 0 : i32
        %dma_start3A_202 = tpu.memref_slice %arg3[%add3A_1, %add3A_39, %dma_start3A_201] : memref<4x6400x128xi32, #tpu.memory_space<hbm>> -> memref<1x4x128xi32, #tpu.memory_space<hbm>>
        %dma_start3A_203 = tpu.memref_squeeze %dma_start3A_202 : memref<1x4x128xi32, #tpu.memory_space<hbm>> -> memref<4x128xi32, #tpu.memory_space<hbm>>
        tpu.enqueue_dma source(%dma_start3A_203 : memref<4x128xi32, #tpu.memory_space<hbm>>) target(%arg7 : memref<4x128xi32, #tpu.memory_space<vmem>>) target_semaphore(%run_scoped3A : memref<!tpu.dma_semaphore, #tpu.memory_space<semaphore_mem>>)
        %dma_wait3A_204 = arith.constant 0 : i32
        %dma_wait3A_205 = tpu.memref_slice %arg3[%add3A_1, %add3A_39, %dma_wait3A_204] : memref<4x6400x128xi32, #tpu.memory_space<hbm>> -> memref<1x4x128xi32, #tpu.memory_space<hbm>>
        %dma_wait3A_206 = tpu.memref_squeeze %dma_wait3A_205 : memref<1x4x128xi32, #tpu.memory_space<hbm>> -> memref<4x128xi32, #tpu.memory_space<hbm>>
        %dma_wait3A_207 = arith.constant 0 : i32
        %dma_wait3A_208 = tpu.memref_slice %arg3[%add3A_1, %add3A_39, %dma_wait3A_207] : memref<4x6400x128xi32, #tpu.memory_space<hbm>> -> memref<1x4x128xi32, #tpu.memory_space<hbm>>
        %dma_wait3A_209 = tpu.memref_squeeze %dma_wait3A_208 : memref<1x4x128xi32, #tpu.memory_space<hbm>> -> memref<4x128xi32, #tpu.memory_space<hbm>>
        tpu.wait_dma2 semaphore(%run_scoped3A : memref<!tpu.dma_semaphore, #tpu.memory_space<semaphore_mem>>) src(%dma_wait3A_209 : memref<4x128xi32, #tpu.memory_space<hbm>>) dst(%arg7 : memref<4x128xi32, #tpu.memory_space<vmem>>)
        tpu.yield
      }) : () -> ()
      "tpu.region"() ({
        %run_scoped3A = tpu.sem_alloc : memref<!tpu.dma_semaphore, #tpu.memory_space<semaphore_mem>>
        %dma_start3A_198 = arith.constant 0 : i32
        %dma_start3A_199 = tpu.memref_slice %arg4[%add3A_39, %dma_start3A_198] : memref<6400x128xi32, #tpu.memory_space<hbm>> -> memref<4x128xi32, #tpu.memory_space<hbm>>
        %dma_start3A_200 = arith.constant 0 : i32
        %dma_start3A_201 = tpu.memref_slice %arg4[%add3A_39, %dma_start3A_200] : memref<6400x128xi32, #tpu.memory_space<hbm>> -> memref<4x128xi32, #tpu.memory_space<hbm>>
        tpu.enqueue_dma source(%dma_start3A_201 : memref<4x128xi32, #tpu.memory_space<hbm>>) target(%arg8 : memref<4x128xi32, #tpu.memory_space<vmem>>) target_semaphore(%run_scoped3A : memref<!tpu.dma_semaphore, #tpu.memory_space<semaphore_mem>>)
        %dma_wait3A_202 = arith.constant 0 : i32
        %dma_wait3A_203 = tpu.memref_slice %arg4[%add3A_39, %dma_wait3A_202] : memref<6400x128xi32, #tpu.memory_space<hbm>> -> memref<4x128xi32, #tpu.memory_space<hbm>>
        %dma_wait3A_204 = arith.constant 0 : i32
        %dma_wait3A_205 = tpu.memref_slice %arg4[%add3A_39, %dma_wait3A_204] : memref<6400x128xi32, #tpu.memory_space<hbm>> -> memref<4x128xi32, #tpu.memory_space<hbm>>
        tpu.wait_dma2 semaphore(%run_scoped3A : memref<!tpu.dma_semaphore, #tpu.memory_space<semaphore_mem>>) src(%dma_wait3A_205 : memref<4x128xi32, #tpu.memory_space<hbm>>) dst(%arg8 : memref<4x128xi32, #tpu.memory_space<vmem>>)
        tpu.yield
      }) : () -> ()
      %dma_start3A = arith.constant 0 : i32
      %dma_start3A_40 = arith.constant 0 : i32
      %dma_start3A_41 = arith.constant 0 : i32
      %dma_start3A_42 = tpu.memref_slice %arg9[%dma_start3A_40, %dma_start3A_41] : memref<512x32xf32, #tpu.memory_space<vmem>> -> memref<128x32xf32, #tpu.memory_space<vmem>>
      %dma_start3A_43 = arith.constant 0 : i32
      %dma_start3A_44 = tpu.memref_slice %arg7[%dma_start3A, %dma_start3A_43] : memref<4x128xi32, #tpu.memory_space<vmem>> -> memref<1x128xi32, #tpu.memory_space<vmem>>
      %dma_start3A_45 = tpu.memref_squeeze %dma_start3A_44 : memref<1x128xi32, #tpu.memory_space<vmem>> -> memref<128xi32, #tpu.memory_space<vmem>>
      %dma_start3A_46 = arith.constant 0 : i32
      %dma_start3A_47 = arith.constant 0 : i32
      %dma_start3A_48 = tpu.memref_slice %arg2[%dma_start3A_46, %dma_start3A_47] : memref<200704x32xf32, #tpu.memory_space<hbm>> -> memref<200704x32xf32, #tpu.memory_space<hbm>>
      tpu.enqueue_indirect_dma source(%dma_start3A_48 : memref<200704x32xf32, #tpu.memory_space<hbm>>) target(%dma_start3A_42 : memref<128x32xf32, #tpu.memory_space<vmem>>) offsets(%dma_start3A_45 : memref<128xi32, #tpu.memory_space<vmem>>) semaphore(%arg11 : memref<!tpu.dma_semaphore, #tpu.memory_space<semaphore_mem>>)
      %dma_start3A_49 = arith.constant 1 : i32
      %dma_start3A_50 = arith.constant 128 : i32
      %dma_start3A_51 = arith.constant 0 : i32
      %dma_start3A_52 = tpu.memref_slice %arg9[%dma_start3A_50, %dma_start3A_51] : memref<512x32xf32, #tpu.memory_space<vmem>> -> memref<128x32xf32, #tpu.memory_space<vmem>>
      %dma_start3A_53 = arith.constant 0 : i32
      %dma_start3A_54 = tpu.memref_slice %arg7[%dma_start3A_49, %dma_start3A_53] : memref<4x128xi32, #tpu.memory_space<vmem>> -> memref<1x128xi32, #tpu.memory_space<vmem>>
      %dma_start3A_55 = tpu.memref_squeeze %dma_start3A_54 : memref<1x128xi32, #tpu.memory_space<vmem>> -> memref<128xi32, #tpu.memory_space<vmem>>
      %dma_start3A_56 = arith.constant 0 : i32
      %dma_start3A_57 = arith.constant 0 : i32
      %dma_start3A_58 = tpu.memref_slice %arg2[%dma_start3A_56, %dma_start3A_57] : memref<200704x32xf32, #tpu.memory_space<hbm>> -> memref<200704x32xf32, #tpu.memory_space<hbm>>
      tpu.enqueue_indirect_dma source(%dma_start3A_58 : memref<200704x32xf32, #tpu.memory_space<hbm>>) target(%dma_start3A_52 : memref<128x32xf32, #tpu.memory_space<vmem>>) offsets(%dma_start3A_55 : memref<128xi32, #tpu.memory_space<vmem>>) semaphore(%arg11 : memref<!tpu.dma_semaphore, #tpu.memory_space<semaphore_mem>>)
      %dma_start3A_59 = arith.constant 2 : i32
      %dma_start3A_60 = arith.constant 256 : i32
      %dma_start3A_61 = arith.constant 0 : i32
      %dma_start3A_62 = tpu.memref_slice %arg9[%dma_start3A_60, %dma_start3A_61] : memref<512x32xf32, #tpu.memory_space<vmem>> -> memref<128x32xf32, #tpu.memory_space<vmem>>
      %dma_start3A_63 = arith.constant 0 : i32
      %dma_start3A_64 = tpu.memref_slice %arg7[%dma_start3A_59, %dma_start3A_63] : memref<4x128xi32, #tpu.memory_space<vmem>> -> memref<1x128xi32, #tpu.memory_space<vmem>>
      %dma_start3A_65 = tpu.memref_squeeze %dma_start3A_64 : memref<1x128xi32, #tpu.memory_space<vmem>> -> memref<128xi32, #tpu.memory_space<vmem>>
      %dma_start3A_66 = arith.constant 0 : i32
      %dma_start3A_67 = arith.constant 0 : i32
      %dma_start3A_68 = tpu.memref_slice %arg2[%dma_start3A_66, %dma_start3A_67] : memref<200704x32xf32, #tpu.memory_space<hbm>> -> memref<200704x32xf32, #tpu.memory_space<hbm>>
      tpu.enqueue_indirect_dma source(%dma_start3A_68 : memref<200704x32xf32, #tpu.memory_space<hbm>>) target(%dma_start3A_62 : memref<128x32xf32, #tpu.memory_space<vmem>>) offsets(%dma_start3A_65 : memref<128xi32, #tpu.memory_space<vmem>>) semaphore(%arg11 : memref<!tpu.dma_semaphore, #tpu.memory_space<semaphore_mem>>)
      %dma_start3A_69 = arith.constant 3 : i32
      %dma_start3A_70 = arith.constant 384 : i32
      %dma_start3A_71 = arith.constant 0 : i32
      %dma_start3A_72 = tpu.memref_slice %arg9[%dma_start3A_70, %dma_start3A_71] : memref<512x32xf32, #tpu.memory_space<vmem>> -> memref<128x32xf32, #tpu.memory_space<vmem>>
      %dma_start3A_73 = arith.constant 0 : i32
      %dma_start3A_74 = tpu.memref_slice %arg7[%dma_start3A_69, %dma_start3A_73] : memref<4x128xi32, #tpu.memory_space<vmem>> -> memref<1x128xi32, #tpu.memory_space<vmem>>
      %dma_start3A_75 = tpu.memref_squeeze %dma_start3A_74 : memref<1x128xi32, #tpu.memory_space<vmem>> -> memref<128xi32, #tpu.memory_space<vmem>>
      %dma_start3A_76 = arith.constant 0 : i32
      %dma_start3A_77 = arith.constant 0 : i32
      %dma_start3A_78 = tpu.memref_slice %arg2[%dma_start3A_76, %dma_start3A_77] : memref<200704x32xf32, #tpu.memory_space<hbm>> -> memref<200704x32xf32, #tpu.memory_space<hbm>>
      tpu.enqueue_indirect_dma source(%dma_start3A_78 : memref<200704x32xf32, #tpu.memory_space<hbm>>) target(%dma_start3A_72 : memref<128x32xf32, #tpu.memory_space<vmem>>) offsets(%dma_start3A_75 : memref<128xi32, #tpu.memory_space<vmem>>) semaphore(%arg11 : memref<!tpu.dma_semaphore, #tpu.memory_space<semaphore_mem>>)
      %dma_wait3A = arith.constant 0 : i32
      %dma_wait3A_79 = arith.constant 0 : i32
      %dma_wait3A_80 = arith.constant 0 : i32
      %dma_wait3A_81 = tpu.memref_slice %arg9[%dma_wait3A_79, %dma_wait3A_80] : memref<512x32xf32, #tpu.memory_space<vmem>> -> memref<128x32xf32, #tpu.memory_space<vmem>>
      %dma_wait3A_82 = arith.constant 0 : i32
      %dma_wait3A_83 = tpu.memref_slice %arg7[%dma_wait3A, %dma_wait3A_82] : memref<4x128xi32, #tpu.memory_space<vmem>> -> memref<1x128xi32, #tpu.memory_space<vmem>>
      %dma_wait3A_84 = tpu.memref_squeeze %dma_wait3A_83 : memref<1x128xi32, #tpu.memory_space<vmem>> -> memref<128xi32, #tpu.memory_space<vmem>>
      %dma_wait3A_85 = arith.constant 0 : i32
      %dma_wait3A_86 = arith.constant 0 : i32
      %dma_wait3A_87 = tpu.memref_slice %arg2[%dma_wait3A_85, %dma_wait3A_86] : memref<200704x32xf32, #tpu.memory_space<hbm>> -> memref<200704x32xf32, #tpu.memory_space<hbm>>
      tpu.wait_indirect_dma semaphore(%arg11 : memref<!tpu.dma_semaphore, #tpu.memory_space<semaphore_mem>>) src(%dma_wait3A_87 : memref<200704x32xf32, #tpu.memory_space<hbm>>) dst(%dma_wait3A_81 : memref<128x32xf32, #tpu.memory_space<vmem>>)
      %dma_wait3A_88 = arith.constant 1 : i32
      %dma_wait3A_89 = arith.constant 128 : i32
      %dma_wait3A_90 = arith.constant 0 : i32
      %dma_wait3A_91 = tpu.memref_slice %arg9[%dma_wait3A_89, %dma_wait3A_90] : memref<512x32xf32, #tpu.memory_space<vmem>> -> memref<128x32xf32, #tpu.memory_space<vmem>>
      %dma_wait3A_92 = arith.constant 0 : i32
      %dma_wait3A_93 = tpu.memref_slice %arg7[%dma_wait3A_88, %dma_wait3A_92] : memref<4x128xi32, #tpu.memory_space<vmem>> -> memref<1x128xi32, #tpu.memory_space<vmem>>
      %dma_wait3A_94 = tpu.memref_squeeze %dma_wait3A_93 : memref<1x128xi32, #tpu.memory_space<vmem>> -> memref<128xi32, #tpu.memory_space<vmem>>
      %dma_wait3A_95 = arith.constant 0 : i32
      %dma_wait3A_96 = arith.constant 0 : i32
      %dma_wait3A_97 = tpu.memref_slice %arg2[%dma_wait3A_95, %dma_wait3A_96] : memref<200704x32xf32, #tpu.memory_space<hbm>> -> memref<200704x32xf32, #tpu.memory_space<hbm>>
      tpu.wait_indirect_dma semaphore(%arg11 : memref<!tpu.dma_semaphore, #tpu.memory_space<semaphore_mem>>) src(%dma_wait3A_97 : memref<200704x32xf32, #tpu.memory_space<hbm>>) dst(%dma_wait3A_91 : memref<128x32xf32, #tpu.memory_space<vmem>>)
      %dma_wait3A_98 = arith.constant 2 : i32
      %dma_wait3A_99 = arith.constant 256 : i32
      %dma_wait3A_100 = arith.constant 0 : i32
      %dma_wait3A_101 = tpu.memref_slice %arg9[%dma_wait3A_99, %dma_wait3A_100] : memref<512x32xf32, #tpu.memory_space<vmem>> -> memref<128x32xf32, #tpu.memory_space<vmem>>
      %dma_wait3A_102 = arith.constant 0 : i32
      %dma_wait3A_103 = tpu.memref_slice %arg7[%dma_wait3A_98, %dma_wait3A_102] : memref<4x128xi32, #tpu.memory_space<vmem>> -> memref<1x128xi32, #tpu.memory_space<vmem>>
      %dma_wait3A_104 = tpu.memref_squeeze %dma_wait3A_103 : memref<1x128xi32, #tpu.memory_space<vmem>> -> memref<128xi32, #tpu.memory_space<vmem>>
      %dma_wait3A_105 = arith.constant 0 : i32
      %dma_wait3A_106 = arith.constant 0 : i32
      %dma_wait3A_107 = tpu.memref_slice %arg2[%dma_wait3A_105, %dma_wait3A_106] : memref<200704x32xf32, #tpu.memory_space<hbm>> -> memref<200704x32xf32, #tpu.memory_space<hbm>>
      tpu.wait_indirect_dma semaphore(%arg11 : memref<!tpu.dma_semaphore, #tpu.memory_space<semaphore_mem>>) src(%dma_wait3A_107 : memref<200704x32xf32, #tpu.memory_space<hbm>>) dst(%dma_wait3A_101 : memref<128x32xf32, #tpu.memory_space<vmem>>)
      %dma_wait3A_108 = arith.constant 3 : i32
      %dma_wait3A_109 = arith.constant 384 : i32
      %dma_wait3A_110 = arith.constant 0 : i32
      %dma_wait3A_111 = tpu.memref_slice %arg9[%dma_wait3A_109, %dma_wait3A_110] : memref<512x32xf32, #tpu.memory_space<vmem>> -> memref<128x32xf32, #tpu.memory_space<vmem>>
      %dma_wait3A_112 = arith.constant 0 : i32
      %dma_wait3A_113 = tpu.memref_slice %arg7[%dma_wait3A_108, %dma_wait3A_112] : memref<4x128xi32, #tpu.memory_space<vmem>> -> memref<1x128xi32, #tpu.memory_space<vmem>>
      %dma_wait3A_114 = tpu.memref_squeeze %dma_wait3A_113 : memref<1x128xi32, #tpu.memory_space<vmem>> -> memref<128xi32, #tpu.memory_space<vmem>>
      %dma_wait3A_115 = arith.constant 0 : i32
      %dma_wait3A_116 = arith.constant 0 : i32
      %dma_wait3A_117 = tpu.memref_slice %arg2[%dma_wait3A_115, %dma_wait3A_116] : memref<200704x32xf32, #tpu.memory_space<hbm>> -> memref<200704x32xf32, #tpu.memory_space<hbm>>
      tpu.wait_indirect_dma semaphore(%arg11 : memref<!tpu.dma_semaphore, #tpu.memory_space<semaphore_mem>>) src(%dma_wait3A_117 : memref<200704x32xf32, #tpu.memory_space<hbm>>) dst(%dma_wait3A_111 : memref<128x32xf32, #tpu.memory_space<vmem>>)
      %dma_start3A_118 = arith.constant 0 : i32
      %dma_start3A_119 = arith.constant 0 : i32
      %dma_start3A_120 = arith.constant 0 : i32
      %dma_start3A_121 = tpu.memref_slice %arg9[%dma_start3A_119, %dma_start3A_120] : memref<512x32xf32, #tpu.memory_space<vmem>> -> memref<128x32xf32, #tpu.memory_space<vmem>>
      %dma_start3A_122 = arith.constant 0 : i32
      %dma_start3A_123 = tpu.memref_slice %arg8[%dma_start3A_118, %dma_start3A_122] : memref<4x128xi32, #tpu.memory_space<vmem>> -> memref<1x128xi32, #tpu.memory_space<vmem>>
      %dma_start3A_124 = tpu.memref_squeeze %dma_start3A_123 : memref<1x128xi32, #tpu.memory_space<vmem>> -> memref<128xi32, #tpu.memory_space<vmem>>
      %dma_start3A_125 = arith.constant 0 : i32
      %dma_start3A_126 = arith.constant 0 : i32
      %dma_start3A_127 = tpu.memref_slice %arg10[%dma_start3A_125, %dma_start3A_126] : memref<50176x32xf32, #tpu.memory_space<vmem_shared>> -> memref<50176x32xf32, #tpu.memory_space<vmem_shared>>
      tpu.enqueue_indirect_dma source(%dma_start3A_121 : memref<128x32xf32, #tpu.memory_space<vmem>>) target(%dma_start3A_127 : memref<50176x32xf32, #tpu.memory_space<vmem_shared>>) offsets(%dma_start3A_124 : memref<128xi32, #tpu.memory_space<vmem>>) semaphore(%arg11 : memref<!tpu.dma_semaphore, #tpu.memory_space<semaphore_mem>>) {add = true}
      %dma_start3A_128 = arith.constant 1 : i32
      %dma_start3A_129 = arith.constant 128 : i32
      %dma_start3A_130 = arith.constant 0 : i32
      %dma_start3A_131 = tpu.memref_slice %arg9[%dma_start3A_129, %dma_start3A_130] : memref<512x32xf32, #tpu.memory_space<vmem>> -> memref<128x32xf32, #tpu.memory_space<vmem>>
      %dma_start3A_132 = arith.constant 0 : i32
      %dma_start3A_133 = tpu.memref_slice %arg8[%dma_start3A_128, %dma_start3A_132] : memref<4x128xi32, #tpu.memory_space<vmem>> -> memref<1x128xi32, #tpu.memory_space<vmem>>
      %dma_start3A_134 = tpu.memref_squeeze %dma_start3A_133 : memref<1x128xi32, #tpu.memory_space<vmem>> -> memref<128xi32, #tpu.memory_space<vmem>>
      %dma_start3A_135 = arith.constant 0 : i32
      %dma_start3A_136 = arith.constant 0 : i32
      %dma_start3A_137 = tpu.memref_slice %arg10[%dma_start3A_135, %dma_start3A_136] : memref<50176x32xf32, #tpu.memory_space<vmem_shared>> -> memref<50176x32xf32, #tpu.memory_space<vmem_shared>>
      tpu.enqueue_indirect_dma source(%dma_start3A_131 : memref<128x32xf32, #tpu.memory_space<vmem>>) target(%dma_start3A_137 : memref<50176x32xf32, #tpu.memory_space<vmem_shared>>) offsets(%dma_start3A_134 : memref<128xi32, #tpu.memory_space<vmem>>) semaphore(%arg11 : memref<!tpu.dma_semaphore, #tpu.memory_space<semaphore_mem>>) {add = true}
      %dma_start3A_138 = arith.constant 2 : i32
      %dma_start3A_139 = arith.constant 256 : i32
      %dma_start3A_140 = arith.constant 0 : i32
      %dma_start3A_141 = tpu.memref_slice %arg9[%dma_start3A_139, %dma_start3A_140] : memref<512x32xf32, #tpu.memory_space<vmem>> -> memref<128x32xf32, #tpu.memory_space<vmem>>
      %dma_start3A_142 = arith.constant 0 : i32
      %dma_start3A_143 = tpu.memref_slice %arg8[%dma_start3A_138, %dma_start3A_142] : memref<4x128xi32, #tpu.memory_space<vmem>> -> memref<1x128xi32, #tpu.memory_space<vmem>>
      %dma_start3A_144 = tpu.memref_squeeze %dma_start3A_143 : memref<1x128xi32, #tpu.memory_space<vmem>> -> memref<128xi32, #tpu.memory_space<vmem>>
      %dma_start3A_145 = arith.constant 0 : i32
      %dma_start3A_146 = arith.constant 0 : i32
      %dma_start3A_147 = tpu.memref_slice %arg10[%dma_start3A_145, %dma_start3A_146] : memref<50176x32xf32, #tpu.memory_space<vmem_shared>> -> memref<50176x32xf32, #tpu.memory_space<vmem_shared>>
      tpu.enqueue_indirect_dma source(%dma_start3A_141 : memref<128x32xf32, #tpu.memory_space<vmem>>) target(%dma_start3A_147 : memref<50176x32xf32, #tpu.memory_space<vmem_shared>>) offsets(%dma_start3A_144 : memref<128xi32, #tpu.memory_space<vmem>>) semaphore(%arg11 : memref<!tpu.dma_semaphore, #tpu.memory_space<semaphore_mem>>) {add = true}
      %dma_start3A_148 = arith.constant 3 : i32
      %dma_start3A_149 = arith.constant 384 : i32
      %dma_start3A_150 = arith.constant 0 : i32
      %dma_start3A_151 = tpu.memref_slice %arg9[%dma_start3A_149, %dma_start3A_150] : memref<512x32xf32, #tpu.memory_space<vmem>> -> memref<128x32xf32, #tpu.memory_space<vmem>>
      %dma_start3A_152 = arith.constant 0 : i32
      %dma_start3A_153 = tpu.memref_slice %arg8[%dma_start3A_148, %dma_start3A_152] : memref<4x128xi32, #tpu.memory_space<vmem>> -> memref<1x128xi32, #tpu.memory_space<vmem>>
      %dma_start3A_154 = tpu.memref_squeeze %dma_start3A_153 : memref<1x128xi32, #tpu.memory_space<vmem>> -> memref<128xi32, #tpu.memory_space<vmem>>
      %dma_start3A_155 = arith.constant 0 : i32
      %dma_start3A_156 = arith.constant 0 : i32
      %dma_start3A_157 = tpu.memref_slice %arg10[%dma_start3A_155, %dma_start3A_156] : memref<50176x32xf32, #tpu.memory_space<vmem_shared>> -> memref<50176x32xf32, #tpu.memory_space<vmem_shared>>
      tpu.enqueue_indirect_dma source(%dma_start3A_151 : memref<128x32xf32, #tpu.memory_space<vmem>>) target(%dma_start3A_157 : memref<50176x32xf32, #tpu.memory_space<vmem_shared>>) offsets(%dma_start3A_154 : memref<128xi32, #tpu.memory_space<vmem>>) semaphore(%arg11 : memref<!tpu.dma_semaphore, #tpu.memory_space<semaphore_mem>>) {add = true}
      %dma_wait3A_158 = arith.constant 0 : i32
      %dma_wait3A_159 = arith.constant 0 : i32
      %dma_wait3A_160 = arith.constant 0 : i32
      %dma_wait3A_161 = tpu.memref_slice %arg9[%dma_wait3A_159, %dma_wait3A_160] : memref<512x32xf32, #tpu.memory_space<vmem>> -> memref<128x32xf32, #tpu.memory_space<vmem>>
      %dma_wait3A_162 = arith.constant 0 : i32
      %dma_wait3A_163 = tpu.memref_slice %arg8[%dma_wait3A_158, %dma_wait3A_162] : memref<4x128xi32, #tpu.memory_space<vmem>> -> memref<1x128xi32, #tpu.memory_space<vmem>>
      %dma_wait3A_164 = tpu.memref_squeeze %dma_wait3A_163 : memref<1x128xi32, #tpu.memory_space<vmem>> -> memref<128xi32, #tpu.memory_space<vmem>>
      %dma_wait3A_165 = arith.constant 0 : i32
      %dma_wait3A_166 = arith.constant 0 : i32
      %dma_wait3A_167 = tpu.memref_slice %arg10[%dma_wait3A_165, %dma_wait3A_166] : memref<50176x32xf32, #tpu.memory_space<vmem_shared>> -> memref<50176x32xf32, #tpu.memory_space<vmem_shared>>
      tpu.wait_indirect_dma semaphore(%arg11 : memref<!tpu.dma_semaphore, #tpu.memory_space<semaphore_mem>>) src(%dma_wait3A_161 : memref<128x32xf32, #tpu.memory_space<vmem>>) dst(%dma_wait3A_167 : memref<50176x32xf32, #tpu.memory_space<vmem_shared>>)
      %dma_wait3A_168 = arith.constant 1 : i32
      %dma_wait3A_169 = arith.constant 128 : i32
      %dma_wait3A_170 = arith.constant 0 : i32
      %dma_wait3A_171 = tpu.memref_slice %arg9[%dma_wait3A_169, %dma_wait3A_170] : memref<512x32xf32, #tpu.memory_space<vmem>> -> memref<128x32xf32, #tpu.memory_space<vmem>>
      %dma_wait3A_172 = arith.constant 0 : i32
      %dma_wait3A_173 = tpu.memref_slice %arg8[%dma_wait3A_168, %dma_wait3A_172] : memref<4x128xi32, #tpu.memory_space<vmem>> -> memref<1x128xi32, #tpu.memory_space<vmem>>
      %dma_wait3A_174 = tpu.memref_squeeze %dma_wait3A_173 : memref<1x128xi32, #tpu.memory_space<vmem>> -> memref<128xi32, #tpu.memory_space<vmem>>
      %dma_wait3A_175 = arith.constant 0 : i32
      %dma_wait3A_176 = arith.constant 0 : i32
      %dma_wait3A_177 = tpu.memref_slice %arg10[%dma_wait3A_175, %dma_wait3A_176] : memref<50176x32xf32, #tpu.memory_space<vmem_shared>> -> memref<50176x32xf32, #tpu.memory_space<vmem_shared>>
      tpu.wait_indirect_dma semaphore(%arg11 : memref<!tpu.dma_semaphore, #tpu.memory_space<semaphore_mem>>) src(%dma_wait3A_171 : memref<128x32xf32, #tpu.memory_space<vmem>>) dst(%dma_wait3A_177 : memref<50176x32xf32, #tpu.memory_space<vmem_shared>>)
      %dma_wait3A_178 = arith.constant 2 : i32
      %dma_wait3A_179 = arith.constant 256 : i32
      %dma_wait3A_180 = arith.constant 0 : i32
      %dma_wait3A_181 = tpu.memref_slice %arg9[%dma_wait3A_179, %dma_wait3A_180] : memref<512x32xf32, #tpu.memory_space<vmem>> -> memref<128x32xf32, #tpu.memory_space<vmem>>
      %dma_wait3A_182 = arith.constant 0 : i32
      %dma_wait3A_183 = tpu.memref_slice %arg8[%dma_wait3A_178, %dma_wait3A_182] : memref<4x128xi32, #tpu.memory_space<vmem>> -> memref<1x128xi32, #tpu.memory_space<vmem>>
      %dma_wait3A_184 = tpu.memref_squeeze %dma_wait3A_183 : memref<1x128xi32, #tpu.memory_space<vmem>> -> memref<128xi32, #tpu.memory_space<vmem>>
      %dma_wait3A_185 = arith.constant 0 : i32
      %dma_wait3A_186 = arith.constant 0 : i32
      %dma_wait3A_187 = tpu.memref_slice %arg10[%dma_wait3A_185, %dma_wait3A_186] : memref<50176x32xf32, #tpu.memory_space<vmem_shared>> -> memref<50176x32xf32, #tpu.memory_space<vmem_shared>>
      tpu.wait_indirect_dma semaphore(%arg11 : memref<!tpu.dma_semaphore, #tpu.memory_space<semaphore_mem>>) src(%dma_wait3A_181 : memref<128x32xf32, #tpu.memory_space<vmem>>) dst(%dma_wait3A_187 : memref<50176x32xf32, #tpu.memory_space<vmem_shared>>)
      %dma_wait3A_188 = arith.constant 3 : i32
      %dma_wait3A_189 = arith.constant 384 : i32
      %dma_wait3A_190 = arith.constant 0 : i32
      %dma_wait3A_191 = tpu.memref_slice %arg9[%dma_wait3A_189, %dma_wait3A_190] : memref<512x32xf32, #tpu.memory_space<vmem>> -> memref<128x32xf32, #tpu.memory_space<vmem>>
      %dma_wait3A_192 = arith.constant 0 : i32
      %dma_wait3A_193 = tpu.memref_slice %arg8[%dma_wait3A_188, %dma_wait3A_192] : memref<4x128xi32, #tpu.memory_space<vmem>> -> memref<1x128xi32, #tpu.memory_space<vmem>>
      %dma_wait3A_194 = tpu.memref_squeeze %dma_wait3A_193 : memref<1x128xi32, #tpu.memory_space<vmem>> -> memref<128xi32, #tpu.memory_space<vmem>>
      %dma_wait3A_195 = arith.constant 0 : i32
      %dma_wait3A_196 = arith.constant 0 : i32
      %dma_wait3A_197 = tpu.memref_slice %arg10[%dma_wait3A_195, %dma_wait3A_196] : memref<50176x32xf32, #tpu.memory_space<vmem_shared>> -> memref<50176x32xf32, #tpu.memory_space<vmem_shared>>
      tpu.wait_indirect_dma semaphore(%arg11 : memref<!tpu.dma_semaphore, #tpu.memory_space<semaphore_mem>>) src(%dma_wait3A_191 : memref<128x32xf32, #tpu.memory_space<vmem>>) dst(%dma_wait3A_197 : memref<50176x32xf32, #tpu.memory_space<vmem_shared>>)
    }
    %scan3A_8 = arith.constant 100 : i32
    %barrier3A_9 = arith.constant 0 : index
    tpu.barrier barrier_id(%barrier3A_9)
    %mul3A_10 = arith.constant 3136 : i32
    %mul3A_11 = arith.muli %arg1, %mul3A_10 : i32
    %mul3A_12 = arith.constant 3136 : i32
    %mul3A_13 = arith.muli %arg1, %mul3A_12 : i32
    "tpu.region"() ({
      %run_scoped3A = tpu.sem_alloc : memref<!tpu.dma_semaphore, #tpu.memory_space<semaphore_mem>>
      %dma_start3A = arith.constant 0 : i32
      %dma_start3A_34 = tpu.memref_slice %arg6[%add3A_1, %mul3A_13, %dma_start3A] : memref<4x50176x32xf32, #tpu.memory_space<hbm>> -> memref<1x3136x32xf32, #tpu.memory_space<hbm>>
      %dma_start3A_35 = tpu.memref_squeeze %dma_start3A_34 : memref<1x3136x32xf32, #tpu.memory_space<hbm>> -> memref<3136x32xf32, #tpu.memory_space<hbm>>
      %dma_start3A_36 = arith.constant 0 : i32
      %dma_start3A_37 = tpu.memref_slice %arg10[%mul3A_11, %dma_start3A_36] : memref<50176x32xf32, #tpu.memory_space<vmem_shared>> -> memref<3136x32xf32, #tpu.memory_space<vmem_shared>>
      tpu.enqueue_dma source(%dma_start3A_37 : memref<3136x32xf32, #tpu.memory_space<vmem_shared>>) target(%dma_start3A_35 : memref<3136x32xf32, #tpu.memory_space<hbm>>) target_semaphore(%run_scoped3A : memref<!tpu.dma_semaphore, #tpu.memory_space<semaphore_mem>>)
      %dma_wait3A = arith.constant 0 : i32
      %dma_wait3A_38 = tpu.memref_slice %arg6[%add3A_1, %mul3A_13, %dma_wait3A] : memref<4x50176x32xf32, #tpu.memory_space<hbm>> -> memref<1x3136x32xf32, #tpu.memory_space<hbm>>
      %dma_wait3A_39 = tpu.memref_squeeze %dma_wait3A_38 : memref<1x3136x32xf32, #tpu.memory_space<hbm>> -> memref<3136x32xf32, #tpu.memory_space<hbm>>
      %dma_wait3A_40 = arith.constant 0 : i32
      %dma_wait3A_41 = tpu.memref_slice %arg10[%mul3A_11, %dma_wait3A_40] : memref<50176x32xf32, #tpu.memory_space<vmem_shared>> -> memref<3136x32xf32, #tpu.memory_space<vmem_shared>>
      tpu.wait_dma2 semaphore(%run_scoped3A : memref<!tpu.dma_semaphore, #tpu.memory_space<semaphore_mem>>) src(%dma_wait3A_41 : memref<3136x32xf32, #tpu.memory_space<vmem_shared>>) dst(%dma_wait3A_39 : memref<3136x32xf32, #tpu.memory_space<hbm>>)
      tpu.yield
    }) : () -> ()
    %barrier3A_14 = arith.constant 0 : index
    tpu.barrier barrier_id(%barrier3A_14)
    %mul3A_15 = arith.constant 2 : i32
    %mul3A_16 = arith.muli %arg0, %mul3A_15 : i32
    %add3A_17 = arith.constant 1 : i32
    %add3A_18 = arith.addi %mul3A_16, %add3A_17 : i32
    %mul3A_19 = arith.constant 3136 : i32
    %mul3A_20 = arith.muli %arg1, %mul3A_19 : i32
    "tpu.region"() ({
      %run_scoped3A = tpu.sem_alloc : memref<!tpu.dma_semaphore, #tpu.memory_space<semaphore_mem>>
      %dma_start3A = arith.constant 0 : i32
      %dma_start3A_34 = tpu.memref_slice %arg10[%mul3A_20, %dma_start3A] : memref<50176x32xf32, #tpu.memory_space<vmem_shared>> -> memref<3136x32xf32, #tpu.memory_space<vmem_shared>>
      tpu.enqueue_dma source(%arg5 : memref<3136x32xf32, #tpu.memory_space<hbm>>) target(%dma_start3A_34 : memref<3136x32xf32, #tpu.memory_space<vmem_shared>>) target_semaphore(%run_scoped3A : memref<!tpu.dma_semaphore, #tpu.memory_space<semaphore_mem>>)
      %dma_wait3A = arith.constant 0 : i32
      %dma_wait3A_35 = tpu.memref_slice %arg10[%mul3A_20, %dma_wait3A] : memref<50176x32xf32, #tpu.memory_space<vmem_shared>> -> memref<3136x32xf32, #tpu.memory_space<vmem_shared>>
      tpu.wait_dma2 semaphore(%run_scoped3A : memref<!tpu.dma_semaphore, #tpu.memory_space<semaphore_mem>>) src(%arg5 : memref<3136x32xf32, #tpu.memory_space<hbm>>) dst(%dma_wait3A_35 : memref<3136x32xf32, #tpu.memory_space<vmem_shared>>)
      tpu.yield
    }) : () -> ()
    %barrier3A_21 = arith.constant 0 : index
    tpu.barrier barrier_id(%barrier3A_21)
    %scan3A_22 = arith.constant 0 : i32
    %scan3A_23 = arith.constant 0 : i32
    %scan3A_24 = arith.constant 100 : i32
    %scan3A_25 = arith.addi %scan3A_23, %scan3A_24 : i32
    %scan3A_26 = arith.constant 1 : i32
    scf.for %scan3A_34 = %scan3A_23 to %scan3A_25 step %scan3A_26  : i32 {
      %mul3A_35 = arith.constant 400 : i32
      %mul3A_36 = arith.muli %arg1, %mul3A_35 : i32
      %mul3A_37 = arith.constant 4 : i32
      %mul3A_38 = arith.muli %scan3A_34, %mul3A_37 : i32
      %add3A_39 = arith.addi %mul3A_36, %mul3A_38 : i32
      "tpu.region"() ({
        %run_scoped3A = tpu.sem_alloc : memref<!tpu.dma_semaphore, #tpu.memory_space<semaphore_mem>>
        %dma_start3A_198 = arith.constant 0 : i32
        %dma_start3A_199 = tpu.memref_slice %arg3[%add3A_18, %add3A_39, %dma_start3A_198] : memref<4x6400x128xi32, #tpu.memory_space<hbm>> -> memref<1x4x128xi32, #tpu.memory_space<hbm>>
        %dma_start3A_200 = tpu.memref_squeeze %dma_start3A_199 : memref<1x4x128xi32, #tpu.memory_space<hbm>> -> memref<4x128xi32, #tpu.memory_space<hbm>>
        %dma_start3A_201 = arith.constant 0 : i32
        %dma_start3A_202 = tpu.memref_slice %arg3[%add3A_18, %add3A_39, %dma_start3A_201] : memref<4x6400x128xi32, #tpu.memory_space<hbm>> -> memref<1x4x128xi32, #tpu.memory_space<hbm>>
        %dma_start3A_203 = tpu.memref_squeeze %dma_start3A_202 : memref<1x4x128xi32, #tpu.memory_space<hbm>> -> memref<4x128xi32, #tpu.memory_space<hbm>>
        tpu.enqueue_dma source(%dma_start3A_203 : memref<4x128xi32, #tpu.memory_space<hbm>>) target(%arg7 : memref<4x128xi32, #tpu.memory_space<vmem>>) target_semaphore(%run_scoped3A : memref<!tpu.dma_semaphore, #tpu.memory_space<semaphore_mem>>)
        %dma_wait3A_204 = arith.constant 0 : i32
        %dma_wait3A_205 = tpu.memref_slice %arg3[%add3A_18, %add3A_39, %dma_wait3A_204] : memref<4x6400x128xi32, #tpu.memory_space<hbm>> -> memref<1x4x128xi32, #tpu.memory_space<hbm>>
        %dma_wait3A_206 = tpu.memref_squeeze %dma_wait3A_205 : memref<1x4x128xi32, #tpu.memory_space<hbm>> -> memref<4x128xi32, #tpu.memory_space<hbm>>
        %dma_wait3A_207 = arith.constant 0 : i32
        %dma_wait3A_208 = tpu.memref_slice %arg3[%add3A_18, %add3A_39, %dma_wait3A_207] : memref<4x6400x128xi32, #tpu.memory_space<hbm>> -> memref<1x4x128xi32, #tpu.memory_space<hbm>>
        %dma_wait3A_209 = tpu.memref_squeeze %dma_wait3A_208 : memref<1x4x128xi32, #tpu.memory_space<hbm>> -> memref<4x128xi32, #tpu.memory_space<hbm>>
        tpu.wait_dma2 semaphore(%run_scoped3A : memref<!tpu.dma_semaphore, #tpu.memory_space<semaphore_mem>>) src(%dma_wait3A_209 : memref<4x128xi32, #tpu.memory_space<hbm>>) dst(%arg7 : memref<4x128xi32, #tpu.memory_space<vmem>>)
        tpu.yield
      }) : () -> ()
      "tpu.region"() ({
        %run_scoped3A = tpu.sem_alloc : memref<!tpu.dma_semaphore, #tpu.memory_space<semaphore_mem>>
        %dma_start3A_198 = arith.constant 0 : i32
        %dma_start3A_199 = tpu.memref_slice %arg4[%add3A_39, %dma_start3A_198] : memref<6400x128xi32, #tpu.memory_space<hbm>> -> memref<4x128xi32, #tpu.memory_space<hbm>>
        %dma_start3A_200 = arith.constant 0 : i32
        %dma_start3A_201 = tpu.memref_slice %arg4[%add3A_39, %dma_start3A_200] : memref<6400x128xi32, #tpu.memory_space<hbm>> -> memref<4x128xi32, #tpu.memory_space<hbm>>
        tpu.enqueue_dma source(%dma_start3A_201 : memref<4x128xi32, #tpu.memory_space<hbm>>) target(%arg8 : memref<4x128xi32, #tpu.memory_space<vmem>>) target_semaphore(%run_scoped3A : memref<!tpu.dma_semaphore, #tpu.memory_space<semaphore_mem>>)
        %dma_wait3A_202 = arith.constant 0 : i32
        %dma_wait3A_203 = tpu.memref_slice %arg4[%add3A_39, %dma_wait3A_202] : memref<6400x128xi32, #tpu.memory_space<hbm>> -> memref<4x128xi32, #tpu.memory_space<hbm>>
        %dma_wait3A_204 = arith.constant 0 : i32
        %dma_wait3A_205 = tpu.memref_slice %arg4[%add3A_39, %dma_wait3A_204] : memref<6400x128xi32, #tpu.memory_space<hbm>> -> memref<4x128xi32, #tpu.memory_space<hbm>>
        tpu.wait_dma2 semaphore(%run_scoped3A : memref<!tpu.dma_semaphore, #tpu.memory_space<semaphore_mem>>) src(%dma_wait3A_205 : memref<4x128xi32, #tpu.memory_space<hbm>>) dst(%arg8 : memref<4x128xi32, #tpu.memory_space<vmem>>)
        tpu.yield
      }) : () -> ()
      %dma_start3A = arith.constant 0 : i32
      %dma_start3A_40 = arith.constant 0 : i32
      %dma_start3A_41 = arith.constant 0 : i32
      %dma_start3A_42 = tpu.memref_slice %arg9[%dma_start3A_40, %dma_start3A_41] : memref<512x32xf32, #tpu.memory_space<vmem>> -> memref<128x32xf32, #tpu.memory_space<vmem>>
      %dma_start3A_43 = arith.constant 0 : i32
      %dma_start3A_44 = tpu.memref_slice %arg7[%dma_start3A, %dma_start3A_43] : memref<4x128xi32, #tpu.memory_space<vmem>> -> memref<1x128xi32, #tpu.memory_space<vmem>>
      %dma_start3A_45 = tpu.memref_squeeze %dma_start3A_44 : memref<1x128xi32, #tpu.memory_space<vmem>> -> memref<128xi32, #tpu.memory_space<vmem>>
      %dma_start3A_46 = arith.constant 0 : i32
      %dma_start3A_47 = arith.constant 0 : i32
      %dma_start3A_48 = tpu.memref_slice %arg2[%dma_start3A_46, %dma_start3A_47] : memref<200704x32xf32, #tpu.memory_space<hbm>> -> memref<200704x32xf32, #tpu.memory_space<hbm>>
      tpu.enqueue_indirect_dma source(%dma_start3A_48 : memref<200704x32xf32, #tpu.memory_space<hbm>>) target(%dma_start3A_42 : memref<128x32xf32, #tpu.memory_space<vmem>>) offsets(%dma_start3A_45 : memref<128xi32, #tpu.memory_space<vmem>>) semaphore(%arg11 : memref<!tpu.dma_semaphore, #tpu.memory_space<semaphore_mem>>)
      %dma_start3A_49 = arith.constant 1 : i32
      %dma_start3A_50 = arith.constant 128 : i32
      %dma_start3A_51 = arith.constant 0 : i32
      %dma_start3A_52 = tpu.memref_slice %arg9[%dma_start3A_50, %dma_start3A_51] : memref<512x32xf32, #tpu.memory_space<vmem>> -> memref<128x32xf32, #tpu.memory_space<vmem>>
      %dma_start3A_53 = arith.constant 0 : i32
      %dma_start3A_54 = tpu.memref_slice %arg7[%dma_start3A_49, %dma_start3A_53] : memref<4x128xi32, #tpu.memory_space<vmem>> -> memref<1x128xi32, #tpu.memory_space<vmem>>
      %dma_start3A_55 = tpu.memref_squeeze %dma_start3A_54 : memref<1x128xi32, #tpu.memory_space<vmem>> -> memref<128xi32, #tpu.memory_space<vmem>>
      %dma_start3A_56 = arith.constant 0 : i32
      %dma_start3A_57 = arith.constant 0 : i32
      %dma_start3A_58 = tpu.memref_slice %arg2[%dma_start3A_56, %dma_start3A_57] : memref<200704x32xf32, #tpu.memory_space<hbm>> -> memref<200704x32xf32, #tpu.memory_space<hbm>>
      tpu.enqueue_indirect_dma source(%dma_start3A_58 : memref<200704x32xf32, #tpu.memory_space<hbm>>) target(%dma_start3A_52 : memref<128x32xf32, #tpu.memory_space<vmem>>) offsets(%dma_start3A_55 : memref<128xi32, #tpu.memory_space<vmem>>) semaphore(%arg11 : memref<!tpu.dma_semaphore, #tpu.memory_space<semaphore_mem>>)
      %dma_start3A_59 = arith.constant 2 : i32
      %dma_start3A_60 = arith.constant 256 : i32
      %dma_start3A_61 = arith.constant 0 : i32
      %dma_start3A_62 = tpu.memref_slice %arg9[%dma_start3A_60, %dma_start3A_61] : memref<512x32xf32, #tpu.memory_space<vmem>> -> memref<128x32xf32, #tpu.memory_space<vmem>>
      %dma_start3A_63 = arith.constant 0 : i32
      %dma_start3A_64 = tpu.memref_slice %arg7[%dma_start3A_59, %dma_start3A_63] : memref<4x128xi32, #tpu.memory_space<vmem>> -> memref<1x128xi32, #tpu.memory_space<vmem>>
      %dma_start3A_65 = tpu.memref_squeeze %dma_start3A_64 : memref<1x128xi32, #tpu.memory_space<vmem>> -> memref<128xi32, #tpu.memory_space<vmem>>
      %dma_start3A_66 = arith.constant 0 : i32
      %dma_start3A_67 = arith.constant 0 : i32
      %dma_start3A_68 = tpu.memref_slice %arg2[%dma_start3A_66, %dma_start3A_67] : memref<200704x32xf32, #tpu.memory_space<hbm>> -> memref<200704x32xf32, #tpu.memory_space<hbm>>
      tpu.enqueue_indirect_dma source(%dma_start3A_68 : memref<200704x32xf32, #tpu.memory_space<hbm>>) target(%dma_start3A_62 : memref<128x32xf32, #tpu.memory_space<vmem>>) offsets(%dma_start3A_65 : memref<128xi32, #tpu.memory_space<vmem>>) semaphore(%arg11 : memref<!tpu.dma_semaphore, #tpu.memory_space<semaphore_mem>>)
      %dma_start3A_69 = arith.constant 3 : i32
      %dma_start3A_70 = arith.constant 384 : i32
      %dma_start3A_71 = arith.constant 0 : i32
      %dma_start3A_72 = tpu.memref_slice %arg9[%dma_start3A_70, %dma_start3A_71] : memref<512x32xf32, #tpu.memory_space<vmem>> -> memref<128x32xf32, #tpu.memory_space<vmem>>
      %dma_start3A_73 = arith.constant 0 : i32
      %dma_start3A_74 = tpu.memref_slice %arg7[%dma_start3A_69, %dma_start3A_73] : memref<4x128xi32, #tpu.memory_space<vmem>> -> memref<1x128xi32, #tpu.memory_space<vmem>>
      %dma_start3A_75 = tpu.memref_squeeze %dma_start3A_74 : memref<1x128xi32, #tpu.memory_space<vmem>> -> memref<128xi32, #tpu.memory_space<vmem>>
      %dma_start3A_76 = arith.constant 0 : i32
      %dma_start3A_77 = arith.constant 0 : i32
      %dma_start3A_78 = tpu.memref_slice %arg2[%dma_start3A_76, %dma_start3A_77] : memref<200704x32xf32, #tpu.memory_space<hbm>> -> memref<200704x32xf32, #tpu.memory_space<hbm>>
      tpu.enqueue_indirect_dma source(%dma_start3A_78 : memref<200704x32xf32, #tpu.memory_space<hbm>>) target(%dma_start3A_72 : memref<128x32xf32, #tpu.memory_space<vmem>>) offsets(%dma_start3A_75 : memref<128xi32, #tpu.memory_space<vmem>>) semaphore(%arg11 : memref<!tpu.dma_semaphore, #tpu.memory_space<semaphore_mem>>)
      %dma_wait3A = arith.constant 0 : i32
      %dma_wait3A_79 = arith.constant 0 : i32
      %dma_wait3A_80 = arith.constant 0 : i32
      %dma_wait3A_81 = tpu.memref_slice %arg9[%dma_wait3A_79, %dma_wait3A_80] : memref<512x32xf32, #tpu.memory_space<vmem>> -> memref<128x32xf32, #tpu.memory_space<vmem>>
      %dma_wait3A_82 = arith.constant 0 : i32
      %dma_wait3A_83 = tpu.memref_slice %arg7[%dma_wait3A, %dma_wait3A_82] : memref<4x128xi32, #tpu.memory_space<vmem>> -> memref<1x128xi32, #tpu.memory_space<vmem>>
      %dma_wait3A_84 = tpu.memref_squeeze %dma_wait3A_83 : memref<1x128xi32, #tpu.memory_space<vmem>> -> memref<128xi32, #tpu.memory_space<vmem>>
      %dma_wait3A_85 = arith.constant 0 : i32
      %dma_wait3A_86 = arith.constant 0 : i32
      %dma_wait3A_87 = tpu.memref_slice %arg2[%dma_wait3A_85, %dma_wait3A_86] : memref<200704x32xf32, #tpu.memory_space<hbm>> -> memref<200704x32xf32, #tpu.memory_space<hbm>>
      tpu.wait_indirect_dma semaphore(%arg11 : memref<!tpu.dma_semaphore, #tpu.memory_space<semaphore_mem>>) src(%dma_wait3A_87 : memref<200704x32xf32, #tpu.memory_space<hbm>>) dst(%dma_wait3A_81 : memref<128x32xf32, #tpu.memory_space<vmem>>)
      %dma_wait3A_88 = arith.constant 1 : i32
      %dma_wait3A_89 = arith.constant 128 : i32
      %dma_wait3A_90 = arith.constant 0 : i32
      %dma_wait3A_91 = tpu.memref_slice %arg9[%dma_wait3A_89, %dma_wait3A_90] : memref<512x32xf32, #tpu.memory_space<vmem>> -> memref<128x32xf32, #tpu.memory_space<vmem>>
      %dma_wait3A_92 = arith.constant 0 : i32
      %dma_wait3A_93 = tpu.memref_slice %arg7[%dma_wait3A_88, %dma_wait3A_92] : memref<4x128xi32, #tpu.memory_space<vmem>> -> memref<1x128xi32, #tpu.memory_space<vmem>>
      %dma_wait3A_94 = tpu.memref_squeeze %dma_wait3A_93 : memref<1x128xi32, #tpu.memory_space<vmem>> -> memref<128xi32, #tpu.memory_space<vmem>>
      %dma_wait3A_95 = arith.constant 0 : i32
      %dma_wait3A_96 = arith.constant 0 : i32
      %dma_wait3A_97 = tpu.memref_slice %arg2[%dma_wait3A_95, %dma_wait3A_96] : memref<200704x32xf32, #tpu.memory_space<hbm>> -> memref<200704x32xf32, #tpu.memory_space<hbm>>
      tpu.wait_indirect_dma semaphore(%arg11 : memref<!tpu.dma_semaphore, #tpu.memory_space<semaphore_mem>>) src(%dma_wait3A_97 : memref<200704x32xf32, #tpu.memory_space<hbm>>) dst(%dma_wait3A_91 : memref<128x32xf32, #tpu.memory_space<vmem>>)
      %dma_wait3A_98 = arith.constant 2 : i32
      %dma_wait3A_99 = arith.constant 256 : i32
      %dma_wait3A_100 = arith.constant 0 : i32
      %dma_wait3A_101 = tpu.memref_slice %arg9[%dma_wait3A_99, %dma_wait3A_100] : memref<512x32xf32, #tpu.memory_space<vmem>> -> memref<128x32xf32, #tpu.memory_space<vmem>>
      %dma_wait3A_102 = arith.constant 0 : i32
      %dma_wait3A_103 = tpu.memref_slice %arg7[%dma_wait3A_98, %dma_wait3A_102] : memref<4x128xi32, #tpu.memory_space<vmem>> -> memref<1x128xi32, #tpu.memory_space<vmem>>
      %dma_wait3A_104 = tpu.memref_squeeze %dma_wait3A_103 : memref<1x128xi32, #tpu.memory_space<vmem>> -> memref<128xi32, #tpu.memory_space<vmem>>
      %dma_wait3A_105 = arith.constant 0 : i32
      %dma_wait3A_106 = arith.constant 0 : i32
      %dma_wait3A_107 = tpu.memref_slice %arg2[%dma_wait3A_105, %dma_wait3A_106] : memref<200704x32xf32, #tpu.memory_space<hbm>> -> memref<200704x32xf32, #tpu.memory_space<hbm>>
      tpu.wait_indirect_dma semaphore(%arg11 : memref<!tpu.dma_semaphore, #tpu.memory_space<semaphore_mem>>) src(%dma_wait3A_107 : memref<200704x32xf32, #tpu.memory_space<hbm>>) dst(%dma_wait3A_101 : memref<128x32xf32, #tpu.memory_space<vmem>>)
      %dma_wait3A_108 = arith.constant 3 : i32
      %dma_wait3A_109 = arith.constant 384 : i32
      %dma_wait3A_110 = arith.constant 0 : i32
      %dma_wait3A_111 = tpu.memref_slice %arg9[%dma_wait3A_109, %dma_wait3A_110] : memref<512x32xf32, #tpu.memory_space<vmem>> -> memref<128x32xf32, #tpu.memory_space<vmem>>
      %dma_wait3A_112 = arith.constant 0 : i32
      %dma_wait3A_113 = tpu.memref_slice %arg7[%dma_wait3A_108, %dma_wait3A_112] : memref<4x128xi32, #tpu.memory_space<vmem>> -> memref<1x128xi32, #tpu.memory_space<vmem>>
      %dma_wait3A_114 = tpu.memref_squeeze %dma_wait3A_113 : memref<1x128xi32, #tpu.memory_space<vmem>> -> memref<128xi32, #tpu.memory_space<vmem>>
      %dma_wait3A_115 = arith.constant 0 : i32
      %dma_wait3A_116 = arith.constant 0 : i32
      %dma_wait3A_117 = tpu.memref_slice %arg2[%dma_wait3A_115, %dma_wait3A_116] : memref<200704x32xf32, #tpu.memory_space<hbm>> -> memref<200704x32xf32, #tpu.memory_space<hbm>>
      tpu.wait_indirect_dma semaphore(%arg11 : memref<!tpu.dma_semaphore, #tpu.memory_space<semaphore_mem>>) src(%dma_wait3A_117 : memref<200704x32xf32, #tpu.memory_space<hbm>>) dst(%dma_wait3A_111 : memref<128x32xf32, #tpu.memory_space<vmem>>)
      %dma_start3A_118 = arith.constant 0 : i32
      %dma_start3A_119 = arith.constant 0 : i32
      %dma_start3A_120 = arith.constant 0 : i32
      %dma_start3A_121 = tpu.memref_slice %arg9[%dma_start3A_119, %dma_start3A_120] : memref<512x32xf32, #tpu.memory_space<vmem>> -> memref<128x32xf32, #tpu.memory_space<vmem>>
      %dma_start3A_122 = arith.constant 0 : i32
      %dma_start3A_123 = tpu.memref_slice %arg8[%dma_start3A_118, %dma_start3A_122] : memref<4x128xi32, #tpu.memory_space<vmem>> -> memref<1x128xi32, #tpu.memory_space<vmem>>
      %dma_start3A_124 = tpu.memref_squeeze %dma_start3A_123 : memref<1x128xi32, #tpu.memory_space<vmem>> -> memref<128xi32, #tpu.memory_space<vmem>>
      %dma_start3A_125 = arith.constant 0 : i32
      %dma_start3A_126 = arith.constant 0 : i32
      %dma_start3A_127 = tpu.memref_slice %arg10[%dma_start3A_125, %dma_start3A_126] : memref<50176x32xf32, #tpu.memory_space<vmem_shared>> -> memref<50176x32xf32, #tpu.memory_space<vmem_shared>>
      tpu.enqueue_indirect_dma source(%dma_start3A_121 : memref<128x32xf32, #tpu.memory_space<vmem>>) target(%dma_start3A_127 : memref<50176x32xf32, #tpu.memory_space<vmem_shared>>) offsets(%dma_start3A_124 : memref<128xi32, #tpu.memory_space<vmem>>) semaphore(%arg11 : memref<!tpu.dma_semaphore, #tpu.memory_space<semaphore_mem>>) {add = true}
      %dma_start3A_128 = arith.constant 1 : i32
      %dma_start3A_129 = arith.constant 128 : i32
      %dma_start3A_130 = arith.constant 0 : i32
      %dma_start3A_131 = tpu.memref_slice %arg9[%dma_start3A_129, %dma_start3A_130] : memref<512x32xf32, #tpu.memory_space<vmem>> -> memref<128x32xf32, #tpu.memory_space<vmem>>
      %dma_start3A_132 = arith.constant 0 : i32
      %dma_start3A_133 = tpu.memref_slice %arg8[%dma_start3A_128, %dma_start3A_132] : memref<4x128xi32, #tpu.memory_space<vmem>> -> memref<1x128xi32, #tpu.memory_space<vmem>>
      %dma_start3A_134 = tpu.memref_squeeze %dma_start3A_133 : memref<1x128xi32, #tpu.memory_space<vmem>> -> memref<128xi32, #tpu.memory_space<vmem>>
      %dma_start3A_135 = arith.constant 0 : i32
      %dma_start3A_136 = arith.constant 0 : i32
      %dma_start3A_137 = tpu.memref_slice %arg10[%dma_start3A_135, %dma_start3A_136] : memref<50176x32xf32, #tpu.memory_space<vmem_shared>> -> memref<50176x32xf32, #tpu.memory_space<vmem_shared>>
      tpu.enqueue_indirect_dma source(%dma_start3A_131 : memref<128x32xf32, #tpu.memory_space<vmem>>) target(%dma_start3A_137 : memref<50176x32xf32, #tpu.memory_space<vmem_shared>>) offsets(%dma_start3A_134 : memref<128xi32, #tpu.memory_space<vmem>>) semaphore(%arg11 : memref<!tpu.dma_semaphore, #tpu.memory_space<semaphore_mem>>) {add = true}
      %dma_start3A_138 = arith.constant 2 : i32
      %dma_start3A_139 = arith.constant 256 : i32
      %dma_start3A_140 = arith.constant 0 : i32
      %dma_start3A_141 = tpu.memref_slice %arg9[%dma_start3A_139, %dma_start3A_140] : memref<512x32xf32, #tpu.memory_space<vmem>> -> memref<128x32xf32, #tpu.memory_space<vmem>>
      %dma_start3A_142 = arith.constant 0 : i32
      %dma_start3A_143 = tpu.memref_slice %arg8[%dma_start3A_138, %dma_start3A_142] : memref<4x128xi32, #tpu.memory_space<vmem>> -> memref<1x128xi32, #tpu.memory_space<vmem>>
      %dma_start3A_144 = tpu.memref_squeeze %dma_start3A_143 : memref<1x128xi32, #tpu.memory_space<vmem>> -> memref<128xi32, #tpu.memory_space<vmem>>
      %dma_start3A_145 = arith.constant 0 : i32
      %dma_start3A_146 = arith.constant 0 : i32
      %dma_start3A_147 = tpu.memref_slice %arg10[%dma_start3A_145, %dma_start3A_146] : memref<50176x32xf32, #tpu.memory_space<vmem_shared>> -> memref<50176x32xf32, #tpu.memory_space<vmem_shared>>
      tpu.enqueue_indirect_dma source(%dma_start3A_141 : memref<128x32xf32, #tpu.memory_space<vmem>>) target(%dma_start3A_147 : memref<50176x32xf32, #tpu.memory_space<vmem_shared>>) offsets(%dma_start3A_144 : memref<128xi32, #tpu.memory_space<vmem>>) semaphore(%arg11 : memref<!tpu.dma_semaphore, #tpu.memory_space<semaphore_mem>>) {add = true}
      %dma_start3A_148 = arith.constant 3 : i32
      %dma_start3A_149 = arith.constant 384 : i32
      %dma_start3A_150 = arith.constant 0 : i32
      %dma_start3A_151 = tpu.memref_slice %arg9[%dma_start3A_149, %dma_start3A_150] : memref<512x32xf32, #tpu.memory_space<vmem>> -> memref<128x32xf32, #tpu.memory_space<vmem>>
      %dma_start3A_152 = arith.constant 0 : i32
      %dma_start3A_153 = tpu.memref_slice %arg8[%dma_start3A_148, %dma_start3A_152] : memref<4x128xi32, #tpu.memory_space<vmem>> -> memref<1x128xi32, #tpu.memory_space<vmem>>
      %dma_start3A_154 = tpu.memref_squeeze %dma_start3A_153 : memref<1x128xi32, #tpu.memory_space<vmem>> -> memref<128xi32, #tpu.memory_space<vmem>>
      %dma_start3A_155 = arith.constant 0 : i32
      %dma_start3A_156 = arith.constant 0 : i32
      %dma_start3A_157 = tpu.memref_slice %arg10[%dma_start3A_155, %dma_start3A_156] : memref<50176x32xf32, #tpu.memory_space<vmem_shared>> -> memref<50176x32xf32, #tpu.memory_space<vmem_shared>>
      tpu.enqueue_indirect_dma source(%dma_start3A_151 : memref<128x32xf32, #tpu.memory_space<vmem>>) target(%dma_start3A_157 : memref<50176x32xf32, #tpu.memory_space<vmem_shared>>) offsets(%dma_start3A_154 : memref<128xi32, #tpu.memory_space<vmem>>) semaphore(%arg11 : memref<!tpu.dma_semaphore, #tpu.memory_space<semaphore_mem>>) {add = true}
      %dma_wait3A_158 = arith.constant 0 : i32
      %dma_wait3A_159 = arith.constant 0 : i32
      %dma_wait3A_160 = arith.constant 0 : i32
      %dma_wait3A_161 = tpu.memref_slice %arg9[%dma_wait3A_159, %dma_wait3A_160] : memref<512x32xf32, #tpu.memory_space<vmem>> -> memref<128x32xf32, #tpu.memory_space<vmem>>
      %dma_wait3A_162 = arith.constant 0 : i32
      %dma_wait3A_163 = tpu.memref_slice %arg8[%dma_wait3A_158, %dma_wait3A_162] : memref<4x128xi32, #tpu.memory_space<vmem>> -> memref<1x128xi32, #tpu.memory_space<vmem>>
      %dma_wait3A_164 = tpu.memref_squeeze %dma_wait3A_163 : memref<1x128xi32, #tpu.memory_space<vmem>> -> memref<128xi32, #tpu.memory_space<vmem>>
      %dma_wait3A_165 = arith.constant 0 : i32
      %dma_wait3A_166 = arith.constant 0 : i32
      %dma_wait3A_167 = tpu.memref_slice %arg10[%dma_wait3A_165, %dma_wait3A_166] : memref<50176x32xf32, #tpu.memory_space<vmem_shared>> -> memref<50176x32xf32, #tpu.memory_space<vmem_shared>>
      tpu.wait_indirect_dma semaphore(%arg11 : memref<!tpu.dma_semaphore, #tpu.memory_space<semaphore_mem>>) src(%dma_wait3A_161 : memref<128x32xf32, #tpu.memory_space<vmem>>) dst(%dma_wait3A_167 : memref<50176x32xf32, #tpu.memory_space<vmem_shared>>)
      %dma_wait3A_168 = arith.constant 1 : i32
      %dma_wait3A_169 = arith.constant 128 : i32
      %dma_wait3A_170 = arith.constant 0 : i32
      %dma_wait3A_171 = tpu.memref_slice %arg9[%dma_wait3A_169, %dma_wait3A_170] : memref<512x32xf32, #tpu.memory_space<vmem>> -> memref<128x32xf32, #tpu.memory_space<vmem>>
      %dma_wait3A_172 = arith.constant 0 : i32
      %dma_wait3A_173 = tpu.memref_slice %arg8[%dma_wait3A_168, %dma_wait3A_172] : memref<4x128xi32, #tpu.memory_space<vmem>> -> memref<1x128xi32, #tpu.memory_space<vmem>>
      %dma_wait3A_174 = tpu.memref_squeeze %dma_wait3A_173 : memref<1x128xi32, #tpu.memory_space<vmem>> -> memref<128xi32, #tpu.memory_space<vmem>>
      %dma_wait3A_175 = arith.constant 0 : i32
      %dma_wait3A_176 = arith.constant 0 : i32
      %dma_wait3A_177 = tpu.memref_slice %arg10[%dma_wait3A_175, %dma_wait3A_176] : memref<50176x32xf32, #tpu.memory_space<vmem_shared>> -> memref<50176x32xf32, #tpu.memory_space<vmem_shared>>
      tpu.wait_indirect_dma semaphore(%arg11 : memref<!tpu.dma_semaphore, #tpu.memory_space<semaphore_mem>>) src(%dma_wait3A_171 : memref<128x32xf32, #tpu.memory_space<vmem>>) dst(%dma_wait3A_177 : memref<50176x32xf32, #tpu.memory_space<vmem_shared>>)
      %dma_wait3A_178 = arith.constant 2 : i32
      %dma_wait3A_179 = arith.constant 256 : i32
      %dma_wait3A_180 = arith.constant 0 : i32
      %dma_wait3A_181 = tpu.memref_slice %arg9[%dma_wait3A_179, %dma_wait3A_180] : memref<512x32xf32, #tpu.memory_space<vmem>> -> memref<128x32xf32, #tpu.memory_space<vmem>>
      %dma_wait3A_182 = arith.constant 0 : i32
      %dma_wait3A_183 = tpu.memref_slice %arg8[%dma_wait3A_178, %dma_wait3A_182] : memref<4x128xi32, #tpu.memory_space<vmem>> -> memref<1x128xi32, #tpu.memory_space<vmem>>
      %dma_wait3A_184 = tpu.memref_squeeze %dma_wait3A_183 : memref<1x128xi32, #tpu.memory_space<vmem>> -> memref<128xi32, #tpu.memory_space<vmem>>
      %dma_wait3A_185 = arith.constant 0 : i32
      %dma_wait3A_186 = arith.constant 0 : i32
      %dma_wait3A_187 = tpu.memref_slice %arg10[%dma_wait3A_185, %dma_wait3A_186] : memref<50176x32xf32, #tpu.memory_space<vmem_shared>> -> memref<50176x32xf32, #tpu.memory_space<vmem_shared>>
      tpu.wait_indirect_dma semaphore(%arg11 : memref<!tpu.dma_semaphore, #tpu.memory_space<semaphore_mem>>) src(%dma_wait3A_181 : memref<128x32xf32, #tpu.memory_space<vmem>>) dst(%dma_wait3A_187 : memref<50176x32xf32, #tpu.memory_space<vmem_shared>>)
      %dma_wait3A_188 = arith.constant 3 : i32
      %dma_wait3A_189 = arith.constant 384 : i32
      %dma_wait3A_190 = arith.constant 0 : i32
      %dma_wait3A_191 = tpu.memref_slice %arg9[%dma_wait3A_189, %dma_wait3A_190] : memref<512x32xf32, #tpu.memory_space<vmem>> -> memref<128x32xf32, #tpu.memory_space<vmem>>
      %dma_wait3A_192 = arith.constant 0 : i32
      %dma_wait3A_193 = tpu.memref_slice %arg8[%dma_wait3A_188, %dma_wait3A_192] : memref<4x128xi32, #tpu.memory_space<vmem>> -> memref<1x128xi32, #tpu.memory_space<vmem>>
      %dma_wait3A_194 = tpu.memref_squeeze %dma_wait3A_193 : memref<1x128xi32, #tpu.memory_space<vmem>> -> memref<128xi32, #tpu.memory_space<vmem>>
      %dma_wait3A_195 = arith.constant 0 : i32
      %dma_wait3A_196 = arith.constant 0 : i32
      %dma_wait3A_197 = tpu.memref_slice %arg10[%dma_wait3A_195, %dma_wait3A_196] : memref<50176x32xf32, #tpu.memory_space<vmem_shared>> -> memref<50176x32xf32, #tpu.memory_space<vmem_shared>>
      tpu.wait_indirect_dma semaphore(%arg11 : memref<!tpu.dma_semaphore, #tpu.memory_space<semaphore_mem>>) src(%dma_wait3A_191 : memref<128x32xf32, #tpu.memory_space<vmem>>) dst(%dma_wait3A_197 : memref<50176x32xf32, #tpu.memory_space<vmem_shared>>)
    }
    %scan3A_27 = arith.constant 100 : i32
    %barrier3A_28 = arith.constant 0 : index
    tpu.barrier barrier_id(%barrier3A_28)
    %mul3A_29 = arith.constant 3136 : i32
    %mul3A_30 = arith.muli %arg1, %mul3A_29 : i32
    %mul3A_31 = arith.constant 3136 : i32
    %mul3A_32 = arith.muli %arg1, %mul3A_31 : i32
    "tpu.region"() ({
      %run_scoped3A = tpu.sem_alloc : memref<!tpu.dma_semaphore, #tpu.memory_space<semaphore_mem>>
      %dma_start3A = arith.constant 0 : i32
      %dma_start3A_34 = tpu.memref_slice %arg6[%add3A_18, %mul3A_32, %dma_start3A] : memref<4x50176x32xf32, #tpu.memory_space<hbm>> -> memref<1x3136x32xf32, #tpu.memory_space<hbm>>
      %dma_start3A_35 = tpu.memref_squeeze %dma_start3A_34 : memref<1x3136x32xf32, #tpu.memory_space<hbm>> -> memref<3136x32xf32, #tpu.memory_space<hbm>>
      %dma_start3A_36 = arith.constant 0 : i32
      %dma_start3A_37 = tpu.memref_slice %arg10[%mul3A_30, %dma_start3A_36] : memref<50176x32xf32, #tpu.memory_space<vmem_shared>> -> memref<3136x32xf32, #tpu.memory_space<vmem_shared>>
      tpu.enqueue_dma source(%dma_start3A_37 : memref<3136x32xf32, #tpu.memory_space<vmem_shared>>) target(%dma_start3A_35 : memref<3136x32xf32, #tpu.memory_space<hbm>>) target_semaphore(%run_scoped3A : memref<!tpu.dma_semaphore, #tpu.memory_space<semaphore_mem>>)
      %dma_wait3A = arith.constant 0 : i32
      %dma_wait3A_38 = tpu.memref_slice %arg6[%add3A_18, %mul3A_32, %dma_wait3A] : memref<4x50176x32xf32, #tpu.memory_space<hbm>> -> memref<1x3136x32xf32, #tpu.memory_space<hbm>>
      %dma_wait3A_39 = tpu.memref_squeeze %dma_wait3A_38 : memref<1x3136x32xf32, #tpu.memory_space<hbm>> -> memref<3136x32xf32, #tpu.memory_space<hbm>>
      %dma_wait3A_40 = arith.constant 0 : i32
      %dma_wait3A_41 = tpu.memref_slice %arg10[%mul3A_30, %dma_wait3A_40] : memref<50176x32xf32, #tpu.memory_space<vmem_shared>> -> memref<3136x32xf32, #tpu.memory_space<vmem_shared>>
      tpu.wait_dma2 semaphore(%run_scoped3A : memref<!tpu.dma_semaphore, #tpu.memory_space<semaphore_mem>>) src(%dma_wait3A_41 : memref<3136x32xf32, #tpu.memory_space<vmem_shared>>) dst(%dma_wait3A_39 : memref<3136x32xf32, #tpu.memory_space<hbm>>)
      tpu.yield
    }) : () -> ()
    %barrier3A_33 = arith.constant 0 : index
    tpu.barrier barrier_id(%barrier3A_33)
    return
  }
}

#map = affine_map<(d0, d1) -> (0, 0)>
module attributes {stable_mosaic.version = 14 : i64} {
  func.func @_node_body(%arg0: i32, %arg1: i32, %arg2: memref<32x128xf32, #tpu.memory_space<hbm>>, %arg3: memref<1008x128xf32, #tpu.memory_space<hbm>>, %arg4: memref<20104x128xf32, #tpu.memory_space<hbm>>, %arg5: memref<32x128xf32, #tpu.memory_space<hbm>>, %arg6: memref<1008x128xf32, #tpu.memory_space<hbm>>, %arg7: memref<20104x128xf32, #tpu.memory_space<hbm>>, %arg8: memref<20104x128xf32, #tpu.memory_space<hbm>>, %arg9: memref<416x128xi32, #tpu.memory_space<hbm>>, %arg10: memref<416x128xi32, #tpu.memory_space<hbm>>, %arg11: memref<416x128xi32, #tpu.memory_space<hbm>>, %arg12: memref<53248x128xf32, #tpu.memory_space<hbm>>, %arg13: memref<53248x128xf32, #tpu.memory_space<hbm>>, %arg14: memref<53248x128xf32, #tpu.memory_space<hbm>>, %arg15: memref<13x128xi32, #tpu.memory_space<vmem>>, %arg16: memref<13x128xi32, #tpu.memory_space<vmem>>, %arg17: memref<13x128xi32, #tpu.memory_space<vmem>>, %arg18: memref<128x128xf32, #tpu.memory_space<vmem>>, %arg19: memref<128x128xf32, #tpu.memory_space<vmem>>, %arg20: memref<128x128xf32, #tpu.memory_space<vmem>>, %arg21: memref<!tpu.dma_semaphore, #tpu.memory_space<semaphore_mem>>) attributes {dimension_semantics = [#tpu.dimension_semantics<core_parallel>, #tpu.dimension_semantics<subcore_parallel>], iteration_bounds = array<i64: 2, 16>, scalar_prefetch = 0 : i64, scratch_operands = 7 : i64, tpu.core_type = #tpu.core_type<sc_vector_subcore>, window_params = [{transform_indices = #map}, {transform_indices = #map}, {transform_indices = #map}, {transform_indices = #map}, {transform_indices = #map}, {transform_indices = #map}, {transform_indices = #map}, {transform_indices = #map}, {transform_indices = #map}, {transform_indices = #map}, {transform_indices = #map}, {transform_indices = #map}, {transform_indices = #map}]} {
    %mul3A = arith.constant 2 : i32
    %mul3A_0 = arith.muli %arg1, %mul3A : i32
    %add3A = arith.addi %mul3A_0, %arg0 : i32
    %mul3A_1 = arith.constant 13 : i32
    %mul3A_2 = arith.muli %add3A, %mul3A_1 : i32
    "tpu.region"() ({
      %run_scoped3A = tpu.sem_alloc : memref<!tpu.dma_semaphore, #tpu.memory_space<semaphore_mem>>
      %dma_start3A = arith.constant 0 : i32
      %dma_start3A_8 = tpu.memref_slice %arg9[%mul3A_2, %dma_start3A] : memref<416x128xi32, #tpu.memory_space<hbm>> -> memref<13x128xi32, #tpu.memory_space<hbm>>
      %dma_start3A_9 = arith.constant 0 : i32
      %dma_start3A_10 = tpu.memref_slice %arg9[%mul3A_2, %dma_start3A_9] : memref<416x128xi32, #tpu.memory_space<hbm>> -> memref<13x128xi32, #tpu.memory_space<hbm>>
      tpu.enqueue_dma source(%dma_start3A_10 : memref<13x128xi32, #tpu.memory_space<hbm>>) target(%arg15 : memref<13x128xi32, #tpu.memory_space<vmem>>) target_semaphore(%run_scoped3A : memref<!tpu.dma_semaphore, #tpu.memory_space<semaphore_mem>>)
      %dma_wait3A = arith.constant 0 : i32
      %dma_wait3A_11 = tpu.memref_slice %arg9[%mul3A_2, %dma_wait3A] : memref<416x128xi32, #tpu.memory_space<hbm>> -> memref<13x128xi32, #tpu.memory_space<hbm>>
      %dma_wait3A_12 = arith.constant 0 : i32
      %dma_wait3A_13 = tpu.memref_slice %arg9[%mul3A_2, %dma_wait3A_12] : memref<416x128xi32, #tpu.memory_space<hbm>> -> memref<13x128xi32, #tpu.memory_space<hbm>>
      tpu.wait_dma2 semaphore(%run_scoped3A : memref<!tpu.dma_semaphore, #tpu.memory_space<semaphore_mem>>) src(%dma_wait3A_13 : memref<13x128xi32, #tpu.memory_space<hbm>>) dst(%arg15 : memref<13x128xi32, #tpu.memory_space<vmem>>)
      tpu.yield
    }) : () -> ()
    "tpu.region"() ({
      %run_scoped3A = tpu.sem_alloc : memref<!tpu.dma_semaphore, #tpu.memory_space<semaphore_mem>>
      %dma_start3A = arith.constant 0 : i32
      %dma_start3A_8 = tpu.memref_slice %arg10[%mul3A_2, %dma_start3A] : memref<416x128xi32, #tpu.memory_space<hbm>> -> memref<13x128xi32, #tpu.memory_space<hbm>>
      %dma_start3A_9 = arith.constant 0 : i32
      %dma_start3A_10 = tpu.memref_slice %arg10[%mul3A_2, %dma_start3A_9] : memref<416x128xi32, #tpu.memory_space<hbm>> -> memref<13x128xi32, #tpu.memory_space<hbm>>
      tpu.enqueue_dma source(%dma_start3A_10 : memref<13x128xi32, #tpu.memory_space<hbm>>) target(%arg16 : memref<13x128xi32, #tpu.memory_space<vmem>>) target_semaphore(%run_scoped3A : memref<!tpu.dma_semaphore, #tpu.memory_space<semaphore_mem>>)
      %dma_wait3A = arith.constant 0 : i32
      %dma_wait3A_11 = tpu.memref_slice %arg10[%mul3A_2, %dma_wait3A] : memref<416x128xi32, #tpu.memory_space<hbm>> -> memref<13x128xi32, #tpu.memory_space<hbm>>
      %dma_wait3A_12 = arith.constant 0 : i32
      %dma_wait3A_13 = tpu.memref_slice %arg10[%mul3A_2, %dma_wait3A_12] : memref<416x128xi32, #tpu.memory_space<hbm>> -> memref<13x128xi32, #tpu.memory_space<hbm>>
      tpu.wait_dma2 semaphore(%run_scoped3A : memref<!tpu.dma_semaphore, #tpu.memory_space<semaphore_mem>>) src(%dma_wait3A_13 : memref<13x128xi32, #tpu.memory_space<hbm>>) dst(%arg16 : memref<13x128xi32, #tpu.memory_space<vmem>>)
      tpu.yield
    }) : () -> ()
    "tpu.region"() ({
      %run_scoped3A = tpu.sem_alloc : memref<!tpu.dma_semaphore, #tpu.memory_space<semaphore_mem>>
      %dma_start3A = arith.constant 0 : i32
      %dma_start3A_8 = tpu.memref_slice %arg11[%mul3A_2, %dma_start3A] : memref<416x128xi32, #tpu.memory_space<hbm>> -> memref<13x128xi32, #tpu.memory_space<hbm>>
      %dma_start3A_9 = arith.constant 0 : i32
      %dma_start3A_10 = tpu.memref_slice %arg11[%mul3A_2, %dma_start3A_9] : memref<416x128xi32, #tpu.memory_space<hbm>> -> memref<13x128xi32, #tpu.memory_space<hbm>>
      tpu.enqueue_dma source(%dma_start3A_10 : memref<13x128xi32, #tpu.memory_space<hbm>>) target(%arg17 : memref<13x128xi32, #tpu.memory_space<vmem>>) target_semaphore(%run_scoped3A : memref<!tpu.dma_semaphore, #tpu.memory_space<semaphore_mem>>)
      %dma_wait3A = arith.constant 0 : i32
      %dma_wait3A_11 = tpu.memref_slice %arg11[%mul3A_2, %dma_wait3A] : memref<416x128xi32, #tpu.memory_space<hbm>> -> memref<13x128xi32, #tpu.memory_space<hbm>>
      %dma_wait3A_12 = arith.constant 0 : i32
      %dma_wait3A_13 = tpu.memref_slice %arg11[%mul3A_2, %dma_wait3A_12] : memref<416x128xi32, #tpu.memory_space<hbm>> -> memref<13x128xi32, #tpu.memory_space<hbm>>
      tpu.wait_dma2 semaphore(%run_scoped3A : memref<!tpu.dma_semaphore, #tpu.memory_space<semaphore_mem>>) src(%dma_wait3A_13 : memref<13x128xi32, #tpu.memory_space<hbm>>) dst(%arg17 : memref<13x128xi32, #tpu.memory_space<vmem>>)
      tpu.yield
    }) : () -> ()
    %scan3A = arith.constant 0 : i32
    %scan3A_3 = arith.constant 0 : i32
    %scan3A_4 = arith.constant 13 : i32
    %scan3A_5 = arith.addi %scan3A_3, %scan3A_4 : i32
    %scan3A_6 = arith.constant 1 : i32
    scf.for %scan3A_8 = %scan3A_3 to %scan3A_5 step %scan3A_6  : i32 {
      %add3A_9 = arith.addi %mul3A_2, %scan3A_8 : i32
      %mul3A_10 = arith.constant 128 : i32
      %mul3A_11 = arith.muli %add3A_9, %mul3A_10 : i32
      %dma_start3A = arith.constant 0 : i32
      %dma_start3A_12 = tpu.memref_slice %arg15[%scan3A_8, %dma_start3A] : memref<13x128xi32, #tpu.memory_space<vmem>> -> memref<1x128xi32, #tpu.memory_space<vmem>>
      %dma_start3A_13 = tpu.memref_squeeze %dma_start3A_12 : memref<1x128xi32, #tpu.memory_space<vmem>> -> memref<128xi32, #tpu.memory_space<vmem>>
      %dma_start3A_14 = arith.constant 0 : i32
      %dma_start3A_15 = arith.constant 0 : i32
      %dma_start3A_16 = tpu.memref_slice %arg2[%dma_start3A_14, %dma_start3A_15] : memref<32x128xf32, #tpu.memory_space<hbm>> -> memref<32x128xf32, #tpu.memory_space<hbm>>
      tpu.enqueue_indirect_dma source(%dma_start3A_16 : memref<32x128xf32, #tpu.memory_space<hbm>>) target(%arg18 : memref<128x128xf32, #tpu.memory_space<vmem>>) offsets(%dma_start3A_13 : memref<128xi32, #tpu.memory_space<vmem>>) semaphore(%arg21 : memref<!tpu.dma_semaphore, #tpu.memory_space<semaphore_mem>>)
      %dma_start3A_17 = arith.constant 0 : i32
      %dma_start3A_18 = tpu.memref_slice %arg15[%scan3A_8, %dma_start3A_17] : memref<13x128xi32, #tpu.memory_space<vmem>> -> memref<1x128xi32, #tpu.memory_space<vmem>>
      %dma_start3A_19 = tpu.memref_squeeze %dma_start3A_18 : memref<1x128xi32, #tpu.memory_space<vmem>> -> memref<128xi32, #tpu.memory_space<vmem>>
      %dma_start3A_20 = arith.constant 0 : i32
      %dma_start3A_21 = arith.constant 0 : i32
      %dma_start3A_22 = tpu.memref_slice %arg5[%dma_start3A_20, %dma_start3A_21] : memref<32x128xf32, #tpu.memory_space<hbm>> -> memref<32x128xf32, #tpu.memory_space<hbm>>
      tpu.enqueue_indirect_dma source(%dma_start3A_22 : memref<32x128xf32, #tpu.memory_space<hbm>>) target(%arg19 : memref<128x128xf32, #tpu.memory_space<vmem>>) offsets(%dma_start3A_19 : memref<128xi32, #tpu.memory_space<vmem>>) semaphore(%arg21 : memref<!tpu.dma_semaphore, #tpu.memory_space<semaphore_mem>>)
      %dma_start3A_23 = arith.constant 0 : i32
      %dma_start3A_24 = tpu.memref_slice %arg17[%scan3A_8, %dma_start3A_23] : memref<13x128xi32, #tpu.memory_space<vmem>> -> memref<1x128xi32, #tpu.memory_space<vmem>>
      %dma_start3A_25 = tpu.memref_squeeze %dma_start3A_24 : memref<1x128xi32, #tpu.memory_space<vmem>> -> memref<128xi32, #tpu.memory_space<vmem>>
      %dma_start3A_26 = arith.constant 0 : i32
      %dma_start3A_27 = arith.constant 0 : i32
      %dma_start3A_28 = tpu.memref_slice %arg8[%dma_start3A_26, %dma_start3A_27] : memref<20104x128xf32, #tpu.memory_space<hbm>> -> memref<20104x128xf32, #tpu.memory_space<hbm>>
      tpu.enqueue_indirect_dma source(%dma_start3A_28 : memref<20104x128xf32, #tpu.memory_space<hbm>>) target(%arg20 : memref<128x128xf32, #tpu.memory_space<vmem>>) offsets(%dma_start3A_25 : memref<128xi32, #tpu.memory_space<vmem>>) semaphore(%arg21 : memref<!tpu.dma_semaphore, #tpu.memory_space<semaphore_mem>>)
      %dma_wait3A = arith.constant 0 : i32
      %dma_wait3A_29 = tpu.memref_slice %arg15[%scan3A_8, %dma_wait3A] : memref<13x128xi32, #tpu.memory_space<vmem>> -> memref<1x128xi32, #tpu.memory_space<vmem>>
      %dma_wait3A_30 = tpu.memref_squeeze %dma_wait3A_29 : memref<1x128xi32, #tpu.memory_space<vmem>> -> memref<128xi32, #tpu.memory_space<vmem>>
      %dma_wait3A_31 = arith.constant 0 : i32
      %dma_wait3A_32 = arith.constant 0 : i32
      %dma_wait3A_33 = tpu.memref_slice %arg2[%dma_wait3A_31, %dma_wait3A_32] : memref<32x128xf32, #tpu.memory_space<hbm>> -> memref<32x128xf32, #tpu.memory_space<hbm>>
      tpu.wait_indirect_dma semaphore(%arg21 : memref<!tpu.dma_semaphore, #tpu.memory_space<semaphore_mem>>) src(%dma_wait3A_33 : memref<32x128xf32, #tpu.memory_space<hbm>>) dst(%arg18 : memref<128x128xf32, #tpu.memory_space<vmem>>)
      %dma_wait3A_34 = arith.constant 0 : i32
      %dma_wait3A_35 = tpu.memref_slice %arg15[%scan3A_8, %dma_wait3A_34] : memref<13x128xi32, #tpu.memory_space<vmem>> -> memref<1x128xi32, #tpu.memory_space<vmem>>
      %dma_wait3A_36 = tpu.memref_squeeze %dma_wait3A_35 : memref<1x128xi32, #tpu.memory_space<vmem>> -> memref<128xi32, #tpu.memory_space<vmem>>
      %dma_wait3A_37 = arith.constant 0 : i32
      %dma_wait3A_38 = arith.constant 0 : i32
      %dma_wait3A_39 = tpu.memref_slice %arg5[%dma_wait3A_37, %dma_wait3A_38] : memref<32x128xf32, #tpu.memory_space<hbm>> -> memref<32x128xf32, #tpu.memory_space<hbm>>
      tpu.wait_indirect_dma semaphore(%arg21 : memref<!tpu.dma_semaphore, #tpu.memory_space<semaphore_mem>>) src(%dma_wait3A_39 : memref<32x128xf32, #tpu.memory_space<hbm>>) dst(%arg19 : memref<128x128xf32, #tpu.memory_space<vmem>>)
      %dma_wait3A_40 = arith.constant 0 : i32
      %dma_wait3A_41 = tpu.memref_slice %arg17[%scan3A_8, %dma_wait3A_40] : memref<13x128xi32, #tpu.memory_space<vmem>> -> memref<1x128xi32, #tpu.memory_space<vmem>>
      %dma_wait3A_42 = tpu.memref_squeeze %dma_wait3A_41 : memref<1x128xi32, #tpu.memory_space<vmem>> -> memref<128xi32, #tpu.memory_space<vmem>>
      %dma_wait3A_43 = arith.constant 0 : i32
      %dma_wait3A_44 = arith.constant 0 : i32
      %dma_wait3A_45 = tpu.memref_slice %arg8[%dma_wait3A_43, %dma_wait3A_44] : memref<20104x128xf32, #tpu.memory_space<hbm>> -> memref<20104x128xf32, #tpu.memory_space<hbm>>
      tpu.wait_indirect_dma semaphore(%arg21 : memref<!tpu.dma_semaphore, #tpu.memory_space<semaphore_mem>>) src(%dma_wait3A_45 : memref<20104x128xf32, #tpu.memory_space<hbm>>) dst(%arg20 : memref<128x128xf32, #tpu.memory_space<vmem>>)
      %dma_start3A_46 = arith.constant 0 : i32
      %dma_start3A_47 = tpu.memref_slice %arg16[%scan3A_8, %dma_start3A_46] : memref<13x128xi32, #tpu.memory_space<vmem>> -> memref<1x128xi32, #tpu.memory_space<vmem>>
      %dma_start3A_48 = tpu.memref_squeeze %dma_start3A_47 : memref<1x128xi32, #tpu.memory_space<vmem>> -> memref<128xi32, #tpu.memory_space<vmem>>
      %dma_start3A_49 = arith.constant 0 : i32
      %dma_start3A_50 = arith.constant 0 : i32
      %dma_start3A_51 = tpu.memref_slice %arg3[%dma_start3A_49, %dma_start3A_50] : memref<1008x128xf32, #tpu.memory_space<hbm>> -> memref<1008x128xf32, #tpu.memory_space<hbm>>
      tpu.enqueue_indirect_dma source(%dma_start3A_51 : memref<1008x128xf32, #tpu.memory_space<hbm>>) target(%arg18 : memref<128x128xf32, #tpu.memory_space<vmem>>) offsets(%dma_start3A_48 : memref<128xi32, #tpu.memory_space<vmem>>) semaphore(%arg21 : memref<!tpu.dma_semaphore, #tpu.memory_space<semaphore_mem>>) {add = true}
      %dma_start3A_52 = arith.constant 0 : i32
      %dma_start3A_53 = tpu.memref_slice %arg17[%scan3A_8, %dma_start3A_52] : memref<13x128xi32, #tpu.memory_space<vmem>> -> memref<1x128xi32, #tpu.memory_space<vmem>>
      %dma_start3A_54 = tpu.memref_squeeze %dma_start3A_53 : memref<1x128xi32, #tpu.memory_space<vmem>> -> memref<128xi32, #tpu.memory_space<vmem>>
      %dma_start3A_55 = arith.constant 0 : i32
      %dma_start3A_56 = arith.constant 0 : i32
      %dma_start3A_57 = tpu.memref_slice %arg4[%dma_start3A_55, %dma_start3A_56] : memref<20104x128xf32, #tpu.memory_space<hbm>> -> memref<20104x128xf32, #tpu.memory_space<hbm>>
      tpu.enqueue_indirect_dma source(%dma_start3A_57 : memref<20104x128xf32, #tpu.memory_space<hbm>>) target(%arg18 : memref<128x128xf32, #tpu.memory_space<vmem>>) offsets(%dma_start3A_54 : memref<128xi32, #tpu.memory_space<vmem>>) semaphore(%arg21 : memref<!tpu.dma_semaphore, #tpu.memory_space<semaphore_mem>>) {add = true}
      %dma_start3A_58 = arith.constant 0 : i32
      %dma_start3A_59 = tpu.memref_slice %arg16[%scan3A_8, %dma_start3A_58] : memref<13x128xi32, #tpu.memory_space<vmem>> -> memref<1x128xi32, #tpu.memory_space<vmem>>
      %dma_start3A_60 = tpu.memref_squeeze %dma_start3A_59 : memref<1x128xi32, #tpu.memory_space<vmem>> -> memref<128xi32, #tpu.memory_space<vmem>>
      %dma_start3A_61 = arith.constant 0 : i32
      %dma_start3A_62 = arith.constant 0 : i32
      %dma_start3A_63 = tpu.memref_slice %arg6[%dma_start3A_61, %dma_start3A_62] : memref<1008x128xf32, #tpu.memory_space<hbm>> -> memref<1008x128xf32, #tpu.memory_space<hbm>>
      tpu.enqueue_indirect_dma source(%dma_start3A_63 : memref<1008x128xf32, #tpu.memory_space<hbm>>) target(%arg19 : memref<128x128xf32, #tpu.memory_space<vmem>>) offsets(%dma_start3A_60 : memref<128xi32, #tpu.memory_space<vmem>>) semaphore(%arg21 : memref<!tpu.dma_semaphore, #tpu.memory_space<semaphore_mem>>) {add = true}
      %dma_start3A_64 = arith.constant 0 : i32
      %dma_start3A_65 = tpu.memref_slice %arg17[%scan3A_8, %dma_start3A_64] : memref<13x128xi32, #tpu.memory_space<vmem>> -> memref<1x128xi32, #tpu.memory_space<vmem>>
      %dma_start3A_66 = tpu.memref_squeeze %dma_start3A_65 : memref<1x128xi32, #tpu.memory_space<vmem>> -> memref<128xi32, #tpu.memory_space<vmem>>
      %dma_start3A_67 = arith.constant 0 : i32
      %dma_start3A_68 = arith.constant 0 : i32
      %dma_start3A_69 = tpu.memref_slice %arg7[%dma_start3A_67, %dma_start3A_68] : memref<20104x128xf32, #tpu.memory_space<hbm>> -> memref<20104x128xf32, #tpu.memory_space<hbm>>
      tpu.enqueue_indirect_dma source(%dma_start3A_69 : memref<20104x128xf32, #tpu.memory_space<hbm>>) target(%arg19 : memref<128x128xf32, #tpu.memory_space<vmem>>) offsets(%dma_start3A_66 : memref<128xi32, #tpu.memory_space<vmem>>) semaphore(%arg21 : memref<!tpu.dma_semaphore, #tpu.memory_space<semaphore_mem>>) {add = true}
      %dma_wait3A_70 = arith.constant 0 : i32
      %dma_wait3A_71 = tpu.memref_slice %arg16[%scan3A_8, %dma_wait3A_70] : memref<13x128xi32, #tpu.memory_space<vmem>> -> memref<1x128xi32, #tpu.memory_space<vmem>>
      %dma_wait3A_72 = tpu.memref_squeeze %dma_wait3A_71 : memref<1x128xi32, #tpu.memory_space<vmem>> -> memref<128xi32, #tpu.memory_space<vmem>>
      %dma_wait3A_73 = arith.constant 0 : i32
      %dma_wait3A_74 = arith.constant 0 : i32
      %dma_wait3A_75 = tpu.memref_slice %arg3[%dma_wait3A_73, %dma_wait3A_74] : memref<1008x128xf32, #tpu.memory_space<hbm>> -> memref<1008x128xf32, #tpu.memory_space<hbm>>
      tpu.wait_indirect_dma semaphore(%arg21 : memref<!tpu.dma_semaphore, #tpu.memory_space<semaphore_mem>>) src(%dma_wait3A_75 : memref<1008x128xf32, #tpu.memory_space<hbm>>) dst(%arg18 : memref<128x128xf32, #tpu.memory_space<vmem>>)
      %dma_wait3A_76 = arith.constant 0 : i32
      %dma_wait3A_77 = tpu.memref_slice %arg17[%scan3A_8, %dma_wait3A_76] : memref<13x128xi32, #tpu.memory_space<vmem>> -> memref<1x128xi32, #tpu.memory_space<vmem>>
      %dma_wait3A_78 = tpu.memref_squeeze %dma_wait3A_77 : memref<1x128xi32, #tpu.memory_space<vmem>> -> memref<128xi32, #tpu.memory_space<vmem>>
      %dma_wait3A_79 = arith.constant 0 : i32
      %dma_wait3A_80 = arith.constant 0 : i32
      %dma_wait3A_81 = tpu.memref_slice %arg4[%dma_wait3A_79, %dma_wait3A_80] : memref<20104x128xf32, #tpu.memory_space<hbm>> -> memref<20104x128xf32, #tpu.memory_space<hbm>>
      tpu.wait_indirect_dma semaphore(%arg21 : memref<!tpu.dma_semaphore, #tpu.memory_space<semaphore_mem>>) src(%dma_wait3A_81 : memref<20104x128xf32, #tpu.memory_space<hbm>>) dst(%arg18 : memref<128x128xf32, #tpu.memory_space<vmem>>)
      %dma_wait3A_82 = arith.constant 0 : i32
      %dma_wait3A_83 = tpu.memref_slice %arg16[%scan3A_8, %dma_wait3A_82] : memref<13x128xi32, #tpu.memory_space<vmem>> -> memref<1x128xi32, #tpu.memory_space<vmem>>
      %dma_wait3A_84 = tpu.memref_squeeze %dma_wait3A_83 : memref<1x128xi32, #tpu.memory_space<vmem>> -> memref<128xi32, #tpu.memory_space<vmem>>
      %dma_wait3A_85 = arith.constant 0 : i32
      %dma_wait3A_86 = arith.constant 0 : i32
      %dma_wait3A_87 = tpu.memref_slice %arg6[%dma_wait3A_85, %dma_wait3A_86] : memref<1008x128xf32, #tpu.memory_space<hbm>> -> memref<1008x128xf32, #tpu.memory_space<hbm>>
      tpu.wait_indirect_dma semaphore(%arg21 : memref<!tpu.dma_semaphore, #tpu.memory_space<semaphore_mem>>) src(%dma_wait3A_87 : memref<1008x128xf32, #tpu.memory_space<hbm>>) dst(%arg19 : memref<128x128xf32, #tpu.memory_space<vmem>>)
      %dma_wait3A_88 = arith.constant 0 : i32
      %dma_wait3A_89 = tpu.memref_slice %arg17[%scan3A_8, %dma_wait3A_88] : memref<13x128xi32, #tpu.memory_space<vmem>> -> memref<1x128xi32, #tpu.memory_space<vmem>>
      %dma_wait3A_90 = tpu.memref_squeeze %dma_wait3A_89 : memref<1x128xi32, #tpu.memory_space<vmem>> -> memref<128xi32, #tpu.memory_space<vmem>>
      %dma_wait3A_91 = arith.constant 0 : i32
      %dma_wait3A_92 = arith.constant 0 : i32
      %dma_wait3A_93 = tpu.memref_slice %arg7[%dma_wait3A_91, %dma_wait3A_92] : memref<20104x128xf32, #tpu.memory_space<hbm>> -> memref<20104x128xf32, #tpu.memory_space<hbm>>
      tpu.wait_indirect_dma semaphore(%arg21 : memref<!tpu.dma_semaphore, #tpu.memory_space<semaphore_mem>>) src(%dma_wait3A_93 : memref<20104x128xf32, #tpu.memory_space<hbm>>) dst(%arg19 : memref<128x128xf32, #tpu.memory_space<vmem>>)
      "tpu.region"() ({
        %run_scoped3A = tpu.sem_alloc : memref<!tpu.dma_semaphore, #tpu.memory_space<semaphore_mem>>
        %dma_start3A_94 = arith.constant 0 : i32
        %dma_start3A_95 = tpu.memref_slice %arg12[%mul3A_11, %dma_start3A_94] : memref<53248x128xf32, #tpu.memory_space<hbm>> -> memref<128x128xf32, #tpu.memory_space<hbm>>
        %dma_start3A_96 = arith.constant 0 : i32
        %dma_start3A_97 = tpu.memref_slice %arg12[%mul3A_11, %dma_start3A_96] : memref<53248x128xf32, #tpu.memory_space<hbm>> -> memref<128x128xf32, #tpu.memory_space<hbm>>
        tpu.enqueue_dma source(%arg18 : memref<128x128xf32, #tpu.memory_space<vmem>>) target(%dma_start3A_97 : memref<128x128xf32, #tpu.memory_space<hbm>>) target_semaphore(%run_scoped3A : memref<!tpu.dma_semaphore, #tpu.memory_space<semaphore_mem>>)
        %dma_wait3A_98 = arith.constant 0 : i32
        %dma_wait3A_99 = tpu.memref_slice %arg12[%mul3A_11, %dma_wait3A_98] : memref<53248x128xf32, #tpu.memory_space<hbm>> -> memref<128x128xf32, #tpu.memory_space<hbm>>
        %dma_wait3A_100 = arith.constant 0 : i32
        %dma_wait3A_101 = tpu.memref_slice %arg12[%mul3A_11, %dma_wait3A_100] : memref<53248x128xf32, #tpu.memory_space<hbm>> -> memref<128x128xf32, #tpu.memory_space<hbm>>
        tpu.wait_dma2 semaphore(%run_scoped3A : memref<!tpu.dma_semaphore, #tpu.memory_space<semaphore_mem>>) src(%arg18 : memref<128x128xf32, #tpu.memory_space<vmem>>) dst(%dma_wait3A_101 : memref<128x128xf32, #tpu.memory_space<hbm>>)
        tpu.yield
      }) : () -> ()
      "tpu.region"() ({
        %run_scoped3A = tpu.sem_alloc : memref<!tpu.dma_semaphore, #tpu.memory_space<semaphore_mem>>
        %dma_start3A_94 = arith.constant 0 : i32
        %dma_start3A_95 = tpu.memref_slice %arg13[%mul3A_11, %dma_start3A_94] : memref<53248x128xf32, #tpu.memory_space<hbm>> -> memref<128x128xf32, #tpu.memory_space<hbm>>
        %dma_start3A_96 = arith.constant 0 : i32
        %dma_start3A_97 = tpu.memref_slice %arg13[%mul3A_11, %dma_start3A_96] : memref<53248x128xf32, #tpu.memory_space<hbm>> -> memref<128x128xf32, #tpu.memory_space<hbm>>
        tpu.enqueue_dma source(%arg19 : memref<128x128xf32, #tpu.memory_space<vmem>>) target(%dma_start3A_97 : memref<128x128xf32, #tpu.memory_space<hbm>>) target_semaphore(%run_scoped3A : memref<!tpu.dma_semaphore, #tpu.memory_space<semaphore_mem>>)
        %dma_wait3A_98 = arith.constant 0 : i32
        %dma_wait3A_99 = tpu.memref_slice %arg13[%mul3A_11, %dma_wait3A_98] : memref<53248x128xf32, #tpu.memory_space<hbm>> -> memref<128x128xf32, #tpu.memory_space<hbm>>
        %dma_wait3A_100 = arith.constant 0 : i32
        %dma_wait3A_101 = tpu.memref_slice %arg13[%mul3A_11, %dma_wait3A_100] : memref<53248x128xf32, #tpu.memory_space<hbm>> -> memref<128x128xf32, #tpu.memory_space<hbm>>
        tpu.wait_dma2 semaphore(%run_scoped3A : memref<!tpu.dma_semaphore, #tpu.memory_space<semaphore_mem>>) src(%arg19 : memref<128x128xf32, #tpu.memory_space<vmem>>) dst(%dma_wait3A_101 : memref<128x128xf32, #tpu.memory_space<hbm>>)
        tpu.yield
      }) : () -> ()
      "tpu.region"() ({
        %run_scoped3A = tpu.sem_alloc : memref<!tpu.dma_semaphore, #tpu.memory_space<semaphore_mem>>
        %dma_start3A_94 = arith.constant 0 : i32
        %dma_start3A_95 = tpu.memref_slice %arg14[%mul3A_11, %dma_start3A_94] : memref<53248x128xf32, #tpu.memory_space<hbm>> -> memref<128x128xf32, #tpu.memory_space<hbm>>
        %dma_start3A_96 = arith.constant 0 : i32
        %dma_start3A_97 = tpu.memref_slice %arg14[%mul3A_11, %dma_start3A_96] : memref<53248x128xf32, #tpu.memory_space<hbm>> -> memref<128x128xf32, #tpu.memory_space<hbm>>
        tpu.enqueue_dma source(%arg20 : memref<128x128xf32, #tpu.memory_space<vmem>>) target(%dma_start3A_97 : memref<128x128xf32, #tpu.memory_space<hbm>>) target_semaphore(%run_scoped3A : memref<!tpu.dma_semaphore, #tpu.memory_space<semaphore_mem>>)
        %dma_wait3A_98 = arith.constant 0 : i32
        %dma_wait3A_99 = tpu.memref_slice %arg14[%mul3A_11, %dma_wait3A_98] : memref<53248x128xf32, #tpu.memory_space<hbm>> -> memref<128x128xf32, #tpu.memory_space<hbm>>
        %dma_wait3A_100 = arith.constant 0 : i32
        %dma_wait3A_101 = tpu.memref_slice %arg14[%mul3A_11, %dma_wait3A_100] : memref<53248x128xf32, #tpu.memory_space<hbm>> -> memref<128x128xf32, #tpu.memory_space<hbm>>
        tpu.wait_dma2 semaphore(%run_scoped3A : memref<!tpu.dma_semaphore, #tpu.memory_space<semaphore_mem>>) src(%arg20 : memref<128x128xf32, #tpu.memory_space<vmem>>) dst(%dma_wait3A_101 : memref<128x128xf32, #tpu.memory_space<hbm>>)
        tpu.yield
      }) : () -> ()
    }
    %scan3A_7 = arith.constant 13 : i32
    return
  }
}

#map = affine_map<(d0, d1) -> (0, 0, 0)>
#map1 = affine_map<(d0, d1) -> (0, 0)>
module attributes {stable_mosaic.version = 14 : i64} {
  func.func @_deg_body(%arg0: i32, %arg1: i32, %arg2: memref<4x6400x128xi32, #tpu.memory_space<hbm>>, %arg3: memref<6400x128xi32, #tpu.memory_space<hbm>>, %arg4: memref<32x32xf32, #tpu.memory_space<hbm>>, %arg5: memref<392x32xf32, #tpu.memory_space<hbm>>, %arg6: memref<2x6272x32xf32, #tpu.memory_space<hbm>>, %arg7: memref<20x128xi32, #tpu.memory_space<vmem>>, %arg8: memref<20x128xi32, #tpu.memory_space<vmem>>, %arg9: memref<2560x32xf32, #tpu.memory_space<vmem>>, %arg10: memref<6272x32xf32, #tpu.memory_space<vmem_shared>>, %arg11: memref<!tpu.dma_semaphore, #tpu.memory_space<semaphore_mem>>) attributes {dimension_semantics = [#tpu.dimension_semantics<core_parallel>, #tpu.dimension_semantics<subcore_parallel>], iteration_bounds = array<i64: 2, 16>, scalar_prefetch = 0 : i64, scratch_operands = 5 : i64, tpu.core_type = #tpu.core_type<sc_vector_subcore>, window_params = [{transform_indices = #map}, {transform_indices = #map1}, {transform_indices = #map1}, {transform_indices = #map1}, {transform_indices = #map}]} {
    %mul3A = arith.constant 2 : i32
    %mul3A_0 = arith.muli %arg1, %mul3A : i32
    %add3A = arith.addi %mul3A_0, %arg0 : i32
    %jit3A = arith.constant 4 : i32
    %eq3A = arith.constant 0 : i32
    %eq3A_1 = arith.cmpi eq, %jit3A, %eq3A : i32
    %jit3A_2 = arith.constant 1 : i32
    %select_n3A = arith.select %eq3A_1, %jit3A_2, %jit3A : i32
    %rem3A = arith.remsi %arg1, %select_n3A : i32
    %ne3A = arith.constant 0 : i32
    %ne3A_3 = arith.cmpi ne, %rem3A, %ne3A : i32
    %lt3A = arith.constant 0 : i32
    %lt3A_4 = arith.cmpi slt, %rem3A, %lt3A : i32
    %lt3A_5 = arith.constant 0 : i32
    %lt3A_6 = arith.cmpi slt, %select_n3A, %lt3A_5 : i32
    %ne3A_7 = arith.xori %lt3A_4, %lt3A_6 : i1
    %and3A = arith.andi %ne3A_7, %ne3A_3 : i1
    %add3A_8 = arith.addi %rem3A, %select_n3A : i32
    %select_n3A_9 = arith.select %and3A, %add3A_8, %rem3A : i32
    %mul3A_10 = arith.constant 392 : i32
    %mul3A_11 = arith.muli %arg1, %mul3A_10 : i32
    "tpu.region"() ({
      %run_scoped3A = tpu.sem_alloc : memref<!tpu.dma_semaphore, #tpu.memory_space<semaphore_mem>>
      %dma_start3A = arith.constant 0 : i32
      %dma_start3A_22 = tpu.memref_slice %arg10[%mul3A_11, %dma_start3A] : memref<6272x32xf32, #tpu.memory_space<vmem_shared>> -> memref<392x32xf32, #tpu.memory_space<vmem_shared>>
      tpu.enqueue_dma source(%arg5 : memref<392x32xf32, #tpu.memory_space<hbm>>) target(%dma_start3A_22 : memref<392x32xf32, #tpu.memory_space<vmem_shared>>) target_semaphore(%run_scoped3A : memref<!tpu.dma_semaphore, #tpu.memory_space<semaphore_mem>>)
      %dma_wait3A = arith.constant 0 : i32
      %dma_wait3A_23 = tpu.memref_slice %arg10[%mul3A_11, %dma_wait3A] : memref<6272x32xf32, #tpu.memory_space<vmem_shared>> -> memref<392x32xf32, #tpu.memory_space<vmem_shared>>
      tpu.wait_dma2 semaphore(%run_scoped3A : memref<!tpu.dma_semaphore, #tpu.memory_space<semaphore_mem>>) src(%arg5 : memref<392x32xf32, #tpu.memory_space<hbm>>) dst(%dma_wait3A_23 : memref<392x32xf32, #tpu.memory_space<vmem_shared>>)
      tpu.yield
    }) : () -> ()
    %barrier3A = arith.constant 0 : index
    tpu.barrier barrier_id(%barrier3A)
    %scan3A = arith.constant 0 : i32
    %scan3A_12 = arith.constant 0 : i32
    %scan3A_13 = arith.constant 10 : i32
    %scan3A_14 = arith.addi %scan3A_12, %scan3A_13 : i32
    %scan3A_15 = arith.constant 1 : i32
    scf.for %scan3A_22 = %scan3A_12 to %scan3A_14 step %scan3A_15  : i32 {
      %mul3A_23 = arith.constant 200 : i32
      %mul3A_24 = arith.muli %add3A, %mul3A_23 : i32
      %mul3A_25 = arith.constant 20 : i32
      %mul3A_26 = arith.muli %scan3A_22, %mul3A_25 : i32
      %add3A_27 = arith.addi %mul3A_24, %mul3A_26 : i32
      "tpu.region"() ({
        %run_scoped3A = tpu.sem_alloc : memref<!tpu.dma_semaphore, #tpu.memory_space<semaphore_mem>>
        %dma_start3A_826 = arith.constant 0 : i32
        %dma_start3A_827 = tpu.memref_slice %arg2[%select_n3A_9, %add3A_27, %dma_start3A_826] : memref<4x6400x128xi32, #tpu.memory_space<hbm>> -> memref<1x20x128xi32, #tpu.memory_space<hbm>>
        %dma_start3A_828 = tpu.memref_squeeze %dma_start3A_827 : memref<1x20x128xi32, #tpu.memory_space<hbm>> -> memref<20x128xi32, #tpu.memory_space<hbm>>
        %dma_start3A_829 = arith.constant 0 : i32
        %dma_start3A_830 = tpu.memref_slice %arg2[%select_n3A_9, %add3A_27, %dma_start3A_829] : memref<4x6400x128xi32, #tpu.memory_space<hbm>> -> memref<1x20x128xi32, #tpu.memory_space<hbm>>
        %dma_start3A_831 = tpu.memref_squeeze %dma_start3A_830 : memref<1x20x128xi32, #tpu.memory_space<hbm>> -> memref<20x128xi32, #tpu.memory_space<hbm>>
        tpu.enqueue_dma source(%dma_start3A_831 : memref<20x128xi32, #tpu.memory_space<hbm>>) target(%arg7 : memref<20x128xi32, #tpu.memory_space<vmem>>) target_semaphore(%run_scoped3A : memref<!tpu.dma_semaphore, #tpu.memory_space<semaphore_mem>>)
        %dma_wait3A_832 = arith.constant 0 : i32
        %dma_wait3A_833 = tpu.memref_slice %arg2[%select_n3A_9, %add3A_27, %dma_wait3A_832] : memref<4x6400x128xi32, #tpu.memory_space<hbm>> -> memref<1x20x128xi32, #tpu.memory_space<hbm>>
        %dma_wait3A_834 = tpu.memref_squeeze %dma_wait3A_833 : memref<1x20x128xi32, #tpu.memory_space<hbm>> -> memref<20x128xi32, #tpu.memory_space<hbm>>
        %dma_wait3A_835 = arith.constant 0 : i32
        %dma_wait3A_836 = tpu.memref_slice %arg2[%select_n3A_9, %add3A_27, %dma_wait3A_835] : memref<4x6400x128xi32, #tpu.memory_space<hbm>> -> memref<1x20x128xi32, #tpu.memory_space<hbm>>
        %dma_wait3A_837 = tpu.memref_squeeze %dma_wait3A_836 : memref<1x20x128xi32, #tpu.memory_space<hbm>> -> memref<20x128xi32, #tpu.memory_space<hbm>>
        tpu.wait_dma2 semaphore(%run_scoped3A : memref<!tpu.dma_semaphore, #tpu.memory_space<semaphore_mem>>) src(%dma_wait3A_837 : memref<20x128xi32, #tpu.memory_space<hbm>>) dst(%arg7 : memref<20x128xi32, #tpu.memory_space<vmem>>)
        tpu.yield
      }) : () -> ()
      "tpu.region"() ({
        %run_scoped3A = tpu.sem_alloc : memref<!tpu.dma_semaphore, #tpu.memory_space<semaphore_mem>>
        %dma_start3A_826 = arith.constant 0 : i32
        %dma_start3A_827 = tpu.memref_slice %arg3[%add3A_27, %dma_start3A_826] : memref<6400x128xi32, #tpu.memory_space<hbm>> -> memref<20x128xi32, #tpu.memory_space<hbm>>
        %dma_start3A_828 = arith.constant 0 : i32
        %dma_start3A_829 = tpu.memref_slice %arg3[%add3A_27, %dma_start3A_828] : memref<6400x128xi32, #tpu.memory_space<hbm>> -> memref<20x128xi32, #tpu.memory_space<hbm>>
        tpu.enqueue_dma source(%dma_start3A_829 : memref<20x128xi32, #tpu.memory_space<hbm>>) target(%arg8 : memref<20x128xi32, #tpu.memory_space<vmem>>) target_semaphore(%run_scoped3A : memref<!tpu.dma_semaphore, #tpu.memory_space<semaphore_mem>>)
        %dma_wait3A_830 = arith.constant 0 : i32
        %dma_wait3A_831 = tpu.memref_slice %arg3[%add3A_27, %dma_wait3A_830] : memref<6400x128xi32, #tpu.memory_space<hbm>> -> memref<20x128xi32, #tpu.memory_space<hbm>>
        %dma_wait3A_832 = arith.constant 0 : i32
        %dma_wait3A_833 = tpu.memref_slice %arg3[%add3A_27, %dma_wait3A_832] : memref<6400x128xi32, #tpu.memory_space<hbm>> -> memref<20x128xi32, #tpu.memory_space<hbm>>
        tpu.wait_dma2 semaphore(%run_scoped3A : memref<!tpu.dma_semaphore, #tpu.memory_space<semaphore_mem>>) src(%dma_wait3A_833 : memref<20x128xi32, #tpu.memory_space<hbm>>) dst(%arg8 : memref<20x128xi32, #tpu.memory_space<vmem>>)
        tpu.yield
      }) : () -> ()
      %dma_start3A = arith.constant 0 : i32
      %dma_start3A_28 = arith.constant 0 : i32
      %dma_start3A_29 = arith.constant 0 : i32
      %dma_start3A_30 = tpu.memref_slice %arg9[%dma_start3A_28, %dma_start3A_29] : memref<2560x32xf32, #tpu.memory_space<vmem>> -> memref<128x32xf32, #tpu.memory_space<vmem>>
      %dma_start3A_31 = arith.constant 0 : i32
      %dma_start3A_32 = tpu.memref_slice %arg8[%dma_start3A, %dma_start3A_31] : memref<20x128xi32, #tpu.memory_space<vmem>> -> memref<1x128xi32, #tpu.memory_space<vmem>>
      %dma_start3A_33 = tpu.memref_squeeze %dma_start3A_32 : memref<1x128xi32, #tpu.memory_space<vmem>> -> memref<128xi32, #tpu.memory_space<vmem>>
      %dma_start3A_34 = arith.constant 0 : i32
      %dma_start3A_35 = arith.constant 0 : i32
      %dma_start3A_36 = tpu.memref_slice %arg4[%dma_start3A_34, %dma_start3A_35] : memref<32x32xf32, #tpu.memory_space<hbm>> -> memref<32x32xf32, #tpu.memory_space<hbm>>
      tpu.enqueue_indirect_dma source(%dma_start3A_36 : memref<32x32xf32, #tpu.memory_space<hbm>>) target(%dma_start3A_30 : memref<128x32xf32, #tpu.memory_space<vmem>>) offsets(%dma_start3A_33 : memref<128xi32, #tpu.memory_space<vmem>>) semaphore(%arg11 : memref<!tpu.dma_semaphore, #tpu.memory_space<semaphore_mem>>)
      %dma_start3A_37 = arith.constant 1 : i32
      %dma_start3A_38 = arith.constant 128 : i32
      %dma_start3A_39 = arith.constant 0 : i32
      %dma_start3A_40 = tpu.memref_slice %arg9[%dma_start3A_38, %dma_start3A_39] : memref<2560x32xf32, #tpu.memory_space<vmem>> -> memref<128x32xf32, #tpu.memory_space<vmem>>
      %dma_start3A_41 = arith.constant 0 : i32
      %dma_start3A_42 = tpu.memref_slice %arg8[%dma_start3A_37, %dma_start3A_41] : memref<20x128xi32, #tpu.memory_space<vmem>> -> memref<1x128xi32, #tpu.memory_space<vmem>>
      %dma_start3A_43 = tpu.memref_squeeze %dma_start3A_42 : memref<1x128xi32, #tpu.memory_space<vmem>> -> memref<128xi32, #tpu.memory_space<vmem>>
      %dma_start3A_44 = arith.constant 0 : i32
      %dma_start3A_45 = arith.constant 0 : i32
      %dma_start3A_46 = tpu.memref_slice %arg4[%dma_start3A_44, %dma_start3A_45] : memref<32x32xf32, #tpu.memory_space<hbm>> -> memref<32x32xf32, #tpu.memory_space<hbm>>
      tpu.enqueue_indirect_dma source(%dma_start3A_46 : memref<32x32xf32, #tpu.memory_space<hbm>>) target(%dma_start3A_40 : memref<128x32xf32, #tpu.memory_space<vmem>>) offsets(%dma_start3A_43 : memref<128xi32, #tpu.memory_space<vmem>>) semaphore(%arg11 : memref<!tpu.dma_semaphore, #tpu.memory_space<semaphore_mem>>)
      %dma_start3A_47 = arith.constant 2 : i32
      %dma_start3A_48 = arith.constant 256 : i32
      %dma_start3A_49 = arith.constant 0 : i32
      %dma_start3A_50 = tpu.memref_slice %arg9[%dma_start3A_48, %dma_start3A_49] : memref<2560x32xf32, #tpu.memory_space<vmem>> -> memref<128x32xf32, #tpu.memory_space<vmem>>
      %dma_start3A_51 = arith.constant 0 : i32
      %dma_start3A_52 = tpu.memref_slice %arg8[%dma_start3A_47, %dma_start3A_51] : memref<20x128xi32, #tpu.memory_space<vmem>> -> memref<1x128xi32, #tpu.memory_space<vmem>>
      %dma_start3A_53 = tpu.memref_squeeze %dma_start3A_52 : memref<1x128xi32, #tpu.memory_space<vmem>> -> memref<128xi32, #tpu.memory_space<vmem>>
      %dma_start3A_54 = arith.constant 0 : i32
      %dma_start3A_55 = arith.constant 0 : i32
      %dma_start3A_56 = tpu.memref_slice %arg4[%dma_start3A_54, %dma_start3A_55] : memref<32x32xf32, #tpu.memory_space<hbm>> -> memref<32x32xf32, #tpu.memory_space<hbm>>
      tpu.enqueue_indirect_dma source(%dma_start3A_56 : memref<32x32xf32, #tpu.memory_space<hbm>>) target(%dma_start3A_50 : memref<128x32xf32, #tpu.memory_space<vmem>>) offsets(%dma_start3A_53 : memref<128xi32, #tpu.memory_space<vmem>>) semaphore(%arg11 : memref<!tpu.dma_semaphore, #tpu.memory_space<semaphore_mem>>)
      %dma_start3A_57 = arith.constant 3 : i32
      %dma_start3A_58 = arith.constant 384 : i32
      %dma_start3A_59 = arith.constant 0 : i32
      %dma_start3A_60 = tpu.memref_slice %arg9[%dma_start3A_58, %dma_start3A_59] : memref<2560x32xf32, #tpu.memory_space<vmem>> -> memref<128x32xf32, #tpu.memory_space<vmem>>
      %dma_start3A_61 = arith.constant 0 : i32
      %dma_start3A_62 = tpu.memref_slice %arg8[%dma_start3A_57, %dma_start3A_61] : memref<20x128xi32, #tpu.memory_space<vmem>> -> memref<1x128xi32, #tpu.memory_space<vmem>>
      %dma_start3A_63 = tpu.memref_squeeze %dma_start3A_62 : memref<1x128xi32, #tpu.memory_space<vmem>> -> memref<128xi32, #tpu.memory_space<vmem>>
      %dma_start3A_64 = arith.constant 0 : i32
      %dma_start3A_65 = arith.constant 0 : i32
      %dma_start3A_66 = tpu.memref_slice %arg4[%dma_start3A_64, %dma_start3A_65] : memref<32x32xf32, #tpu.memory_space<hbm>> -> memref<32x32xf32, #tpu.memory_space<hbm>>
      tpu.enqueue_indirect_dma source(%dma_start3A_66 : memref<32x32xf32, #tpu.memory_space<hbm>>) target(%dma_start3A_60 : memref<128x32xf32, #tpu.memory_space<vmem>>) offsets(%dma_start3A_63 : memref<128xi32, #tpu.memory_space<vmem>>) semaphore(%arg11 : memref<!tpu.dma_semaphore, #tpu.memory_space<semaphore_mem>>)
      %dma_start3A_67 = arith.constant 4 : i32
      %dma_start3A_68 = arith.constant 512 : i32
      %dma_start3A_69 = arith.constant 0 : i32
      %dma_start3A_70 = tpu.memref_slice %arg9[%dma_start3A_68, %dma_start3A_69] : memref<2560x32xf32, #tpu.memory_space<vmem>> -> memref<128x32xf32, #tpu.memory_space<vmem>>
      %dma_start3A_71 = arith.constant 0 : i32
      %dma_start3A_72 = tpu.memref_slice %arg8[%dma_start3A_67, %dma_start3A_71] : memref<20x128xi32, #tpu.memory_space<vmem>> -> memref<1x128xi32, #tpu.memory_space<vmem>>
      %dma_start3A_73 = tpu.memref_squeeze %dma_start3A_72 : memref<1x128xi32, #tpu.memory_space<vmem>> -> memref<128xi32, #tpu.memory_space<vmem>>
      %dma_start3A_74 = arith.constant 0 : i32
      %dma_start3A_75 = arith.constant 0 : i32
      %dma_start3A_76 = tpu.memref_slice %arg4[%dma_start3A_74, %dma_start3A_75] : memref<32x32xf32, #tpu.memory_space<hbm>> -> memref<32x32xf32, #tpu.memory_space<hbm>>
      tpu.enqueue_indirect_dma source(%dma_start3A_76 : memref<32x32xf32, #tpu.memory_space<hbm>>) target(%dma_start3A_70 : memref<128x32xf32, #tpu.memory_space<vmem>>) offsets(%dma_start3A_73 : memref<128xi32, #tpu.memory_space<vmem>>) semaphore(%arg11 : memref<!tpu.dma_semaphore, #tpu.memory_space<semaphore_mem>>)
      %dma_start3A_77 = arith.constant 5 : i32
      %dma_start3A_78 = arith.constant 640 : i32
      %dma_start3A_79 = arith.constant 0 : i32
      %dma_start3A_80 = tpu.memref_slice %arg9[%dma_start3A_78, %dma_start3A_79] : memref<2560x32xf32, #tpu.memory_space<vmem>> -> memref<128x32xf32, #tpu.memory_space<vmem>>
      %dma_start3A_81 = arith.constant 0 : i32
      %dma_start3A_82 = tpu.memref_slice %arg8[%dma_start3A_77, %dma_start3A_81] : memref<20x128xi32, #tpu.memory_space<vmem>> -> memref<1x128xi32, #tpu.memory_space<vmem>>
      %dma_start3A_83 = tpu.memref_squeeze %dma_start3A_82 : memref<1x128xi32, #tpu.memory_space<vmem>> -> memref<128xi32, #tpu.memory_space<vmem>>
      %dma_start3A_84 = arith.constant 0 : i32
      %dma_start3A_85 = arith.constant 0 : i32
      %dma_start3A_86 = tpu.memref_slice %arg4[%dma_start3A_84, %dma_start3A_85] : memref<32x32xf32, #tpu.memory_space<hbm>> -> memref<32x32xf32, #tpu.memory_space<hbm>>
      tpu.enqueue_indirect_dma source(%dma_start3A_86 : memref<32x32xf32, #tpu.memory_space<hbm>>) target(%dma_start3A_80 : memref<128x32xf32, #tpu.memory_space<vmem>>) offsets(%dma_start3A_83 : memref<128xi32, #tpu.memory_space<vmem>>) semaphore(%arg11 : memref<!tpu.dma_semaphore, #tpu.memory_space<semaphore_mem>>)
      %dma_start3A_87 = arith.constant 6 : i32
      %dma_start3A_88 = arith.constant 768 : i32
      %dma_start3A_89 = arith.constant 0 : i32
      %dma_start3A_90 = tpu.memref_slice %arg9[%dma_start3A_88, %dma_start3A_89] : memref<2560x32xf32, #tpu.memory_space<vmem>> -> memref<128x32xf32, #tpu.memory_space<vmem>>
      %dma_start3A_91 = arith.constant 0 : i32
      %dma_start3A_92 = tpu.memref_slice %arg8[%dma_start3A_87, %dma_start3A_91] : memref<20x128xi32, #tpu.memory_space<vmem>> -> memref<1x128xi32, #tpu.memory_space<vmem>>
      %dma_start3A_93 = tpu.memref_squeeze %dma_start3A_92 : memref<1x128xi32, #tpu.memory_space<vmem>> -> memref<128xi32, #tpu.memory_space<vmem>>
      %dma_start3A_94 = arith.constant 0 : i32
      %dma_start3A_95 = arith.constant 0 : i32
      %dma_start3A_96 = tpu.memref_slice %arg4[%dma_start3A_94, %dma_start3A_95] : memref<32x32xf32, #tpu.memory_space<hbm>> -> memref<32x32xf32, #tpu.memory_space<hbm>>
      tpu.enqueue_indirect_dma source(%dma_start3A_96 : memref<32x32xf32, #tpu.memory_space<hbm>>) target(%dma_start3A_90 : memref<128x32xf32, #tpu.memory_space<vmem>>) offsets(%dma_start3A_93 : memref<128xi32, #tpu.memory_space<vmem>>) semaphore(%arg11 : memref<!tpu.dma_semaphore, #tpu.memory_space<semaphore_mem>>)
      %dma_start3A_97 = arith.constant 7 : i32
      %dma_start3A_98 = arith.constant 896 : i32
      %dma_start3A_99 = arith.constant 0 : i32
      %dma_start3A_100 = tpu.memref_slice %arg9[%dma_start3A_98, %dma_start3A_99] : memref<2560x32xf32, #tpu.memory_space<vmem>> -> memref<128x32xf32, #tpu.memory_space<vmem>>
      %dma_start3A_101 = arith.constant 0 : i32
      %dma_start3A_102 = tpu.memref_slice %arg8[%dma_start3A_97, %dma_start3A_101] : memref<20x128xi32, #tpu.memory_space<vmem>> -> memref<1x128xi32, #tpu.memory_space<vmem>>
      %dma_start3A_103 = tpu.memref_squeeze %dma_start3A_102 : memref<1x128xi32, #tpu.memory_space<vmem>> -> memref<128xi32, #tpu.memory_space<vmem>>
      %dma_start3A_104 = arith.constant 0 : i32
      %dma_start3A_105 = arith.constant 0 : i32
      %dma_start3A_106 = tpu.memref_slice %arg4[%dma_start3A_104, %dma_start3A_105] : memref<32x32xf32, #tpu.memory_space<hbm>> -> memref<32x32xf32, #tpu.memory_space<hbm>>
      tpu.enqueue_indirect_dma source(%dma_start3A_106 : memref<32x32xf32, #tpu.memory_space<hbm>>) target(%dma_start3A_100 : memref<128x32xf32, #tpu.memory_space<vmem>>) offsets(%dma_start3A_103 : memref<128xi32, #tpu.memory_space<vmem>>) semaphore(%arg11 : memref<!tpu.dma_semaphore, #tpu.memory_space<semaphore_mem>>)
      %dma_start3A_107 = arith.constant 8 : i32
      %dma_start3A_108 = arith.constant 1024 : i32
      %dma_start3A_109 = arith.constant 0 : i32
      %dma_start3A_110 = tpu.memref_slice %arg9[%dma_start3A_108, %dma_start3A_109] : memref<2560x32xf32, #tpu.memory_space<vmem>> -> memref<128x32xf32, #tpu.memory_space<vmem>>
      %dma_start3A_111 = arith.constant 0 : i32
      %dma_start3A_112 = tpu.memref_slice %arg8[%dma_start3A_107, %dma_start3A_111] : memref<20x128xi32, #tpu.memory_space<vmem>> -> memref<1x128xi32, #tpu.memory_space<vmem>>
      %dma_start3A_113 = tpu.memref_squeeze %dma_start3A_112 : memref<1x128xi32, #tpu.memory_space<vmem>> -> memref<128xi32, #tpu.memory_space<vmem>>
      %dma_start3A_114 = arith.constant 0 : i32
      %dma_start3A_115 = arith.constant 0 : i32
      %dma_start3A_116 = tpu.memref_slice %arg4[%dma_start3A_114, %dma_start3A_115] : memref<32x32xf32, #tpu.memory_space<hbm>> -> memref<32x32xf32, #tpu.memory_space<hbm>>
      tpu.enqueue_indirect_dma source(%dma_start3A_116 : memref<32x32xf32, #tpu.memory_space<hbm>>) target(%dma_start3A_110 : memref<128x32xf32, #tpu.memory_space<vmem>>) offsets(%dma_start3A_113 : memref<128xi32, #tpu.memory_space<vmem>>) semaphore(%arg11 : memref<!tpu.dma_semaphore, #tpu.memory_space<semaphore_mem>>)
      %dma_start3A_117 = arith.constant 9 : i32
      %dma_start3A_118 = arith.constant 1152 : i32
      %dma_start3A_119 = arith.constant 0 : i32
      %dma_start3A_120 = tpu.memref_slice %arg9[%dma_start3A_118, %dma_start3A_119] : memref<2560x32xf32, #tpu.memory_space<vmem>> -> memref<128x32xf32, #tpu.memory_space<vmem>>
      %dma_start3A_121 = arith.constant 0 : i32
      %dma_start3A_122 = tpu.memref_slice %arg8[%dma_start3A_117, %dma_start3A_121] : memref<20x128xi32, #tpu.memory_space<vmem>> -> memref<1x128xi32, #tpu.memory_space<vmem>>
      %dma_start3A_123 = tpu.memref_squeeze %dma_start3A_122 : memref<1x128xi32, #tpu.memory_space<vmem>> -> memref<128xi32, #tpu.memory_space<vmem>>
      %dma_start3A_124 = arith.constant 0 : i32
      %dma_start3A_125 = arith.constant 0 : i32
      %dma_start3A_126 = tpu.memref_slice %arg4[%dma_start3A_124, %dma_start3A_125] : memref<32x32xf32, #tpu.memory_space<hbm>> -> memref<32x32xf32, #tpu.memory_space<hbm>>
      tpu.enqueue_indirect_dma source(%dma_start3A_126 : memref<32x32xf32, #tpu.memory_space<hbm>>) target(%dma_start3A_120 : memref<128x32xf32, #tpu.memory_space<vmem>>) offsets(%dma_start3A_123 : memref<128xi32, #tpu.memory_space<vmem>>) semaphore(%arg11 : memref<!tpu.dma_semaphore, #tpu.memory_space<semaphore_mem>>)
      %dma_start3A_127 = arith.constant 10 : i32
      %dma_start3A_128 = arith.constant 1280 : i32
      %dma_start3A_129 = arith.constant 0 : i32
      %dma_start3A_130 = tpu.memref_slice %arg9[%dma_start3A_128, %dma_start3A_129] : memref<2560x32xf32, #tpu.memory_space<vmem>> -> memref<128x32xf32, #tpu.memory_space<vmem>>
      %dma_start3A_131 = arith.constant 0 : i32
      %dma_start3A_132 = tpu.memref_slice %arg8[%dma_start3A_127, %dma_start3A_131] : memref<20x128xi32, #tpu.memory_space<vmem>> -> memref<1x128xi32, #tpu.memory_space<vmem>>
      %dma_start3A_133 = tpu.memref_squeeze %dma_start3A_132 : memref<1x128xi32, #tpu.memory_space<vmem>> -> memref<128xi32, #tpu.memory_space<vmem>>
      %dma_start3A_134 = arith.constant 0 : i32
      %dma_start3A_135 = arith.constant 0 : i32
      %dma_start3A_136 = tpu.memref_slice %arg4[%dma_start3A_134, %dma_start3A_135] : memref<32x32xf32, #tpu.memory_space<hbm>> -> memref<32x32xf32, #tpu.memory_space<hbm>>
      tpu.enqueue_indirect_dma source(%dma_start3A_136 : memref<32x32xf32, #tpu.memory_space<hbm>>) target(%dma_start3A_130 : memref<128x32xf32, #tpu.memory_space<vmem>>) offsets(%dma_start3A_133 : memref<128xi32, #tpu.memory_space<vmem>>) semaphore(%arg11 : memref<!tpu.dma_semaphore, #tpu.memory_space<semaphore_mem>>)
      %dma_start3A_137 = arith.constant 11 : i32
      %dma_start3A_138 = arith.constant 1408 : i32
      %dma_start3A_139 = arith.constant 0 : i32
      %dma_start3A_140 = tpu.memref_slice %arg9[%dma_start3A_138, %dma_start3A_139] : memref<2560x32xf32, #tpu.memory_space<vmem>> -> memref<128x32xf32, #tpu.memory_space<vmem>>
      %dma_start3A_141 = arith.constant 0 : i32
      %dma_start3A_142 = tpu.memref_slice %arg8[%dma_start3A_137, %dma_start3A_141] : memref<20x128xi32, #tpu.memory_space<vmem>> -> memref<1x128xi32, #tpu.memory_space<vmem>>
      %dma_start3A_143 = tpu.memref_squeeze %dma_start3A_142 : memref<1x128xi32, #tpu.memory_space<vmem>> -> memref<128xi32, #tpu.memory_space<vmem>>
      %dma_start3A_144 = arith.constant 0 : i32
      %dma_start3A_145 = arith.constant 0 : i32
      %dma_start3A_146 = tpu.memref_slice %arg4[%dma_start3A_144, %dma_start3A_145] : memref<32x32xf32, #tpu.memory_space<hbm>> -> memref<32x32xf32, #tpu.memory_space<hbm>>
      tpu.enqueue_indirect_dma source(%dma_start3A_146 : memref<32x32xf32, #tpu.memory_space<hbm>>) target(%dma_start3A_140 : memref<128x32xf32, #tpu.memory_space<vmem>>) offsets(%dma_start3A_143 : memref<128xi32, #tpu.memory_space<vmem>>) semaphore(%arg11 : memref<!tpu.dma_semaphore, #tpu.memory_space<semaphore_mem>>)
      %dma_start3A_147 = arith.constant 12 : i32
      %dma_start3A_148 = arith.constant 1536 : i32
      %dma_start3A_149 = arith.constant 0 : i32
      %dma_start3A_150 = tpu.memref_slice %arg9[%dma_start3A_148, %dma_start3A_149] : memref<2560x32xf32, #tpu.memory_space<vmem>> -> memref<128x32xf32, #tpu.memory_space<vmem>>
      %dma_start3A_151 = arith.constant 0 : i32
      %dma_start3A_152 = tpu.memref_slice %arg8[%dma_start3A_147, %dma_start3A_151] : memref<20x128xi32, #tpu.memory_space<vmem>> -> memref<1x128xi32, #tpu.memory_space<vmem>>
      %dma_start3A_153 = tpu.memref_squeeze %dma_start3A_152 : memref<1x128xi32, #tpu.memory_space<vmem>> -> memref<128xi32, #tpu.memory_space<vmem>>
      %dma_start3A_154 = arith.constant 0 : i32
      %dma_start3A_155 = arith.constant 0 : i32
      %dma_start3A_156 = tpu.memref_slice %arg4[%dma_start3A_154, %dma_start3A_155] : memref<32x32xf32, #tpu.memory_space<hbm>> -> memref<32x32xf32, #tpu.memory_space<hbm>>
      tpu.enqueue_indirect_dma source(%dma_start3A_156 : memref<32x32xf32, #tpu.memory_space<hbm>>) target(%dma_start3A_150 : memref<128x32xf32, #tpu.memory_space<vmem>>) offsets(%dma_start3A_153 : memref<128xi32, #tpu.memory_space<vmem>>) semaphore(%arg11 : memref<!tpu.dma_semaphore, #tpu.memory_space<semaphore_mem>>)
      %dma_start3A_157 = arith.constant 13 : i32
      %dma_start3A_158 = arith.constant 1664 : i32
      %dma_start3A_159 = arith.constant 0 : i32
      %dma_start3A_160 = tpu.memref_slice %arg9[%dma_start3A_158, %dma_start3A_159] : memref<2560x32xf32, #tpu.memory_space<vmem>> -> memref<128x32xf32, #tpu.memory_space<vmem>>
      %dma_start3A_161 = arith.constant 0 : i32
      %dma_start3A_162 = tpu.memref_slice %arg8[%dma_start3A_157, %dma_start3A_161] : memref<20x128xi32, #tpu.memory_space<vmem>> -> memref<1x128xi32, #tpu.memory_space<vmem>>
      %dma_start3A_163 = tpu.memref_squeeze %dma_start3A_162 : memref<1x128xi32, #tpu.memory_space<vmem>> -> memref<128xi32, #tpu.memory_space<vmem>>
      %dma_start3A_164 = arith.constant 0 : i32
      %dma_start3A_165 = arith.constant 0 : i32
      %dma_start3A_166 = tpu.memref_slice %arg4[%dma_start3A_164, %dma_start3A_165] : memref<32x32xf32, #tpu.memory_space<hbm>> -> memref<32x32xf32, #tpu.memory_space<hbm>>
      tpu.enqueue_indirect_dma source(%dma_start3A_166 : memref<32x32xf32, #tpu.memory_space<hbm>>) target(%dma_start3A_160 : memref<128x32xf32, #tpu.memory_space<vmem>>) offsets(%dma_start3A_163 : memref<128xi32, #tpu.memory_space<vmem>>) semaphore(%arg11 : memref<!tpu.dma_semaphore, #tpu.memory_space<semaphore_mem>>)
      %dma_start3A_167 = arith.constant 14 : i32
      %dma_start3A_168 = arith.constant 1792 : i32
      %dma_start3A_169 = arith.constant 0 : i32
      %dma_start3A_170 = tpu.memref_slice %arg9[%dma_start3A_168, %dma_start3A_169] : memref<2560x32xf32, #tpu.memory_space<vmem>> -> memref<128x32xf32, #tpu.memory_space<vmem>>
      %dma_start3A_171 = arith.constant 0 : i32
      %dma_start3A_172 = tpu.memref_slice %arg8[%dma_start3A_167, %dma_start3A_171] : memref<20x128xi32, #tpu.memory_space<vmem>> -> memref<1x128xi32, #tpu.memory_space<vmem>>
      %dma_start3A_173 = tpu.memref_squeeze %dma_start3A_172 : memref<1x128xi32, #tpu.memory_space<vmem>> -> memref<128xi32, #tpu.memory_space<vmem>>
      %dma_start3A_174 = arith.constant 0 : i32
      %dma_start3A_175 = arith.constant 0 : i32
      %dma_start3A_176 = tpu.memref_slice %arg4[%dma_start3A_174, %dma_start3A_175] : memref<32x32xf32, #tpu.memory_space<hbm>> -> memref<32x32xf32, #tpu.memory_space<hbm>>
      tpu.enqueue_indirect_dma source(%dma_start3A_176 : memref<32x32xf32, #tpu.memory_space<hbm>>) target(%dma_start3A_170 : memref<128x32xf32, #tpu.memory_space<vmem>>) offsets(%dma_start3A_173 : memref<128xi32, #tpu.memory_space<vmem>>) semaphore(%arg11 : memref<!tpu.dma_semaphore, #tpu.memory_space<semaphore_mem>>)
      %dma_start3A_177 = arith.constant 15 : i32
      %dma_start3A_178 = arith.constant 1920 : i32
      %dma_start3A_179 = arith.constant 0 : i32
      %dma_start3A_180 = tpu.memref_slice %arg9[%dma_start3A_178, %dma_start3A_179] : memref<2560x32xf32, #tpu.memory_space<vmem>> -> memref<128x32xf32, #tpu.memory_space<vmem>>
      %dma_start3A_181 = arith.constant 0 : i32
      %dma_start3A_182 = tpu.memref_slice %arg8[%dma_start3A_177, %dma_start3A_181] : memref<20x128xi32, #tpu.memory_space<vmem>> -> memref<1x128xi32, #tpu.memory_space<vmem>>
      %dma_start3A_183 = tpu.memref_squeeze %dma_start3A_182 : memref<1x128xi32, #tpu.memory_space<vmem>> -> memref<128xi32, #tpu.memory_space<vmem>>
      %dma_start3A_184 = arith.constant 0 : i32
      %dma_start3A_185 = arith.constant 0 : i32
      %dma_start3A_186 = tpu.memref_slice %arg4[%dma_start3A_184, %dma_start3A_185] : memref<32x32xf32, #tpu.memory_space<hbm>> -> memref<32x32xf32, #tpu.memory_space<hbm>>
      tpu.enqueue_indirect_dma source(%dma_start3A_186 : memref<32x32xf32, #tpu.memory_space<hbm>>) target(%dma_start3A_180 : memref<128x32xf32, #tpu.memory_space<vmem>>) offsets(%dma_start3A_183 : memref<128xi32, #tpu.memory_space<vmem>>) semaphore(%arg11 : memref<!tpu.dma_semaphore, #tpu.memory_space<semaphore_mem>>)
      %dma_start3A_187 = arith.constant 16 : i32
      %dma_start3A_188 = arith.constant 2048 : i32
      %dma_start3A_189 = arith.constant 0 : i32
      %dma_start3A_190 = tpu.memref_slice %arg9[%dma_start3A_188, %dma_start3A_189] : memref<2560x32xf32, #tpu.memory_space<vmem>> -> memref<128x32xf32, #tpu.memory_space<vmem>>
      %dma_start3A_191 = arith.constant 0 : i32
      %dma_start3A_192 = tpu.memref_slice %arg8[%dma_start3A_187, %dma_start3A_191] : memref<20x128xi32, #tpu.memory_space<vmem>> -> memref<1x128xi32, #tpu.memory_space<vmem>>
      %dma_start3A_193 = tpu.memref_squeeze %dma_start3A_192 : memref<1x128xi32, #tpu.memory_space<vmem>> -> memref<128xi32, #tpu.memory_space<vmem>>
      %dma_start3A_194 = arith.constant 0 : i32
      %dma_start3A_195 = arith.constant 0 : i32
      %dma_start3A_196 = tpu.memref_slice %arg4[%dma_start3A_194, %dma_start3A_195] : memref<32x32xf32, #tpu.memory_space<hbm>> -> memref<32x32xf32, #tpu.memory_space<hbm>>
      tpu.enqueue_indirect_dma source(%dma_start3A_196 : memref<32x32xf32, #tpu.memory_space<hbm>>) target(%dma_start3A_190 : memref<128x32xf32, #tpu.memory_space<vmem>>) offsets(%dma_start3A_193 : memref<128xi32, #tpu.memory_space<vmem>>) semaphore(%arg11 : memref<!tpu.dma_semaphore, #tpu.memory_space<semaphore_mem>>)
      %dma_start3A_197 = arith.constant 17 : i32
      %dma_start3A_198 = arith.constant 2176 : i32
      %dma_start3A_199 = arith.constant 0 : i32
      %dma_start3A_200 = tpu.memref_slice %arg9[%dma_start3A_198, %dma_start3A_199] : memref<2560x32xf32, #tpu.memory_space<vmem>> -> memref<128x32xf32, #tpu.memory_space<vmem>>
      %dma_start3A_201 = arith.constant 0 : i32
      %dma_start3A_202 = tpu.memref_slice %arg8[%dma_start3A_197, %dma_start3A_201] : memref<20x128xi32, #tpu.memory_space<vmem>> -> memref<1x128xi32, #tpu.memory_space<vmem>>
      %dma_start3A_203 = tpu.memref_squeeze %dma_start3A_202 : memref<1x128xi32, #tpu.memory_space<vmem>> -> memref<128xi32, #tpu.memory_space<vmem>>
      %dma_start3A_204 = arith.constant 0 : i32
      %dma_start3A_205 = arith.constant 0 : i32
      %dma_start3A_206 = tpu.memref_slice %arg4[%dma_start3A_204, %dma_start3A_205] : memref<32x32xf32, #tpu.memory_space<hbm>> -> memref<32x32xf32, #tpu.memory_space<hbm>>
      tpu.enqueue_indirect_dma source(%dma_start3A_206 : memref<32x32xf32, #tpu.memory_space<hbm>>) target(%dma_start3A_200 : memref<128x32xf32, #tpu.memory_space<vmem>>) offsets(%dma_start3A_203 : memref<128xi32, #tpu.memory_space<vmem>>) semaphore(%arg11 : memref<!tpu.dma_semaphore, #tpu.memory_space<semaphore_mem>>)
      %dma_start3A_207 = arith.constant 18 : i32
      %dma_start3A_208 = arith.constant 2304 : i32
      %dma_start3A_209 = arith.constant 0 : i32
      %dma_start3A_210 = tpu.memref_slice %arg9[%dma_start3A_208, %dma_start3A_209] : memref<2560x32xf32, #tpu.memory_space<vmem>> -> memref<128x32xf32, #tpu.memory_space<vmem>>
      %dma_start3A_211 = arith.constant 0 : i32
      %dma_start3A_212 = tpu.memref_slice %arg8[%dma_start3A_207, %dma_start3A_211] : memref<20x128xi32, #tpu.memory_space<vmem>> -> memref<1x128xi32, #tpu.memory_space<vmem>>
      %dma_start3A_213 = tpu.memref_squeeze %dma_start3A_212 : memref<1x128xi32, #tpu.memory_space<vmem>> -> memref<128xi32, #tpu.memory_space<vmem>>
      %dma_start3A_214 = arith.constant 0 : i32
      %dma_start3A_215 = arith.constant 0 : i32
      %dma_start3A_216 = tpu.memref_slice %arg4[%dma_start3A_214, %dma_start3A_215] : memref<32x32xf32, #tpu.memory_space<hbm>> -> memref<32x32xf32, #tpu.memory_space<hbm>>
      tpu.enqueue_indirect_dma source(%dma_start3A_216 : memref<32x32xf32, #tpu.memory_space<hbm>>) target(%dma_start3A_210 : memref<128x32xf32, #tpu.memory_space<vmem>>) offsets(%dma_start3A_213 : memref<128xi32, #tpu.memory_space<vmem>>) semaphore(%arg11 : memref<!tpu.dma_semaphore, #tpu.memory_space<semaphore_mem>>)
      %dma_start3A_217 = arith.constant 19 : i32
      %dma_start3A_218 = arith.constant 2432 : i32
      %dma_start3A_219 = arith.constant 0 : i32
      %dma_start3A_220 = tpu.memref_slice %arg9[%dma_start3A_218, %dma_start3A_219] : memref<2560x32xf32, #tpu.memory_space<vmem>> -> memref<128x32xf32, #tpu.memory_space<vmem>>
      %dma_start3A_221 = arith.constant 0 : i32
      %dma_start3A_222 = tpu.memref_slice %arg8[%dma_start3A_217, %dma_start3A_221] : memref<20x128xi32, #tpu.memory_space<vmem>> -> memref<1x128xi32, #tpu.memory_space<vmem>>
      %dma_start3A_223 = tpu.memref_squeeze %dma_start3A_222 : memref<1x128xi32, #tpu.memory_space<vmem>> -> memref<128xi32, #tpu.memory_space<vmem>>
      %dma_start3A_224 = arith.constant 0 : i32
      %dma_start3A_225 = arith.constant 0 : i32
      %dma_start3A_226 = tpu.memref_slice %arg4[%dma_start3A_224, %dma_start3A_225] : memref<32x32xf32, #tpu.memory_space<hbm>> -> memref<32x32xf32, #tpu.memory_space<hbm>>
      tpu.enqueue_indirect_dma source(%dma_start3A_226 : memref<32x32xf32, #tpu.memory_space<hbm>>) target(%dma_start3A_220 : memref<128x32xf32, #tpu.memory_space<vmem>>) offsets(%dma_start3A_223 : memref<128xi32, #tpu.memory_space<vmem>>) semaphore(%arg11 : memref<!tpu.dma_semaphore, #tpu.memory_space<semaphore_mem>>)
      %dma_wait3A = arith.constant 0 : i32
      %dma_wait3A_227 = arith.constant 0 : i32
      %dma_wait3A_228 = arith.constant 0 : i32
      %dma_wait3A_229 = tpu.memref_slice %arg9[%dma_wait3A_227, %dma_wait3A_228] : memref<2560x32xf32, #tpu.memory_space<vmem>> -> memref<128x32xf32, #tpu.memory_space<vmem>>
      %dma_wait3A_230 = arith.constant 0 : i32
      %dma_wait3A_231 = tpu.memref_slice %arg8[%dma_wait3A, %dma_wait3A_230] : memref<20x128xi32, #tpu.memory_space<vmem>> -> memref<1x128xi32, #tpu.memory_space<vmem>>
      %dma_wait3A_232 = tpu.memref_squeeze %dma_wait3A_231 : memref<1x128xi32, #tpu.memory_space<vmem>> -> memref<128xi32, #tpu.memory_space<vmem>>
      %dma_wait3A_233 = arith.constant 0 : i32
      %dma_wait3A_234 = arith.constant 0 : i32
      %dma_wait3A_235 = tpu.memref_slice %arg4[%dma_wait3A_233, %dma_wait3A_234] : memref<32x32xf32, #tpu.memory_space<hbm>> -> memref<32x32xf32, #tpu.memory_space<hbm>>
      tpu.wait_indirect_dma semaphore(%arg11 : memref<!tpu.dma_semaphore, #tpu.memory_space<semaphore_mem>>) src(%dma_wait3A_235 : memref<32x32xf32, #tpu.memory_space<hbm>>) dst(%dma_wait3A_229 : memref<128x32xf32, #tpu.memory_space<vmem>>)
      %dma_wait3A_236 = arith.constant 1 : i32
      %dma_wait3A_237 = arith.constant 128 : i32
      %dma_wait3A_238 = arith.constant 0 : i32
      %dma_wait3A_239 = tpu.memref_slice %arg9[%dma_wait3A_237, %dma_wait3A_238] : memref<2560x32xf32, #tpu.memory_space<vmem>> -> memref<128x32xf32, #tpu.memory_space<vmem>>
      %dma_wait3A_240 = arith.constant 0 : i32
      %dma_wait3A_241 = tpu.memref_slice %arg8[%dma_wait3A_236, %dma_wait3A_240] : memref<20x128xi32, #tpu.memory_space<vmem>> -> memref<1x128xi32, #tpu.memory_space<vmem>>
      %dma_wait3A_242 = tpu.memref_squeeze %dma_wait3A_241 : memref<1x128xi32, #tpu.memory_space<vmem>> -> memref<128xi32, #tpu.memory_space<vmem>>
      %dma_wait3A_243 = arith.constant 0 : i32
      %dma_wait3A_244 = arith.constant 0 : i32
      %dma_wait3A_245 = tpu.memref_slice %arg4[%dma_wait3A_243, %dma_wait3A_244] : memref<32x32xf32, #tpu.memory_space<hbm>> -> memref<32x32xf32, #tpu.memory_space<hbm>>
      tpu.wait_indirect_dma semaphore(%arg11 : memref<!tpu.dma_semaphore, #tpu.memory_space<semaphore_mem>>) src(%dma_wait3A_245 : memref<32x32xf32, #tpu.memory_space<hbm>>) dst(%dma_wait3A_239 : memref<128x32xf32, #tpu.memory_space<vmem>>)
      %dma_wait3A_246 = arith.constant 2 : i32
      %dma_wait3A_247 = arith.constant 256 : i32
      %dma_wait3A_248 = arith.constant 0 : i32
      %dma_wait3A_249 = tpu.memref_slice %arg9[%dma_wait3A_247, %dma_wait3A_248] : memref<2560x32xf32, #tpu.memory_space<vmem>> -> memref<128x32xf32, #tpu.memory_space<vmem>>
      %dma_wait3A_250 = arith.constant 0 : i32
      %dma_wait3A_251 = tpu.memref_slice %arg8[%dma_wait3A_246, %dma_wait3A_250] : memref<20x128xi32, #tpu.memory_space<vmem>> -> memref<1x128xi32, #tpu.memory_space<vmem>>
      %dma_wait3A_252 = tpu.memref_squeeze %dma_wait3A_251 : memref<1x128xi32, #tpu.memory_space<vmem>> -> memref<128xi32, #tpu.memory_space<vmem>>
      %dma_wait3A_253 = arith.constant 0 : i32
      %dma_wait3A_254 = arith.constant 0 : i32
      %dma_wait3A_255 = tpu.memref_slice %arg4[%dma_wait3A_253, %dma_wait3A_254] : memref<32x32xf32, #tpu.memory_space<hbm>> -> memref<32x32xf32, #tpu.memory_space<hbm>>
      tpu.wait_indirect_dma semaphore(%arg11 : memref<!tpu.dma_semaphore, #tpu.memory_space<semaphore_mem>>) src(%dma_wait3A_255 : memref<32x32xf32, #tpu.memory_space<hbm>>) dst(%dma_wait3A_249 : memref<128x32xf32, #tpu.memory_space<vmem>>)
      %dma_wait3A_256 = arith.constant 3 : i32
      %dma_wait3A_257 = arith.constant 384 : i32
      %dma_wait3A_258 = arith.constant 0 : i32
      %dma_wait3A_259 = tpu.memref_slice %arg9[%dma_wait3A_257, %dma_wait3A_258] : memref<2560x32xf32, #tpu.memory_space<vmem>> -> memref<128x32xf32, #tpu.memory_space<vmem>>
      %dma_wait3A_260 = arith.constant 0 : i32
      %dma_wait3A_261 = tpu.memref_slice %arg8[%dma_wait3A_256, %dma_wait3A_260] : memref<20x128xi32, #tpu.memory_space<vmem>> -> memref<1x128xi32, #tpu.memory_space<vmem>>
      %dma_wait3A_262 = tpu.memref_squeeze %dma_wait3A_261 : memref<1x128xi32, #tpu.memory_space<vmem>> -> memref<128xi32, #tpu.memory_space<vmem>>
      %dma_wait3A_263 = arith.constant 0 : i32
      %dma_wait3A_264 = arith.constant 0 : i32
      %dma_wait3A_265 = tpu.memref_slice %arg4[%dma_wait3A_263, %dma_wait3A_264] : memref<32x32xf32, #tpu.memory_space<hbm>> -> memref<32x32xf32, #tpu.memory_space<hbm>>
      tpu.wait_indirect_dma semaphore(%arg11 : memref<!tpu.dma_semaphore, #tpu.memory_space<semaphore_mem>>) src(%dma_wait3A_265 : memref<32x32xf32, #tpu.memory_space<hbm>>) dst(%dma_wait3A_259 : memref<128x32xf32, #tpu.memory_space<vmem>>)
      %dma_wait3A_266 = arith.constant 4 : i32
      %dma_wait3A_267 = arith.constant 512 : i32
      %dma_wait3A_268 = arith.constant 0 : i32
      %dma_wait3A_269 = tpu.memref_slice %arg9[%dma_wait3A_267, %dma_wait3A_268] : memref<2560x32xf32, #tpu.memory_space<vmem>> -> memref<128x32xf32, #tpu.memory_space<vmem>>
      %dma_wait3A_270 = arith.constant 0 : i32
      %dma_wait3A_271 = tpu.memref_slice %arg8[%dma_wait3A_266, %dma_wait3A_270] : memref<20x128xi32, #tpu.memory_space<vmem>> -> memref<1x128xi32, #tpu.memory_space<vmem>>
      %dma_wait3A_272 = tpu.memref_squeeze %dma_wait3A_271 : memref<1x128xi32, #tpu.memory_space<vmem>> -> memref<128xi32, #tpu.memory_space<vmem>>
      %dma_wait3A_273 = arith.constant 0 : i32
      %dma_wait3A_274 = arith.constant 0 : i32
      %dma_wait3A_275 = tpu.memref_slice %arg4[%dma_wait3A_273, %dma_wait3A_274] : memref<32x32xf32, #tpu.memory_space<hbm>> -> memref<32x32xf32, #tpu.memory_space<hbm>>
      tpu.wait_indirect_dma semaphore(%arg11 : memref<!tpu.dma_semaphore, #tpu.memory_space<semaphore_mem>>) src(%dma_wait3A_275 : memref<32x32xf32, #tpu.memory_space<hbm>>) dst(%dma_wait3A_269 : memref<128x32xf32, #tpu.memory_space<vmem>>)
      %dma_wait3A_276 = arith.constant 5 : i32
      %dma_wait3A_277 = arith.constant 640 : i32
      %dma_wait3A_278 = arith.constant 0 : i32
      %dma_wait3A_279 = tpu.memref_slice %arg9[%dma_wait3A_277, %dma_wait3A_278] : memref<2560x32xf32, #tpu.memory_space<vmem>> -> memref<128x32xf32, #tpu.memory_space<vmem>>
      %dma_wait3A_280 = arith.constant 0 : i32
      %dma_wait3A_281 = tpu.memref_slice %arg8[%dma_wait3A_276, %dma_wait3A_280] : memref<20x128xi32, #tpu.memory_space<vmem>> -> memref<1x128xi32, #tpu.memory_space<vmem>>
      %dma_wait3A_282 = tpu.memref_squeeze %dma_wait3A_281 : memref<1x128xi32, #tpu.memory_space<vmem>> -> memref<128xi32, #tpu.memory_space<vmem>>
      %dma_wait3A_283 = arith.constant 0 : i32
      %dma_wait3A_284 = arith.constant 0 : i32
      %dma_wait3A_285 = tpu.memref_slice %arg4[%dma_wait3A_283, %dma_wait3A_284] : memref<32x32xf32, #tpu.memory_space<hbm>> -> memref<32x32xf32, #tpu.memory_space<hbm>>
      tpu.wait_indirect_dma semaphore(%arg11 : memref<!tpu.dma_semaphore, #tpu.memory_space<semaphore_mem>>) src(%dma_wait3A_285 : memref<32x32xf32, #tpu.memory_space<hbm>>) dst(%dma_wait3A_279 : memref<128x32xf32, #tpu.memory_space<vmem>>)
      %dma_wait3A_286 = arith.constant 6 : i32
      %dma_wait3A_287 = arith.constant 768 : i32
      %dma_wait3A_288 = arith.constant 0 : i32
      %dma_wait3A_289 = tpu.memref_slice %arg9[%dma_wait3A_287, %dma_wait3A_288] : memref<2560x32xf32, #tpu.memory_space<vmem>> -> memref<128x32xf32, #tpu.memory_space<vmem>>
      %dma_wait3A_290 = arith.constant 0 : i32
      %dma_wait3A_291 = tpu.memref_slice %arg8[%dma_wait3A_286, %dma_wait3A_290] : memref<20x128xi32, #tpu.memory_space<vmem>> -> memref<1x128xi32, #tpu.memory_space<vmem>>
      %dma_wait3A_292 = tpu.memref_squeeze %dma_wait3A_291 : memref<1x128xi32, #tpu.memory_space<vmem>> -> memref<128xi32, #tpu.memory_space<vmem>>
      %dma_wait3A_293 = arith.constant 0 : i32
      %dma_wait3A_294 = arith.constant 0 : i32
      %dma_wait3A_295 = tpu.memref_slice %arg4[%dma_wait3A_293, %dma_wait3A_294] : memref<32x32xf32, #tpu.memory_space<hbm>> -> memref<32x32xf32, #tpu.memory_space<hbm>>
      tpu.wait_indirect_dma semaphore(%arg11 : memref<!tpu.dma_semaphore, #tpu.memory_space<semaphore_mem>>) src(%dma_wait3A_295 : memref<32x32xf32, #tpu.memory_space<hbm>>) dst(%dma_wait3A_289 : memref<128x32xf32, #tpu.memory_space<vmem>>)
      %dma_wait3A_296 = arith.constant 7 : i32
      %dma_wait3A_297 = arith.constant 896 : i32
      %dma_wait3A_298 = arith.constant 0 : i32
      %dma_wait3A_299 = tpu.memref_slice %arg9[%dma_wait3A_297, %dma_wait3A_298] : memref<2560x32xf32, #tpu.memory_space<vmem>> -> memref<128x32xf32, #tpu.memory_space<vmem>>
      %dma_wait3A_300 = arith.constant 0 : i32
      %dma_wait3A_301 = tpu.memref_slice %arg8[%dma_wait3A_296, %dma_wait3A_300] : memref<20x128xi32, #tpu.memory_space<vmem>> -> memref<1x128xi32, #tpu.memory_space<vmem>>
      %dma_wait3A_302 = tpu.memref_squeeze %dma_wait3A_301 : memref<1x128xi32, #tpu.memory_space<vmem>> -> memref<128xi32, #tpu.memory_space<vmem>>
      %dma_wait3A_303 = arith.constant 0 : i32
      %dma_wait3A_304 = arith.constant 0 : i32
      %dma_wait3A_305 = tpu.memref_slice %arg4[%dma_wait3A_303, %dma_wait3A_304] : memref<32x32xf32, #tpu.memory_space<hbm>> -> memref<32x32xf32, #tpu.memory_space<hbm>>
      tpu.wait_indirect_dma semaphore(%arg11 : memref<!tpu.dma_semaphore, #tpu.memory_space<semaphore_mem>>) src(%dma_wait3A_305 : memref<32x32xf32, #tpu.memory_space<hbm>>) dst(%dma_wait3A_299 : memref<128x32xf32, #tpu.memory_space<vmem>>)
      %dma_wait3A_306 = arith.constant 8 : i32
      %dma_wait3A_307 = arith.constant 1024 : i32
      %dma_wait3A_308 = arith.constant 0 : i32
      %dma_wait3A_309 = tpu.memref_slice %arg9[%dma_wait3A_307, %dma_wait3A_308] : memref<2560x32xf32, #tpu.memory_space<vmem>> -> memref<128x32xf32, #tpu.memory_space<vmem>>
      %dma_wait3A_310 = arith.constant 0 : i32
      %dma_wait3A_311 = tpu.memref_slice %arg8[%dma_wait3A_306, %dma_wait3A_310] : memref<20x128xi32, #tpu.memory_space<vmem>> -> memref<1x128xi32, #tpu.memory_space<vmem>>
      %dma_wait3A_312 = tpu.memref_squeeze %dma_wait3A_311 : memref<1x128xi32, #tpu.memory_space<vmem>> -> memref<128xi32, #tpu.memory_space<vmem>>
      %dma_wait3A_313 = arith.constant 0 : i32
      %dma_wait3A_314 = arith.constant 0 : i32
      %dma_wait3A_315 = tpu.memref_slice %arg4[%dma_wait3A_313, %dma_wait3A_314] : memref<32x32xf32, #tpu.memory_space<hbm>> -> memref<32x32xf32, #tpu.memory_space<hbm>>
      tpu.wait_indirect_dma semaphore(%arg11 : memref<!tpu.dma_semaphore, #tpu.memory_space<semaphore_mem>>) src(%dma_wait3A_315 : memref<32x32xf32, #tpu.memory_space<hbm>>) dst(%dma_wait3A_309 : memref<128x32xf32, #tpu.memory_space<vmem>>)
      %dma_wait3A_316 = arith.constant 9 : i32
      %dma_wait3A_317 = arith.constant 1152 : i32
      %dma_wait3A_318 = arith.constant 0 : i32
      %dma_wait3A_319 = tpu.memref_slice %arg9[%dma_wait3A_317, %dma_wait3A_318] : memref<2560x32xf32, #tpu.memory_space<vmem>> -> memref<128x32xf32, #tpu.memory_space<vmem>>
      %dma_wait3A_320 = arith.constant 0 : i32
      %dma_wait3A_321 = tpu.memref_slice %arg8[%dma_wait3A_316, %dma_wait3A_320] : memref<20x128xi32, #tpu.memory_space<vmem>> -> memref<1x128xi32, #tpu.memory_space<vmem>>
      %dma_wait3A_322 = tpu.memref_squeeze %dma_wait3A_321 : memref<1x128xi32, #tpu.memory_space<vmem>> -> memref<128xi32, #tpu.memory_space<vmem>>
      %dma_wait3A_323 = arith.constant 0 : i32
      %dma_wait3A_324 = arith.constant 0 : i32
      %dma_wait3A_325 = tpu.memref_slice %arg4[%dma_wait3A_323, %dma_wait3A_324] : memref<32x32xf32, #tpu.memory_space<hbm>> -> memref<32x32xf32, #tpu.memory_space<hbm>>
      tpu.wait_indirect_dma semaphore(%arg11 : memref<!tpu.dma_semaphore, #tpu.memory_space<semaphore_mem>>) src(%dma_wait3A_325 : memref<32x32xf32, #tpu.memory_space<hbm>>) dst(%dma_wait3A_319 : memref<128x32xf32, #tpu.memory_space<vmem>>)
      %dma_wait3A_326 = arith.constant 10 : i32
      %dma_wait3A_327 = arith.constant 1280 : i32
      %dma_wait3A_328 = arith.constant 0 : i32
      %dma_wait3A_329 = tpu.memref_slice %arg9[%dma_wait3A_327, %dma_wait3A_328] : memref<2560x32xf32, #tpu.memory_space<vmem>> -> memref<128x32xf32, #tpu.memory_space<vmem>>
      %dma_wait3A_330 = arith.constant 0 : i32
      %dma_wait3A_331 = tpu.memref_slice %arg8[%dma_wait3A_326, %dma_wait3A_330] : memref<20x128xi32, #tpu.memory_space<vmem>> -> memref<1x128xi32, #tpu.memory_space<vmem>>
      %dma_wait3A_332 = tpu.memref_squeeze %dma_wait3A_331 : memref<1x128xi32, #tpu.memory_space<vmem>> -> memref<128xi32, #tpu.memory_space<vmem>>
      %dma_wait3A_333 = arith.constant 0 : i32
      %dma_wait3A_334 = arith.constant 0 : i32
      %dma_wait3A_335 = tpu.memref_slice %arg4[%dma_wait3A_333, %dma_wait3A_334] : memref<32x32xf32, #tpu.memory_space<hbm>> -> memref<32x32xf32, #tpu.memory_space<hbm>>
      tpu.wait_indirect_dma semaphore(%arg11 : memref<!tpu.dma_semaphore, #tpu.memory_space<semaphore_mem>>) src(%dma_wait3A_335 : memref<32x32xf32, #tpu.memory_space<hbm>>) dst(%dma_wait3A_329 : memref<128x32xf32, #tpu.memory_space<vmem>>)
      %dma_wait3A_336 = arith.constant 11 : i32
      %dma_wait3A_337 = arith.constant 1408 : i32
      %dma_wait3A_338 = arith.constant 0 : i32
      %dma_wait3A_339 = tpu.memref_slice %arg9[%dma_wait3A_337, %dma_wait3A_338] : memref<2560x32xf32, #tpu.memory_space<vmem>> -> memref<128x32xf32, #tpu.memory_space<vmem>>
      %dma_wait3A_340 = arith.constant 0 : i32
      %dma_wait3A_341 = tpu.memref_slice %arg8[%dma_wait3A_336, %dma_wait3A_340] : memref<20x128xi32, #tpu.memory_space<vmem>> -> memref<1x128xi32, #tpu.memory_space<vmem>>
      %dma_wait3A_342 = tpu.memref_squeeze %dma_wait3A_341 : memref<1x128xi32, #tpu.memory_space<vmem>> -> memref<128xi32, #tpu.memory_space<vmem>>
      %dma_wait3A_343 = arith.constant 0 : i32
      %dma_wait3A_344 = arith.constant 0 : i32
      %dma_wait3A_345 = tpu.memref_slice %arg4[%dma_wait3A_343, %dma_wait3A_344] : memref<32x32xf32, #tpu.memory_space<hbm>> -> memref<32x32xf32, #tpu.memory_space<hbm>>
      tpu.wait_indirect_dma semaphore(%arg11 : memref<!tpu.dma_semaphore, #tpu.memory_space<semaphore_mem>>) src(%dma_wait3A_345 : memref<32x32xf32, #tpu.memory_space<hbm>>) dst(%dma_wait3A_339 : memref<128x32xf32, #tpu.memory_space<vmem>>)
      %dma_wait3A_346 = arith.constant 12 : i32
      %dma_wait3A_347 = arith.constant 1536 : i32
      %dma_wait3A_348 = arith.constant 0 : i32
      %dma_wait3A_349 = tpu.memref_slice %arg9[%dma_wait3A_347, %dma_wait3A_348] : memref<2560x32xf32, #tpu.memory_space<vmem>> -> memref<128x32xf32, #tpu.memory_space<vmem>>
      %dma_wait3A_350 = arith.constant 0 : i32
      %dma_wait3A_351 = tpu.memref_slice %arg8[%dma_wait3A_346, %dma_wait3A_350] : memref<20x128xi32, #tpu.memory_space<vmem>> -> memref<1x128xi32, #tpu.memory_space<vmem>>
      %dma_wait3A_352 = tpu.memref_squeeze %dma_wait3A_351 : memref<1x128xi32, #tpu.memory_space<vmem>> -> memref<128xi32, #tpu.memory_space<vmem>>
      %dma_wait3A_353 = arith.constant 0 : i32
      %dma_wait3A_354 = arith.constant 0 : i32
      %dma_wait3A_355 = tpu.memref_slice %arg4[%dma_wait3A_353, %dma_wait3A_354] : memref<32x32xf32, #tpu.memory_space<hbm>> -> memref<32x32xf32, #tpu.memory_space<hbm>>
      tpu.wait_indirect_dma semaphore(%arg11 : memref<!tpu.dma_semaphore, #tpu.memory_space<semaphore_mem>>) src(%dma_wait3A_355 : memref<32x32xf32, #tpu.memory_space<hbm>>) dst(%dma_wait3A_349 : memref<128x32xf32, #tpu.memory_space<vmem>>)
      %dma_wait3A_356 = arith.constant 13 : i32
      %dma_wait3A_357 = arith.constant 1664 : i32
      %dma_wait3A_358 = arith.constant 0 : i32
      %dma_wait3A_359 = tpu.memref_slice %arg9[%dma_wait3A_357, %dma_wait3A_358] : memref<2560x32xf32, #tpu.memory_space<vmem>> -> memref<128x32xf32, #tpu.memory_space<vmem>>
      %dma_wait3A_360 = arith.constant 0 : i32
      %dma_wait3A_361 = tpu.memref_slice %arg8[%dma_wait3A_356, %dma_wait3A_360] : memref<20x128xi32, #tpu.memory_space<vmem>> -> memref<1x128xi32, #tpu.memory_space<vmem>>
      %dma_wait3A_362 = tpu.memref_squeeze %dma_wait3A_361 : memref<1x128xi32, #tpu.memory_space<vmem>> -> memref<128xi32, #tpu.memory_space<vmem>>
      %dma_wait3A_363 = arith.constant 0 : i32
      %dma_wait3A_364 = arith.constant 0 : i32
      %dma_wait3A_365 = tpu.memref_slice %arg4[%dma_wait3A_363, %dma_wait3A_364] : memref<32x32xf32, #tpu.memory_space<hbm>> -> memref<32x32xf32, #tpu.memory_space<hbm>>
      tpu.wait_indirect_dma semaphore(%arg11 : memref<!tpu.dma_semaphore, #tpu.memory_space<semaphore_mem>>) src(%dma_wait3A_365 : memref<32x32xf32, #tpu.memory_space<hbm>>) dst(%dma_wait3A_359 : memref<128x32xf32, #tpu.memory_space<vmem>>)
      %dma_wait3A_366 = arith.constant 14 : i32
      %dma_wait3A_367 = arith.constant 1792 : i32
      %dma_wait3A_368 = arith.constant 0 : i32
      %dma_wait3A_369 = tpu.memref_slice %arg9[%dma_wait3A_367, %dma_wait3A_368] : memref<2560x32xf32, #tpu.memory_space<vmem>> -> memref<128x32xf32, #tpu.memory_space<vmem>>
      %dma_wait3A_370 = arith.constant 0 : i32
      %dma_wait3A_371 = tpu.memref_slice %arg8[%dma_wait3A_366, %dma_wait3A_370] : memref<20x128xi32, #tpu.memory_space<vmem>> -> memref<1x128xi32, #tpu.memory_space<vmem>>
      %dma_wait3A_372 = tpu.memref_squeeze %dma_wait3A_371 : memref<1x128xi32, #tpu.memory_space<vmem>> -> memref<128xi32, #tpu.memory_space<vmem>>
      %dma_wait3A_373 = arith.constant 0 : i32
      %dma_wait3A_374 = arith.constant 0 : i32
      %dma_wait3A_375 = tpu.memref_slice %arg4[%dma_wait3A_373, %dma_wait3A_374] : memref<32x32xf32, #tpu.memory_space<hbm>> -> memref<32x32xf32, #tpu.memory_space<hbm>>
      tpu.wait_indirect_dma semaphore(%arg11 : memref<!tpu.dma_semaphore, #tpu.memory_space<semaphore_mem>>) src(%dma_wait3A_375 : memref<32x32xf32, #tpu.memory_space<hbm>>) dst(%dma_wait3A_369 : memref<128x32xf32, #tpu.memory_space<vmem>>)
      %dma_wait3A_376 = arith.constant 15 : i32
      %dma_wait3A_377 = arith.constant 1920 : i32
      %dma_wait3A_378 = arith.constant 0 : i32
      %dma_wait3A_379 = tpu.memref_slice %arg9[%dma_wait3A_377, %dma_wait3A_378] : memref<2560x32xf32, #tpu.memory_space<vmem>> -> memref<128x32xf32, #tpu.memory_space<vmem>>
      %dma_wait3A_380 = arith.constant 0 : i32
      %dma_wait3A_381 = tpu.memref_slice %arg8[%dma_wait3A_376, %dma_wait3A_380] : memref<20x128xi32, #tpu.memory_space<vmem>> -> memref<1x128xi32, #tpu.memory_space<vmem>>
      %dma_wait3A_382 = tpu.memref_squeeze %dma_wait3A_381 : memref<1x128xi32, #tpu.memory_space<vmem>> -> memref<128xi32, #tpu.memory_space<vmem>>
      %dma_wait3A_383 = arith.constant 0 : i32
      %dma_wait3A_384 = arith.constant 0 : i32
      %dma_wait3A_385 = tpu.memref_slice %arg4[%dma_wait3A_383, %dma_wait3A_384] : memref<32x32xf32, #tpu.memory_space<hbm>> -> memref<32x32xf32, #tpu.memory_space<hbm>>
      tpu.wait_indirect_dma semaphore(%arg11 : memref<!tpu.dma_semaphore, #tpu.memory_space<semaphore_mem>>) src(%dma_wait3A_385 : memref<32x32xf32, #tpu.memory_space<hbm>>) dst(%dma_wait3A_379 : memref<128x32xf32, #tpu.memory_space<vmem>>)
      %dma_wait3A_386 = arith.constant 16 : i32
      %dma_wait3A_387 = arith.constant 2048 : i32
      %dma_wait3A_388 = arith.constant 0 : i32
      %dma_wait3A_389 = tpu.memref_slice %arg9[%dma_wait3A_387, %dma_wait3A_388] : memref<2560x32xf32, #tpu.memory_space<vmem>> -> memref<128x32xf32, #tpu.memory_space<vmem>>
      %dma_wait3A_390 = arith.constant 0 : i32
      %dma_wait3A_391 = tpu.memref_slice %arg8[%dma_wait3A_386, %dma_wait3A_390] : memref<20x128xi32, #tpu.memory_space<vmem>> -> memref<1x128xi32, #tpu.memory_space<vmem>>
      %dma_wait3A_392 = tpu.memref_squeeze %dma_wait3A_391 : memref<1x128xi32, #tpu.memory_space<vmem>> -> memref<128xi32, #tpu.memory_space<vmem>>
      %dma_wait3A_393 = arith.constant 0 : i32
      %dma_wait3A_394 = arith.constant 0 : i32
      %dma_wait3A_395 = tpu.memref_slice %arg4[%dma_wait3A_393, %dma_wait3A_394] : memref<32x32xf32, #tpu.memory_space<hbm>> -> memref<32x32xf32, #tpu.memory_space<hbm>>
      tpu.wait_indirect_dma semaphore(%arg11 : memref<!tpu.dma_semaphore, #tpu.memory_space<semaphore_mem>>) src(%dma_wait3A_395 : memref<32x32xf32, #tpu.memory_space<hbm>>) dst(%dma_wait3A_389 : memref<128x32xf32, #tpu.memory_space<vmem>>)
      %dma_wait3A_396 = arith.constant 17 : i32
      %dma_wait3A_397 = arith.constant 2176 : i32
      %dma_wait3A_398 = arith.constant 0 : i32
      %dma_wait3A_399 = tpu.memref_slice %arg9[%dma_wait3A_397, %dma_wait3A_398] : memref<2560x32xf32, #tpu.memory_space<vmem>> -> memref<128x32xf32, #tpu.memory_space<vmem>>
      %dma_wait3A_400 = arith.constant 0 : i32
      %dma_wait3A_401 = tpu.memref_slice %arg8[%dma_wait3A_396, %dma_wait3A_400] : memref<20x128xi32, #tpu.memory_space<vmem>> -> memref<1x128xi32, #tpu.memory_space<vmem>>
      %dma_wait3A_402 = tpu.memref_squeeze %dma_wait3A_401 : memref<1x128xi32, #tpu.memory_space<vmem>> -> memref<128xi32, #tpu.memory_space<vmem>>
      %dma_wait3A_403 = arith.constant 0 : i32
      %dma_wait3A_404 = arith.constant 0 : i32
      %dma_wait3A_405 = tpu.memref_slice %arg4[%dma_wait3A_403, %dma_wait3A_404] : memref<32x32xf32, #tpu.memory_space<hbm>> -> memref<32x32xf32, #tpu.memory_space<hbm>>
      tpu.wait_indirect_dma semaphore(%arg11 : memref<!tpu.dma_semaphore, #tpu.memory_space<semaphore_mem>>) src(%dma_wait3A_405 : memref<32x32xf32, #tpu.memory_space<hbm>>) dst(%dma_wait3A_399 : memref<128x32xf32, #tpu.memory_space<vmem>>)
      %dma_wait3A_406 = arith.constant 18 : i32
      %dma_wait3A_407 = arith.constant 2304 : i32
      %dma_wait3A_408 = arith.constant 0 : i32
      %dma_wait3A_409 = tpu.memref_slice %arg9[%dma_wait3A_407, %dma_wait3A_408] : memref<2560x32xf32, #tpu.memory_space<vmem>> -> memref<128x32xf32, #tpu.memory_space<vmem>>
      %dma_wait3A_410 = arith.constant 0 : i32
      %dma_wait3A_411 = tpu.memref_slice %arg8[%dma_wait3A_406, %dma_wait3A_410] : memref<20x128xi32, #tpu.memory_space<vmem>> -> memref<1x128xi32, #tpu.memory_space<vmem>>
      %dma_wait3A_412 = tpu.memref_squeeze %dma_wait3A_411 : memref<1x128xi32, #tpu.memory_space<vmem>> -> memref<128xi32, #tpu.memory_space<vmem>>
      %dma_wait3A_413 = arith.constant 0 : i32
      %dma_wait3A_414 = arith.constant 0 : i32
      %dma_wait3A_415 = tpu.memref_slice %arg4[%dma_wait3A_413, %dma_wait3A_414] : memref<32x32xf32, #tpu.memory_space<hbm>> -> memref<32x32xf32, #tpu.memory_space<hbm>>
      tpu.wait_indirect_dma semaphore(%arg11 : memref<!tpu.dma_semaphore, #tpu.memory_space<semaphore_mem>>) src(%dma_wait3A_415 : memref<32x32xf32, #tpu.memory_space<hbm>>) dst(%dma_wait3A_409 : memref<128x32xf32, #tpu.memory_space<vmem>>)
      %dma_wait3A_416 = arith.constant 19 : i32
      %dma_wait3A_417 = arith.constant 2432 : i32
      %dma_wait3A_418 = arith.constant 0 : i32
      %dma_wait3A_419 = tpu.memref_slice %arg9[%dma_wait3A_417, %dma_wait3A_418] : memref<2560x32xf32, #tpu.memory_space<vmem>> -> memref<128x32xf32, #tpu.memory_space<vmem>>
      %dma_wait3A_420 = arith.constant 0 : i32
      %dma_wait3A_421 = tpu.memref_slice %arg8[%dma_wait3A_416, %dma_wait3A_420] : memref<20x128xi32, #tpu.memory_space<vmem>> -> memref<1x128xi32, #tpu.memory_space<vmem>>
      %dma_wait3A_422 = tpu.memref_squeeze %dma_wait3A_421 : memref<1x128xi32, #tpu.memory_space<vmem>> -> memref<128xi32, #tpu.memory_space<vmem>>
      %dma_wait3A_423 = arith.constant 0 : i32
      %dma_wait3A_424 = arith.constant 0 : i32
      %dma_wait3A_425 = tpu.memref_slice %arg4[%dma_wait3A_423, %dma_wait3A_424] : memref<32x32xf32, #tpu.memory_space<hbm>> -> memref<32x32xf32, #tpu.memory_space<hbm>>
      tpu.wait_indirect_dma semaphore(%arg11 : memref<!tpu.dma_semaphore, #tpu.memory_space<semaphore_mem>>) src(%dma_wait3A_425 : memref<32x32xf32, #tpu.memory_space<hbm>>) dst(%dma_wait3A_419 : memref<128x32xf32, #tpu.memory_space<vmem>>)
      %dma_start3A_426 = arith.constant 0 : i32
      %dma_start3A_427 = arith.constant 0 : i32
      %dma_start3A_428 = arith.constant 0 : i32
      %dma_start3A_429 = tpu.memref_slice %arg9[%dma_start3A_427, %dma_start3A_428] : memref<2560x32xf32, #tpu.memory_space<vmem>> -> memref<128x32xf32, #tpu.memory_space<vmem>>
      %dma_start3A_430 = arith.constant 0 : i32
      %dma_start3A_431 = tpu.memref_slice %arg7[%dma_start3A_426, %dma_start3A_430] : memref<20x128xi32, #tpu.memory_space<vmem>> -> memref<1x128xi32, #tpu.memory_space<vmem>>
      %dma_start3A_432 = tpu.memref_squeeze %dma_start3A_431 : memref<1x128xi32, #tpu.memory_space<vmem>> -> memref<128xi32, #tpu.memory_space<vmem>>
      %dma_start3A_433 = arith.constant 0 : i32
      %dma_start3A_434 = arith.constant 0 : i32
      %dma_start3A_435 = tpu.memref_slice %arg10[%dma_start3A_433, %dma_start3A_434] : memref<6272x32xf32, #tpu.memory_space<vmem_shared>> -> memref<6272x32xf32, #tpu.memory_space<vmem_shared>>
      tpu.enqueue_indirect_dma source(%dma_start3A_429 : memref<128x32xf32, #tpu.memory_space<vmem>>) target(%dma_start3A_435 : memref<6272x32xf32, #tpu.memory_space<vmem_shared>>) offsets(%dma_start3A_432 : memref<128xi32, #tpu.memory_space<vmem>>) semaphore(%arg11 : memref<!tpu.dma_semaphore, #tpu.memory_space<semaphore_mem>>) {add = true}
      %dma_start3A_436 = arith.constant 1 : i32
      %dma_start3A_437 = arith.constant 128 : i32
      %dma_start3A_438 = arith.constant 0 : i32
      %dma_start3A_439 = tpu.memref_slice %arg9[%dma_start3A_437, %dma_start3A_438] : memref<2560x32xf32, #tpu.memory_space<vmem>> -> memref<128x32xf32, #tpu.memory_space<vmem>>
      %dma_start3A_440 = arith.constant 0 : i32
      %dma_start3A_441 = tpu.memref_slice %arg7[%dma_start3A_436, %dma_start3A_440] : memref<20x128xi32, #tpu.memory_space<vmem>> -> memref<1x128xi32, #tpu.memory_space<vmem>>
      %dma_start3A_442 = tpu.memref_squeeze %dma_start3A_441 : memref<1x128xi32, #tpu.memory_space<vmem>> -> memref<128xi32, #tpu.memory_space<vmem>>
      %dma_start3A_443 = arith.constant 0 : i32
      %dma_start3A_444 = arith.constant 0 : i32
      %dma_start3A_445 = tpu.memref_slice %arg10[%dma_start3A_443, %dma_start3A_444] : memref<6272x32xf32, #tpu.memory_space<vmem_shared>> -> memref<6272x32xf32, #tpu.memory_space<vmem_shared>>
      tpu.enqueue_indirect_dma source(%dma_start3A_439 : memref<128x32xf32, #tpu.memory_space<vmem>>) target(%dma_start3A_445 : memref<6272x32xf32, #tpu.memory_space<vmem_shared>>) offsets(%dma_start3A_442 : memref<128xi32, #tpu.memory_space<vmem>>) semaphore(%arg11 : memref<!tpu.dma_semaphore, #tpu.memory_space<semaphore_mem>>) {add = true}
      %dma_start3A_446 = arith.constant 2 : i32
      %dma_start3A_447 = arith.constant 256 : i32
      %dma_start3A_448 = arith.constant 0 : i32
      %dma_start3A_449 = tpu.memref_slice %arg9[%dma_start3A_447, %dma_start3A_448] : memref<2560x32xf32, #tpu.memory_space<vmem>> -> memref<128x32xf32, #tpu.memory_space<vmem>>
      %dma_start3A_450 = arith.constant 0 : i32
      %dma_start3A_451 = tpu.memref_slice %arg7[%dma_start3A_446, %dma_start3A_450] : memref<20x128xi32, #tpu.memory_space<vmem>> -> memref<1x128xi32, #tpu.memory_space<vmem>>
      %dma_start3A_452 = tpu.memref_squeeze %dma_start3A_451 : memref<1x128xi32, #tpu.memory_space<vmem>> -> memref<128xi32, #tpu.memory_space<vmem>>
      %dma_start3A_453 = arith.constant 0 : i32
      %dma_start3A_454 = arith.constant 0 : i32
      %dma_start3A_455 = tpu.memref_slice %arg10[%dma_start3A_453, %dma_start3A_454] : memref<6272x32xf32, #tpu.memory_space<vmem_shared>> -> memref<6272x32xf32, #tpu.memory_space<vmem_shared>>
      tpu.enqueue_indirect_dma source(%dma_start3A_449 : memref<128x32xf32, #tpu.memory_space<vmem>>) target(%dma_start3A_455 : memref<6272x32xf32, #tpu.memory_space<vmem_shared>>) offsets(%dma_start3A_452 : memref<128xi32, #tpu.memory_space<vmem>>) semaphore(%arg11 : memref<!tpu.dma_semaphore, #tpu.memory_space<semaphore_mem>>) {add = true}
      %dma_start3A_456 = arith.constant 3 : i32
      %dma_start3A_457 = arith.constant 384 : i32
      %dma_start3A_458 = arith.constant 0 : i32
      %dma_start3A_459 = tpu.memref_slice %arg9[%dma_start3A_457, %dma_start3A_458] : memref<2560x32xf32, #tpu.memory_space<vmem>> -> memref<128x32xf32, #tpu.memory_space<vmem>>
      %dma_start3A_460 = arith.constant 0 : i32
      %dma_start3A_461 = tpu.memref_slice %arg7[%dma_start3A_456, %dma_start3A_460] : memref<20x128xi32, #tpu.memory_space<vmem>> -> memref<1x128xi32, #tpu.memory_space<vmem>>
      %dma_start3A_462 = tpu.memref_squeeze %dma_start3A_461 : memref<1x128xi32, #tpu.memory_space<vmem>> -> memref<128xi32, #tpu.memory_space<vmem>>
      %dma_start3A_463 = arith.constant 0 : i32
      %dma_start3A_464 = arith.constant 0 : i32
      %dma_start3A_465 = tpu.memref_slice %arg10[%dma_start3A_463, %dma_start3A_464] : memref<6272x32xf32, #tpu.memory_space<vmem_shared>> -> memref<6272x32xf32, #tpu.memory_space<vmem_shared>>
      tpu.enqueue_indirect_dma source(%dma_start3A_459 : memref<128x32xf32, #tpu.memory_space<vmem>>) target(%dma_start3A_465 : memref<6272x32xf32, #tpu.memory_space<vmem_shared>>) offsets(%dma_start3A_462 : memref<128xi32, #tpu.memory_space<vmem>>) semaphore(%arg11 : memref<!tpu.dma_semaphore, #tpu.memory_space<semaphore_mem>>) {add = true}
      %dma_start3A_466 = arith.constant 4 : i32
      %dma_start3A_467 = arith.constant 512 : i32
      %dma_start3A_468 = arith.constant 0 : i32
      %dma_start3A_469 = tpu.memref_slice %arg9[%dma_start3A_467, %dma_start3A_468] : memref<2560x32xf32, #tpu.memory_space<vmem>> -> memref<128x32xf32, #tpu.memory_space<vmem>>
      %dma_start3A_470 = arith.constant 0 : i32
      %dma_start3A_471 = tpu.memref_slice %arg7[%dma_start3A_466, %dma_start3A_470] : memref<20x128xi32, #tpu.memory_space<vmem>> -> memref<1x128xi32, #tpu.memory_space<vmem>>
      %dma_start3A_472 = tpu.memref_squeeze %dma_start3A_471 : memref<1x128xi32, #tpu.memory_space<vmem>> -> memref<128xi32, #tpu.memory_space<vmem>>
      %dma_start3A_473 = arith.constant 0 : i32
      %dma_start3A_474 = arith.constant 0 : i32
      %dma_start3A_475 = tpu.memref_slice %arg10[%dma_start3A_473, %dma_start3A_474] : memref<6272x32xf32, #tpu.memory_space<vmem_shared>> -> memref<6272x32xf32, #tpu.memory_space<vmem_shared>>
      tpu.enqueue_indirect_dma source(%dma_start3A_469 : memref<128x32xf32, #tpu.memory_space<vmem>>) target(%dma_start3A_475 : memref<6272x32xf32, #tpu.memory_space<vmem_shared>>) offsets(%dma_start3A_472 : memref<128xi32, #tpu.memory_space<vmem>>) semaphore(%arg11 : memref<!tpu.dma_semaphore, #tpu.memory_space<semaphore_mem>>) {add = true}
      %dma_start3A_476 = arith.constant 5 : i32
      %dma_start3A_477 = arith.constant 640 : i32
      %dma_start3A_478 = arith.constant 0 : i32
      %dma_start3A_479 = tpu.memref_slice %arg9[%dma_start3A_477, %dma_start3A_478] : memref<2560x32xf32, #tpu.memory_space<vmem>> -> memref<128x32xf32, #tpu.memory_space<vmem>>
      %dma_start3A_480 = arith.constant 0 : i32
      %dma_start3A_481 = tpu.memref_slice %arg7[%dma_start3A_476, %dma_start3A_480] : memref<20x128xi32, #tpu.memory_space<vmem>> -> memref<1x128xi32, #tpu.memory_space<vmem>>
      %dma_start3A_482 = tpu.memref_squeeze %dma_start3A_481 : memref<1x128xi32, #tpu.memory_space<vmem>> -> memref<128xi32, #tpu.memory_space<vmem>>
      %dma_start3A_483 = arith.constant 0 : i32
      %dma_start3A_484 = arith.constant 0 : i32
      %dma_start3A_485 = tpu.memref_slice %arg10[%dma_start3A_483, %dma_start3A_484] : memref<6272x32xf32, #tpu.memory_space<vmem_shared>> -> memref<6272x32xf32, #tpu.memory_space<vmem_shared>>
      tpu.enqueue_indirect_dma source(%dma_start3A_479 : memref<128x32xf32, #tpu.memory_space<vmem>>) target(%dma_start3A_485 : memref<6272x32xf32, #tpu.memory_space<vmem_shared>>) offsets(%dma_start3A_482 : memref<128xi32, #tpu.memory_space<vmem>>) semaphore(%arg11 : memref<!tpu.dma_semaphore, #tpu.memory_space<semaphore_mem>>) {add = true}
      %dma_start3A_486 = arith.constant 6 : i32
      %dma_start3A_487 = arith.constant 768 : i32
      %dma_start3A_488 = arith.constant 0 : i32
      %dma_start3A_489 = tpu.memref_slice %arg9[%dma_start3A_487, %dma_start3A_488] : memref<2560x32xf32, #tpu.memory_space<vmem>> -> memref<128x32xf32, #tpu.memory_space<vmem>>
      %dma_start3A_490 = arith.constant 0 : i32
      %dma_start3A_491 = tpu.memref_slice %arg7[%dma_start3A_486, %dma_start3A_490] : memref<20x128xi32, #tpu.memory_space<vmem>> -> memref<1x128xi32, #tpu.memory_space<vmem>>
      %dma_start3A_492 = tpu.memref_squeeze %dma_start3A_491 : memref<1x128xi32, #tpu.memory_space<vmem>> -> memref<128xi32, #tpu.memory_space<vmem>>
      %dma_start3A_493 = arith.constant 0 : i32
      %dma_start3A_494 = arith.constant 0 : i32
      %dma_start3A_495 = tpu.memref_slice %arg10[%dma_start3A_493, %dma_start3A_494] : memref<6272x32xf32, #tpu.memory_space<vmem_shared>> -> memref<6272x32xf32, #tpu.memory_space<vmem_shared>>
      tpu.enqueue_indirect_dma source(%dma_start3A_489 : memref<128x32xf32, #tpu.memory_space<vmem>>) target(%dma_start3A_495 : memref<6272x32xf32, #tpu.memory_space<vmem_shared>>) offsets(%dma_start3A_492 : memref<128xi32, #tpu.memory_space<vmem>>) semaphore(%arg11 : memref<!tpu.dma_semaphore, #tpu.memory_space<semaphore_mem>>) {add = true}
      %dma_start3A_496 = arith.constant 7 : i32
      %dma_start3A_497 = arith.constant 896 : i32
      %dma_start3A_498 = arith.constant 0 : i32
      %dma_start3A_499 = tpu.memref_slice %arg9[%dma_start3A_497, %dma_start3A_498] : memref<2560x32xf32, #tpu.memory_space<vmem>> -> memref<128x32xf32, #tpu.memory_space<vmem>>
      %dma_start3A_500 = arith.constant 0 : i32
      %dma_start3A_501 = tpu.memref_slice %arg7[%dma_start3A_496, %dma_start3A_500] : memref<20x128xi32, #tpu.memory_space<vmem>> -> memref<1x128xi32, #tpu.memory_space<vmem>>
      %dma_start3A_502 = tpu.memref_squeeze %dma_start3A_501 : memref<1x128xi32, #tpu.memory_space<vmem>> -> memref<128xi32, #tpu.memory_space<vmem>>
      %dma_start3A_503 = arith.constant 0 : i32
      %dma_start3A_504 = arith.constant 0 : i32
      %dma_start3A_505 = tpu.memref_slice %arg10[%dma_start3A_503, %dma_start3A_504] : memref<6272x32xf32, #tpu.memory_space<vmem_shared>> -> memref<6272x32xf32, #tpu.memory_space<vmem_shared>>
      tpu.enqueue_indirect_dma source(%dma_start3A_499 : memref<128x32xf32, #tpu.memory_space<vmem>>) target(%dma_start3A_505 : memref<6272x32xf32, #tpu.memory_space<vmem_shared>>) offsets(%dma_start3A_502 : memref<128xi32, #tpu.memory_space<vmem>>) semaphore(%arg11 : memref<!tpu.dma_semaphore, #tpu.memory_space<semaphore_mem>>) {add = true}
      %dma_start3A_506 = arith.constant 8 : i32
      %dma_start3A_507 = arith.constant 1024 : i32
      %dma_start3A_508 = arith.constant 0 : i32
      %dma_start3A_509 = tpu.memref_slice %arg9[%dma_start3A_507, %dma_start3A_508] : memref<2560x32xf32, #tpu.memory_space<vmem>> -> memref<128x32xf32, #tpu.memory_space<vmem>>
      %dma_start3A_510 = arith.constant 0 : i32
      %dma_start3A_511 = tpu.memref_slice %arg7[%dma_start3A_506, %dma_start3A_510] : memref<20x128xi32, #tpu.memory_space<vmem>> -> memref<1x128xi32, #tpu.memory_space<vmem>>
      %dma_start3A_512 = tpu.memref_squeeze %dma_start3A_511 : memref<1x128xi32, #tpu.memory_space<vmem>> -> memref<128xi32, #tpu.memory_space<vmem>>
      %dma_start3A_513 = arith.constant 0 : i32
      %dma_start3A_514 = arith.constant 0 : i32
      %dma_start3A_515 = tpu.memref_slice %arg10[%dma_start3A_513, %dma_start3A_514] : memref<6272x32xf32, #tpu.memory_space<vmem_shared>> -> memref<6272x32xf32, #tpu.memory_space<vmem_shared>>
      tpu.enqueue_indirect_dma source(%dma_start3A_509 : memref<128x32xf32, #tpu.memory_space<vmem>>) target(%dma_start3A_515 : memref<6272x32xf32, #tpu.memory_space<vmem_shared>>) offsets(%dma_start3A_512 : memref<128xi32, #tpu.memory_space<vmem>>) semaphore(%arg11 : memref<!tpu.dma_semaphore, #tpu.memory_space<semaphore_mem>>) {add = true}
      %dma_start3A_516 = arith.constant 9 : i32
      %dma_start3A_517 = arith.constant 1152 : i32
      %dma_start3A_518 = arith.constant 0 : i32
      %dma_start3A_519 = tpu.memref_slice %arg9[%dma_start3A_517, %dma_start3A_518] : memref<2560x32xf32, #tpu.memory_space<vmem>> -> memref<128x32xf32, #tpu.memory_space<vmem>>
      %dma_start3A_520 = arith.constant 0 : i32
      %dma_start3A_521 = tpu.memref_slice %arg7[%dma_start3A_516, %dma_start3A_520] : memref<20x128xi32, #tpu.memory_space<vmem>> -> memref<1x128xi32, #tpu.memory_space<vmem>>
      %dma_start3A_522 = tpu.memref_squeeze %dma_start3A_521 : memref<1x128xi32, #tpu.memory_space<vmem>> -> memref<128xi32, #tpu.memory_space<vmem>>
      %dma_start3A_523 = arith.constant 0 : i32
      %dma_start3A_524 = arith.constant 0 : i32
      %dma_start3A_525 = tpu.memref_slice %arg10[%dma_start3A_523, %dma_start3A_524] : memref<6272x32xf32, #tpu.memory_space<vmem_shared>> -> memref<6272x32xf32, #tpu.memory_space<vmem_shared>>
      tpu.enqueue_indirect_dma source(%dma_start3A_519 : memref<128x32xf32, #tpu.memory_space<vmem>>) target(%dma_start3A_525 : memref<6272x32xf32, #tpu.memory_space<vmem_shared>>) offsets(%dma_start3A_522 : memref<128xi32, #tpu.memory_space<vmem>>) semaphore(%arg11 : memref<!tpu.dma_semaphore, #tpu.memory_space<semaphore_mem>>) {add = true}
      %dma_start3A_526 = arith.constant 10 : i32
      %dma_start3A_527 = arith.constant 1280 : i32
      %dma_start3A_528 = arith.constant 0 : i32
      %dma_start3A_529 = tpu.memref_slice %arg9[%dma_start3A_527, %dma_start3A_528] : memref<2560x32xf32, #tpu.memory_space<vmem>> -> memref<128x32xf32, #tpu.memory_space<vmem>>
      %dma_start3A_530 = arith.constant 0 : i32
      %dma_start3A_531 = tpu.memref_slice %arg7[%dma_start3A_526, %dma_start3A_530] : memref<20x128xi32, #tpu.memory_space<vmem>> -> memref<1x128xi32, #tpu.memory_space<vmem>>
      %dma_start3A_532 = tpu.memref_squeeze %dma_start3A_531 : memref<1x128xi32, #tpu.memory_space<vmem>> -> memref<128xi32, #tpu.memory_space<vmem>>
      %dma_start3A_533 = arith.constant 0 : i32
      %dma_start3A_534 = arith.constant 0 : i32
      %dma_start3A_535 = tpu.memref_slice %arg10[%dma_start3A_533, %dma_start3A_534] : memref<6272x32xf32, #tpu.memory_space<vmem_shared>> -> memref<6272x32xf32, #tpu.memory_space<vmem_shared>>
      tpu.enqueue_indirect_dma source(%dma_start3A_529 : memref<128x32xf32, #tpu.memory_space<vmem>>) target(%dma_start3A_535 : memref<6272x32xf32, #tpu.memory_space<vmem_shared>>) offsets(%dma_start3A_532 : memref<128xi32, #tpu.memory_space<vmem>>) semaphore(%arg11 : memref<!tpu.dma_semaphore, #tpu.memory_space<semaphore_mem>>) {add = true}
      %dma_start3A_536 = arith.constant 11 : i32
      %dma_start3A_537 = arith.constant 1408 : i32
      %dma_start3A_538 = arith.constant 0 : i32
      %dma_start3A_539 = tpu.memref_slice %arg9[%dma_start3A_537, %dma_start3A_538] : memref<2560x32xf32, #tpu.memory_space<vmem>> -> memref<128x32xf32, #tpu.memory_space<vmem>>
      %dma_start3A_540 = arith.constant 0 : i32
      %dma_start3A_541 = tpu.memref_slice %arg7[%dma_start3A_536, %dma_start3A_540] : memref<20x128xi32, #tpu.memory_space<vmem>> -> memref<1x128xi32, #tpu.memory_space<vmem>>
      %dma_start3A_542 = tpu.memref_squeeze %dma_start3A_541 : memref<1x128xi32, #tpu.memory_space<vmem>> -> memref<128xi32, #tpu.memory_space<vmem>>
      %dma_start3A_543 = arith.constant 0 : i32
      %dma_start3A_544 = arith.constant 0 : i32
      %dma_start3A_545 = tpu.memref_slice %arg10[%dma_start3A_543, %dma_start3A_544] : memref<6272x32xf32, #tpu.memory_space<vmem_shared>> -> memref<6272x32xf32, #tpu.memory_space<vmem_shared>>
      tpu.enqueue_indirect_dma source(%dma_start3A_539 : memref<128x32xf32, #tpu.memory_space<vmem>>) target(%dma_start3A_545 : memref<6272x32xf32, #tpu.memory_space<vmem_shared>>) offsets(%dma_start3A_542 : memref<128xi32, #tpu.memory_space<vmem>>) semaphore(%arg11 : memref<!tpu.dma_semaphore, #tpu.memory_space<semaphore_mem>>) {add = true}
      %dma_start3A_546 = arith.constant 12 : i32
      %dma_start3A_547 = arith.constant 1536 : i32
      %dma_start3A_548 = arith.constant 0 : i32
      %dma_start3A_549 = tpu.memref_slice %arg9[%dma_start3A_547, %dma_start3A_548] : memref<2560x32xf32, #tpu.memory_space<vmem>> -> memref<128x32xf32, #tpu.memory_space<vmem>>
      %dma_start3A_550 = arith.constant 0 : i32
      %dma_start3A_551 = tpu.memref_slice %arg7[%dma_start3A_546, %dma_start3A_550] : memref<20x128xi32, #tpu.memory_space<vmem>> -> memref<1x128xi32, #tpu.memory_space<vmem>>
      %dma_start3A_552 = tpu.memref_squeeze %dma_start3A_551 : memref<1x128xi32, #tpu.memory_space<vmem>> -> memref<128xi32, #tpu.memory_space<vmem>>
      %dma_start3A_553 = arith.constant 0 : i32
      %dma_start3A_554 = arith.constant 0 : i32
      %dma_start3A_555 = tpu.memref_slice %arg10[%dma_start3A_553, %dma_start3A_554] : memref<6272x32xf32, #tpu.memory_space<vmem_shared>> -> memref<6272x32xf32, #tpu.memory_space<vmem_shared>>
      tpu.enqueue_indirect_dma source(%dma_start3A_549 : memref<128x32xf32, #tpu.memory_space<vmem>>) target(%dma_start3A_555 : memref<6272x32xf32, #tpu.memory_space<vmem_shared>>) offsets(%dma_start3A_552 : memref<128xi32, #tpu.memory_space<vmem>>) semaphore(%arg11 : memref<!tpu.dma_semaphore, #tpu.memory_space<semaphore_mem>>) {add = true}
      %dma_start3A_556 = arith.constant 13 : i32
      %dma_start3A_557 = arith.constant 1664 : i32
      %dma_start3A_558 = arith.constant 0 : i32
      %dma_start3A_559 = tpu.memref_slice %arg9[%dma_start3A_557, %dma_start3A_558] : memref<2560x32xf32, #tpu.memory_space<vmem>> -> memref<128x32xf32, #tpu.memory_space<vmem>>
      %dma_start3A_560 = arith.constant 0 : i32
      %dma_start3A_561 = tpu.memref_slice %arg7[%dma_start3A_556, %dma_start3A_560] : memref<20x128xi32, #tpu.memory_space<vmem>> -> memref<1x128xi32, #tpu.memory_space<vmem>>
      %dma_start3A_562 = tpu.memref_squeeze %dma_start3A_561 : memref<1x128xi32, #tpu.memory_space<vmem>> -> memref<128xi32, #tpu.memory_space<vmem>>
      %dma_start3A_563 = arith.constant 0 : i32
      %dma_start3A_564 = arith.constant 0 : i32
      %dma_start3A_565 = tpu.memref_slice %arg10[%dma_start3A_563, %dma_start3A_564] : memref<6272x32xf32, #tpu.memory_space<vmem_shared>> -> memref<6272x32xf32, #tpu.memory_space<vmem_shared>>
      tpu.enqueue_indirect_dma source(%dma_start3A_559 : memref<128x32xf32, #tpu.memory_space<vmem>>) target(%dma_start3A_565 : memref<6272x32xf32, #tpu.memory_space<vmem_shared>>) offsets(%dma_start3A_562 : memref<128xi32, #tpu.memory_space<vmem>>) semaphore(%arg11 : memref<!tpu.dma_semaphore, #tpu.memory_space<semaphore_mem>>) {add = true}
      %dma_start3A_566 = arith.constant 14 : i32
      %dma_start3A_567 = arith.constant 1792 : i32
      %dma_start3A_568 = arith.constant 0 : i32
      %dma_start3A_569 = tpu.memref_slice %arg9[%dma_start3A_567, %dma_start3A_568] : memref<2560x32xf32, #tpu.memory_space<vmem>> -> memref<128x32xf32, #tpu.memory_space<vmem>>
      %dma_start3A_570 = arith.constant 0 : i32
      %dma_start3A_571 = tpu.memref_slice %arg7[%dma_start3A_566, %dma_start3A_570] : memref<20x128xi32, #tpu.memory_space<vmem>> -> memref<1x128xi32, #tpu.memory_space<vmem>>
      %dma_start3A_572 = tpu.memref_squeeze %dma_start3A_571 : memref<1x128xi32, #tpu.memory_space<vmem>> -> memref<128xi32, #tpu.memory_space<vmem>>
      %dma_start3A_573 = arith.constant 0 : i32
      %dma_start3A_574 = arith.constant 0 : i32
      %dma_start3A_575 = tpu.memref_slice %arg10[%dma_start3A_573, %dma_start3A_574] : memref<6272x32xf32, #tpu.memory_space<vmem_shared>> -> memref<6272x32xf32, #tpu.memory_space<vmem_shared>>
      tpu.enqueue_indirect_dma source(%dma_start3A_569 : memref<128x32xf32, #tpu.memory_space<vmem>>) target(%dma_start3A_575 : memref<6272x32xf32, #tpu.memory_space<vmem_shared>>) offsets(%dma_start3A_572 : memref<128xi32, #tpu.memory_space<vmem>>) semaphore(%arg11 : memref<!tpu.dma_semaphore, #tpu.memory_space<semaphore_mem>>) {add = true}
      %dma_start3A_576 = arith.constant 15 : i32
      %dma_start3A_577 = arith.constant 1920 : i32
      %dma_start3A_578 = arith.constant 0 : i32
      %dma_start3A_579 = tpu.memref_slice %arg9[%dma_start3A_577, %dma_start3A_578] : memref<2560x32xf32, #tpu.memory_space<vmem>> -> memref<128x32xf32, #tpu.memory_space<vmem>>
      %dma_start3A_580 = arith.constant 0 : i32
      %dma_start3A_581 = tpu.memref_slice %arg7[%dma_start3A_576, %dma_start3A_580] : memref<20x128xi32, #tpu.memory_space<vmem>> -> memref<1x128xi32, #tpu.memory_space<vmem>>
      %dma_start3A_582 = tpu.memref_squeeze %dma_start3A_581 : memref<1x128xi32, #tpu.memory_space<vmem>> -> memref<128xi32, #tpu.memory_space<vmem>>
      %dma_start3A_583 = arith.constant 0 : i32
      %dma_start3A_584 = arith.constant 0 : i32
      %dma_start3A_585 = tpu.memref_slice %arg10[%dma_start3A_583, %dma_start3A_584] : memref<6272x32xf32, #tpu.memory_space<vmem_shared>> -> memref<6272x32xf32, #tpu.memory_space<vmem_shared>>
      tpu.enqueue_indirect_dma source(%dma_start3A_579 : memref<128x32xf32, #tpu.memory_space<vmem>>) target(%dma_start3A_585 : memref<6272x32xf32, #tpu.memory_space<vmem_shared>>) offsets(%dma_start3A_582 : memref<128xi32, #tpu.memory_space<vmem>>) semaphore(%arg11 : memref<!tpu.dma_semaphore, #tpu.memory_space<semaphore_mem>>) {add = true}
      %dma_start3A_586 = arith.constant 16 : i32
      %dma_start3A_587 = arith.constant 2048 : i32
      %dma_start3A_588 = arith.constant 0 : i32
      %dma_start3A_589 = tpu.memref_slice %arg9[%dma_start3A_587, %dma_start3A_588] : memref<2560x32xf32, #tpu.memory_space<vmem>> -> memref<128x32xf32, #tpu.memory_space<vmem>>
      %dma_start3A_590 = arith.constant 0 : i32
      %dma_start3A_591 = tpu.memref_slice %arg7[%dma_start3A_586, %dma_start3A_590] : memref<20x128xi32, #tpu.memory_space<vmem>> -> memref<1x128xi32, #tpu.memory_space<vmem>>
      %dma_start3A_592 = tpu.memref_squeeze %dma_start3A_591 : memref<1x128xi32, #tpu.memory_space<vmem>> -> memref<128xi32, #tpu.memory_space<vmem>>
      %dma_start3A_593 = arith.constant 0 : i32
      %dma_start3A_594 = arith.constant 0 : i32
      %dma_start3A_595 = tpu.memref_slice %arg10[%dma_start3A_593, %dma_start3A_594] : memref<6272x32xf32, #tpu.memory_space<vmem_shared>> -> memref<6272x32xf32, #tpu.memory_space<vmem_shared>>
      tpu.enqueue_indirect_dma source(%dma_start3A_589 : memref<128x32xf32, #tpu.memory_space<vmem>>) target(%dma_start3A_595 : memref<6272x32xf32, #tpu.memory_space<vmem_shared>>) offsets(%dma_start3A_592 : memref<128xi32, #tpu.memory_space<vmem>>) semaphore(%arg11 : memref<!tpu.dma_semaphore, #tpu.memory_space<semaphore_mem>>) {add = true}
      %dma_start3A_596 = arith.constant 17 : i32
      %dma_start3A_597 = arith.constant 2176 : i32
      %dma_start3A_598 = arith.constant 0 : i32
      %dma_start3A_599 = tpu.memref_slice %arg9[%dma_start3A_597, %dma_start3A_598] : memref<2560x32xf32, #tpu.memory_space<vmem>> -> memref<128x32xf32, #tpu.memory_space<vmem>>
      %dma_start3A_600 = arith.constant 0 : i32
      %dma_start3A_601 = tpu.memref_slice %arg7[%dma_start3A_596, %dma_start3A_600] : memref<20x128xi32, #tpu.memory_space<vmem>> -> memref<1x128xi32, #tpu.memory_space<vmem>>
      %dma_start3A_602 = tpu.memref_squeeze %dma_start3A_601 : memref<1x128xi32, #tpu.memory_space<vmem>> -> memref<128xi32, #tpu.memory_space<vmem>>
      %dma_start3A_603 = arith.constant 0 : i32
      %dma_start3A_604 = arith.constant 0 : i32
      %dma_start3A_605 = tpu.memref_slice %arg10[%dma_start3A_603, %dma_start3A_604] : memref<6272x32xf32, #tpu.memory_space<vmem_shared>> -> memref<6272x32xf32, #tpu.memory_space<vmem_shared>>
      tpu.enqueue_indirect_dma source(%dma_start3A_599 : memref<128x32xf32, #tpu.memory_space<vmem>>) target(%dma_start3A_605 : memref<6272x32xf32, #tpu.memory_space<vmem_shared>>) offsets(%dma_start3A_602 : memref<128xi32, #tpu.memory_space<vmem>>) semaphore(%arg11 : memref<!tpu.dma_semaphore, #tpu.memory_space<semaphore_mem>>) {add = true}
      %dma_start3A_606 = arith.constant 18 : i32
      %dma_start3A_607 = arith.constant 2304 : i32
      %dma_start3A_608 = arith.constant 0 : i32
      %dma_start3A_609 = tpu.memref_slice %arg9[%dma_start3A_607, %dma_start3A_608] : memref<2560x32xf32, #tpu.memory_space<vmem>> -> memref<128x32xf32, #tpu.memory_space<vmem>>
      %dma_start3A_610 = arith.constant 0 : i32
      %dma_start3A_611 = tpu.memref_slice %arg7[%dma_start3A_606, %dma_start3A_610] : memref<20x128xi32, #tpu.memory_space<vmem>> -> memref<1x128xi32, #tpu.memory_space<vmem>>
      %dma_start3A_612 = tpu.memref_squeeze %dma_start3A_611 : memref<1x128xi32, #tpu.memory_space<vmem>> -> memref<128xi32, #tpu.memory_space<vmem>>
      %dma_start3A_613 = arith.constant 0 : i32
      %dma_start3A_614 = arith.constant 0 : i32
      %dma_start3A_615 = tpu.memref_slice %arg10[%dma_start3A_613, %dma_start3A_614] : memref<6272x32xf32, #tpu.memory_space<vmem_shared>> -> memref<6272x32xf32, #tpu.memory_space<vmem_shared>>
      tpu.enqueue_indirect_dma source(%dma_start3A_609 : memref<128x32xf32, #tpu.memory_space<vmem>>) target(%dma_start3A_615 : memref<6272x32xf32, #tpu.memory_space<vmem_shared>>) offsets(%dma_start3A_612 : memref<128xi32, #tpu.memory_space<vmem>>) semaphore(%arg11 : memref<!tpu.dma_semaphore, #tpu.memory_space<semaphore_mem>>) {add = true}
      %dma_start3A_616 = arith.constant 19 : i32
      %dma_start3A_617 = arith.constant 2432 : i32
      %dma_start3A_618 = arith.constant 0 : i32
      %dma_start3A_619 = tpu.memref_slice %arg9[%dma_start3A_617, %dma_start3A_618] : memref<2560x32xf32, #tpu.memory_space<vmem>> -> memref<128x32xf32, #tpu.memory_space<vmem>>
      %dma_start3A_620 = arith.constant 0 : i32
      %dma_start3A_621 = tpu.memref_slice %arg7[%dma_start3A_616, %dma_start3A_620] : memref<20x128xi32, #tpu.memory_space<vmem>> -> memref<1x128xi32, #tpu.memory_space<vmem>>
      %dma_start3A_622 = tpu.memref_squeeze %dma_start3A_621 : memref<1x128xi32, #tpu.memory_space<vmem>> -> memref<128xi32, #tpu.memory_space<vmem>>
      %dma_start3A_623 = arith.constant 0 : i32
      %dma_start3A_624 = arith.constant 0 : i32
      %dma_start3A_625 = tpu.memref_slice %arg10[%dma_start3A_623, %dma_start3A_624] : memref<6272x32xf32, #tpu.memory_space<vmem_shared>> -> memref<6272x32xf32, #tpu.memory_space<vmem_shared>>
      tpu.enqueue_indirect_dma source(%dma_start3A_619 : memref<128x32xf32, #tpu.memory_space<vmem>>) target(%dma_start3A_625 : memref<6272x32xf32, #tpu.memory_space<vmem_shared>>) offsets(%dma_start3A_622 : memref<128xi32, #tpu.memory_space<vmem>>) semaphore(%arg11 : memref<!tpu.dma_semaphore, #tpu.memory_space<semaphore_mem>>) {add = true}
      %dma_wait3A_626 = arith.constant 0 : i32
      %dma_wait3A_627 = arith.constant 0 : i32
      %dma_wait3A_628 = arith.constant 0 : i32
      %dma_wait3A_629 = tpu.memref_slice %arg9[%dma_wait3A_627, %dma_wait3A_628] : memref<2560x32xf32, #tpu.memory_space<vmem>> -> memref<128x32xf32, #tpu.memory_space<vmem>>
      %dma_wait3A_630 = arith.constant 0 : i32
      %dma_wait3A_631 = tpu.memref_slice %arg7[%dma_wait3A_626, %dma_wait3A_630] : memref<20x128xi32, #tpu.memory_space<vmem>> -> memref<1x128xi32, #tpu.memory_space<vmem>>
      %dma_wait3A_632 = tpu.memref_squeeze %dma_wait3A_631 : memref<1x128xi32, #tpu.memory_space<vmem>> -> memref<128xi32, #tpu.memory_space<vmem>>
      %dma_wait3A_633 = arith.constant 0 : i32
      %dma_wait3A_634 = arith.constant 0 : i32
      %dma_wait3A_635 = tpu.memref_slice %arg10[%dma_wait3A_633, %dma_wait3A_634] : memref<6272x32xf32, #tpu.memory_space<vmem_shared>> -> memref<6272x32xf32, #tpu.memory_space<vmem_shared>>
      tpu.wait_indirect_dma semaphore(%arg11 : memref<!tpu.dma_semaphore, #tpu.memory_space<semaphore_mem>>) src(%dma_wait3A_629 : memref<128x32xf32, #tpu.memory_space<vmem>>) dst(%dma_wait3A_635 : memref<6272x32xf32, #tpu.memory_space<vmem_shared>>)
      %dma_wait3A_636 = arith.constant 1 : i32
      %dma_wait3A_637 = arith.constant 128 : i32
      %dma_wait3A_638 = arith.constant 0 : i32
      %dma_wait3A_639 = tpu.memref_slice %arg9[%dma_wait3A_637, %dma_wait3A_638] : memref<2560x32xf32, #tpu.memory_space<vmem>> -> memref<128x32xf32, #tpu.memory_space<vmem>>
      %dma_wait3A_640 = arith.constant 0 : i32
      %dma_wait3A_641 = tpu.memref_slice %arg7[%dma_wait3A_636, %dma_wait3A_640] : memref<20x128xi32, #tpu.memory_space<vmem>> -> memref<1x128xi32, #tpu.memory_space<vmem>>
      %dma_wait3A_642 = tpu.memref_squeeze %dma_wait3A_641 : memref<1x128xi32, #tpu.memory_space<vmem>> -> memref<128xi32, #tpu.memory_space<vmem>>
      %dma_wait3A_643 = arith.constant 0 : i32
      %dma_wait3A_644 = arith.constant 0 : i32
      %dma_wait3A_645 = tpu.memref_slice %arg10[%dma_wait3A_643, %dma_wait3A_644] : memref<6272x32xf32, #tpu.memory_space<vmem_shared>> -> memref<6272x32xf32, #tpu.memory_space<vmem_shared>>
      tpu.wait_indirect_dma semaphore(%arg11 : memref<!tpu.dma_semaphore, #tpu.memory_space<semaphore_mem>>) src(%dma_wait3A_639 : memref<128x32xf32, #tpu.memory_space<vmem>>) dst(%dma_wait3A_645 : memref<6272x32xf32, #tpu.memory_space<vmem_shared>>)
      %dma_wait3A_646 = arith.constant 2 : i32
      %dma_wait3A_647 = arith.constant 256 : i32
      %dma_wait3A_648 = arith.constant 0 : i32
      %dma_wait3A_649 = tpu.memref_slice %arg9[%dma_wait3A_647, %dma_wait3A_648] : memref<2560x32xf32, #tpu.memory_space<vmem>> -> memref<128x32xf32, #tpu.memory_space<vmem>>
      %dma_wait3A_650 = arith.constant 0 : i32
      %dma_wait3A_651 = tpu.memref_slice %arg7[%dma_wait3A_646, %dma_wait3A_650] : memref<20x128xi32, #tpu.memory_space<vmem>> -> memref<1x128xi32, #tpu.memory_space<vmem>>
      %dma_wait3A_652 = tpu.memref_squeeze %dma_wait3A_651 : memref<1x128xi32, #tpu.memory_space<vmem>> -> memref<128xi32, #tpu.memory_space<vmem>>
      %dma_wait3A_653 = arith.constant 0 : i32
      %dma_wait3A_654 = arith.constant 0 : i32
      %dma_wait3A_655 = tpu.memref_slice %arg10[%dma_wait3A_653, %dma_wait3A_654] : memref<6272x32xf32, #tpu.memory_space<vmem_shared>> -> memref<6272x32xf32, #tpu.memory_space<vmem_shared>>
      tpu.wait_indirect_dma semaphore(%arg11 : memref<!tpu.dma_semaphore, #tpu.memory_space<semaphore_mem>>) src(%dma_wait3A_649 : memref<128x32xf32, #tpu.memory_space<vmem>>) dst(%dma_wait3A_655 : memref<6272x32xf32, #tpu.memory_space<vmem_shared>>)
      %dma_wait3A_656 = arith.constant 3 : i32
      %dma_wait3A_657 = arith.constant 384 : i32
      %dma_wait3A_658 = arith.constant 0 : i32
      %dma_wait3A_659 = tpu.memref_slice %arg9[%dma_wait3A_657, %dma_wait3A_658] : memref<2560x32xf32, #tpu.memory_space<vmem>> -> memref<128x32xf32, #tpu.memory_space<vmem>>
      %dma_wait3A_660 = arith.constant 0 : i32
      %dma_wait3A_661 = tpu.memref_slice %arg7[%dma_wait3A_656, %dma_wait3A_660] : memref<20x128xi32, #tpu.memory_space<vmem>> -> memref<1x128xi32, #tpu.memory_space<vmem>>
      %dma_wait3A_662 = tpu.memref_squeeze %dma_wait3A_661 : memref<1x128xi32, #tpu.memory_space<vmem>> -> memref<128xi32, #tpu.memory_space<vmem>>
      %dma_wait3A_663 = arith.constant 0 : i32
      %dma_wait3A_664 = arith.constant 0 : i32
      %dma_wait3A_665 = tpu.memref_slice %arg10[%dma_wait3A_663, %dma_wait3A_664] : memref<6272x32xf32, #tpu.memory_space<vmem_shared>> -> memref<6272x32xf32, #tpu.memory_space<vmem_shared>>
      tpu.wait_indirect_dma semaphore(%arg11 : memref<!tpu.dma_semaphore, #tpu.memory_space<semaphore_mem>>) src(%dma_wait3A_659 : memref<128x32xf32, #tpu.memory_space<vmem>>) dst(%dma_wait3A_665 : memref<6272x32xf32, #tpu.memory_space<vmem_shared>>)
      %dma_wait3A_666 = arith.constant 4 : i32
      %dma_wait3A_667 = arith.constant 512 : i32
      %dma_wait3A_668 = arith.constant 0 : i32
      %dma_wait3A_669 = tpu.memref_slice %arg9[%dma_wait3A_667, %dma_wait3A_668] : memref<2560x32xf32, #tpu.memory_space<vmem>> -> memref<128x32xf32, #tpu.memory_space<vmem>>
      %dma_wait3A_670 = arith.constant 0 : i32
      %dma_wait3A_671 = tpu.memref_slice %arg7[%dma_wait3A_666, %dma_wait3A_670] : memref<20x128xi32, #tpu.memory_space<vmem>> -> memref<1x128xi32, #tpu.memory_space<vmem>>
      %dma_wait3A_672 = tpu.memref_squeeze %dma_wait3A_671 : memref<1x128xi32, #tpu.memory_space<vmem>> -> memref<128xi32, #tpu.memory_space<vmem>>
      %dma_wait3A_673 = arith.constant 0 : i32
      %dma_wait3A_674 = arith.constant 0 : i32
      %dma_wait3A_675 = tpu.memref_slice %arg10[%dma_wait3A_673, %dma_wait3A_674] : memref<6272x32xf32, #tpu.memory_space<vmem_shared>> -> memref<6272x32xf32, #tpu.memory_space<vmem_shared>>
      tpu.wait_indirect_dma semaphore(%arg11 : memref<!tpu.dma_semaphore, #tpu.memory_space<semaphore_mem>>) src(%dma_wait3A_669 : memref<128x32xf32, #tpu.memory_space<vmem>>) dst(%dma_wait3A_675 : memref<6272x32xf32, #tpu.memory_space<vmem_shared>>)
      %dma_wait3A_676 = arith.constant 5 : i32
      %dma_wait3A_677 = arith.constant 640 : i32
      %dma_wait3A_678 = arith.constant 0 : i32
      %dma_wait3A_679 = tpu.memref_slice %arg9[%dma_wait3A_677, %dma_wait3A_678] : memref<2560x32xf32, #tpu.memory_space<vmem>> -> memref<128x32xf32, #tpu.memory_space<vmem>>
      %dma_wait3A_680 = arith.constant 0 : i32
      %dma_wait3A_681 = tpu.memref_slice %arg7[%dma_wait3A_676, %dma_wait3A_680] : memref<20x128xi32, #tpu.memory_space<vmem>> -> memref<1x128xi32, #tpu.memory_space<vmem>>
      %dma_wait3A_682 = tpu.memref_squeeze %dma_wait3A_681 : memref<1x128xi32, #tpu.memory_space<vmem>> -> memref<128xi32, #tpu.memory_space<vmem>>
      %dma_wait3A_683 = arith.constant 0 : i32
      %dma_wait3A_684 = arith.constant 0 : i32
      %dma_wait3A_685 = tpu.memref_slice %arg10[%dma_wait3A_683, %dma_wait3A_684] : memref<6272x32xf32, #tpu.memory_space<vmem_shared>> -> memref<6272x32xf32, #tpu.memory_space<vmem_shared>>
      tpu.wait_indirect_dma semaphore(%arg11 : memref<!tpu.dma_semaphore, #tpu.memory_space<semaphore_mem>>) src(%dma_wait3A_679 : memref<128x32xf32, #tpu.memory_space<vmem>>) dst(%dma_wait3A_685 : memref<6272x32xf32, #tpu.memory_space<vmem_shared>>)
      %dma_wait3A_686 = arith.constant 6 : i32
      %dma_wait3A_687 = arith.constant 768 : i32
      %dma_wait3A_688 = arith.constant 0 : i32
      %dma_wait3A_689 = tpu.memref_slice %arg9[%dma_wait3A_687, %dma_wait3A_688] : memref<2560x32xf32, #tpu.memory_space<vmem>> -> memref<128x32xf32, #tpu.memory_space<vmem>>
      %dma_wait3A_690 = arith.constant 0 : i32
      %dma_wait3A_691 = tpu.memref_slice %arg7[%dma_wait3A_686, %dma_wait3A_690] : memref<20x128xi32, #tpu.memory_space<vmem>> -> memref<1x128xi32, #tpu.memory_space<vmem>>
      %dma_wait3A_692 = tpu.memref_squeeze %dma_wait3A_691 : memref<1x128xi32, #tpu.memory_space<vmem>> -> memref<128xi32, #tpu.memory_space<vmem>>
      %dma_wait3A_693 = arith.constant 0 : i32
      %dma_wait3A_694 = arith.constant 0 : i32
      %dma_wait3A_695 = tpu.memref_slice %arg10[%dma_wait3A_693, %dma_wait3A_694] : memref<6272x32xf32, #tpu.memory_space<vmem_shared>> -> memref<6272x32xf32, #tpu.memory_space<vmem_shared>>
      tpu.wait_indirect_dma semaphore(%arg11 : memref<!tpu.dma_semaphore, #tpu.memory_space<semaphore_mem>>) src(%dma_wait3A_689 : memref<128x32xf32, #tpu.memory_space<vmem>>) dst(%dma_wait3A_695 : memref<6272x32xf32, #tpu.memory_space<vmem_shared>>)
      %dma_wait3A_696 = arith.constant 7 : i32
      %dma_wait3A_697 = arith.constant 896 : i32
      %dma_wait3A_698 = arith.constant 0 : i32
      %dma_wait3A_699 = tpu.memref_slice %arg9[%dma_wait3A_697, %dma_wait3A_698] : memref<2560x32xf32, #tpu.memory_space<vmem>> -> memref<128x32xf32, #tpu.memory_space<vmem>>
      %dma_wait3A_700 = arith.constant 0 : i32
      %dma_wait3A_701 = tpu.memref_slice %arg7[%dma_wait3A_696, %dma_wait3A_700] : memref<20x128xi32, #tpu.memory_space<vmem>> -> memref<1x128xi32, #tpu.memory_space<vmem>>
      %dma_wait3A_702 = tpu.memref_squeeze %dma_wait3A_701 : memref<1x128xi32, #tpu.memory_space<vmem>> -> memref<128xi32, #tpu.memory_space<vmem>>
      %dma_wait3A_703 = arith.constant 0 : i32
      %dma_wait3A_704 = arith.constant 0 : i32
      %dma_wait3A_705 = tpu.memref_slice %arg10[%dma_wait3A_703, %dma_wait3A_704] : memref<6272x32xf32, #tpu.memory_space<vmem_shared>> -> memref<6272x32xf32, #tpu.memory_space<vmem_shared>>
      tpu.wait_indirect_dma semaphore(%arg11 : memref<!tpu.dma_semaphore, #tpu.memory_space<semaphore_mem>>) src(%dma_wait3A_699 : memref<128x32xf32, #tpu.memory_space<vmem>>) dst(%dma_wait3A_705 : memref<6272x32xf32, #tpu.memory_space<vmem_shared>>)
      %dma_wait3A_706 = arith.constant 8 : i32
      %dma_wait3A_707 = arith.constant 1024 : i32
      %dma_wait3A_708 = arith.constant 0 : i32
      %dma_wait3A_709 = tpu.memref_slice %arg9[%dma_wait3A_707, %dma_wait3A_708] : memref<2560x32xf32, #tpu.memory_space<vmem>> -> memref<128x32xf32, #tpu.memory_space<vmem>>
      %dma_wait3A_710 = arith.constant 0 : i32
      %dma_wait3A_711 = tpu.memref_slice %arg7[%dma_wait3A_706, %dma_wait3A_710] : memref<20x128xi32, #tpu.memory_space<vmem>> -> memref<1x128xi32, #tpu.memory_space<vmem>>
      %dma_wait3A_712 = tpu.memref_squeeze %dma_wait3A_711 : memref<1x128xi32, #tpu.memory_space<vmem>> -> memref<128xi32, #tpu.memory_space<vmem>>
      %dma_wait3A_713 = arith.constant 0 : i32
      %dma_wait3A_714 = arith.constant 0 : i32
      %dma_wait3A_715 = tpu.memref_slice %arg10[%dma_wait3A_713, %dma_wait3A_714] : memref<6272x32xf32, #tpu.memory_space<vmem_shared>> -> memref<6272x32xf32, #tpu.memory_space<vmem_shared>>
      tpu.wait_indirect_dma semaphore(%arg11 : memref<!tpu.dma_semaphore, #tpu.memory_space<semaphore_mem>>) src(%dma_wait3A_709 : memref<128x32xf32, #tpu.memory_space<vmem>>) dst(%dma_wait3A_715 : memref<6272x32xf32, #tpu.memory_space<vmem_shared>>)
      %dma_wait3A_716 = arith.constant 9 : i32
      %dma_wait3A_717 = arith.constant 1152 : i32
      %dma_wait3A_718 = arith.constant 0 : i32
      %dma_wait3A_719 = tpu.memref_slice %arg9[%dma_wait3A_717, %dma_wait3A_718] : memref<2560x32xf32, #tpu.memory_space<vmem>> -> memref<128x32xf32, #tpu.memory_space<vmem>>
      %dma_wait3A_720 = arith.constant 0 : i32
      %dma_wait3A_721 = tpu.memref_slice %arg7[%dma_wait3A_716, %dma_wait3A_720] : memref<20x128xi32, #tpu.memory_space<vmem>> -> memref<1x128xi32, #tpu.memory_space<vmem>>
      %dma_wait3A_722 = tpu.memref_squeeze %dma_wait3A_721 : memref<1x128xi32, #tpu.memory_space<vmem>> -> memref<128xi32, #tpu.memory_space<vmem>>
      %dma_wait3A_723 = arith.constant 0 : i32
      %dma_wait3A_724 = arith.constant 0 : i32
      %dma_wait3A_725 = tpu.memref_slice %arg10[%dma_wait3A_723, %dma_wait3A_724] : memref<6272x32xf32, #tpu.memory_space<vmem_shared>> -> memref<6272x32xf32, #tpu.memory_space<vmem_shared>>
      tpu.wait_indirect_dma semaphore(%arg11 : memref<!tpu.dma_semaphore, #tpu.memory_space<semaphore_mem>>) src(%dma_wait3A_719 : memref<128x32xf32, #tpu.memory_space<vmem>>) dst(%dma_wait3A_725 : memref<6272x32xf32, #tpu.memory_space<vmem_shared>>)
      %dma_wait3A_726 = arith.constant 10 : i32
      %dma_wait3A_727 = arith.constant 1280 : i32
      %dma_wait3A_728 = arith.constant 0 : i32
      %dma_wait3A_729 = tpu.memref_slice %arg9[%dma_wait3A_727, %dma_wait3A_728] : memref<2560x32xf32, #tpu.memory_space<vmem>> -> memref<128x32xf32, #tpu.memory_space<vmem>>
      %dma_wait3A_730 = arith.constant 0 : i32
      %dma_wait3A_731 = tpu.memref_slice %arg7[%dma_wait3A_726, %dma_wait3A_730] : memref<20x128xi32, #tpu.memory_space<vmem>> -> memref<1x128xi32, #tpu.memory_space<vmem>>
      %dma_wait3A_732 = tpu.memref_squeeze %dma_wait3A_731 : memref<1x128xi32, #tpu.memory_space<vmem>> -> memref<128xi32, #tpu.memory_space<vmem>>
      %dma_wait3A_733 = arith.constant 0 : i32
      %dma_wait3A_734 = arith.constant 0 : i32
      %dma_wait3A_735 = tpu.memref_slice %arg10[%dma_wait3A_733, %dma_wait3A_734] : memref<6272x32xf32, #tpu.memory_space<vmem_shared>> -> memref<6272x32xf32, #tpu.memory_space<vmem_shared>>
      tpu.wait_indirect_dma semaphore(%arg11 : memref<!tpu.dma_semaphore, #tpu.memory_space<semaphore_mem>>) src(%dma_wait3A_729 : memref<128x32xf32, #tpu.memory_space<vmem>>) dst(%dma_wait3A_735 : memref<6272x32xf32, #tpu.memory_space<vmem_shared>>)
      %dma_wait3A_736 = arith.constant 11 : i32
      %dma_wait3A_737 = arith.constant 1408 : i32
      %dma_wait3A_738 = arith.constant 0 : i32
      %dma_wait3A_739 = tpu.memref_slice %arg9[%dma_wait3A_737, %dma_wait3A_738] : memref<2560x32xf32, #tpu.memory_space<vmem>> -> memref<128x32xf32, #tpu.memory_space<vmem>>
      %dma_wait3A_740 = arith.constant 0 : i32
      %dma_wait3A_741 = tpu.memref_slice %arg7[%dma_wait3A_736, %dma_wait3A_740] : memref<20x128xi32, #tpu.memory_space<vmem>> -> memref<1x128xi32, #tpu.memory_space<vmem>>
      %dma_wait3A_742 = tpu.memref_squeeze %dma_wait3A_741 : memref<1x128xi32, #tpu.memory_space<vmem>> -> memref<128xi32, #tpu.memory_space<vmem>>
      %dma_wait3A_743 = arith.constant 0 : i32
      %dma_wait3A_744 = arith.constant 0 : i32
      %dma_wait3A_745 = tpu.memref_slice %arg10[%dma_wait3A_743, %dma_wait3A_744] : memref<6272x32xf32, #tpu.memory_space<vmem_shared>> -> memref<6272x32xf32, #tpu.memory_space<vmem_shared>>
      tpu.wait_indirect_dma semaphore(%arg11 : memref<!tpu.dma_semaphore, #tpu.memory_space<semaphore_mem>>) src(%dma_wait3A_739 : memref<128x32xf32, #tpu.memory_space<vmem>>) dst(%dma_wait3A_745 : memref<6272x32xf32, #tpu.memory_space<vmem_shared>>)
      %dma_wait3A_746 = arith.constant 12 : i32
      %dma_wait3A_747 = arith.constant 1536 : i32
      %dma_wait3A_748 = arith.constant 0 : i32
      %dma_wait3A_749 = tpu.memref_slice %arg9[%dma_wait3A_747, %dma_wait3A_748] : memref<2560x32xf32, #tpu.memory_space<vmem>> -> memref<128x32xf32, #tpu.memory_space<vmem>>
      %dma_wait3A_750 = arith.constant 0 : i32
      %dma_wait3A_751 = tpu.memref_slice %arg7[%dma_wait3A_746, %dma_wait3A_750] : memref<20x128xi32, #tpu.memory_space<vmem>> -> memref<1x128xi32, #tpu.memory_space<vmem>>
      %dma_wait3A_752 = tpu.memref_squeeze %dma_wait3A_751 : memref<1x128xi32, #tpu.memory_space<vmem>> -> memref<128xi32, #tpu.memory_space<vmem>>
      %dma_wait3A_753 = arith.constant 0 : i32
      %dma_wait3A_754 = arith.constant 0 : i32
      %dma_wait3A_755 = tpu.memref_slice %arg10[%dma_wait3A_753, %dma_wait3A_754] : memref<6272x32xf32, #tpu.memory_space<vmem_shared>> -> memref<6272x32xf32, #tpu.memory_space<vmem_shared>>
      tpu.wait_indirect_dma semaphore(%arg11 : memref<!tpu.dma_semaphore, #tpu.memory_space<semaphore_mem>>) src(%dma_wait3A_749 : memref<128x32xf32, #tpu.memory_space<vmem>>) dst(%dma_wait3A_755 : memref<6272x32xf32, #tpu.memory_space<vmem_shared>>)
      %dma_wait3A_756 = arith.constant 13 : i32
      %dma_wait3A_757 = arith.constant 1664 : i32
      %dma_wait3A_758 = arith.constant 0 : i32
      %dma_wait3A_759 = tpu.memref_slice %arg9[%dma_wait3A_757, %dma_wait3A_758] : memref<2560x32xf32, #tpu.memory_space<vmem>> -> memref<128x32xf32, #tpu.memory_space<vmem>>
      %dma_wait3A_760 = arith.constant 0 : i32
      %dma_wait3A_761 = tpu.memref_slice %arg7[%dma_wait3A_756, %dma_wait3A_760] : memref<20x128xi32, #tpu.memory_space<vmem>> -> memref<1x128xi32, #tpu.memory_space<vmem>>
      %dma_wait3A_762 = tpu.memref_squeeze %dma_wait3A_761 : memref<1x128xi32, #tpu.memory_space<vmem>> -> memref<128xi32, #tpu.memory_space<vmem>>
      %dma_wait3A_763 = arith.constant 0 : i32
      %dma_wait3A_764 = arith.constant 0 : i32
      %dma_wait3A_765 = tpu.memref_slice %arg10[%dma_wait3A_763, %dma_wait3A_764] : memref<6272x32xf32, #tpu.memory_space<vmem_shared>> -> memref<6272x32xf32, #tpu.memory_space<vmem_shared>>
      tpu.wait_indirect_dma semaphore(%arg11 : memref<!tpu.dma_semaphore, #tpu.memory_space<semaphore_mem>>) src(%dma_wait3A_759 : memref<128x32xf32, #tpu.memory_space<vmem>>) dst(%dma_wait3A_765 : memref<6272x32xf32, #tpu.memory_space<vmem_shared>>)
      %dma_wait3A_766 = arith.constant 14 : i32
      %dma_wait3A_767 = arith.constant 1792 : i32
      %dma_wait3A_768 = arith.constant 0 : i32
      %dma_wait3A_769 = tpu.memref_slice %arg9[%dma_wait3A_767, %dma_wait3A_768] : memref<2560x32xf32, #tpu.memory_space<vmem>> -> memref<128x32xf32, #tpu.memory_space<vmem>>
      %dma_wait3A_770 = arith.constant 0 : i32
      %dma_wait3A_771 = tpu.memref_slice %arg7[%dma_wait3A_766, %dma_wait3A_770] : memref<20x128xi32, #tpu.memory_space<vmem>> -> memref<1x128xi32, #tpu.memory_space<vmem>>
      %dma_wait3A_772 = tpu.memref_squeeze %dma_wait3A_771 : memref<1x128xi32, #tpu.memory_space<vmem>> -> memref<128xi32, #tpu.memory_space<vmem>>
      %dma_wait3A_773 = arith.constant 0 : i32
      %dma_wait3A_774 = arith.constant 0 : i32
      %dma_wait3A_775 = tpu.memref_slice %arg10[%dma_wait3A_773, %dma_wait3A_774] : memref<6272x32xf32, #tpu.memory_space<vmem_shared>> -> memref<6272x32xf32, #tpu.memory_space<vmem_shared>>
      tpu.wait_indirect_dma semaphore(%arg11 : memref<!tpu.dma_semaphore, #tpu.memory_space<semaphore_mem>>) src(%dma_wait3A_769 : memref<128x32xf32, #tpu.memory_space<vmem>>) dst(%dma_wait3A_775 : memref<6272x32xf32, #tpu.memory_space<vmem_shared>>)
      %dma_wait3A_776 = arith.constant 15 : i32
      %dma_wait3A_777 = arith.constant 1920 : i32
      %dma_wait3A_778 = arith.constant 0 : i32
      %dma_wait3A_779 = tpu.memref_slice %arg9[%dma_wait3A_777, %dma_wait3A_778] : memref<2560x32xf32, #tpu.memory_space<vmem>> -> memref<128x32xf32, #tpu.memory_space<vmem>>
      %dma_wait3A_780 = arith.constant 0 : i32
      %dma_wait3A_781 = tpu.memref_slice %arg7[%dma_wait3A_776, %dma_wait3A_780] : memref<20x128xi32, #tpu.memory_space<vmem>> -> memref<1x128xi32, #tpu.memory_space<vmem>>
      %dma_wait3A_782 = tpu.memref_squeeze %dma_wait3A_781 : memref<1x128xi32, #tpu.memory_space<vmem>> -> memref<128xi32, #tpu.memory_space<vmem>>
      %dma_wait3A_783 = arith.constant 0 : i32
      %dma_wait3A_784 = arith.constant 0 : i32
      %dma_wait3A_785 = tpu.memref_slice %arg10[%dma_wait3A_783, %dma_wait3A_784] : memref<6272x32xf32, #tpu.memory_space<vmem_shared>> -> memref<6272x32xf32, #tpu.memory_space<vmem_shared>>
      tpu.wait_indirect_dma semaphore(%arg11 : memref<!tpu.dma_semaphore, #tpu.memory_space<semaphore_mem>>) src(%dma_wait3A_779 : memref<128x32xf32, #tpu.memory_space<vmem>>) dst(%dma_wait3A_785 : memref<6272x32xf32, #tpu.memory_space<vmem_shared>>)
      %dma_wait3A_786 = arith.constant 16 : i32
      %dma_wait3A_787 = arith.constant 2048 : i32
      %dma_wait3A_788 = arith.constant 0 : i32
      %dma_wait3A_789 = tpu.memref_slice %arg9[%dma_wait3A_787, %dma_wait3A_788] : memref<2560x32xf32, #tpu.memory_space<vmem>> -> memref<128x32xf32, #tpu.memory_space<vmem>>
      %dma_wait3A_790 = arith.constant 0 : i32
      %dma_wait3A_791 = tpu.memref_slice %arg7[%dma_wait3A_786, %dma_wait3A_790] : memref<20x128xi32, #tpu.memory_space<vmem>> -> memref<1x128xi32, #tpu.memory_space<vmem>>
      %dma_wait3A_792 = tpu.memref_squeeze %dma_wait3A_791 : memref<1x128xi32, #tpu.memory_space<vmem>> -> memref<128xi32, #tpu.memory_space<vmem>>
      %dma_wait3A_793 = arith.constant 0 : i32
      %dma_wait3A_794 = arith.constant 0 : i32
      %dma_wait3A_795 = tpu.memref_slice %arg10[%dma_wait3A_793, %dma_wait3A_794] : memref<6272x32xf32, #tpu.memory_space<vmem_shared>> -> memref<6272x32xf32, #tpu.memory_space<vmem_shared>>
      tpu.wait_indirect_dma semaphore(%arg11 : memref<!tpu.dma_semaphore, #tpu.memory_space<semaphore_mem>>) src(%dma_wait3A_789 : memref<128x32xf32, #tpu.memory_space<vmem>>) dst(%dma_wait3A_795 : memref<6272x32xf32, #tpu.memory_space<vmem_shared>>)
      %dma_wait3A_796 = arith.constant 17 : i32
      %dma_wait3A_797 = arith.constant 2176 : i32
      %dma_wait3A_798 = arith.constant 0 : i32
      %dma_wait3A_799 = tpu.memref_slice %arg9[%dma_wait3A_797, %dma_wait3A_798] : memref<2560x32xf32, #tpu.memory_space<vmem>> -> memref<128x32xf32, #tpu.memory_space<vmem>>
      %dma_wait3A_800 = arith.constant 0 : i32
      %dma_wait3A_801 = tpu.memref_slice %arg7[%dma_wait3A_796, %dma_wait3A_800] : memref<20x128xi32, #tpu.memory_space<vmem>> -> memref<1x128xi32, #tpu.memory_space<vmem>>
      %dma_wait3A_802 = tpu.memref_squeeze %dma_wait3A_801 : memref<1x128xi32, #tpu.memory_space<vmem>> -> memref<128xi32, #tpu.memory_space<vmem>>
      %dma_wait3A_803 = arith.constant 0 : i32
      %dma_wait3A_804 = arith.constant 0 : i32
      %dma_wait3A_805 = tpu.memref_slice %arg10[%dma_wait3A_803, %dma_wait3A_804] : memref<6272x32xf32, #tpu.memory_space<vmem_shared>> -> memref<6272x32xf32, #tpu.memory_space<vmem_shared>>
      tpu.wait_indirect_dma semaphore(%arg11 : memref<!tpu.dma_semaphore, #tpu.memory_space<semaphore_mem>>) src(%dma_wait3A_799 : memref<128x32xf32, #tpu.memory_space<vmem>>) dst(%dma_wait3A_805 : memref<6272x32xf32, #tpu.memory_space<vmem_shared>>)
      %dma_wait3A_806 = arith.constant 18 : i32
      %dma_wait3A_807 = arith.constant 2304 : i32
      %dma_wait3A_808 = arith.constant 0 : i32
      %dma_wait3A_809 = tpu.memref_slice %arg9[%dma_wait3A_807, %dma_wait3A_808] : memref<2560x32xf32, #tpu.memory_space<vmem>> -> memref<128x32xf32, #tpu.memory_space<vmem>>
      %dma_wait3A_810 = arith.constant 0 : i32
      %dma_wait3A_811 = tpu.memref_slice %arg7[%dma_wait3A_806, %dma_wait3A_810] : memref<20x128xi32, #tpu.memory_space<vmem>> -> memref<1x128xi32, #tpu.memory_space<vmem>>
      %dma_wait3A_812 = tpu.memref_squeeze %dma_wait3A_811 : memref<1x128xi32, #tpu.memory_space<vmem>> -> memref<128xi32, #tpu.memory_space<vmem>>
      %dma_wait3A_813 = arith.constant 0 : i32
      %dma_wait3A_814 = arith.constant 0 : i32
      %dma_wait3A_815 = tpu.memref_slice %arg10[%dma_wait3A_813, %dma_wait3A_814] : memref<6272x32xf32, #tpu.memory_space<vmem_shared>> -> memref<6272x32xf32, #tpu.memory_space<vmem_shared>>
      tpu.wait_indirect_dma semaphore(%arg11 : memref<!tpu.dma_semaphore, #tpu.memory_space<semaphore_mem>>) src(%dma_wait3A_809 : memref<128x32xf32, #tpu.memory_space<vmem>>) dst(%dma_wait3A_815 : memref<6272x32xf32, #tpu.memory_space<vmem_shared>>)
      %dma_wait3A_816 = arith.constant 19 : i32
      %dma_wait3A_817 = arith.constant 2432 : i32
      %dma_wait3A_818 = arith.constant 0 : i32
      %dma_wait3A_819 = tpu.memref_slice %arg9[%dma_wait3A_817, %dma_wait3A_818] : memref<2560x32xf32, #tpu.memory_space<vmem>> -> memref<128x32xf32, #tpu.memory_space<vmem>>
      %dma_wait3A_820 = arith.constant 0 : i32
      %dma_wait3A_821 = tpu.memref_slice %arg7[%dma_wait3A_816, %dma_wait3A_820] : memref<20x128xi32, #tpu.memory_space<vmem>> -> memref<1x128xi32, #tpu.memory_space<vmem>>
      %dma_wait3A_822 = tpu.memref_squeeze %dma_wait3A_821 : memref<1x128xi32, #tpu.memory_space<vmem>> -> memref<128xi32, #tpu.memory_space<vmem>>
      %dma_wait3A_823 = arith.constant 0 : i32
      %dma_wait3A_824 = arith.constant 0 : i32
      %dma_wait3A_825 = tpu.memref_slice %arg10[%dma_wait3A_823, %dma_wait3A_824] : memref<6272x32xf32, #tpu.memory_space<vmem_shared>> -> memref<6272x32xf32, #tpu.memory_space<vmem_shared>>
      tpu.wait_indirect_dma semaphore(%arg11 : memref<!tpu.dma_semaphore, #tpu.memory_space<semaphore_mem>>) src(%dma_wait3A_819 : memref<128x32xf32, #tpu.memory_space<vmem>>) dst(%dma_wait3A_825 : memref<6272x32xf32, #tpu.memory_space<vmem_shared>>)
    }
    %scan3A_16 = arith.constant 10 : i32
    %barrier3A_17 = arith.constant 0 : index
    tpu.barrier barrier_id(%barrier3A_17)
    %mul3A_18 = arith.constant 392 : i32
    %mul3A_19 = arith.muli %arg1, %mul3A_18 : i32
    %mul3A_20 = arith.constant 392 : i32
    %mul3A_21 = arith.muli %arg1, %mul3A_20 : i32
    "tpu.region"() ({
      %run_scoped3A = tpu.sem_alloc : memref<!tpu.dma_semaphore, #tpu.memory_space<semaphore_mem>>
      %dma_start3A = arith.constant 0 : i32
      %dma_start3A_22 = tpu.memref_slice %arg6[%arg0, %mul3A_21, %dma_start3A] : memref<2x6272x32xf32, #tpu.memory_space<hbm>> -> memref<1x392x32xf32, #tpu.memory_space<hbm>>
      %dma_start3A_23 = tpu.memref_squeeze %dma_start3A_22 : memref<1x392x32xf32, #tpu.memory_space<hbm>> -> memref<392x32xf32, #tpu.memory_space<hbm>>
      %dma_start3A_24 = arith.constant 0 : i32
      %dma_start3A_25 = tpu.memref_slice %arg10[%mul3A_19, %dma_start3A_24] : memref<6272x32xf32, #tpu.memory_space<vmem_shared>> -> memref<392x32xf32, #tpu.memory_space<vmem_shared>>
      tpu.enqueue_dma source(%dma_start3A_25 : memref<392x32xf32, #tpu.memory_space<vmem_shared>>) target(%dma_start3A_23 : memref<392x32xf32, #tpu.memory_space<hbm>>) target_semaphore(%run_scoped3A : memref<!tpu.dma_semaphore, #tpu.memory_space<semaphore_mem>>)
      %dma_wait3A = arith.constant 0 : i32
      %dma_wait3A_26 = tpu.memref_slice %arg6[%arg0, %mul3A_21, %dma_wait3A] : memref<2x6272x32xf32, #tpu.memory_space<hbm>> -> memref<1x392x32xf32, #tpu.memory_space<hbm>>
      %dma_wait3A_27 = tpu.memref_squeeze %dma_wait3A_26 : memref<1x392x32xf32, #tpu.memory_space<hbm>> -> memref<392x32xf32, #tpu.memory_space<hbm>>
      %dma_wait3A_28 = arith.constant 0 : i32
      %dma_wait3A_29 = tpu.memref_slice %arg10[%mul3A_19, %dma_wait3A_28] : memref<6272x32xf32, #tpu.memory_space<vmem_shared>> -> memref<392x32xf32, #tpu.memory_space<vmem_shared>>
      tpu.wait_dma2 semaphore(%run_scoped3A : memref<!tpu.dma_semaphore, #tpu.memory_space<semaphore_mem>>) src(%dma_wait3A_29 : memref<392x32xf32, #tpu.memory_space<vmem_shared>>) dst(%dma_wait3A_27 : memref<392x32xf32, #tpu.memory_space<hbm>>)
      tpu.yield
    }) : () -> ()
    return
  }
}

#map = affine_map<(d0, d1) -> (0, 0)>
#map1 = affine_map<(d0, d1) -> (0, 0, 0)>
module attributes {stable_mosaic.version = 14 : i64} {
  func.func @_edge_body(%arg0: i32, %arg1: i32, %arg2: memref<200704x32xf32, #tpu.memory_space<hbm>>, %arg3: memref<4x6400x128xi32, #tpu.memory_space<hbm>>, %arg4: memref<6400x128xi32, #tpu.memory_space<hbm>>, %arg5: memref<3136x32xf32, #tpu.memory_space<hbm>>, %arg6: memref<4x50176x32xf32, #tpu.memory_space<hbm>>, %arg7: memref<4x128xi32, #tpu.memory_space<vmem>>, %arg8: memref<4x128xi32, #tpu.memory_space<vmem>>, %arg9: memref<512x32xf32, #tpu.memory_space<vmem>>, %arg10: memref<50176x32xf32, #tpu.memory_space<vmem_shared>>, %arg11: memref<!tpu.dma_semaphore, #tpu.memory_space<semaphore_mem>>) attributes {dimension_semantics = [#tpu.dimension_semantics<core_parallel>, #tpu.dimension_semantics<subcore_parallel>], iteration_bounds = array<i64: 2, 16>, scalar_prefetch = 0 : i64, scratch_operands = 5 : i64, tpu.core_type = #tpu.core_type<sc_vector_subcore>, window_params = [{transform_indices = #map}, {transform_indices = #map1}, {transform_indices = #map}, {transform_indices = #map}, {transform_indices = #map1}]} {
    %mul3A = arith.constant 2 : i32
    %mul3A_0 = arith.muli %arg0, %mul3A : i32
    %add3A = arith.constant 0 : i32
    %add3A_1 = arith.addi %mul3A_0, %add3A : i32
    %mul3A_2 = arith.constant 3136 : i32
    %mul3A_3 = arith.muli %arg1, %mul3A_2 : i32
    "tpu.region"() ({
      %run_scoped3A = tpu.sem_alloc : memref<!tpu.dma_semaphore, #tpu.memory_space<semaphore_mem>>
      %dma_start3A = arith.constant 0 : i32
      %dma_start3A_34 = tpu.memref_slice %arg10[%mul3A_3, %dma_start3A] : memref<50176x32xf32, #tpu.memory_space<vmem_shared>> -> memref<3136x32xf32, #tpu.memory_space<vmem_shared>>
      tpu.enqueue_dma source(%arg5 : memref<3136x32xf32, #tpu.memory_space<hbm>>) target(%dma_start3A_34 : memref<3136x32xf32, #tpu.memory_space<vmem_shared>>) target_semaphore(%run_scoped3A : memref<!tpu.dma_semaphore, #tpu.memory_space<semaphore_mem>>)
      %dma_wait3A = arith.constant 0 : i32
      %dma_wait3A_35 = tpu.memref_slice %arg10[%mul3A_3, %dma_wait3A] : memref<50176x32xf32, #tpu.memory_space<vmem_shared>> -> memref<3136x32xf32, #tpu.memory_space<vmem_shared>>
      tpu.wait_dma2 semaphore(%run_scoped3A : memref<!tpu.dma_semaphore, #tpu.memory_space<semaphore_mem>>) src(%arg5 : memref<3136x32xf32, #tpu.memory_space<hbm>>) dst(%dma_wait3A_35 : memref<3136x32xf32, #tpu.memory_space<vmem_shared>>)
      tpu.yield
    }) : () -> ()
    %barrier3A = arith.constant 0 : index
    tpu.barrier barrier_id(%barrier3A)
    %scan3A = arith.constant 0 : i32
    %scan3A_4 = arith.constant 0 : i32
    %scan3A_5 = arith.constant 100 : i32
    %scan3A_6 = arith.addi %scan3A_4, %scan3A_5 : i32
    %scan3A_7 = arith.constant 1 : i32
    scf.for %scan3A_34 = %scan3A_4 to %scan3A_6 step %scan3A_7  : i32 {
      %mul3A_35 = arith.constant 400 : i32
      %mul3A_36 = arith.muli %arg1, %mul3A_35 : i32
      %mul3A_37 = arith.constant 4 : i32
      %mul3A_38 = arith.muli %scan3A_34, %mul3A_37 : i32
      %add3A_39 = arith.addi %mul3A_36, %mul3A_38 : i32
      "tpu.region"() ({
        %run_scoped3A = tpu.sem_alloc : memref<!tpu.dma_semaphore, #tpu.memory_space<semaphore_mem>>
        %dma_start3A_198 = arith.constant 0 : i32
        %dma_start3A_199 = tpu.memref_slice %arg3[%add3A_1, %add3A_39, %dma_start3A_198] : memref<4x6400x128xi32, #tpu.memory_space<hbm>> -> memref<1x4x128xi32, #tpu.memory_space<hbm>>
        %dma_start3A_200 = tpu.memref_squeeze %dma_start3A_199 : memref<1x4x128xi32, #tpu.memory_space<hbm>> -> memref<4x128xi32, #tpu.memory_space<hbm>>
        %dma_start3A_201 = arith.constant 0 : i32
        %dma_start3A_202 = tpu.memref_slice %arg3[%add3A_1, %add3A_39, %dma_start3A_201] : memref<4x6400x128xi32, #tpu.memory_space<hbm>> -> memref<1x4x128xi32, #tpu.memory_space<hbm>>
        %dma_start3A_203 = tpu.memref_squeeze %dma_start3A_202 : memref<1x4x128xi32, #tpu.memory_space<hbm>> -> memref<4x128xi32, #tpu.memory_space<hbm>>
        tpu.enqueue_dma source(%dma_start3A_203 : memref<4x128xi32, #tpu.memory_space<hbm>>) target(%arg7 : memref<4x128xi32, #tpu.memory_space<vmem>>) target_semaphore(%run_scoped3A : memref<!tpu.dma_semaphore, #tpu.memory_space<semaphore_mem>>)
        %dma_wait3A_204 = arith.constant 0 : i32
        %dma_wait3A_205 = tpu.memref_slice %arg3[%add3A_1, %add3A_39, %dma_wait3A_204] : memref<4x6400x128xi32, #tpu.memory_space<hbm>> -> memref<1x4x128xi32, #tpu.memory_space<hbm>>
        %dma_wait3A_206 = tpu.memref_squeeze %dma_wait3A_205 : memref<1x4x128xi32, #tpu.memory_space<hbm>> -> memref<4x128xi32, #tpu.memory_space<hbm>>
        %dma_wait3A_207 = arith.constant 0 : i32
        %dma_wait3A_208 = tpu.memref_slice %arg3[%add3A_1, %add3A_39, %dma_wait3A_207] : memref<4x6400x128xi32, #tpu.memory_space<hbm>> -> memref<1x4x128xi32, #tpu.memory_space<hbm>>
        %dma_wait3A_209 = tpu.memref_squeeze %dma_wait3A_208 : memref<1x4x128xi32, #tpu.memory_space<hbm>> -> memref<4x128xi32, #tpu.memory_space<hbm>>
        tpu.wait_dma2 semaphore(%run_scoped3A : memref<!tpu.dma_semaphore, #tpu.memory_space<semaphore_mem>>) src(%dma_wait3A_209 : memref<4x128xi32, #tpu.memory_space<hbm>>) dst(%arg7 : memref<4x128xi32, #tpu.memory_space<vmem>>)
        tpu.yield
      }) : () -> ()
      "tpu.region"() ({
        %run_scoped3A = tpu.sem_alloc : memref<!tpu.dma_semaphore, #tpu.memory_space<semaphore_mem>>
        %dma_start3A_198 = arith.constant 0 : i32
        %dma_start3A_199 = tpu.memref_slice %arg4[%add3A_39, %dma_start3A_198] : memref<6400x128xi32, #tpu.memory_space<hbm>> -> memref<4x128xi32, #tpu.memory_space<hbm>>
        %dma_start3A_200 = arith.constant 0 : i32
        %dma_start3A_201 = tpu.memref_slice %arg4[%add3A_39, %dma_start3A_200] : memref<6400x128xi32, #tpu.memory_space<hbm>> -> memref<4x128xi32, #tpu.memory_space<hbm>>
        tpu.enqueue_dma source(%dma_start3A_201 : memref<4x128xi32, #tpu.memory_space<hbm>>) target(%arg8 : memref<4x128xi32, #tpu.memory_space<vmem>>) target_semaphore(%run_scoped3A : memref<!tpu.dma_semaphore, #tpu.memory_space<semaphore_mem>>)
        %dma_wait3A_202 = arith.constant 0 : i32
        %dma_wait3A_203 = tpu.memref_slice %arg4[%add3A_39, %dma_wait3A_202] : memref<6400x128xi32, #tpu.memory_space<hbm>> -> memref<4x128xi32, #tpu.memory_space<hbm>>
        %dma_wait3A_204 = arith.constant 0 : i32
        %dma_wait3A_205 = tpu.memref_slice %arg4[%add3A_39, %dma_wait3A_204] : memref<6400x128xi32, #tpu.memory_space<hbm>> -> memref<4x128xi32, #tpu.memory_space<hbm>>
        tpu.wait_dma2 semaphore(%run_scoped3A : memref<!tpu.dma_semaphore, #tpu.memory_space<semaphore_mem>>) src(%dma_wait3A_205 : memref<4x128xi32, #tpu.memory_space<hbm>>) dst(%arg8 : memref<4x128xi32, #tpu.memory_space<vmem>>)
        tpu.yield
      }) : () -> ()
      %dma_start3A = arith.constant 0 : i32
      %dma_start3A_40 = arith.constant 0 : i32
      %dma_start3A_41 = arith.constant 0 : i32
      %dma_start3A_42 = tpu.memref_slice %arg9[%dma_start3A_40, %dma_start3A_41] : memref<512x32xf32, #tpu.memory_space<vmem>> -> memref<128x32xf32, #tpu.memory_space<vmem>>
      %dma_start3A_43 = arith.constant 0 : i32
      %dma_start3A_44 = tpu.memref_slice %arg7[%dma_start3A, %dma_start3A_43] : memref<4x128xi32, #tpu.memory_space<vmem>> -> memref<1x128xi32, #tpu.memory_space<vmem>>
      %dma_start3A_45 = tpu.memref_squeeze %dma_start3A_44 : memref<1x128xi32, #tpu.memory_space<vmem>> -> memref<128xi32, #tpu.memory_space<vmem>>
      %dma_start3A_46 = arith.constant 0 : i32
      %dma_start3A_47 = arith.constant 0 : i32
      %dma_start3A_48 = tpu.memref_slice %arg2[%dma_start3A_46, %dma_start3A_47] : memref<200704x32xf32, #tpu.memory_space<hbm>> -> memref<200704x32xf32, #tpu.memory_space<hbm>>
      tpu.enqueue_indirect_dma source(%dma_start3A_48 : memref<200704x32xf32, #tpu.memory_space<hbm>>) target(%dma_start3A_42 : memref<128x32xf32, #tpu.memory_space<vmem>>) offsets(%dma_start3A_45 : memref<128xi32, #tpu.memory_space<vmem>>) semaphore(%arg11 : memref<!tpu.dma_semaphore, #tpu.memory_space<semaphore_mem>>)
      %dma_start3A_49 = arith.constant 1 : i32
      %dma_start3A_50 = arith.constant 128 : i32
      %dma_start3A_51 = arith.constant 0 : i32
      %dma_start3A_52 = tpu.memref_slice %arg9[%dma_start3A_50, %dma_start3A_51] : memref<512x32xf32, #tpu.memory_space<vmem>> -> memref<128x32xf32, #tpu.memory_space<vmem>>
      %dma_start3A_53 = arith.constant 0 : i32
      %dma_start3A_54 = tpu.memref_slice %arg7[%dma_start3A_49, %dma_start3A_53] : memref<4x128xi32, #tpu.memory_space<vmem>> -> memref<1x128xi32, #tpu.memory_space<vmem>>
      %dma_start3A_55 = tpu.memref_squeeze %dma_start3A_54 : memref<1x128xi32, #tpu.memory_space<vmem>> -> memref<128xi32, #tpu.memory_space<vmem>>
      %dma_start3A_56 = arith.constant 0 : i32
      %dma_start3A_57 = arith.constant 0 : i32
      %dma_start3A_58 = tpu.memref_slice %arg2[%dma_start3A_56, %dma_start3A_57] : memref<200704x32xf32, #tpu.memory_space<hbm>> -> memref<200704x32xf32, #tpu.memory_space<hbm>>
      tpu.enqueue_indirect_dma source(%dma_start3A_58 : memref<200704x32xf32, #tpu.memory_space<hbm>>) target(%dma_start3A_52 : memref<128x32xf32, #tpu.memory_space<vmem>>) offsets(%dma_start3A_55 : memref<128xi32, #tpu.memory_space<vmem>>) semaphore(%arg11 : memref<!tpu.dma_semaphore, #tpu.memory_space<semaphore_mem>>)
      %dma_start3A_59 = arith.constant 2 : i32
      %dma_start3A_60 = arith.constant 256 : i32
      %dma_start3A_61 = arith.constant 0 : i32
      %dma_start3A_62 = tpu.memref_slice %arg9[%dma_start3A_60, %dma_start3A_61] : memref<512x32xf32, #tpu.memory_space<vmem>> -> memref<128x32xf32, #tpu.memory_space<vmem>>
      %dma_start3A_63 = arith.constant 0 : i32
      %dma_start3A_64 = tpu.memref_slice %arg7[%dma_start3A_59, %dma_start3A_63] : memref<4x128xi32, #tpu.memory_space<vmem>> -> memref<1x128xi32, #tpu.memory_space<vmem>>
      %dma_start3A_65 = tpu.memref_squeeze %dma_start3A_64 : memref<1x128xi32, #tpu.memory_space<vmem>> -> memref<128xi32, #tpu.memory_space<vmem>>
      %dma_start3A_66 = arith.constant 0 : i32
      %dma_start3A_67 = arith.constant 0 : i32
      %dma_start3A_68 = tpu.memref_slice %arg2[%dma_start3A_66, %dma_start3A_67] : memref<200704x32xf32, #tpu.memory_space<hbm>> -> memref<200704x32xf32, #tpu.memory_space<hbm>>
      tpu.enqueue_indirect_dma source(%dma_start3A_68 : memref<200704x32xf32, #tpu.memory_space<hbm>>) target(%dma_start3A_62 : memref<128x32xf32, #tpu.memory_space<vmem>>) offsets(%dma_start3A_65 : memref<128xi32, #tpu.memory_space<vmem>>) semaphore(%arg11 : memref<!tpu.dma_semaphore, #tpu.memory_space<semaphore_mem>>)
      %dma_start3A_69 = arith.constant 3 : i32
      %dma_start3A_70 = arith.constant 384 : i32
      %dma_start3A_71 = arith.constant 0 : i32
      %dma_start3A_72 = tpu.memref_slice %arg9[%dma_start3A_70, %dma_start3A_71] : memref<512x32xf32, #tpu.memory_space<vmem>> -> memref<128x32xf32, #tpu.memory_space<vmem>>
      %dma_start3A_73 = arith.constant 0 : i32
      %dma_start3A_74 = tpu.memref_slice %arg7[%dma_start3A_69, %dma_start3A_73] : memref<4x128xi32, #tpu.memory_space<vmem>> -> memref<1x128xi32, #tpu.memory_space<vmem>>
      %dma_start3A_75 = tpu.memref_squeeze %dma_start3A_74 : memref<1x128xi32, #tpu.memory_space<vmem>> -> memref<128xi32, #tpu.memory_space<vmem>>
      %dma_start3A_76 = arith.constant 0 : i32
      %dma_start3A_77 = arith.constant 0 : i32
      %dma_start3A_78 = tpu.memref_slice %arg2[%dma_start3A_76, %dma_start3A_77] : memref<200704x32xf32, #tpu.memory_space<hbm>> -> memref<200704x32xf32, #tpu.memory_space<hbm>>
      tpu.enqueue_indirect_dma source(%dma_start3A_78 : memref<200704x32xf32, #tpu.memory_space<hbm>>) target(%dma_start3A_72 : memref<128x32xf32, #tpu.memory_space<vmem>>) offsets(%dma_start3A_75 : memref<128xi32, #tpu.memory_space<vmem>>) semaphore(%arg11 : memref<!tpu.dma_semaphore, #tpu.memory_space<semaphore_mem>>)
      %dma_wait3A = arith.constant 0 : i32
      %dma_wait3A_79 = arith.constant 0 : i32
      %dma_wait3A_80 = arith.constant 0 : i32
      %dma_wait3A_81 = tpu.memref_slice %arg9[%dma_wait3A_79, %dma_wait3A_80] : memref<512x32xf32, #tpu.memory_space<vmem>> -> memref<128x32xf32, #tpu.memory_space<vmem>>
      %dma_wait3A_82 = arith.constant 0 : i32
      %dma_wait3A_83 = tpu.memref_slice %arg7[%dma_wait3A, %dma_wait3A_82] : memref<4x128xi32, #tpu.memory_space<vmem>> -> memref<1x128xi32, #tpu.memory_space<vmem>>
      %dma_wait3A_84 = tpu.memref_squeeze %dma_wait3A_83 : memref<1x128xi32, #tpu.memory_space<vmem>> -> memref<128xi32, #tpu.memory_space<vmem>>
      %dma_wait3A_85 = arith.constant 0 : i32
      %dma_wait3A_86 = arith.constant 0 : i32
      %dma_wait3A_87 = tpu.memref_slice %arg2[%dma_wait3A_85, %dma_wait3A_86] : memref<200704x32xf32, #tpu.memory_space<hbm>> -> memref<200704x32xf32, #tpu.memory_space<hbm>>
      tpu.wait_indirect_dma semaphore(%arg11 : memref<!tpu.dma_semaphore, #tpu.memory_space<semaphore_mem>>) src(%dma_wait3A_87 : memref<200704x32xf32, #tpu.memory_space<hbm>>) dst(%dma_wait3A_81 : memref<128x32xf32, #tpu.memory_space<vmem>>)
      %dma_wait3A_88 = arith.constant 1 : i32
      %dma_wait3A_89 = arith.constant 128 : i32
      %dma_wait3A_90 = arith.constant 0 : i32
      %dma_wait3A_91 = tpu.memref_slice %arg9[%dma_wait3A_89, %dma_wait3A_90] : memref<512x32xf32, #tpu.memory_space<vmem>> -> memref<128x32xf32, #tpu.memory_space<vmem>>
      %dma_wait3A_92 = arith.constant 0 : i32
      %dma_wait3A_93 = tpu.memref_slice %arg7[%dma_wait3A_88, %dma_wait3A_92] : memref<4x128xi32, #tpu.memory_space<vmem>> -> memref<1x128xi32, #tpu.memory_space<vmem>>
      %dma_wait3A_94 = tpu.memref_squeeze %dma_wait3A_93 : memref<1x128xi32, #tpu.memory_space<vmem>> -> memref<128xi32, #tpu.memory_space<vmem>>
      %dma_wait3A_95 = arith.constant 0 : i32
      %dma_wait3A_96 = arith.constant 0 : i32
      %dma_wait3A_97 = tpu.memref_slice %arg2[%dma_wait3A_95, %dma_wait3A_96] : memref<200704x32xf32, #tpu.memory_space<hbm>> -> memref<200704x32xf32, #tpu.memory_space<hbm>>
      tpu.wait_indirect_dma semaphore(%arg11 : memref<!tpu.dma_semaphore, #tpu.memory_space<semaphore_mem>>) src(%dma_wait3A_97 : memref<200704x32xf32, #tpu.memory_space<hbm>>) dst(%dma_wait3A_91 : memref<128x32xf32, #tpu.memory_space<vmem>>)
      %dma_wait3A_98 = arith.constant 2 : i32
      %dma_wait3A_99 = arith.constant 256 : i32
      %dma_wait3A_100 = arith.constant 0 : i32
      %dma_wait3A_101 = tpu.memref_slice %arg9[%dma_wait3A_99, %dma_wait3A_100] : memref<512x32xf32, #tpu.memory_space<vmem>> -> memref<128x32xf32, #tpu.memory_space<vmem>>
      %dma_wait3A_102 = arith.constant 0 : i32
      %dma_wait3A_103 = tpu.memref_slice %arg7[%dma_wait3A_98, %dma_wait3A_102] : memref<4x128xi32, #tpu.memory_space<vmem>> -> memref<1x128xi32, #tpu.memory_space<vmem>>
      %dma_wait3A_104 = tpu.memref_squeeze %dma_wait3A_103 : memref<1x128xi32, #tpu.memory_space<vmem>> -> memref<128xi32, #tpu.memory_space<vmem>>
      %dma_wait3A_105 = arith.constant 0 : i32
      %dma_wait3A_106 = arith.constant 0 : i32
      %dma_wait3A_107 = tpu.memref_slice %arg2[%dma_wait3A_105, %dma_wait3A_106] : memref<200704x32xf32, #tpu.memory_space<hbm>> -> memref<200704x32xf32, #tpu.memory_space<hbm>>
      tpu.wait_indirect_dma semaphore(%arg11 : memref<!tpu.dma_semaphore, #tpu.memory_space<semaphore_mem>>) src(%dma_wait3A_107 : memref<200704x32xf32, #tpu.memory_space<hbm>>) dst(%dma_wait3A_101 : memref<128x32xf32, #tpu.memory_space<vmem>>)
      %dma_wait3A_108 = arith.constant 3 : i32
      %dma_wait3A_109 = arith.constant 384 : i32
      %dma_wait3A_110 = arith.constant 0 : i32
      %dma_wait3A_111 = tpu.memref_slice %arg9[%dma_wait3A_109, %dma_wait3A_110] : memref<512x32xf32, #tpu.memory_space<vmem>> -> memref<128x32xf32, #tpu.memory_space<vmem>>
      %dma_wait3A_112 = arith.constant 0 : i32
      %dma_wait3A_113 = tpu.memref_slice %arg7[%dma_wait3A_108, %dma_wait3A_112] : memref<4x128xi32, #tpu.memory_space<vmem>> -> memref<1x128xi32, #tpu.memory_space<vmem>>
      %dma_wait3A_114 = tpu.memref_squeeze %dma_wait3A_113 : memref<1x128xi32, #tpu.memory_space<vmem>> -> memref<128xi32, #tpu.memory_space<vmem>>
      %dma_wait3A_115 = arith.constant 0 : i32
      %dma_wait3A_116 = arith.constant 0 : i32
      %dma_wait3A_117 = tpu.memref_slice %arg2[%dma_wait3A_115, %dma_wait3A_116] : memref<200704x32xf32, #tpu.memory_space<hbm>> -> memref<200704x32xf32, #tpu.memory_space<hbm>>
      tpu.wait_indirect_dma semaphore(%arg11 : memref<!tpu.dma_semaphore, #tpu.memory_space<semaphore_mem>>) src(%dma_wait3A_117 : memref<200704x32xf32, #tpu.memory_space<hbm>>) dst(%dma_wait3A_111 : memref<128x32xf32, #tpu.memory_space<vmem>>)
      %dma_start3A_118 = arith.constant 0 : i32
      %dma_start3A_119 = arith.constant 0 : i32
      %dma_start3A_120 = arith.constant 0 : i32
      %dma_start3A_121 = tpu.memref_slice %arg9[%dma_start3A_119, %dma_start3A_120] : memref<512x32xf32, #tpu.memory_space<vmem>> -> memref<128x32xf32, #tpu.memory_space<vmem>>
      %dma_start3A_122 = arith.constant 0 : i32
      %dma_start3A_123 = tpu.memref_slice %arg8[%dma_start3A_118, %dma_start3A_122] : memref<4x128xi32, #tpu.memory_space<vmem>> -> memref<1x128xi32, #tpu.memory_space<vmem>>
      %dma_start3A_124 = tpu.memref_squeeze %dma_start3A_123 : memref<1x128xi32, #tpu.memory_space<vmem>> -> memref<128xi32, #tpu.memory_space<vmem>>
      %dma_start3A_125 = arith.constant 0 : i32
      %dma_start3A_126 = arith.constant 0 : i32
      %dma_start3A_127 = tpu.memref_slice %arg10[%dma_start3A_125, %dma_start3A_126] : memref<50176x32xf32, #tpu.memory_space<vmem_shared>> -> memref<50176x32xf32, #tpu.memory_space<vmem_shared>>
      tpu.enqueue_indirect_dma source(%dma_start3A_121 : memref<128x32xf32, #tpu.memory_space<vmem>>) target(%dma_start3A_127 : memref<50176x32xf32, #tpu.memory_space<vmem_shared>>) offsets(%dma_start3A_124 : memref<128xi32, #tpu.memory_space<vmem>>) semaphore(%arg11 : memref<!tpu.dma_semaphore, #tpu.memory_space<semaphore_mem>>) {add = true}
      %dma_start3A_128 = arith.constant 1 : i32
      %dma_start3A_129 = arith.constant 128 : i32
      %dma_start3A_130 = arith.constant 0 : i32
      %dma_start3A_131 = tpu.memref_slice %arg9[%dma_start3A_129, %dma_start3A_130] : memref<512x32xf32, #tpu.memory_space<vmem>> -> memref<128x32xf32, #tpu.memory_space<vmem>>
      %dma_start3A_132 = arith.constant 0 : i32
      %dma_start3A_133 = tpu.memref_slice %arg8[%dma_start3A_128, %dma_start3A_132] : memref<4x128xi32, #tpu.memory_space<vmem>> -> memref<1x128xi32, #tpu.memory_space<vmem>>
      %dma_start3A_134 = tpu.memref_squeeze %dma_start3A_133 : memref<1x128xi32, #tpu.memory_space<vmem>> -> memref<128xi32, #tpu.memory_space<vmem>>
      %dma_start3A_135 = arith.constant 0 : i32
      %dma_start3A_136 = arith.constant 0 : i32
      %dma_start3A_137 = tpu.memref_slice %arg10[%dma_start3A_135, %dma_start3A_136] : memref<50176x32xf32, #tpu.memory_space<vmem_shared>> -> memref<50176x32xf32, #tpu.memory_space<vmem_shared>>
      tpu.enqueue_indirect_dma source(%dma_start3A_131 : memref<128x32xf32, #tpu.memory_space<vmem>>) target(%dma_start3A_137 : memref<50176x32xf32, #tpu.memory_space<vmem_shared>>) offsets(%dma_start3A_134 : memref<128xi32, #tpu.memory_space<vmem>>) semaphore(%arg11 : memref<!tpu.dma_semaphore, #tpu.memory_space<semaphore_mem>>) {add = true}
      %dma_start3A_138 = arith.constant 2 : i32
      %dma_start3A_139 = arith.constant 256 : i32
      %dma_start3A_140 = arith.constant 0 : i32
      %dma_start3A_141 = tpu.memref_slice %arg9[%dma_start3A_139, %dma_start3A_140] : memref<512x32xf32, #tpu.memory_space<vmem>> -> memref<128x32xf32, #tpu.memory_space<vmem>>
      %dma_start3A_142 = arith.constant 0 : i32
      %dma_start3A_143 = tpu.memref_slice %arg8[%dma_start3A_138, %dma_start3A_142] : memref<4x128xi32, #tpu.memory_space<vmem>> -> memref<1x128xi32, #tpu.memory_space<vmem>>
      %dma_start3A_144 = tpu.memref_squeeze %dma_start3A_143 : memref<1x128xi32, #tpu.memory_space<vmem>> -> memref<128xi32, #tpu.memory_space<vmem>>
      %dma_start3A_145 = arith.constant 0 : i32
      %dma_start3A_146 = arith.constant 0 : i32
      %dma_start3A_147 = tpu.memref_slice %arg10[%dma_start3A_145, %dma_start3A_146] : memref<50176x32xf32, #tpu.memory_space<vmem_shared>> -> memref<50176x32xf32, #tpu.memory_space<vmem_shared>>
      tpu.enqueue_indirect_dma source(%dma_start3A_141 : memref<128x32xf32, #tpu.memory_space<vmem>>) target(%dma_start3A_147 : memref<50176x32xf32, #tpu.memory_space<vmem_shared>>) offsets(%dma_start3A_144 : memref<128xi32, #tpu.memory_space<vmem>>) semaphore(%arg11 : memref<!tpu.dma_semaphore, #tpu.memory_space<semaphore_mem>>) {add = true}
      %dma_start3A_148 = arith.constant 3 : i32
      %dma_start3A_149 = arith.constant 384 : i32
      %dma_start3A_150 = arith.constant 0 : i32
      %dma_start3A_151 = tpu.memref_slice %arg9[%dma_start3A_149, %dma_start3A_150] : memref<512x32xf32, #tpu.memory_space<vmem>> -> memref<128x32xf32, #tpu.memory_space<vmem>>
      %dma_start3A_152 = arith.constant 0 : i32
      %dma_start3A_153 = tpu.memref_slice %arg8[%dma_start3A_148, %dma_start3A_152] : memref<4x128xi32, #tpu.memory_space<vmem>> -> memref<1x128xi32, #tpu.memory_space<vmem>>
      %dma_start3A_154 = tpu.memref_squeeze %dma_start3A_153 : memref<1x128xi32, #tpu.memory_space<vmem>> -> memref<128xi32, #tpu.memory_space<vmem>>
      %dma_start3A_155 = arith.constant 0 : i32
      %dma_start3A_156 = arith.constant 0 : i32
      %dma_start3A_157 = tpu.memref_slice %arg10[%dma_start3A_155, %dma_start3A_156] : memref<50176x32xf32, #tpu.memory_space<vmem_shared>> -> memref<50176x32xf32, #tpu.memory_space<vmem_shared>>
      tpu.enqueue_indirect_dma source(%dma_start3A_151 : memref<128x32xf32, #tpu.memory_space<vmem>>) target(%dma_start3A_157 : memref<50176x32xf32, #tpu.memory_space<vmem_shared>>) offsets(%dma_start3A_154 : memref<128xi32, #tpu.memory_space<vmem>>) semaphore(%arg11 : memref<!tpu.dma_semaphore, #tpu.memory_space<semaphore_mem>>) {add = true}
      %dma_wait3A_158 = arith.constant 0 : i32
      %dma_wait3A_159 = arith.constant 0 : i32
      %dma_wait3A_160 = arith.constant 0 : i32
      %dma_wait3A_161 = tpu.memref_slice %arg9[%dma_wait3A_159, %dma_wait3A_160] : memref<512x32xf32, #tpu.memory_space<vmem>> -> memref<128x32xf32, #tpu.memory_space<vmem>>
      %dma_wait3A_162 = arith.constant 0 : i32
      %dma_wait3A_163 = tpu.memref_slice %arg8[%dma_wait3A_158, %dma_wait3A_162] : memref<4x128xi32, #tpu.memory_space<vmem>> -> memref<1x128xi32, #tpu.memory_space<vmem>>
      %dma_wait3A_164 = tpu.memref_squeeze %dma_wait3A_163 : memref<1x128xi32, #tpu.memory_space<vmem>> -> memref<128xi32, #tpu.memory_space<vmem>>
      %dma_wait3A_165 = arith.constant 0 : i32
      %dma_wait3A_166 = arith.constant 0 : i32
      %dma_wait3A_167 = tpu.memref_slice %arg10[%dma_wait3A_165, %dma_wait3A_166] : memref<50176x32xf32, #tpu.memory_space<vmem_shared>> -> memref<50176x32xf32, #tpu.memory_space<vmem_shared>>
      tpu.wait_indirect_dma semaphore(%arg11 : memref<!tpu.dma_semaphore, #tpu.memory_space<semaphore_mem>>) src(%dma_wait3A_161 : memref<128x32xf32, #tpu.memory_space<vmem>>) dst(%dma_wait3A_167 : memref<50176x32xf32, #tpu.memory_space<vmem_shared>>)
      %dma_wait3A_168 = arith.constant 1 : i32
      %dma_wait3A_169 = arith.constant 128 : i32
      %dma_wait3A_170 = arith.constant 0 : i32
      %dma_wait3A_171 = tpu.memref_slice %arg9[%dma_wait3A_169, %dma_wait3A_170] : memref<512x32xf32, #tpu.memory_space<vmem>> -> memref<128x32xf32, #tpu.memory_space<vmem>>
      %dma_wait3A_172 = arith.constant 0 : i32
      %dma_wait3A_173 = tpu.memref_slice %arg8[%dma_wait3A_168, %dma_wait3A_172] : memref<4x128xi32, #tpu.memory_space<vmem>> -> memref<1x128xi32, #tpu.memory_space<vmem>>
      %dma_wait3A_174 = tpu.memref_squeeze %dma_wait3A_173 : memref<1x128xi32, #tpu.memory_space<vmem>> -> memref<128xi32, #tpu.memory_space<vmem>>
      %dma_wait3A_175 = arith.constant 0 : i32
      %dma_wait3A_176 = arith.constant 0 : i32
      %dma_wait3A_177 = tpu.memref_slice %arg10[%dma_wait3A_175, %dma_wait3A_176] : memref<50176x32xf32, #tpu.memory_space<vmem_shared>> -> memref<50176x32xf32, #tpu.memory_space<vmem_shared>>
      tpu.wait_indirect_dma semaphore(%arg11 : memref<!tpu.dma_semaphore, #tpu.memory_space<semaphore_mem>>) src(%dma_wait3A_171 : memref<128x32xf32, #tpu.memory_space<vmem>>) dst(%dma_wait3A_177 : memref<50176x32xf32, #tpu.memory_space<vmem_shared>>)
      %dma_wait3A_178 = arith.constant 2 : i32
      %dma_wait3A_179 = arith.constant 256 : i32
      %dma_wait3A_180 = arith.constant 0 : i32
      %dma_wait3A_181 = tpu.memref_slice %arg9[%dma_wait3A_179, %dma_wait3A_180] : memref<512x32xf32, #tpu.memory_space<vmem>> -> memref<128x32xf32, #tpu.memory_space<vmem>>
      %dma_wait3A_182 = arith.constant 0 : i32
      %dma_wait3A_183 = tpu.memref_slice %arg8[%dma_wait3A_178, %dma_wait3A_182] : memref<4x128xi32, #tpu.memory_space<vmem>> -> memref<1x128xi32, #tpu.memory_space<vmem>>
      %dma_wait3A_184 = tpu.memref_squeeze %dma_wait3A_183 : memref<1x128xi32, #tpu.memory_space<vmem>> -> memref<128xi32, #tpu.memory_space<vmem>>
      %dma_wait3A_185 = arith.constant 0 : i32
      %dma_wait3A_186 = arith.constant 0 : i32
      %dma_wait3A_187 = tpu.memref_slice %arg10[%dma_wait3A_185, %dma_wait3A_186] : memref<50176x32xf32, #tpu.memory_space<vmem_shared>> -> memref<50176x32xf32, #tpu.memory_space<vmem_shared>>
      tpu.wait_indirect_dma semaphore(%arg11 : memref<!tpu.dma_semaphore, #tpu.memory_space<semaphore_mem>>) src(%dma_wait3A_181 : memref<128x32xf32, #tpu.memory_space<vmem>>) dst(%dma_wait3A_187 : memref<50176x32xf32, #tpu.memory_space<vmem_shared>>)
      %dma_wait3A_188 = arith.constant 3 : i32
      %dma_wait3A_189 = arith.constant 384 : i32
      %dma_wait3A_190 = arith.constant 0 : i32
      %dma_wait3A_191 = tpu.memref_slice %arg9[%dma_wait3A_189, %dma_wait3A_190] : memref<512x32xf32, #tpu.memory_space<vmem>> -> memref<128x32xf32, #tpu.memory_space<vmem>>
      %dma_wait3A_192 = arith.constant 0 : i32
      %dma_wait3A_193 = tpu.memref_slice %arg8[%dma_wait3A_188, %dma_wait3A_192] : memref<4x128xi32, #tpu.memory_space<vmem>> -> memref<1x128xi32, #tpu.memory_space<vmem>>
      %dma_wait3A_194 = tpu.memref_squeeze %dma_wait3A_193 : memref<1x128xi32, #tpu.memory_space<vmem>> -> memref<128xi32, #tpu.memory_space<vmem>>
      %dma_wait3A_195 = arith.constant 0 : i32
      %dma_wait3A_196 = arith.constant 0 : i32
      %dma_wait3A_197 = tpu.memref_slice %arg10[%dma_wait3A_195, %dma_wait3A_196] : memref<50176x32xf32, #tpu.memory_space<vmem_shared>> -> memref<50176x32xf32, #tpu.memory_space<vmem_shared>>
      tpu.wait_indirect_dma semaphore(%arg11 : memref<!tpu.dma_semaphore, #tpu.memory_space<semaphore_mem>>) src(%dma_wait3A_191 : memref<128x32xf32, #tpu.memory_space<vmem>>) dst(%dma_wait3A_197 : memref<50176x32xf32, #tpu.memory_space<vmem_shared>>)
    }
    %scan3A_8 = arith.constant 100 : i32
    %barrier3A_9 = arith.constant 0 : index
    tpu.barrier barrier_id(%barrier3A_9)
    %mul3A_10 = arith.constant 3136 : i32
    %mul3A_11 = arith.muli %arg1, %mul3A_10 : i32
    %mul3A_12 = arith.constant 3136 : i32
    %mul3A_13 = arith.muli %arg1, %mul3A_12 : i32
    "tpu.region"() ({
      %run_scoped3A = tpu.sem_alloc : memref<!tpu.dma_semaphore, #tpu.memory_space<semaphore_mem>>
      %dma_start3A = arith.constant 0 : i32
      %dma_start3A_34 = tpu.memref_slice %arg6[%add3A_1, %mul3A_13, %dma_start3A] : memref<4x50176x32xf32, #tpu.memory_space<hbm>> -> memref<1x3136x32xf32, #tpu.memory_space<hbm>>
      %dma_start3A_35 = tpu.memref_squeeze %dma_start3A_34 : memref<1x3136x32xf32, #tpu.memory_space<hbm>> -> memref<3136x32xf32, #tpu.memory_space<hbm>>
      %dma_start3A_36 = arith.constant 0 : i32
      %dma_start3A_37 = tpu.memref_slice %arg10[%mul3A_11, %dma_start3A_36] : memref<50176x32xf32, #tpu.memory_space<vmem_shared>> -> memref<3136x32xf32, #tpu.memory_space<vmem_shared>>
      tpu.enqueue_dma source(%dma_start3A_37 : memref<3136x32xf32, #tpu.memory_space<vmem_shared>>) target(%dma_start3A_35 : memref<3136x32xf32, #tpu.memory_space<hbm>>) target_semaphore(%run_scoped3A : memref<!tpu.dma_semaphore, #tpu.memory_space<semaphore_mem>>)
      %dma_wait3A = arith.constant 0 : i32
      %dma_wait3A_38 = tpu.memref_slice %arg6[%add3A_1, %mul3A_13, %dma_wait3A] : memref<4x50176x32xf32, #tpu.memory_space<hbm>> -> memref<1x3136x32xf32, #tpu.memory_space<hbm>>
      %dma_wait3A_39 = tpu.memref_squeeze %dma_wait3A_38 : memref<1x3136x32xf32, #tpu.memory_space<hbm>> -> memref<3136x32xf32, #tpu.memory_space<hbm>>
      %dma_wait3A_40 = arith.constant 0 : i32
      %dma_wait3A_41 = tpu.memref_slice %arg10[%mul3A_11, %dma_wait3A_40] : memref<50176x32xf32, #tpu.memory_space<vmem_shared>> -> memref<3136x32xf32, #tpu.memory_space<vmem_shared>>
      tpu.wait_dma2 semaphore(%run_scoped3A : memref<!tpu.dma_semaphore, #tpu.memory_space<semaphore_mem>>) src(%dma_wait3A_41 : memref<3136x32xf32, #tpu.memory_space<vmem_shared>>) dst(%dma_wait3A_39 : memref<3136x32xf32, #tpu.memory_space<hbm>>)
      tpu.yield
    }) : () -> ()
    %barrier3A_14 = arith.constant 0 : index
    tpu.barrier barrier_id(%barrier3A_14)
    %mul3A_15 = arith.constant 2 : i32
    %mul3A_16 = arith.muli %arg0, %mul3A_15 : i32
    %add3A_17 = arith.constant 1 : i32
    %add3A_18 = arith.addi %mul3A_16, %add3A_17 : i32
    %mul3A_19 = arith.constant 3136 : i32
    %mul3A_20 = arith.muli %arg1, %mul3A_19 : i32
    "tpu.region"() ({
      %run_scoped3A = tpu.sem_alloc : memref<!tpu.dma_semaphore, #tpu.memory_space<semaphore_mem>>
      %dma_start3A = arith.constant 0 : i32
      %dma_start3A_34 = tpu.memref_slice %arg10[%mul3A_20, %dma_start3A] : memref<50176x32xf32, #tpu.memory_space<vmem_shared>> -> memref<3136x32xf32, #tpu.memory_space<vmem_shared>>
      tpu.enqueue_dma source(%arg5 : memref<3136x32xf32, #tpu.memory_space<hbm>>) target(%dma_start3A_34 : memref<3136x32xf32, #tpu.memory_space<vmem_shared>>) target_semaphore(%run_scoped3A : memref<!tpu.dma_semaphore, #tpu.memory_space<semaphore_mem>>)
      %dma_wait3A = arith.constant 0 : i32
      %dma_wait3A_35 = tpu.memref_slice %arg10[%mul3A_20, %dma_wait3A] : memref<50176x32xf32, #tpu.memory_space<vmem_shared>> -> memref<3136x32xf32, #tpu.memory_space<vmem_shared>>
      tpu.wait_dma2 semaphore(%run_scoped3A : memref<!tpu.dma_semaphore, #tpu.memory_space<semaphore_mem>>) src(%arg5 : memref<3136x32xf32, #tpu.memory_space<hbm>>) dst(%dma_wait3A_35 : memref<3136x32xf32, #tpu.memory_space<vmem_shared>>)
      tpu.yield
    }) : () -> ()
    %barrier3A_21 = arith.constant 0 : index
    tpu.barrier barrier_id(%barrier3A_21)
    %scan3A_22 = arith.constant 0 : i32
    %scan3A_23 = arith.constant 0 : i32
    %scan3A_24 = arith.constant 100 : i32
    %scan3A_25 = arith.addi %scan3A_23, %scan3A_24 : i32
    %scan3A_26 = arith.constant 1 : i32
    scf.for %scan3A_34 = %scan3A_23 to %scan3A_25 step %scan3A_26  : i32 {
      %mul3A_35 = arith.constant 400 : i32
      %mul3A_36 = arith.muli %arg1, %mul3A_35 : i32
      %mul3A_37 = arith.constant 4 : i32
      %mul3A_38 = arith.muli %scan3A_34, %mul3A_37 : i32
      %add3A_39 = arith.addi %mul3A_36, %mul3A_38 : i32
      "tpu.region"() ({
        %run_scoped3A = tpu.sem_alloc : memref<!tpu.dma_semaphore, #tpu.memory_space<semaphore_mem>>
        %dma_start3A_198 = arith.constant 0 : i32
        %dma_start3A_199 = tpu.memref_slice %arg3[%add3A_18, %add3A_39, %dma_start3A_198] : memref<4x6400x128xi32, #tpu.memory_space<hbm>> -> memref<1x4x128xi32, #tpu.memory_space<hbm>>
        %dma_start3A_200 = tpu.memref_squeeze %dma_start3A_199 : memref<1x4x128xi32, #tpu.memory_space<hbm>> -> memref<4x128xi32, #tpu.memory_space<hbm>>
        %dma_start3A_201 = arith.constant 0 : i32
        %dma_start3A_202 = tpu.memref_slice %arg3[%add3A_18, %add3A_39, %dma_start3A_201] : memref<4x6400x128xi32, #tpu.memory_space<hbm>> -> memref<1x4x128xi32, #tpu.memory_space<hbm>>
        %dma_start3A_203 = tpu.memref_squeeze %dma_start3A_202 : memref<1x4x128xi32, #tpu.memory_space<hbm>> -> memref<4x128xi32, #tpu.memory_space<hbm>>
        tpu.enqueue_dma source(%dma_start3A_203 : memref<4x128xi32, #tpu.memory_space<hbm>>) target(%arg7 : memref<4x128xi32, #tpu.memory_space<vmem>>) target_semaphore(%run_scoped3A : memref<!tpu.dma_semaphore, #tpu.memory_space<semaphore_mem>>)
        %dma_wait3A_204 = arith.constant 0 : i32
        %dma_wait3A_205 = tpu.memref_slice %arg3[%add3A_18, %add3A_39, %dma_wait3A_204] : memref<4x6400x128xi32, #tpu.memory_space<hbm>> -> memref<1x4x128xi32, #tpu.memory_space<hbm>>
        %dma_wait3A_206 = tpu.memref_squeeze %dma_wait3A_205 : memref<1x4x128xi32, #tpu.memory_space<hbm>> -> memref<4x128xi32, #tpu.memory_space<hbm>>
        %dma_wait3A_207 = arith.constant 0 : i32
        %dma_wait3A_208 = tpu.memref_slice %arg3[%add3A_18, %add3A_39, %dma_wait3A_207] : memref<4x6400x128xi32, #tpu.memory_space<hbm>> -> memref<1x4x128xi32, #tpu.memory_space<hbm>>
        %dma_wait3A_209 = tpu.memref_squeeze %dma_wait3A_208 : memref<1x4x128xi32, #tpu.memory_space<hbm>> -> memref<4x128xi32, #tpu.memory_space<hbm>>
        tpu.wait_dma2 semaphore(%run_scoped3A : memref<!tpu.dma_semaphore, #tpu.memory_space<semaphore_mem>>) src(%dma_wait3A_209 : memref<4x128xi32, #tpu.memory_space<hbm>>) dst(%arg7 : memref<4x128xi32, #tpu.memory_space<vmem>>)
        tpu.yield
      }) : () -> ()
      "tpu.region"() ({
        %run_scoped3A = tpu.sem_alloc : memref<!tpu.dma_semaphore, #tpu.memory_space<semaphore_mem>>
        %dma_start3A_198 = arith.constant 0 : i32
        %dma_start3A_199 = tpu.memref_slice %arg4[%add3A_39, %dma_start3A_198] : memref<6400x128xi32, #tpu.memory_space<hbm>> -> memref<4x128xi32, #tpu.memory_space<hbm>>
        %dma_start3A_200 = arith.constant 0 : i32
        %dma_start3A_201 = tpu.memref_slice %arg4[%add3A_39, %dma_start3A_200] : memref<6400x128xi32, #tpu.memory_space<hbm>> -> memref<4x128xi32, #tpu.memory_space<hbm>>
        tpu.enqueue_dma source(%dma_start3A_201 : memref<4x128xi32, #tpu.memory_space<hbm>>) target(%arg8 : memref<4x128xi32, #tpu.memory_space<vmem>>) target_semaphore(%run_scoped3A : memref<!tpu.dma_semaphore, #tpu.memory_space<semaphore_mem>>)
        %dma_wait3A_202 = arith.constant 0 : i32
        %dma_wait3A_203 = tpu.memref_slice %arg4[%add3A_39, %dma_wait3A_202] : memref<6400x128xi32, #tpu.memory_space<hbm>> -> memref<4x128xi32, #tpu.memory_space<hbm>>
        %dma_wait3A_204 = arith.constant 0 : i32
        %dma_wait3A_205 = tpu.memref_slice %arg4[%add3A_39, %dma_wait3A_204] : memref<6400x128xi32, #tpu.memory_space<hbm>> -> memref<4x128xi32, #tpu.memory_space<hbm>>
        tpu.wait_dma2 semaphore(%run_scoped3A : memref<!tpu.dma_semaphore, #tpu.memory_space<semaphore_mem>>) src(%dma_wait3A_205 : memref<4x128xi32, #tpu.memory_space<hbm>>) dst(%arg8 : memref<4x128xi32, #tpu.memory_space<vmem>>)
        tpu.yield
      }) : () -> ()
      %dma_start3A = arith.constant 0 : i32
      %dma_start3A_40 = arith.constant 0 : i32
      %dma_start3A_41 = arith.constant 0 : i32
      %dma_start3A_42 = tpu.memref_slice %arg9[%dma_start3A_40, %dma_start3A_41] : memref<512x32xf32, #tpu.memory_space<vmem>> -> memref<128x32xf32, #tpu.memory_space<vmem>>
      %dma_start3A_43 = arith.constant 0 : i32
      %dma_start3A_44 = tpu.memref_slice %arg7[%dma_start3A, %dma_start3A_43] : memref<4x128xi32, #tpu.memory_space<vmem>> -> memref<1x128xi32, #tpu.memory_space<vmem>>
      %dma_start3A_45 = tpu.memref_squeeze %dma_start3A_44 : memref<1x128xi32, #tpu.memory_space<vmem>> -> memref<128xi32, #tpu.memory_space<vmem>>
      %dma_start3A_46 = arith.constant 0 : i32
      %dma_start3A_47 = arith.constant 0 : i32
      %dma_start3A_48 = tpu.memref_slice %arg2[%dma_start3A_46, %dma_start3A_47] : memref<200704x32xf32, #tpu.memory_space<hbm>> -> memref<200704x32xf32, #tpu.memory_space<hbm>>
      tpu.enqueue_indirect_dma source(%dma_start3A_48 : memref<200704x32xf32, #tpu.memory_space<hbm>>) target(%dma_start3A_42 : memref<128x32xf32, #tpu.memory_space<vmem>>) offsets(%dma_start3A_45 : memref<128xi32, #tpu.memory_space<vmem>>) semaphore(%arg11 : memref<!tpu.dma_semaphore, #tpu.memory_space<semaphore_mem>>)
      %dma_start3A_49 = arith.constant 1 : i32
      %dma_start3A_50 = arith.constant 128 : i32
      %dma_start3A_51 = arith.constant 0 : i32
      %dma_start3A_52 = tpu.memref_slice %arg9[%dma_start3A_50, %dma_start3A_51] : memref<512x32xf32, #tpu.memory_space<vmem>> -> memref<128x32xf32, #tpu.memory_space<vmem>>
      %dma_start3A_53 = arith.constant 0 : i32
      %dma_start3A_54 = tpu.memref_slice %arg7[%dma_start3A_49, %dma_start3A_53] : memref<4x128xi32, #tpu.memory_space<vmem>> -> memref<1x128xi32, #tpu.memory_space<vmem>>
      %dma_start3A_55 = tpu.memref_squeeze %dma_start3A_54 : memref<1x128xi32, #tpu.memory_space<vmem>> -> memref<128xi32, #tpu.memory_space<vmem>>
      %dma_start3A_56 = arith.constant 0 : i32
      %dma_start3A_57 = arith.constant 0 : i32
      %dma_start3A_58 = tpu.memref_slice %arg2[%dma_start3A_56, %dma_start3A_57] : memref<200704x32xf32, #tpu.memory_space<hbm>> -> memref<200704x32xf32, #tpu.memory_space<hbm>>
      tpu.enqueue_indirect_dma source(%dma_start3A_58 : memref<200704x32xf32, #tpu.memory_space<hbm>>) target(%dma_start3A_52 : memref<128x32xf32, #tpu.memory_space<vmem>>) offsets(%dma_start3A_55 : memref<128xi32, #tpu.memory_space<vmem>>) semaphore(%arg11 : memref<!tpu.dma_semaphore, #tpu.memory_space<semaphore_mem>>)
      %dma_start3A_59 = arith.constant 2 : i32
      %dma_start3A_60 = arith.constant 256 : i32
      %dma_start3A_61 = arith.constant 0 : i32
      %dma_start3A_62 = tpu.memref_slice %arg9[%dma_start3A_60, %dma_start3A_61] : memref<512x32xf32, #tpu.memory_space<vmem>> -> memref<128x32xf32, #tpu.memory_space<vmem>>
      %dma_start3A_63 = arith.constant 0 : i32
      %dma_start3A_64 = tpu.memref_slice %arg7[%dma_start3A_59, %dma_start3A_63] : memref<4x128xi32, #tpu.memory_space<vmem>> -> memref<1x128xi32, #tpu.memory_space<vmem>>
      %dma_start3A_65 = tpu.memref_squeeze %dma_start3A_64 : memref<1x128xi32, #tpu.memory_space<vmem>> -> memref<128xi32, #tpu.memory_space<vmem>>
      %dma_start3A_66 = arith.constant 0 : i32
      %dma_start3A_67 = arith.constant 0 : i32
      %dma_start3A_68 = tpu.memref_slice %arg2[%dma_start3A_66, %dma_start3A_67] : memref<200704x32xf32, #tpu.memory_space<hbm>> -> memref<200704x32xf32, #tpu.memory_space<hbm>>
      tpu.enqueue_indirect_dma source(%dma_start3A_68 : memref<200704x32xf32, #tpu.memory_space<hbm>>) target(%dma_start3A_62 : memref<128x32xf32, #tpu.memory_space<vmem>>) offsets(%dma_start3A_65 : memref<128xi32, #tpu.memory_space<vmem>>) semaphore(%arg11 : memref<!tpu.dma_semaphore, #tpu.memory_space<semaphore_mem>>)
      %dma_start3A_69 = arith.constant 3 : i32
      %dma_start3A_70 = arith.constant 384 : i32
      %dma_start3A_71 = arith.constant 0 : i32
      %dma_start3A_72 = tpu.memref_slice %arg9[%dma_start3A_70, %dma_start3A_71] : memref<512x32xf32, #tpu.memory_space<vmem>> -> memref<128x32xf32, #tpu.memory_space<vmem>>
      %dma_start3A_73 = arith.constant 0 : i32
      %dma_start3A_74 = tpu.memref_slice %arg7[%dma_start3A_69, %dma_start3A_73] : memref<4x128xi32, #tpu.memory_space<vmem>> -> memref<1x128xi32, #tpu.memory_space<vmem>>
      %dma_start3A_75 = tpu.memref_squeeze %dma_start3A_74 : memref<1x128xi32, #tpu.memory_space<vmem>> -> memref<128xi32, #tpu.memory_space<vmem>>
      %dma_start3A_76 = arith.constant 0 : i32
      %dma_start3A_77 = arith.constant 0 : i32
      %dma_start3A_78 = tpu.memref_slice %arg2[%dma_start3A_76, %dma_start3A_77] : memref<200704x32xf32, #tpu.memory_space<hbm>> -> memref<200704x32xf32, #tpu.memory_space<hbm>>
      tpu.enqueue_indirect_dma source(%dma_start3A_78 : memref<200704x32xf32, #tpu.memory_space<hbm>>) target(%dma_start3A_72 : memref<128x32xf32, #tpu.memory_space<vmem>>) offsets(%dma_start3A_75 : memref<128xi32, #tpu.memory_space<vmem>>) semaphore(%arg11 : memref<!tpu.dma_semaphore, #tpu.memory_space<semaphore_mem>>)
      %dma_wait3A = arith.constant 0 : i32
      %dma_wait3A_79 = arith.constant 0 : i32
      %dma_wait3A_80 = arith.constant 0 : i32
      %dma_wait3A_81 = tpu.memref_slice %arg9[%dma_wait3A_79, %dma_wait3A_80] : memref<512x32xf32, #tpu.memory_space<vmem>> -> memref<128x32xf32, #tpu.memory_space<vmem>>
      %dma_wait3A_82 = arith.constant 0 : i32
      %dma_wait3A_83 = tpu.memref_slice %arg7[%dma_wait3A, %dma_wait3A_82] : memref<4x128xi32, #tpu.memory_space<vmem>> -> memref<1x128xi32, #tpu.memory_space<vmem>>
      %dma_wait3A_84 = tpu.memref_squeeze %dma_wait3A_83 : memref<1x128xi32, #tpu.memory_space<vmem>> -> memref<128xi32, #tpu.memory_space<vmem>>
      %dma_wait3A_85 = arith.constant 0 : i32
      %dma_wait3A_86 = arith.constant 0 : i32
      %dma_wait3A_87 = tpu.memref_slice %arg2[%dma_wait3A_85, %dma_wait3A_86] : memref<200704x32xf32, #tpu.memory_space<hbm>> -> memref<200704x32xf32, #tpu.memory_space<hbm>>
      tpu.wait_indirect_dma semaphore(%arg11 : memref<!tpu.dma_semaphore, #tpu.memory_space<semaphore_mem>>) src(%dma_wait3A_87 : memref<200704x32xf32, #tpu.memory_space<hbm>>) dst(%dma_wait3A_81 : memref<128x32xf32, #tpu.memory_space<vmem>>)
      %dma_wait3A_88 = arith.constant 1 : i32
      %dma_wait3A_89 = arith.constant 128 : i32
      %dma_wait3A_90 = arith.constant 0 : i32
      %dma_wait3A_91 = tpu.memref_slice %arg9[%dma_wait3A_89, %dma_wait3A_90] : memref<512x32xf32, #tpu.memory_space<vmem>> -> memref<128x32xf32, #tpu.memory_space<vmem>>
      %dma_wait3A_92 = arith.constant 0 : i32
      %dma_wait3A_93 = tpu.memref_slice %arg7[%dma_wait3A_88, %dma_wait3A_92] : memref<4x128xi32, #tpu.memory_space<vmem>> -> memref<1x128xi32, #tpu.memory_space<vmem>>
      %dma_wait3A_94 = tpu.memref_squeeze %dma_wait3A_93 : memref<1x128xi32, #tpu.memory_space<vmem>> -> memref<128xi32, #tpu.memory_space<vmem>>
      %dma_wait3A_95 = arith.constant 0 : i32
      %dma_wait3A_96 = arith.constant 0 : i32
      %dma_wait3A_97 = tpu.memref_slice %arg2[%dma_wait3A_95, %dma_wait3A_96] : memref<200704x32xf32, #tpu.memory_space<hbm>> -> memref<200704x32xf32, #tpu.memory_space<hbm>>
      tpu.wait_indirect_dma semaphore(%arg11 : memref<!tpu.dma_semaphore, #tpu.memory_space<semaphore_mem>>) src(%dma_wait3A_97 : memref<200704x32xf32, #tpu.memory_space<hbm>>) dst(%dma_wait3A_91 : memref<128x32xf32, #tpu.memory_space<vmem>>)
      %dma_wait3A_98 = arith.constant 2 : i32
      %dma_wait3A_99 = arith.constant 256 : i32
      %dma_wait3A_100 = arith.constant 0 : i32
      %dma_wait3A_101 = tpu.memref_slice %arg9[%dma_wait3A_99, %dma_wait3A_100] : memref<512x32xf32, #tpu.memory_space<vmem>> -> memref<128x32xf32, #tpu.memory_space<vmem>>
      %dma_wait3A_102 = arith.constant 0 : i32
      %dma_wait3A_103 = tpu.memref_slice %arg7[%dma_wait3A_98, %dma_wait3A_102] : memref<4x128xi32, #tpu.memory_space<vmem>> -> memref<1x128xi32, #tpu.memory_space<vmem>>
      %dma_wait3A_104 = tpu.memref_squeeze %dma_wait3A_103 : memref<1x128xi32, #tpu.memory_space<vmem>> -> memref<128xi32, #tpu.memory_space<vmem>>
      %dma_wait3A_105 = arith.constant 0 : i32
      %dma_wait3A_106 = arith.constant 0 : i32
      %dma_wait3A_107 = tpu.memref_slice %arg2[%dma_wait3A_105, %dma_wait3A_106] : memref<200704x32xf32, #tpu.memory_space<hbm>> -> memref<200704x32xf32, #tpu.memory_space<hbm>>
      tpu.wait_indirect_dma semaphore(%arg11 : memref<!tpu.dma_semaphore, #tpu.memory_space<semaphore_mem>>) src(%dma_wait3A_107 : memref<200704x32xf32, #tpu.memory_space<hbm>>) dst(%dma_wait3A_101 : memref<128x32xf32, #tpu.memory_space<vmem>>)
      %dma_wait3A_108 = arith.constant 3 : i32
      %dma_wait3A_109 = arith.constant 384 : i32
      %dma_wait3A_110 = arith.constant 0 : i32
      %dma_wait3A_111 = tpu.memref_slice %arg9[%dma_wait3A_109, %dma_wait3A_110] : memref<512x32xf32, #tpu.memory_space<vmem>> -> memref<128x32xf32, #tpu.memory_space<vmem>>
      %dma_wait3A_112 = arith.constant 0 : i32
      %dma_wait3A_113 = tpu.memref_slice %arg7[%dma_wait3A_108, %dma_wait3A_112] : memref<4x128xi32, #tpu.memory_space<vmem>> -> memref<1x128xi32, #tpu.memory_space<vmem>>
      %dma_wait3A_114 = tpu.memref_squeeze %dma_wait3A_113 : memref<1x128xi32, #tpu.memory_space<vmem>> -> memref<128xi32, #tpu.memory_space<vmem>>
      %dma_wait3A_115 = arith.constant 0 : i32
      %dma_wait3A_116 = arith.constant 0 : i32
      %dma_wait3A_117 = tpu.memref_slice %arg2[%dma_wait3A_115, %dma_wait3A_116] : memref<200704x32xf32, #tpu.memory_space<hbm>> -> memref<200704x32xf32, #tpu.memory_space<hbm>>
      tpu.wait_indirect_dma semaphore(%arg11 : memref<!tpu.dma_semaphore, #tpu.memory_space<semaphore_mem>>) src(%dma_wait3A_117 : memref<200704x32xf32, #tpu.memory_space<hbm>>) dst(%dma_wait3A_111 : memref<128x32xf32, #tpu.memory_space<vmem>>)
      %dma_start3A_118 = arith.constant 0 : i32
      %dma_start3A_119 = arith.constant 0 : i32
      %dma_start3A_120 = arith.constant 0 : i32
      %dma_start3A_121 = tpu.memref_slice %arg9[%dma_start3A_119, %dma_start3A_120] : memref<512x32xf32, #tpu.memory_space<vmem>> -> memref<128x32xf32, #tpu.memory_space<vmem>>
      %dma_start3A_122 = arith.constant 0 : i32
      %dma_start3A_123 = tpu.memref_slice %arg8[%dma_start3A_118, %dma_start3A_122] : memref<4x128xi32, #tpu.memory_space<vmem>> -> memref<1x128xi32, #tpu.memory_space<vmem>>
      %dma_start3A_124 = tpu.memref_squeeze %dma_start3A_123 : memref<1x128xi32, #tpu.memory_space<vmem>> -> memref<128xi32, #tpu.memory_space<vmem>>
      %dma_start3A_125 = arith.constant 0 : i32
      %dma_start3A_126 = arith.constant 0 : i32
      %dma_start3A_127 = tpu.memref_slice %arg10[%dma_start3A_125, %dma_start3A_126] : memref<50176x32xf32, #tpu.memory_space<vmem_shared>> -> memref<50176x32xf32, #tpu.memory_space<vmem_shared>>
      tpu.enqueue_indirect_dma source(%dma_start3A_121 : memref<128x32xf32, #tpu.memory_space<vmem>>) target(%dma_start3A_127 : memref<50176x32xf32, #tpu.memory_space<vmem_shared>>) offsets(%dma_start3A_124 : memref<128xi32, #tpu.memory_space<vmem>>) semaphore(%arg11 : memref<!tpu.dma_semaphore, #tpu.memory_space<semaphore_mem>>) {add = true}
      %dma_start3A_128 = arith.constant 1 : i32
      %dma_start3A_129 = arith.constant 128 : i32
      %dma_start3A_130 = arith.constant 0 : i32
      %dma_start3A_131 = tpu.memref_slice %arg9[%dma_start3A_129, %dma_start3A_130] : memref<512x32xf32, #tpu.memory_space<vmem>> -> memref<128x32xf32, #tpu.memory_space<vmem>>
      %dma_start3A_132 = arith.constant 0 : i32
      %dma_start3A_133 = tpu.memref_slice %arg8[%dma_start3A_128, %dma_start3A_132] : memref<4x128xi32, #tpu.memory_space<vmem>> -> memref<1x128xi32, #tpu.memory_space<vmem>>
      %dma_start3A_134 = tpu.memref_squeeze %dma_start3A_133 : memref<1x128xi32, #tpu.memory_space<vmem>> -> memref<128xi32, #tpu.memory_space<vmem>>
      %dma_start3A_135 = arith.constant 0 : i32
      %dma_start3A_136 = arith.constant 0 : i32
      %dma_start3A_137 = tpu.memref_slice %arg10[%dma_start3A_135, %dma_start3A_136] : memref<50176x32xf32, #tpu.memory_space<vmem_shared>> -> memref<50176x32xf32, #tpu.memory_space<vmem_shared>>
      tpu.enqueue_indirect_dma source(%dma_start3A_131 : memref<128x32xf32, #tpu.memory_space<vmem>>) target(%dma_start3A_137 : memref<50176x32xf32, #tpu.memory_space<vmem_shared>>) offsets(%dma_start3A_134 : memref<128xi32, #tpu.memory_space<vmem>>) semaphore(%arg11 : memref<!tpu.dma_semaphore, #tpu.memory_space<semaphore_mem>>) {add = true}
      %dma_start3A_138 = arith.constant 2 : i32
      %dma_start3A_139 = arith.constant 256 : i32
      %dma_start3A_140 = arith.constant 0 : i32
      %dma_start3A_141 = tpu.memref_slice %arg9[%dma_start3A_139, %dma_start3A_140] : memref<512x32xf32, #tpu.memory_space<vmem>> -> memref<128x32xf32, #tpu.memory_space<vmem>>
      %dma_start3A_142 = arith.constant 0 : i32
      %dma_start3A_143 = tpu.memref_slice %arg8[%dma_start3A_138, %dma_start3A_142] : memref<4x128xi32, #tpu.memory_space<vmem>> -> memref<1x128xi32, #tpu.memory_space<vmem>>
      %dma_start3A_144 = tpu.memref_squeeze %dma_start3A_143 : memref<1x128xi32, #tpu.memory_space<vmem>> -> memref<128xi32, #tpu.memory_space<vmem>>
      %dma_start3A_145 = arith.constant 0 : i32
      %dma_start3A_146 = arith.constant 0 : i32
      %dma_start3A_147 = tpu.memref_slice %arg10[%dma_start3A_145, %dma_start3A_146] : memref<50176x32xf32, #tpu.memory_space<vmem_shared>> -> memref<50176x32xf32, #tpu.memory_space<vmem_shared>>
      tpu.enqueue_indirect_dma source(%dma_start3A_141 : memref<128x32xf32, #tpu.memory_space<vmem>>) target(%dma_start3A_147 : memref<50176x32xf32, #tpu.memory_space<vmem_shared>>) offsets(%dma_start3A_144 : memref<128xi32, #tpu.memory_space<vmem>>) semaphore(%arg11 : memref<!tpu.dma_semaphore, #tpu.memory_space<semaphore_mem>>) {add = true}
      %dma_start3A_148 = arith.constant 3 : i32
      %dma_start3A_149 = arith.constant 384 : i32
      %dma_start3A_150 = arith.constant 0 : i32
      %dma_start3A_151 = tpu.memref_slice %arg9[%dma_start3A_149, %dma_start3A_150] : memref<512x32xf32, #tpu.memory_space<vmem>> -> memref<128x32xf32, #tpu.memory_space<vmem>>
      %dma_start3A_152 = arith.constant 0 : i32
      %dma_start3A_153 = tpu.memref_slice %arg8[%dma_start3A_148, %dma_start3A_152] : memref<4x128xi32, #tpu.memory_space<vmem>> -> memref<1x128xi32, #tpu.memory_space<vmem>>
      %dma_start3A_154 = tpu.memref_squeeze %dma_start3A_153 : memref<1x128xi32, #tpu.memory_space<vmem>> -> memref<128xi32, #tpu.memory_space<vmem>>
      %dma_start3A_155 = arith.constant 0 : i32
      %dma_start3A_156 = arith.constant 0 : i32
      %dma_start3A_157 = tpu.memref_slice %arg10[%dma_start3A_155, %dma_start3A_156] : memref<50176x32xf32, #tpu.memory_space<vmem_shared>> -> memref<50176x32xf32, #tpu.memory_space<vmem_shared>>
      tpu.enqueue_indirect_dma source(%dma_start3A_151 : memref<128x32xf32, #tpu.memory_space<vmem>>) target(%dma_start3A_157 : memref<50176x32xf32, #tpu.memory_space<vmem_shared>>) offsets(%dma_start3A_154 : memref<128xi32, #tpu.memory_space<vmem>>) semaphore(%arg11 : memref<!tpu.dma_semaphore, #tpu.memory_space<semaphore_mem>>) {add = true}
      %dma_wait3A_158 = arith.constant 0 : i32
      %dma_wait3A_159 = arith.constant 0 : i32
      %dma_wait3A_160 = arith.constant 0 : i32
      %dma_wait3A_161 = tpu.memref_slice %arg9[%dma_wait3A_159, %dma_wait3A_160] : memref<512x32xf32, #tpu.memory_space<vmem>> -> memref<128x32xf32, #tpu.memory_space<vmem>>
      %dma_wait3A_162 = arith.constant 0 : i32
      %dma_wait3A_163 = tpu.memref_slice %arg8[%dma_wait3A_158, %dma_wait3A_162] : memref<4x128xi32, #tpu.memory_space<vmem>> -> memref<1x128xi32, #tpu.memory_space<vmem>>
      %dma_wait3A_164 = tpu.memref_squeeze %dma_wait3A_163 : memref<1x128xi32, #tpu.memory_space<vmem>> -> memref<128xi32, #tpu.memory_space<vmem>>
      %dma_wait3A_165 = arith.constant 0 : i32
      %dma_wait3A_166 = arith.constant 0 : i32
      %dma_wait3A_167 = tpu.memref_slice %arg10[%dma_wait3A_165, %dma_wait3A_166] : memref<50176x32xf32, #tpu.memory_space<vmem_shared>> -> memref<50176x32xf32, #tpu.memory_space<vmem_shared>>
      tpu.wait_indirect_dma semaphore(%arg11 : memref<!tpu.dma_semaphore, #tpu.memory_space<semaphore_mem>>) src(%dma_wait3A_161 : memref<128x32xf32, #tpu.memory_space<vmem>>) dst(%dma_wait3A_167 : memref<50176x32xf32, #tpu.memory_space<vmem_shared>>)
      %dma_wait3A_168 = arith.constant 1 : i32
      %dma_wait3A_169 = arith.constant 128 : i32
      %dma_wait3A_170 = arith.constant 0 : i32
      %dma_wait3A_171 = tpu.memref_slice %arg9[%dma_wait3A_169, %dma_wait3A_170] : memref<512x32xf32, #tpu.memory_space<vmem>> -> memref<128x32xf32, #tpu.memory_space<vmem>>
      %dma_wait3A_172 = arith.constant 0 : i32
      %dma_wait3A_173 = tpu.memref_slice %arg8[%dma_wait3A_168, %dma_wait3A_172] : memref<4x128xi32, #tpu.memory_space<vmem>> -> memref<1x128xi32, #tpu.memory_space<vmem>>
      %dma_wait3A_174 = tpu.memref_squeeze %dma_wait3A_173 : memref<1x128xi32, #tpu.memory_space<vmem>> -> memref<128xi32, #tpu.memory_space<vmem>>
      %dma_wait3A_175 = arith.constant 0 : i32
      %dma_wait3A_176 = arith.constant 0 : i32
      %dma_wait3A_177 = tpu.memref_slice %arg10[%dma_wait3A_175, %dma_wait3A_176] : memref<50176x32xf32, #tpu.memory_space<vmem_shared>> -> memref<50176x32xf32, #tpu.memory_space<vmem_shared>>
      tpu.wait_indirect_dma semaphore(%arg11 : memref<!tpu.dma_semaphore, #tpu.memory_space<semaphore_mem>>) src(%dma_wait3A_171 : memref<128x32xf32, #tpu.memory_space<vmem>>) dst(%dma_wait3A_177 : memref<50176x32xf32, #tpu.memory_space<vmem_shared>>)
      %dma_wait3A_178 = arith.constant 2 : i32
      %dma_wait3A_179 = arith.constant 256 : i32
      %dma_wait3A_180 = arith.constant 0 : i32
      %dma_wait3A_181 = tpu.memref_slice %arg9[%dma_wait3A_179, %dma_wait3A_180] : memref<512x32xf32, #tpu.memory_space<vmem>> -> memref<128x32xf32, #tpu.memory_space<vmem>>
      %dma_wait3A_182 = arith.constant 0 : i32
      %dma_wait3A_183 = tpu.memref_slice %arg8[%dma_wait3A_178, %dma_wait3A_182] : memref<4x128xi32, #tpu.memory_space<vmem>> -> memref<1x128xi32, #tpu.memory_space<vmem>>
      %dma_wait3A_184 = tpu.memref_squeeze %dma_wait3A_183 : memref<1x128xi32, #tpu.memory_space<vmem>> -> memref<128xi32, #tpu.memory_space<vmem>>
      %dma_wait3A_185 = arith.constant 0 : i32
      %dma_wait3A_186 = arith.constant 0 : i32
      %dma_wait3A_187 = tpu.memref_slice %arg10[%dma_wait3A_185, %dma_wait3A_186] : memref<50176x32xf32, #tpu.memory_space<vmem_shared>> -> memref<50176x32xf32, #tpu.memory_space<vmem_shared>>
      tpu.wait_indirect_dma semaphore(%arg11 : memref<!tpu.dma_semaphore, #tpu.memory_space<semaphore_mem>>) src(%dma_wait3A_181 : memref<128x32xf32, #tpu.memory_space<vmem>>) dst(%dma_wait3A_187 : memref<50176x32xf32, #tpu.memory_space<vmem_shared>>)
      %dma_wait3A_188 = arith.constant 3 : i32
      %dma_wait3A_189 = arith.constant 384 : i32
      %dma_wait3A_190 = arith.constant 0 : i32
      %dma_wait3A_191 = tpu.memref_slice %arg9[%dma_wait3A_189, %dma_wait3A_190] : memref<512x32xf32, #tpu.memory_space<vmem>> -> memref<128x32xf32, #tpu.memory_space<vmem>>
      %dma_wait3A_192 = arith.constant 0 : i32
      %dma_wait3A_193 = tpu.memref_slice %arg8[%dma_wait3A_188, %dma_wait3A_192] : memref<4x128xi32, #tpu.memory_space<vmem>> -> memref<1x128xi32, #tpu.memory_space<vmem>>
      %dma_wait3A_194 = tpu.memref_squeeze %dma_wait3A_193 : memref<1x128xi32, #tpu.memory_space<vmem>> -> memref<128xi32, #tpu.memory_space<vmem>>
      %dma_wait3A_195 = arith.constant 0 : i32
      %dma_wait3A_196 = arith.constant 0 : i32
      %dma_wait3A_197 = tpu.memref_slice %arg10[%dma_wait3A_195, %dma_wait3A_196] : memref<50176x32xf32, #tpu.memory_space<vmem_shared>> -> memref<50176x32xf32, #tpu.memory_space<vmem_shared>>
      tpu.wait_indirect_dma semaphore(%arg11 : memref<!tpu.dma_semaphore, #tpu.memory_space<semaphore_mem>>) src(%dma_wait3A_191 : memref<128x32xf32, #tpu.memory_space<vmem>>) dst(%dma_wait3A_197 : memref<50176x32xf32, #tpu.memory_space<vmem_shared>>)
    }
    %scan3A_27 = arith.constant 100 : i32
    %barrier3A_28 = arith.constant 0 : index
    tpu.barrier barrier_id(%barrier3A_28)
    %mul3A_29 = arith.constant 3136 : i32
    %mul3A_30 = arith.muli %arg1, %mul3A_29 : i32
    %mul3A_31 = arith.constant 3136 : i32
    %mul3A_32 = arith.muli %arg1, %mul3A_31 : i32
    "tpu.region"() ({
      %run_scoped3A = tpu.sem_alloc : memref<!tpu.dma_semaphore, #tpu.memory_space<semaphore_mem>>
      %dma_start3A = arith.constant 0 : i32
      %dma_start3A_34 = tpu.memref_slice %arg6[%add3A_18, %mul3A_32, %dma_start3A] : memref<4x50176x32xf32, #tpu.memory_space<hbm>> -> memref<1x3136x32xf32, #tpu.memory_space<hbm>>
      %dma_start3A_35 = tpu.memref_squeeze %dma_start3A_34 : memref<1x3136x32xf32, #tpu.memory_space<hbm>> -> memref<3136x32xf32, #tpu.memory_space<hbm>>
      %dma_start3A_36 = arith.constant 0 : i32
      %dma_start3A_37 = tpu.memref_slice %arg10[%mul3A_30, %dma_start3A_36] : memref<50176x32xf32, #tpu.memory_space<vmem_shared>> -> memref<3136x32xf32, #tpu.memory_space<vmem_shared>>
      tpu.enqueue_dma source(%dma_start3A_37 : memref<3136x32xf32, #tpu.memory_space<vmem_shared>>) target(%dma_start3A_35 : memref<3136x32xf32, #tpu.memory_space<hbm>>) target_semaphore(%run_scoped3A : memref<!tpu.dma_semaphore, #tpu.memory_space<semaphore_mem>>)
      %dma_wait3A = arith.constant 0 : i32
      %dma_wait3A_38 = tpu.memref_slice %arg6[%add3A_18, %mul3A_32, %dma_wait3A] : memref<4x50176x32xf32, #tpu.memory_space<hbm>> -> memref<1x3136x32xf32, #tpu.memory_space<hbm>>
      %dma_wait3A_39 = tpu.memref_squeeze %dma_wait3A_38 : memref<1x3136x32xf32, #tpu.memory_space<hbm>> -> memref<3136x32xf32, #tpu.memory_space<hbm>>
      %dma_wait3A_40 = arith.constant 0 : i32
      %dma_wait3A_41 = tpu.memref_slice %arg10[%mul3A_30, %dma_wait3A_40] : memref<50176x32xf32, #tpu.memory_space<vmem_shared>> -> memref<3136x32xf32, #tpu.memory_space<vmem_shared>>
      tpu.wait_dma2 semaphore(%run_scoped3A : memref<!tpu.dma_semaphore, #tpu.memory_space<semaphore_mem>>) src(%dma_wait3A_41 : memref<3136x32xf32, #tpu.memory_space<vmem_shared>>) dst(%dma_wait3A_39 : memref<3136x32xf32, #tpu.memory_space<hbm>>)
      tpu.yield
    }) : () -> ()
    %barrier3A_33 = arith.constant 0 : index
    tpu.barrier barrier_id(%barrier3A_33)
    return
  }
}

module attributes {stable_mosaic.version = 14 : i64} {
  func.func @_fold_body(%arg0: memref<32x32xf32, #tpu.memory_space<vmem>>, %arg1: memref<1008x64xf32, #tpu.memory_space<vmem>>, %arg2: memref<768x64xf32, #tpu.memory_space<vmem>>, %arg3: memref<1x64xf32, #tpu.memory_space<vmem>>, %arg4: memref<160x128xf32, #tpu.memory_space<vmem>>, %arg5: memref<160x128xf32, #tpu.memory_space<vmem>>, %arg6: memref<64x128xf32, #tpu.memory_space<vmem>>, %arg7: memref<64x128xf32, #tpu.memory_space<vmem>>, %arg8: memref<32x128xf32, #tpu.memory_space<vmem>>, %arg9: memref<32x128xf32, #tpu.memory_space<vmem>>, %arg10: memref<1008x128xf32, #tpu.memory_space<vmem>>, %arg11: memref<1008x128xf32, #tpu.memory_space<vmem>>, %arg12: memref<768x128xf32, #tpu.memory_space<vmem>>, %arg13: memref<768x128xf32, #tpu.memory_space<vmem>>, %arg14: memref<768x128xf32, #tpu.memory_space<vmem>>, %arg15: memref<8x128xf32, #tpu.memory_space<vmem>>, %arg16: memref<8x128xf32, #tpu.memory_space<vmem>>, %arg17: memref<8x128xf32, #tpu.memory_space<vmem>>) attributes {dimension_semantics = [], scalar_prefetch = 0 : i64, scratch_operands = 0 : i64, tpu.core_type = #tpu.core_type<tc>} {
    %get3A = arith.constant 0 : index
    %get3A_0 = arith.constant 0 : index
    %get3A_1 = vector.load %arg0[%get3A, %get3A_0] : memref<32x32xf32, #tpu.memory_space<vmem>>, vector<32x32xf32>
    %get3A_2 = arith.constant 0 : index
    %get3A_3 = arith.constant 0 : index
    %get3A_4 = vector.load %arg4[%get3A_2, %get3A_3] : memref<160x128xf32, #tpu.memory_space<vmem>>, vector<32x128xf32>
    %dot_general3A = arith.constant dense<0.000000e+00> : vector<32x128xf32>
    %dot_general3A_5 = tpu.matmul %get3A_1, %get3A_4, %dot_general3A {dimension_numbers = #tpu.dot_dimension_numbers<[1], [0], [0], [1], [0, 0, 1, 1], [], []>, precision = #tpu.contract_precision<fp32>, transpose_lhs_hint = false} : vector<32x32xf32>, vector<32x128xf32>, vector<32x128xf32> -> vector<32x128xf32>
    %swap3A = arith.constant 0 : index
    %swap3A_6 = arith.constant 0 : index
    %swap3A_7 = vector.load %arg8[%swap3A, %swap3A_6] : memref<32x128xf32, #tpu.memory_space<vmem>>, vector<32x128xf32>
    tpu.vector_store %arg8[%swap3A, %swap3A_6], %dot_general3A_5 {strides = array<i32>} : memref<32x128xf32, #tpu.memory_space<vmem>>, vector<32x128xf32>,
    %get3A_8 = arith.constant 0 : index
    %get3A_9 = arith.constant 0 : index
    %get3A_10 = vector.load %arg0[%get3A_8, %get3A_9] : memref<32x32xf32, #tpu.memory_space<vmem>>, vector<32x32xf32>
    %get3A_11 = arith.constant 0 : index
    %get3A_12 = arith.constant 0 : index
    %get3A_13 = vector.load %arg5[%get3A_11, %get3A_12] : memref<160x128xf32, #tpu.memory_space<vmem>>, vector<32x128xf32>
    %dot_general3A_14 = arith.constant dense<0.000000e+00> : vector<32x128xf32>
    %dot_general3A_15 = tpu.matmul %get3A_10, %get3A_13, %dot_general3A_14 {dimension_numbers = #tpu.dot_dimension_numbers<[1], [0], [0], [1], [0, 0, 1, 1], [], []>, precision = #tpu.contract_precision<fp32>, transpose_lhs_hint = false} : vector<32x32xf32>, vector<32x128xf32>, vector<32x128xf32> -> vector<32x128xf32>
    %swap3A_16 = arith.constant 0 : index
    %swap3A_17 = arith.constant 0 : index
    %swap3A_18 = vector.load %arg9[%swap3A_16, %swap3A_17] : memref<32x128xf32, #tpu.memory_space<vmem>>, vector<32x128xf32>
    tpu.vector_store %arg9[%swap3A_16, %swap3A_17], %dot_general3A_15 {strides = array<i32>} : memref<32x128xf32, #tpu.memory_space<vmem>>, vector<32x128xf32>,
    %get3A_19 = arith.constant 0 : index
    %get3A_20 = arith.constant 0 : index
    %get3A_21 = vector.load %arg1[%get3A_19, %get3A_20] : memref<1008x64xf32, #tpu.memory_space<vmem>>, vector<1008x64xf32>
    %get3A_22 = arith.constant 32 : index
    %get3A_23 = arith.constant 0 : index
    %get3A_24 = vector.load %arg4[%get3A_22, %get3A_23] : memref<160x128xf32, #tpu.memory_space<vmem>>, vector<64x128xf32>
    %dot_general3A_25 = arith.constant dense<0.000000e+00> : vector<1008x128xf32>
    %dot_general3A_26 = tpu.matmul %get3A_21, %get3A_24, %dot_general3A_25 {dimension_numbers = #tpu.dot_dimension_numbers<[1], [0], [0], [1], [0, 0, 1, 1], [], []>, precision = #tpu.contract_precision<fp32>, transpose_lhs_hint = false} : vector<1008x64xf32>, vector<64x128xf32>, vector<1008x128xf32> -> vector<1008x128xf32>
    %swap3A_27 = arith.constant 0 : index
    %swap3A_28 = arith.constant 0 : index
    %swap3A_29 = vector.load %arg10[%swap3A_27, %swap3A_28] : memref<1008x128xf32, #tpu.memory_space<vmem>>, vector<1008x128xf32>
    tpu.vector_store %arg10[%swap3A_27, %swap3A_28], %dot_general3A_26 {strides = array<i32>} : memref<1008x128xf32, #tpu.memory_space<vmem>>, vector<1008x128xf32>,
    %get3A_30 = arith.constant 0 : index
    %get3A_31 = arith.constant 0 : index
    %get3A_32 = vector.load %arg1[%get3A_30, %get3A_31] : memref<1008x64xf32, #tpu.memory_space<vmem>>, vector<1008x64xf32>
    %get3A_33 = arith.constant 32 : index
    %get3A_34 = arith.constant 0 : index
    %get3A_35 = vector.load %arg5[%get3A_33, %get3A_34] : memref<160x128xf32, #tpu.memory_space<vmem>>, vector<64x128xf32>
    %dot_general3A_36 = arith.constant dense<0.000000e+00> : vector<1008x128xf32>
    %dot_general3A_37 = tpu.matmul %get3A_32, %get3A_35, %dot_general3A_36 {dimension_numbers = #tpu.dot_dimension_numbers<[1], [0], [0], [1], [0, 0, 1, 1], [], []>, precision = #tpu.contract_precision<fp32>, transpose_lhs_hint = false} : vector<1008x64xf32>, vector<64x128xf32>, vector<1008x128xf32> -> vector<1008x128xf32>
    %swap3A_38 = arith.constant 0 : index
    %swap3A_39 = arith.constant 0 : index
    %swap3A_40 = vector.load %arg11[%swap3A_38, %swap3A_39] : memref<1008x128xf32, #tpu.memory_space<vmem>>, vector<1008x128xf32>
    tpu.vector_store %arg11[%swap3A_38, %swap3A_39], %dot_general3A_37 {strides = array<i32>} : memref<1008x128xf32, #tpu.memory_space<vmem>>, vector<1008x128xf32>,
    %get3A_41 = arith.constant 96 : index
    %get3A_42 = arith.constant 0 : index
    %get3A_43 = vector.load %arg4[%get3A_41, %get3A_42] : memref<160x128xf32, #tpu.memory_space<vmem>>, vector<64x128xf32>
    %get3A_44 = arith.constant 0 : index
    %get3A_45 = arith.constant 0 : index
    %get3A_46 = vector.load %arg6[%get3A_44, %get3A_45] : memref<64x128xf32, #tpu.memory_space<vmem>>, vector<64x128xf32>
    %add3A = arith.addf %get3A_43, %get3A_46 : vector<64x128xf32>
    %get3A_47 = arith.constant 96 : index
    %get3A_48 = arith.constant 0 : index
    %get3A_49 = vector.load %arg5[%get3A_47, %get3A_48] : memref<160x128xf32, #tpu.memory_space<vmem>>, vector<64x128xf32>
    %get3A_50 = arith.constant 0 : index
    %get3A_51 = arith.constant 0 : index
    %get3A_52 = vector.load %arg7[%get3A_50, %get3A_51] : memref<64x128xf32, #tpu.memory_space<vmem>>, vector<64x128xf32>
    %get3A_53 = arith.constant 0 : index
    %get3A_54 = arith.constant 0 : index
    %get3A_55 = vector.load %arg2[%get3A_53, %get3A_54] : memref<768x64xf32, #tpu.memory_space<vmem>>, vector<768x64xf32>
    %dot_general3A_56 = arith.constant dense<0.000000e+00> : vector<768x128xf32>
    %dot_general3A_57 = tpu.matmul %get3A_55, %add3A, %dot_general3A_56 {dimension_numbers = #tpu.dot_dimension_numbers<[1], [0], [0], [1], [0, 0, 1, 1], [], []>, precision = #tpu.contract_precision<fp32>, transpose_lhs_hint = false} : vector<768x64xf32>, vector<64x128xf32>, vector<768x128xf32> -> vector<768x128xf32>
    %swap3A_58 = arith.constant 0 : index
    %swap3A_59 = arith.constant 0 : index
    %swap3A_60 = vector.load %arg12[%swap3A_58, %swap3A_59] : memref<768x128xf32, #tpu.memory_space<vmem>>, vector<768x128xf32>
    tpu.vector_store %arg12[%swap3A_58, %swap3A_59], %dot_general3A_57 {strides = array<i32>} : memref<768x128xf32, #tpu.memory_space<vmem>>, vector<768x128xf32>,
    %get3A_61 = arith.constant 0 : index
    %get3A_62 = arith.constant 0 : index
    %get3A_63 = vector.load %arg2[%get3A_61, %get3A_62] : memref<768x64xf32, #tpu.memory_space<vmem>>, vector<768x64xf32>
    %dot_general3A_64 = arith.constant dense<0.000000e+00> : vector<768x128xf32>
    %dot_general3A_65 = tpu.matmul %get3A_63, %get3A_49, %dot_general3A_64 {dimension_numbers = #tpu.dot_dimension_numbers<[1], [0], [0], [1], [0, 0, 1, 1], [], []>, precision = #tpu.contract_precision<fp32>, transpose_lhs_hint = false} : vector<768x64xf32>, vector<64x128xf32>, vector<768x128xf32> -> vector<768x128xf32>
    %swap3A_66 = arith.constant 0 : index
    %swap3A_67 = arith.constant 0 : index
    %swap3A_68 = vector.load %arg13[%swap3A_66, %swap3A_67] : memref<768x128xf32, #tpu.memory_space<vmem>>, vector<768x128xf32>
    tpu.vector_store %arg13[%swap3A_66, %swap3A_67], %dot_general3A_65 {strides = array<i32>} : memref<768x128xf32, #tpu.memory_space<vmem>>, vector<768x128xf32>,
    %get3A_69 = arith.constant 0 : index
    %get3A_70 = arith.constant 0 : index
    %get3A_71 = vector.load %arg2[%get3A_69, %get3A_70] : memref<768x64xf32, #tpu.memory_space<vmem>>, vector<768x64xf32>
    %dot_general3A_72 = arith.constant dense<0.000000e+00> : vector<768x128xf32>
    %dot_general3A_73 = tpu.matmul %get3A_71, %get3A_52, %dot_general3A_72 {dimension_numbers = #tpu.dot_dimension_numbers<[1], [0], [0], [1], [0, 0, 1, 1], [], []>, precision = #tpu.contract_precision<fp32>, transpose_lhs_hint = false} : vector<768x64xf32>, vector<64x128xf32>, vector<768x128xf32> -> vector<768x128xf32>
    %swap3A_74 = arith.constant 0 : index
    %swap3A_75 = arith.constant 0 : index
    %swap3A_76 = vector.load %arg14[%swap3A_74, %swap3A_75] : memref<768x128xf32, #tpu.memory_space<vmem>>, vector<768x128xf32>
    tpu.vector_store %arg14[%swap3A_74, %swap3A_75], %dot_general3A_73 {strides = array<i32>} : memref<768x128xf32, #tpu.memory_space<vmem>>, vector<768x128xf32>,
    %get3A_77 = arith.constant 0 : index
    %get3A_78 = arith.constant 0 : index
    %get3A_79 = vector.load %arg3[%get3A_77, %get3A_78] : memref<1x64xf32, #tpu.memory_space<vmem>>, vector<1x64xf32>
    %dot_general3A_80 = arith.constant dense<0.000000e+00> : vector<1x128xf32>
    %dot_general3A_81 = tpu.matmul %get3A_79, %add3A, %dot_general3A_80 {dimension_numbers = #tpu.dot_dimension_numbers<[1], [0], [0], [1], [0, 0, 1, 1], [], []>, precision = #tpu.contract_precision<fp32>, transpose_lhs_hint = false} : vector<1x64xf32>, vector<64x128xf32>, vector<1x128xf32> -> vector<1x128xf32>
    %broadcast_in_dim3A = vector.shape_cast %dot_general3A_81 : vector<1x128xf32> to vector<1x128xf32>
    %broadcast_in_dim3A_82 = vector.broadcast %broadcast_in_dim3A : vector<1x128xf32> to vector<8x128xf32>
    %swap3A_83 = arith.constant 0 : index
    %swap3A_84 = arith.constant 0 : index
    %swap3A_85 = vector.load %arg15[%swap3A_83, %swap3A_84] : memref<8x128xf32, #tpu.memory_space<vmem>>, vector<8x128xf32>
    tpu.vector_store %arg15[%swap3A_83, %swap3A_84], %broadcast_in_dim3A_82 {strides = array<i32>} : memref<8x128xf32, #tpu.memory_space<vmem>>, vector<8x128xf32>,
    %get3A_86 = arith.constant 0 : index
    %get3A_87 = arith.constant 0 : index
    %get3A_88 = vector.load %arg3[%get3A_86, %get3A_87] : memref<1x64xf32, #tpu.memory_space<vmem>>, vector<1x64xf32>
    %dot_general3A_89 = arith.constant dense<0.000000e+00> : vector<1x128xf32>
    %dot_general3A_90 = tpu.matmul %get3A_88, %get3A_49, %dot_general3A_89 {dimension_numbers = #tpu.dot_dimension_numbers<[1], [0], [0], [1], [0, 0, 1, 1], [], []>, precision = #tpu.contract_precision<fp32>, transpose_lhs_hint = false} : vector<1x64xf32>, vector<64x128xf32>, vector<1x128xf32> -> vector<1x128xf32>
    %broadcast_in_dim3A_91 = vector.shape_cast %dot_general3A_90 : vector<1x128xf32> to vector<1x128xf32>
    %broadcast_in_dim3A_92 = vector.broadcast %broadcast_in_dim3A_91 : vector<1x128xf32> to vector<8x128xf32>
    %swap3A_93 = arith.constant 0 : index
    %swap3A_94 = arith.constant 0 : index
    %swap3A_95 = vector.load %arg16[%swap3A_93, %swap3A_94] : memref<8x128xf32, #tpu.memory_space<vmem>>, vector<8x128xf32>
    tpu.vector_store %arg16[%swap3A_93, %swap3A_94], %broadcast_in_dim3A_92 {strides = array<i32>} : memref<8x128xf32, #tpu.memory_space<vmem>>, vector<8x128xf32>,
    %get3A_96 = arith.constant 0 : index
    %get3A_97 = arith.constant 0 : index
    %get3A_98 = vector.load %arg3[%get3A_96, %get3A_97] : memref<1x64xf32, #tpu.memory_space<vmem>>, vector<1x64xf32>
    %dot_general3A_99 = arith.constant dense<0.000000e+00> : vector<1x128xf32>
    %dot_general3A_100 = tpu.matmul %get3A_98, %get3A_52, %dot_general3A_99 {dimension_numbers = #tpu.dot_dimension_numbers<[1], [0], [0], [1], [0, 0, 1, 1], [], []>, precision = #tpu.contract_precision<fp32>, transpose_lhs_hint = false} : vector<1x64xf32>, vector<64x128xf32>, vector<1x128xf32> -> vector<1x128xf32>
    %broadcast_in_dim3A_101 = vector.shape_cast %dot_general3A_100 : vector<1x128xf32> to vector<1x128xf32>
    %broadcast_in_dim3A_102 = vector.broadcast %broadcast_in_dim3A_101 : vector<1x128xf32> to vector<8x128xf32>
    %swap3A_103 = arith.constant 0 : index
    %swap3A_104 = arith.constant 0 : index
    %swap3A_105 = vector.load %arg17[%swap3A_103, %swap3A_104] : memref<8x128xf32, #tpu.memory_space<vmem>>, vector<8x128xf32>
    tpu.vector_store %arg17[%swap3A_103, %swap3A_104], %broadcast_in_dim3A_102 {strides = array<i32>} : memref<8x128xf32, #tpu.memory_space<vmem>>, vector<8x128xf32>,
    return
  }
}

module attributes {stable_mosaic.version = 14 : i64} {
  func.func @_bank_body(%arg0: i32, %arg1: memref<128x768xf32, #tpu.memory_space<vmem>>, %arg2: memref<768x128xf32, #tpu.memory_space<vmem>>, %arg3: memref<768x128xf32, #tpu.memory_space<vmem>>, %arg4: memref<768x128xf32, #tpu.memory_space<vmem>>, %arg5: memref<8x128xf32, #tpu.memory_space<vmem>>, %arg6: memref<8x128xf32, #tpu.memory_space<vmem>>, %arg7: memref<8x128xf32, #tpu.memory_space<vmem>>, %arg8: memref<128x128xf32, #tpu.memory_space<vmem>>, %arg9: memref<128x128xf32, #tpu.memory_space<vmem>>, %arg10: memref<128x128xf32, #tpu.memory_space<vmem>>) attributes {dimension_semantics = [#tpu.dimension_semantics<arbitrary>], iteration_bounds = array<i64: 157>, scalar_prefetch = 0 : i64, scratch_operands = 0 : i64, tpu.core_type = #tpu.core_type<tc>, window_params = [{transform_indices = @transform_0, window_bounds = array<i64: 128, 768>}, {pipeline_mode = #tpu.pipeline_mode<synchronous>, transform_indices = @transform_1, window_bounds = array<i64: 768, 128>}, {pipeline_mode = #tpu.pipeline_mode<synchronous>, transform_indices = @transform_2, window_bounds = array<i64: 768, 128>}, {pipeline_mode = #tpu.pipeline_mode<synchronous>, transform_indices = @transform_3, window_bounds = array<i64: 768, 128>}, {pipeline_mode = #tpu.pipeline_mode<synchronous>, transform_indices = @transform_4, window_bounds = array<i64: 8, 128>}, {pipeline_mode = #tpu.pipeline_mode<synchronous>, transform_indices = @transform_5, window_bounds = array<i64: 8, 128>}, {pipeline_mode = #tpu.pipeline_mode<synchronous>, transform_indices = @transform_6, window_bounds = array<i64: 8, 128>}, {transform_indices = @transform_7, window_bounds = array<i64: 128, 128>}, {transform_indices = @transform_8, window_bounds = array<i64: 128, 128>}, {transform_indices = @transform_9, window_bounds = array<i64: 128, 128>}]} {
    %get3A = arith.constant 0 : index
    %get3A_0 = arith.constant 0 : index
    %get3A_1 = vector.load %arg1[%get3A, %get3A_0] : memref<128x768xf32, #tpu.memory_space<vmem>>, vector<128x768xf32>
    %get3A_2 = arith.constant 0 : index
    %get3A_3 = arith.constant 0 : index
    %get3A_4 = vector.load %arg2[%get3A_2, %get3A_3] : memref<768x128xf32, #tpu.memory_space<vmem>>, vector<768x128xf32>
    %dot_general3A = arith.constant dense<0.000000e+00> : vector<128x128xf32>
    %dot_general3A_5 = tpu.matmul %get3A_1, %get3A_4, %dot_general3A {dimension_numbers = #tpu.dot_dimension_numbers<[1], [0], [0], [1], [0, 0, 1, 1], [], []>, precision = #tpu.contract_precision<fp32>, transpose_lhs_hint = false} : vector<128x768xf32>, vector<768x128xf32>, vector<128x128xf32> -> vector<128x128xf32>
    %get3A_6 = arith.constant 0 : index
    %get3A_7 = arith.constant 0 : index
    %get3A_8 = vector.load %arg5[%get3A_6, %get3A_7] : memref<8x128xf32, #tpu.memory_space<vmem>>, vector<1x128xf32>
    %add3A = vector.broadcast %get3A_8 : vector<1x128xf32> to vector<128x128xf32>
    %add3A_9 = arith.addf %dot_general3A_5, %add3A : vector<128x128xf32>
    %swap3A = arith.constant 0 : index
    %swap3A_10 = arith.constant 0 : index
    %swap3A_11 = vector.load %arg8[%swap3A, %swap3A_10] : memref<128x128xf32, #tpu.memory_space<vmem>>, vector<128x128xf32>
    tpu.vector_store %arg8[%swap3A, %swap3A_10], %add3A_9 {strides = array<i32>} : memref<128x128xf32, #tpu.memory_space<vmem>>, vector<128x128xf32>,
    %get3A_12 = arith.constant 0 : index
    %get3A_13 = arith.constant 0 : index
    %get3A_14 = vector.load %arg3[%get3A_12, %get3A_13] : memref<768x128xf32, #tpu.memory_space<vmem>>, vector<768x128xf32>
    %dot_general3A_15 = arith.constant dense<0.000000e+00> : vector<128x128xf32>
    %dot_general3A_16 = tpu.matmul %get3A_1, %get3A_14, %dot_general3A_15 {dimension_numbers = #tpu.dot_dimension_numbers<[1], [0], [0], [1], [0, 0, 1, 1], [], []>, precision = #tpu.contract_precision<fp32>, transpose_lhs_hint = false} : vector<128x768xf32>, vector<768x128xf32>, vector<128x128xf32> -> vector<128x128xf32>
    %get3A_17 = arith.constant 0 : index
    %get3A_18 = arith.constant 0 : index
    %get3A_19 = vector.load %arg6[%get3A_17, %get3A_18] : memref<8x128xf32, #tpu.memory_space<vmem>>, vector<1x128xf32>
    %add3A_20 = vector.broadcast %get3A_19 : vector<1x128xf32> to vector<128x128xf32>
    %add3A_21 = arith.addf %dot_general3A_16, %add3A_20 : vector<128x128xf32>
    %swap3A_22 = arith.constant 0 : index
    %swap3A_23 = arith.constant 0 : index
    %swap3A_24 = vector.load %arg9[%swap3A_22, %swap3A_23] : memref<128x128xf32, #tpu.memory_space<vmem>>, vector<128x128xf32>
    tpu.vector_store %arg9[%swap3A_22, %swap3A_23], %add3A_21 {strides = array<i32>} : memref<128x128xf32, #tpu.memory_space<vmem>>, vector<128x128xf32>,
    %get3A_25 = arith.constant 0 : index
    %get3A_26 = arith.constant 0 : index
    %get3A_27 = vector.load %arg4[%get3A_25, %get3A_26] : memref<768x128xf32, #tpu.memory_space<vmem>>, vector<768x128xf32>
    %dot_general3A_28 = arith.constant dense<0.000000e+00> : vector<128x128xf32>
    %dot_general3A_29 = tpu.matmul %get3A_1, %get3A_27, %dot_general3A_28 {dimension_numbers = #tpu.dot_dimension_numbers<[1], [0], [0], [1], [0, 0, 1, 1], [], []>, precision = #tpu.contract_precision<fp32>, transpose_lhs_hint = false} : vector<128x768xf32>, vector<768x128xf32>, vector<128x128xf32> -> vector<128x128xf32>
    %get3A_30 = arith.constant 0 : index
    %get3A_31 = arith.constant 0 : index
    %get3A_32 = vector.load %arg7[%get3A_30, %get3A_31] : memref<8x128xf32, #tpu.memory_space<vmem>>, vector<1x128xf32>
    %add3A_33 = vector.broadcast %get3A_32 : vector<1x128xf32> to vector<128x128xf32>
    %add3A_34 = arith.addf %dot_general3A_29, %add3A_33 : vector<128x128xf32>
    %swap3A_35 = arith.constant 0 : index
    %swap3A_36 = arith.constant 0 : index
    %swap3A_37 = vector.load %arg10[%swap3A_35, %swap3A_36] : memref<128x128xf32, #tpu.memory_space<vmem>>, vector<128x128xf32>
    tpu.vector_store %arg10[%swap3A_35, %swap3A_36], %add3A_34 {strides = array<i32>} : memref<128x128xf32, #tpu.memory_space<vmem>>, vector<128x128xf32>,
    return
  }
  func.func @transform_0(%arg0: i32) -> (i32, i32) {
    %c0_i32 = arith.constant 0 : i32
    %c0_i32_0 = arith.constant 0 : i32
    return %arg0, %c0_i32 : i32, i32
  }
  func.func @transform_1(%arg0: i32) -> (i32, i32) {
    %c0_i32 = arith.constant 0 : i32
    %c0_i32_0 = arith.constant 0 : i32
    %c0_i32_1 = arith.constant 0 : i32
    return %c0_i32, %c0_i32_0 : i32, i32
  }
  func.func @transform_2(%arg0: i32) -> (i32, i32) {
    %c0_i32 = arith.constant 0 : i32
    %c0_i32_0 = arith.constant 0 : i32
    %c0_i32_1 = arith.constant 0 : i32
    return %c0_i32, %c0_i32_0 : i32, i32
  }
  func.func @transform_3(%arg0: i32) -> (i32, i32) {
    %c0_i32 = arith.constant 0 : i32
    %c0_i32_0 = arith.constant 0 : i32
    %c0_i32_1 = arith.constant 0 : i32
    return %c0_i32, %c0_i32_0 : i32, i32
  }
  func.func @transform_4(%arg0: i32) -> (i32, i32) {
    %c0_i32 = arith.constant 0 : i32
    %c0_i32_0 = arith.constant 0 : i32
    %c0_i32_1 = arith.constant 0 : i32
    return %c0_i32, %c0_i32_0 : i32, i32
  }
  func.func @transform_5(%arg0: i32) -> (i32, i32) {
    %c0_i32 = arith.constant 0 : i32
    %c0_i32_0 = arith.constant 0 : i32
    %c0_i32_1 = arith.constant 0 : i32
    return %c0_i32, %c0_i32_0 : i32, i32
  }
  func.func @transform_6(%arg0: i32) -> (i32, i32) {
    %c0_i32 = arith.constant 0 : i32
    %c0_i32_0 = arith.constant 0 : i32
    %c0_i32_1 = arith.constant 0 : i32
    return %c0_i32, %c0_i32_0 : i32, i32
  }
  func.func @transform_7(%arg0: i32) -> (i32, i32) {
    %c0_i32 = arith.constant 0 : i32
    %c0_i32_0 = arith.constant 0 : i32
    return %arg0, %c0_i32 : i32, i32
  }
  func.func @transform_8(%arg0: i32) -> (i32, i32) {
    %c0_i32 = arith.constant 0 : i32
    %c0_i32_0 = arith.constant 0 : i32
    return %arg0, %c0_i32 : i32, i32
  }
  func.func @transform_9(%arg0: i32) -> (i32, i32) {
    %c0_i32 = arith.constant 0 : i32
    %c0_i32_0 = arith.constant 0 : i32
    return %arg0, %c0_i32 : i32, i32
  }
}

module attributes {stable_mosaic.version = 14 : i64} {
  func.func @_mid_body(%arg0: i32, %arg1: memref<512x128xf32, #tpu.memory_space<vmem>>, %arg2: memref<512x128xf32, #tpu.memory_space<vmem>>, %arg3: memref<512x128xf32, #tpu.memory_space<vmem>>, %arg4: memref<8x512xf32, #tpu.memory_space<vmem>>, %arg5: memref<128x128xf32, #tpu.memory_space<vmem>>, %arg6: memref<128x128xf32, #tpu.memory_space<vmem>>, %arg7: memref<1x128xf32, #tpu.memory_space<vmem>>, %arg8: memref<1x128xf32, #tpu.memory_space<vmem>>, %arg9: memref<512x128xf32, #tpu.memory_space<vmem>>, %arg10: memref<512x128xf32, #tpu.memory_space<vmem>>) attributes {dimension_semantics = [#tpu.dimension_semantics<arbitrary>], iteration_bounds = array<i64: 98>, scalar_prefetch = 0 : i64, scratch_operands = 0 : i64, tpu.core_type = #tpu.core_type<tc>, window_params = [{transform_indices = @transform_0, window_bounds = array<i64: 512, 128>}, {transform_indices = @transform_1, window_bounds = array<i64: 512, 128>}, {transform_indices = @transform_2, window_bounds = array<i64: 512, 128>}, {transform_indices = @transform_3, window_bounds = array<i64: 8, 512>}, {pipeline_mode = #tpu.pipeline_mode<synchronous>, transform_indices = @transform_4, window_bounds = array<i64: 128, 128>}, {pipeline_mode = #tpu.pipeline_mode<synchronous>, transform_indices = @transform_5, window_bounds = array<i64: 128, 128>}, {pipeline_mode = #tpu.pipeline_mode<synchronous>, transform_indices = @transform_6, window_bounds = array<i64: 1, 128>}, {pipeline_mode = #tpu.pipeline_mode<synchronous>, transform_indices = @transform_7, window_bounds = array<i64: 1, 128>}, {transform_indices = @transform_8, window_bounds = array<i64: 512, 128>}, {transform_indices = @transform_9, window_bounds = array<i64: 512, 128>}]} {
    %get3A = arith.constant 0 : index
    %get3A_0 = arith.constant 0 : index
    %get3A_1 = vector.load %arg4[%get3A, %get3A_0] : memref<8x512xf32, #tpu.memory_space<vmem>>, vector<8x512xf32>
    %reduce_sum3A = arith.constant dense<0.000000e+00> : vector<512xf32>
    %reduce_sum3A_2 = vector.multi_reduction <add>, %get3A_1, %reduce_sum3A [0] : vector<8x512xf32> to vector<512xf32>
    %max3A = arith.constant 1.000000e+00 : f32
    %max3A_3 = vector.broadcast %max3A : f32 to vector<512xf32>
    %max3A_4 = arith.maximumf %reduce_sum3A_2, %max3A_3 : vector<512xf32>
    %div3A = arith.constant 1.000000e+00 : f32
    %div3A_5 = vector.broadcast %div3A : f32 to vector<512xf32>
    %div3A_6 = arith.divf %div3A_5, %max3A_4 : vector<512xf32>
    %get3A_7 = arith.constant 0 : index
    %get3A_8 = arith.constant 0 : index
    %get3A_9 = vector.load %arg1[%get3A_7, %get3A_8] : memref<512x128xf32, #tpu.memory_space<vmem>>, vector<512x128xf32>
    %get3A_10 = arith.constant 0 : index
    %get3A_11 = arith.constant 0 : index
    %get3A_12 = vector.load %arg7[%get3A_10, %get3A_11] : memref<1x128xf32, #tpu.memory_space<vmem>>, vector<1x128xf32>
    %add3A = vector.broadcast %get3A_12 : vector<1x128xf32> to vector<512x128xf32>
    %add3A_13 = arith.addf %get3A_9, %add3A : vector<512x128xf32>
    %get3A_14 = arith.constant 0 : index
    %get3A_15 = arith.constant 0 : index
    %get3A_16 = vector.load %arg2[%get3A_14, %get3A_15] : memref<512x128xf32, #tpu.memory_space<vmem>>, vector<512x128xf32>
    %broadcast_in_dim3A = vector.shape_cast %div3A_6 : vector<512xf32> to vector<512x1xf32>
    %mul3A = vector.broadcast %broadcast_in_dim3A : vector<512x1xf32> to vector<512x128xf32>
    %mul3A_17 = arith.mulf %get3A_16, %mul3A : vector<512x128xf32>
    %add3A_18 = arith.addf %add3A_13, %mul3A_17 : vector<512x128xf32>
    %max3A_19 = arith.constant 0.000000e+00 : f32
    %max3A_20 = vector.broadcast %max3A_19 : f32 to vector<512x128xf32>
    %max3A_21 = arith.maximumf %add3A_18, %max3A_20 : vector<512x128xf32>
    %get3A_22 = arith.constant 0 : index
    %get3A_23 = arith.constant 0 : index
    %get3A_24 = vector.load %arg5[%get3A_22, %get3A_23] : memref<128x128xf32, #tpu.memory_space<vmem>>, vector<128x128xf32>
    %dot_general3A = arith.constant dense<0.000000e+00> : vector<512x128xf32>
    %dot_general3A_25 = tpu.matmul %max3A_21, %get3A_24, %dot_general3A {dimension_numbers = #tpu.dot_dimension_numbers<[1], [0], [0], [1], [0, 0, 1, 1], [], []>, precision = #tpu.contract_precision<fp32>, transpose_lhs_hint = false} : vector<512x128xf32>, vector<128x128xf32>, vector<512x128xf32> -> vector<512x128xf32>
    %get3A_26 = arith.constant 0 : index
    %get3A_27 = arith.constant 0 : index
    %get3A_28 = vector.load %arg3[%get3A_26, %get3A_27] : memref<512x128xf32, #tpu.memory_space<vmem>>, vector<512x128xf32>
    %add3A_29 = arith.addf %dot_general3A_25, %get3A_28 : vector<512x128xf32>
    %get3A_30 = arith.constant 0 : index
    %get3A_31 = arith.constant 0 : index
    %get3A_32 = vector.load %arg8[%get3A_30, %get3A_31] : memref<1x128xf32, #tpu.memory_space<vmem>>, vector<1x128xf32>
    %add3A_33 = vector.broadcast %get3A_32 : vector<1x128xf32> to vector<512x128xf32>
    %add3A_34 = arith.addf %add3A_29, %add3A_33 : vector<512x128xf32>
    %swap3A = arith.constant 0 : index
    %swap3A_35 = arith.constant 0 : index
    %swap3A_36 = vector.load %arg9[%swap3A, %swap3A_35] : memref<512x128xf32, #tpu.memory_space<vmem>>, vector<512x128xf32>
    tpu.vector_store %arg9[%swap3A, %swap3A_35], %add3A_34 {strides = array<i32>} : memref<512x128xf32, #tpu.memory_space<vmem>>, vector<512x128xf32>,
    %get3A_37 = arith.constant 0 : index
    %get3A_38 = arith.constant 0 : index
    %get3A_39 = vector.load %arg6[%get3A_37, %get3A_38] : memref<128x128xf32, #tpu.memory_space<vmem>>, vector<128x128xf32>
    %dot_general3A_40 = arith.constant dense<0.000000e+00> : vector<512x128xf32>
    %dot_general3A_41 = tpu.matmul %max3A_21, %get3A_39, %dot_general3A_40 {dimension_numbers = #tpu.dot_dimension_numbers<[1], [0], [0], [1], [0, 0, 1, 1], [], []>, precision = #tpu.contract_precision<fp32>, transpose_lhs_hint = false} : vector<512x128xf32>, vector<128x128xf32>, vector<512x128xf32> -> vector<512x128xf32>
    %swap3A_42 = arith.constant 0 : index
    %swap3A_43 = arith.constant 0 : index
    %swap3A_44 = vector.load %arg10[%swap3A_42, %swap3A_43] : memref<512x128xf32, #tpu.memory_space<vmem>>, vector<512x128xf32>
    tpu.vector_store %arg10[%swap3A_42, %swap3A_43], %dot_general3A_41 {strides = array<i32>} : memref<512x128xf32, #tpu.memory_space<vmem>>, vector<512x128xf32>,
    return
  }
  func.func @transform_0(%arg0: i32) -> (i32, i32) {
    %c0_i32 = arith.constant 0 : i32
    %c0_i32_0 = arith.constant 0 : i32
    return %arg0, %c0_i32 : i32, i32
  }
  func.func @transform_1(%arg0: i32) -> (i32, i32) {
    %c0_i32 = arith.constant 0 : i32
    %c0_i32_0 = arith.constant 0 : i32
    return %arg0, %c0_i32 : i32, i32
  }
  func.func @transform_2(%arg0: i32) -> (i32, i32) {
    %c0_i32 = arith.constant 0 : i32
    %c0_i32_0 = arith.constant 0 : i32
    return %arg0, %c0_i32 : i32, i32
  }
  func.func @transform_3(%arg0: i32) -> (i32, i32) {
    %c0_i32 = arith.constant 0 : i32
    %c0_i32_0 = arith.constant 0 : i32
    return %c0_i32, %arg0 : i32, i32
  }
  func.func @transform_4(%arg0: i32) -> (i32, i32) {
    %c0_i32 = arith.constant 0 : i32
    %c0_i32_0 = arith.constant 0 : i32
    %c0_i32_1 = arith.constant 0 : i32
    return %c0_i32, %c0_i32_0 : i32, i32
  }
  func.func @transform_5(%arg0: i32) -> (i32, i32) {
    %c0_i32 = arith.constant 0 : i32
    %c0_i32_0 = arith.constant 0 : i32
    %c0_i32_1 = arith.constant 0 : i32
    return %c0_i32, %c0_i32_0 : i32, i32
  }
  func.func @transform_6(%arg0: i32) -> (i32, i32) {
    %c0_i32 = arith.constant 0 : i32
    %c0_i32_0 = arith.constant 0 : i32
    %c0_i32_1 = arith.constant 0 : i32
    return %c0_i32, %c0_i32_0 : i32, i32
  }
  func.func @transform_7(%arg0: i32) -> (i32, i32) {
    %c0_i32 = arith.constant 0 : i32
    %c0_i32_0 = arith.constant 0 : i32
    %c0_i32_1 = arith.constant 0 : i32
    return %c0_i32, %c0_i32_0 : i32, i32
  }
  func.func @transform_8(%arg0: i32) -> (i32, i32) {
    %c0_i32 = arith.constant 0 : i32
    %c0_i32_0 = arith.constant 0 : i32
    return %arg0, %c0_i32 : i32, i32
  }
  func.func @transform_9(%arg0: i32) -> (i32, i32) {
    %c0_i32 = arith.constant 0 : i32
    %c0_i32_0 = arith.constant 0 : i32
    return %arg0, %c0_i32 : i32, i32
  }
}

module attributes {stable_mosaic.version = 14 : i64} {
  func.func @_pool_body(%arg0: i32, %arg1: memref<512x128xf32, #tpu.memory_space<vmem>>, %arg2: memref<512x128xf32, #tpu.memory_space<vmem>>, %arg3: memref<8x512xf32, #tpu.memory_space<vmem>>, %arg4: memref<1x512xi32, #tpu.memory_space<vmem>>, %arg5: memref<128x128xf32, #tpu.memory_space<vmem>>, %arg6: memref<1x128xf32, #tpu.memory_space<vmem>>, %arg7: memref<128x1000xf32, #tpu.memory_space<vmem>>, %arg8: memref<1x1000xf32, #tpu.memory_space<vmem>>, %arg9: memref<256x1000xf32, #tpu.memory_space<vmem>>, %arg10: memref<256x128xf32, #tpu.memory_space<vmem>>, %arg11: memref<256x128xf32, #tpu.memory_space<vmem>>) attributes {dimension_semantics = [#tpu.dimension_semantics<arbitrary>], iteration_bounds = array<i64: 98>, scalar_prefetch = 0 : i64, scratch_operands = 2 : i64, tpu.core_type = #tpu.core_type<tc>, window_params = [{transform_indices = @transform_0, window_bounds = array<i64: 512, 128>}, {transform_indices = @transform_1, window_bounds = array<i64: 512, 128>}, {transform_indices = @transform_2, window_bounds = array<i64: 8, 512>}, {transform_indices = @transform_3, window_bounds = array<i64: 1, 512>}, {pipeline_mode = #tpu.pipeline_mode<synchronous>, transform_indices = @transform_4, window_bounds = array<i64: 128, 128>}, {pipeline_mode = #tpu.pipeline_mode<synchronous>, transform_indices = @transform_5, window_bounds = array<i64: 1, 128>}, {pipeline_mode = #tpu.pipeline_mode<synchronous>, transform_indices = @transform_6, window_bounds = array<i64: 128, 1000>}, {pipeline_mode = #tpu.pipeline_mode<synchronous>, transform_indices = @transform_7, window_bounds = array<i64: 1, 1000>}, {pipeline_mode = #tpu.pipeline_mode<synchronous>, transform_indices = @transform_8, window_bounds = array<i64: 256, 1000>}]} {
    %eq3A = arith.constant 0 : i32
    %eq3A_0 = arith.cmpi eq, %arg0, %eq3A : i32
    %convert_element_type3A = arith.extui %eq3A_0 : i1 to i32
    %cond3A = arith.constant 0 : i32
    %cond3A_1 = arith.cmpi ne, %convert_element_type3A, %cond3A : i32
    scf.if %cond3A_1 {
      %broadcast_in_dim3A_52 = arith.constant 0.000000e+00 : f32
      %broadcast_in_dim3A_53 = vector.broadcast %broadcast_in_dim3A_52 : f32 to vector<256x128xf32>
      %swap3A_54 = arith.constant 0 : index
      %swap3A_55 = arith.constant 0 : index
      %swap3A_56 = vector.load %arg10[%swap3A_54, %swap3A_55] : memref<256x128xf32, #tpu.memory_space<vmem>>, vector<256x128xf32>
      tpu.vector_store %arg10[%swap3A_54, %swap3A_55], %broadcast_in_dim3A_53 {strides = array<i32>} : memref<256x128xf32, #tpu.memory_space<vmem>>, vector<256x128xf32>,
      %broadcast_in_dim3A_57 = arith.constant 0.000000e+00 : f32
      %broadcast_in_dim3A_58 = vector.broadcast %broadcast_in_dim3A_57 : f32 to vector<256x128xf32>
      %swap3A_59 = arith.constant 0 : index
      %swap3A_60 = arith.constant 0 : index
      %swap3A_61 = vector.load %arg11[%swap3A_59, %swap3A_60] : memref<256x128xf32, #tpu.memory_space<vmem>>, vector<256x128xf32>
      tpu.vector_store %arg11[%swap3A_59, %swap3A_60], %broadcast_in_dim3A_58 {strides = array<i32>} : memref<256x128xf32, #tpu.memory_space<vmem>>, vector<256x128xf32>,
    } else {
    }
    %get3A = arith.constant 0 : index
    %get3A_2 = arith.constant 0 : index
    %get3A_3 = vector.load %arg3[%get3A, %get3A_2] : memref<8x512xf32, #tpu.memory_space<vmem>>, vector<8x512xf32>
    %reduce_sum3A = arith.constant dense<0.000000e+00> : vector<512xf32>
    %reduce_sum3A_4 = vector.multi_reduction <add>, %get3A_3, %reduce_sum3A [0] : vector<8x512xf32> to vector<512xf32>
    %max3A = arith.constant 1.000000e+00 : f32
    %max3A_5 = vector.broadcast %max3A : f32 to vector<512xf32>
    %max3A_6 = arith.maximumf %reduce_sum3A_4, %max3A_5 : vector<512xf32>
    %div3A = arith.constant 1.000000e+00 : f32
    %div3A_7 = vector.broadcast %div3A : f32 to vector<512xf32>
    %div3A_8 = arith.divf %div3A_7, %max3A_6 : vector<512xf32>
    %get3A_9 = arith.constant 0 : index
    %get3A_10 = arith.constant 0 : index
    %get3A_11 = vector.load %arg1[%get3A_9, %get3A_10] : memref<512x128xf32, #tpu.memory_space<vmem>>, vector<512x128xf32>
    %get3A_12 = arith.constant 0 : index
    %get3A_13 = arith.constant 0 : index
    %get3A_14 = vector.load %arg2[%get3A_12, %get3A_13] : memref<512x128xf32, #tpu.memory_space<vmem>>, vector<512x128xf32>
    %broadcast_in_dim3A = vector.shape_cast %div3A_8 : vector<512xf32> to vector<512x1xf32>
    %mul3A = vector.broadcast %broadcast_in_dim3A : vector<512x1xf32> to vector<512x128xf32>
    %mul3A_15 = arith.mulf %get3A_14, %mul3A : vector<512x128xf32>
    %add3A = arith.addf %get3A_11, %mul3A_15 : vector<512x128xf32>
    %max3A_16 = arith.constant 0.000000e+00 : f32
    %max3A_17 = vector.broadcast %max3A_16 : f32 to vector<512x128xf32>
    %max3A_18 = arith.maximumf %add3A, %max3A_17 : vector<512x128xf32>
    %get3A_19 = arith.constant 0 : index
    %get3A_20 = arith.constant 0 : index
    %get3A_21 = vector.load %arg4[%get3A_19, %get3A_20] : memref<1x512xi32, #tpu.memory_space<vmem>>, vector<1x512xi32>
    %get3A_22 = vector.shape_cast %get3A_21 : vector<1x512xi32> to vector<512xi32>
    %iota3A = tpu.iota {dimensions = array<i32: 0>} : vector<256x512xi32>
    %broadcast_in_dim3A_23 = vector.shape_cast %get3A_22 : vector<512xi32> to vector<1x512xi32>
    %eq3A_24 = vector.broadcast %broadcast_in_dim3A_23 : vector<1x512xi32> to vector<256x512xi32>
    %eq3A_25 = arith.cmpi eq, %iota3A, %eq3A_24 : vector<256x512xi32>
    %convert_element_type3A_26 = arith.extui %eq3A_25 : vector<256x512xi1> to vector<256x512xi32>
    %convert_element_type3A_27 = arith.sitofp %convert_element_type3A_26 : vector<256x512xi32> to vector<256x512xf32>
    %get3A_28 = arith.constant 0 : index
    %get3A_29 = arith.constant 0 : index
    %get3A_30 = vector.load %arg10[%get3A_28, %get3A_29] : memref<256x128xf32, #tpu.memory_space<vmem>>, vector<256x128xf32>
    %dot_general3A = arith.constant dense<0.000000e+00> : vector<256x128xf32>
    %dot_general3A_31 = tpu.matmul %convert_element_type3A_27, %max3A_18, %dot_general3A {dimension_numbers = #tpu.dot_dimension_numbers<[1], [0], [0], [1], [0, 0, 1, 1], [], []>, precision = #tpu.contract_precision<fp32>, transpose_lhs_hint = false} : vector<256x512xf32>, vector<512x128xf32>, vector<256x128xf32> -> vector<256x128xf32>
    %add3A_32 = arith.addf %get3A_30, %dot_general3A_31 : vector<256x128xf32>
    %swap3A = arith.constant 0 : index
    %swap3A_33 = arith.constant 0 : index
    %swap3A_34 = vector.load %arg10[%swap3A, %swap3A_33] : memref<256x128xf32, #tpu.memory_space<vmem>>, vector<256x128xf32>
    tpu.vector_store %arg10[%swap3A, %swap3A_33], %add3A_32 {strides = array<i32>} : memref<256x128xf32, #tpu.memory_space<vmem>>, vector<256x128xf32>,
    %get3A_35 = arith.constant 0 : index
    %get3A_36 = arith.constant 0 : index
    %get3A_37 = vector.load %arg11[%get3A_35, %get3A_36] : memref<256x128xf32, #tpu.memory_space<vmem>>, vector<256x128xf32>
    %reduce_sum3A_38 = arith.constant dense<0.000000e+00> : vector<256xf32>
    %reduce_sum3A_39 = vector.multi_reduction <add>, %convert_element_type3A_27, %reduce_sum3A_38 [1] : vector<256x512xf32> to vector<256xf32>
    %broadcast_in_dim3A_40 = vector.shape_cast %reduce_sum3A_39 : vector<256xf32> to vector<256x1xf32>
    %broadcast_in_dim3A_41 = vector.shape_cast %broadcast_in_dim3A_40 : vector<256x1xf32> to vector<256x1xf32>
    %broadcast_in_dim3A_42 = vector.broadcast %broadcast_in_dim3A_41 : vector<256x1xf32> to vector<256x128xf32>
    %add3A_43 = arith.addf %get3A_37, %broadcast_in_dim3A_42 : vector<256x128xf32>
    %swap3A_44 = arith.constant 0 : index
    %swap3A_45 = arith.constant 0 : index
    %swap3A_46 = vector.load %arg11[%swap3A_44, %swap3A_45] : memref<256x128xf32, #tpu.memory_space<vmem>>, vector<256x128xf32>
    tpu.vector_store %arg11[%swap3A_44, %swap3A_45], %add3A_43 {strides = array<i32>} : memref<256x128xf32, #tpu.memory_space<vmem>>, vector<256x128xf32>,
    %eq3A_47 = arith.constant 97 : i32
    %eq3A_48 = arith.cmpi eq, %arg0, %eq3A_47 : i32
    %convert_element_type3A_49 = arith.extui %eq3A_48 : i1 to i32
    %cond3A_50 = arith.constant 0 : i32
    %cond3A_51 = arith.cmpi ne, %convert_element_type3A_49, %cond3A_50 : i32
    scf.if %cond3A_51 {
      %get3A_52 = arith.constant 0 : index
      %get3A_53 = arith.constant 0 : index
      %get3A_54 = vector.load %arg10[%get3A_52, %get3A_53] : memref<256x128xf32, #tpu.memory_space<vmem>>, vector<256x128xf32>
      %get3A_55 = arith.constant 0 : index
      %get3A_56 = arith.constant 0 : index
      %get3A_57 = vector.load %arg11[%get3A_55, %get3A_56] : memref<256x128xf32, #tpu.memory_space<vmem>>, vector<256x128xf32>
      %max3A_58 = arith.constant 1.000000e+00 : f32
      %max3A_59 = vector.broadcast %max3A_58 : f32 to vector<256x128xf32>
      %max3A_60 = arith.maximumf %get3A_57, %max3A_59 : vector<256x128xf32>
      %div3A_61 = arith.divf %get3A_54, %max3A_60 : vector<256x128xf32>
      %get3A_62 = arith.constant 0 : index
      %get3A_63 = arith.constant 0 : index
      %get3A_64 = vector.load %arg5[%get3A_62, %get3A_63] : memref<128x128xf32, #tpu.memory_space<vmem>>, vector<128x128xf32>
      %dot_general3A_65 = arith.constant dense<0.000000e+00> : vector<256x128xf32>
      %dot_general3A_66 = tpu.matmul %div3A_61, %get3A_64, %dot_general3A_65 {dimension_numbers = #tpu.dot_dimension_numbers<[1], [0], [0], [1], [0, 0, 1, 1], [], []>, precision = #tpu.contract_precision<fp32>, transpose_lhs_hint = false} : vector<256x128xf32>, vector<128x128xf32>, vector<256x128xf32> -> vector<256x128xf32>
      %get3A_67 = arith.constant 0 : index
      %get3A_68 = arith.constant 0 : index
      %get3A_69 = vector.load %arg6[%get3A_67, %get3A_68] : memref<1x128xf32, #tpu.memory_space<vmem>>, vector<1x128xf32>
      %add3A_70 = vector.broadcast %get3A_69 : vector<1x128xf32> to vector<256x128xf32>
      %add3A_71 = arith.addf %dot_general3A_66, %add3A_70 : vector<256x128xf32>
      %max3A_72 = arith.constant 0.000000e+00 : f32
      %max3A_73 = vector.broadcast %max3A_72 : f32 to vector<256x128xf32>
      %max3A_74 = arith.maximumf %add3A_71, %max3A_73 : vector<256x128xf32>
      %get3A_75 = arith.constant 0 : index
      %get3A_76 = arith.constant 0 : index
      %get3A_77 = vector.load %arg7[%get3A_75, %get3A_76] : memref<128x1000xf32, #tpu.memory_space<vmem>>, vector<128x1000xf32>
      %dot_general3A_78 = arith.constant dense<0.000000e+00> : vector<256x1000xf32>
      %dot_general3A_79 = tpu.matmul %max3A_74, %get3A_77, %dot_general3A_78 {dimension_numbers = #tpu.dot_dimension_numbers<[1], [0], [0], [1], [0, 0, 1, 1], [], []>, precision = #tpu.contract_precision<fp32>, transpose_lhs_hint = false} : vector<256x128xf32>, vector<128x1000xf32>, vector<256x1000xf32> -> vector<256x1000xf32>
      %get3A_80 = arith.constant 0 : index
      %get3A_81 = arith.constant 0 : index
      %get3A_82 = vector.load %arg8[%get3A_80, %get3A_81] : memref<1x1000xf32, #tpu.memory_space<vmem>>, vector<1x1000xf32>
      %add3A_83 = vector.broadcast %get3A_82 : vector<1x1000xf32> to vector<256x1000xf32>
      %add3A_84 = arith.addf %dot_general3A_79, %add3A_83 : vector<256x1000xf32>
      %swap3A_85 = arith.constant 0 : index
      %swap3A_86 = arith.constant 0 : index
      %swap3A_87 = vector.load %arg9[%swap3A_85, %swap3A_86] : memref<256x1000xf32, #tpu.memory_space<vmem>>, vector<256x1000xf32>
      tpu.vector_store %arg9[%swap3A_85, %swap3A_86], %add3A_84 {strides = array<i32>} : memref<256x1000xf32, #tpu.memory_space<vmem>>, vector<256x1000xf32>,
    } else {
    }
    return
  }
  func.func @transform_0(%arg0: i32) -> (i32, i32) {
    %c0_i32 = arith.constant 0 : i32
    %c0_i32_0 = arith.constant 0 : i32
    return %arg0, %c0_i32 : i32, i32
  }
  func.func @transform_1(%arg0: i32) -> (i32, i32) {
    %c0_i32 = arith.constant 0 : i32
    %c0_i32_0 = arith.constant 0 : i32
    return %arg0, %c0_i32 : i32, i32
  }
  func.func @transform_2(%arg0: i32) -> (i32, i32) {
    %c0_i32 = arith.constant 0 : i32
    %c0_i32_0 = arith.constant 0 : i32
    return %c0_i32, %arg0 : i32, i32
  }
  func.func @transform_3(%arg0: i32) -> (i32, i32) {
    %c0_i32 = arith.constant 0 : i32
    %c0_i32_0 = arith.constant 0 : i32
    return %c0_i32, %arg0 : i32, i32
  }
  func.func @transform_4(%arg0: i32) -> (i32, i32) {
    %c0_i32 = arith.constant 0 : i32
    %c0_i32_0 = arith.constant 0 : i32
    %c0_i32_1 = arith.constant 0 : i32
    return %c0_i32, %c0_i32_0 : i32, i32
  }
  func.func @transform_5(%arg0: i32) -> (i32, i32) {
    %c0_i32 = arith.constant 0 : i32
    %c0_i32_0 = arith.constant 0 : i32
    %c0_i32_1 = arith.constant 0 : i32
    return %c0_i32, %c0_i32_0 : i32, i32
  }
  func.func @transform_6(%arg0: i32) -> (i32, i32) {
    %c0_i32 = arith.constant 0 : i32
    %c0_i32_0 = arith.constant 0 : i32
    %c0_i32_1 = arith.constant 0 : i32
    return %c0_i32, %c0_i32_0 : i32, i32
  }
  func.func @transform_7(%arg0: i32) -> (i32, i32) {
    %c0_i32 = arith.constant 0 : i32
    %c0_i32_0 = arith.constant 0 : i32
    %c0_i32_1 = arith.constant 0 : i32
    return %c0_i32, %c0_i32_0 : i32, i32
  }
  func.func @transform_8(%arg0: i32) -> (i32, i32) {
    %c0_i32 = arith.constant 0 : i32
    %c0_i32_0 = arith.constant 0 : i32
    %c0_i32_1 = arith.constant 0 : i32
    return %c0_i32, %c0_i32_0 : i32, i32
  }
}

</mosaic_0001>

<sc_bundles>
// kernel: kernel.10.cloned.1.call-start
scs
__scs_entry_jumppad:
0x0: {  	(pc) =	sbr.rel $0x88, $3  }
0x1: {  	(tag) =	ssettag $0x0;
	lr =	simm.s32 $0x1  }
0x2: {  	[smem:$0x3F8B] =	sst lr;
	_ =	strace $0xD0000000  }
0x3: {  	_ = 	snop  }
0x4: {  	_ = 	snop  }
0x5: {  	_ = 	snop  }
0x6: {  	_ = 	snop  }
0x7: {  	_ = 	snop  }
__scs_overlays_trampoline_lowered:
0x8: {  	[smem:$0x3F9A] =	sst s0  }
0x9: {  	[smem:$0x3F9B] =	sst s1  }
0xa: {  	[smem:$0x3F9C] =	sst s2  }
0xb: {  	[smem:$0x3F9D] =	sst s3  }
0xc: {  	[smem:$0x3F9E] =	sst s4  }
0xd: {  	[smem:$0x3F9F] =	sst s5  }
0xe: {  	[smem:$0x3FA0] =	sst s6  }
0xf: {  	[smem:$0x3FA1] =	sst s7  }
0x10: {  	[smem:$0x3FA2] =	sst s8  }
0x11: {  	[smem:$0x3FA3] =	sst s9;
	s0 =	simm.s32 @!p0 $0x0  }
0x12: {  	s1 =	sld [smem:$0x3F89];
	s0 =	simm.s32 @p0 $0x1  }
0x13: {  	[smem:$0x3FA4] =	sst s0;
	s0 =	simm.s32 @!p1 $0x0  }
0x14: {  	s2 =	sld [smem:$0x3F88];
	s0 =	simm.s32 @p1 $0x1  }
0x15: {  	[smem:$0x3FA5] =	sst s0;
	s0 =	simm.s32 @!p2 $0x0  }
0x16: {  	s3 =	sld [smem:$0x3FDB];
	s0 =	simm.s32 @p2 $0x1  }
0x17: {  	s4 =	simm.s32 $0x1BF5;
	[smem:$0x3FA7] =	sst s0  }
0x18: {  	s0 =	sld [smem:$0x3F8A];
	_ =	swait.ge [sflag:s4], $0x0  }
0x19: {  	s7 =	sld [smem:$0x3F8B]  }
0x1a: {  	s8 =	sadd.s32 $0xFFFFE003, lr  }
0x1b: {  	s9 =	sadd.s32 $0xFFFFFEF7, lr;
	s5 =	simm.s32 $0xFFFFFFFF;
	p2 =	slt.u32 s8, $0xFFFFF086  }
0x1c: {  	p1 =	slt.u32 s9, $0xF7A;
	s5 =	simm.s32 @!p2 $0x0  }
0x1d: {  	s5 =	simm.s32 @p1 $0x1;
	p0 =	seq.s32 s7, s2  }
0x1e: {  	s7 =	smul.u32 @!p0 $0xF7A, s2;
	p2 =	seq.s32 @!p0 s5, $0x0  }
0x1f: {  	s9 =	smul.u32 $0xF7A, s1;
	s8 =	simm.s32 @!p0 $0x1BF5;
	p2 =	por !p2, p0  }
0x20: {  	[sflag:s8] =	ssyncset.s32 @!p0 $0xFFFFF086;
	s6 =	sadd.s32 @!p0 s3, s7;
	s7 =	simm.s32 @!p0 $0x108  }
0x21: {  	s3 =	sadd.s32 s3, s9;
	s6 =	sadd.s32 @!p0 $0x88, s6;
	s7 =	simm.s32 @p2 $0x1082  }
0x22: {  	[simem:s7], [sflag:s8] =	dma.local @!p0 [hbm:s6], $0xF7A  }
0x23: {  	s9 =	sor.u32 $0xD0000000, s2;
	s6 =	simm.s32 $0x108;
	_ =	swait.ge @!p0 [sflag:s8], $0x0  }
0x24: {  	s3 =	sadd.s32 $0x88, s3;
	s6 =	simm.s32 @!p1 $0x1082;
	[sflag:s4] =	ssyncset.s32 $0xFFFFF086  }
0x25: {  	[simem:s6], [sflag:s4] =	dma.local [hbm:s3], $0xF7A  }
0x26: {  	[smem:$0x3F8B] =	sst s1;
	(tag) =	ssettag s2;
	_ =	strace s9  }
0x27: {  	s1 =	sld [smem:$0x3F9B]  }
0x28: {  	s2 =	sld [smem:$0x3F9C]  }
0x29: {  	s4 =	sld [smem:$0x3F9E]  }
0x2a: {  	p0 =	seq.s32 s5, $0x0;
	s5 =	sld [smem:$0x3F9F]  }
0x2b: {  	s6 =	sld [smem:$0x3FA0]  }
0x2c: {  	s7 =	sld [smem:$0x3FA1]  }
0x2d: {  	s3 =	simm.s32 $0x108;
	s8 =	sld [smem:$0x3FA2]  }
0x2e: {  	s3 =	simm.s32 @!p0 $0x1082;
	s9 =	sld [smem:$0x3FA3]  }
0x2f: {  	lr =	sadd.s32 s0, s3;
	s0 =	sld [smem:$0x3F9A]  }
0x30: {  	s3 =	sld [smem:$0x3F9D]  }
0x31: {  	[smem:$0x3FA6] =	sst s10  }
0x32: {  	s10 =	sld [smem:$0x3FA4];
	_ =	sdelay $0x3  }
0x33: {  	p0 =	seq.s32 s10, $0x1;
	s10 =	sld [smem:$0x3FA6];
	_ =	sdelay $0x3  }
0x34: {  	[smem:$0x3FA6] =	sst s10  }
0x35: {  	s10 =	sld [smem:$0x3FA5];
	_ =	sdelay $0x3  }
0x36: {  	p1 =	seq.s32 s10, $0x1;
	s10 =	sld [smem:$0x3FA6];
	_ =	sdelay $0x3  }
0x37: {  	[smem:$0x3FA6] =	sst s10  }
0x38: {  	s10 =	sld [smem:$0x3FA7]  }
0x39: {  	_ = 	snop;
	(pc) =	sbr.ind lr, $3  }
0x3a: {  	_ = 	snop  }
0x3b: {  	_ = 	snop  }
0x3c: {  	p2 =	seq.s32 s10, $0x1;
	s10 =	sld [smem:$0x3FA6]  }
0x3d: {  	_ =	shalt  }
0x3e: {  	_ =	shalt  }
0x3f: {  	_ =	shalt  }
0x40: {  	_ =	shalt  }
0x41: {  	_ =	shalt  }
0x42: {  	_ =	shalt  }
0x43: {  	_ =	shalt  }
0x44: {  	_ =	shalt  }
0x45: {  	_ =	shalt  }
0x46: {  	_ =	shalt  }
0x47: {  	_ =	shalt  }
0x48: {  	_ =	shalt  }
0x49: {  	_ =	shalt  }
0x4a: {  	_ =	shalt  }
0x4b: {  	_ =	shalt  }
0x4c: {  	_ =	shalt  }
0x4d: {  	_ =	shalt  }
0x4e: {  	_ =	shalt  }
0x4f: {  	_ =	shalt  }
0x50: {  	_ =	shalt  }
0x51: {  	_ =	shalt  }
0x52: {  	_ =	shalt  }
0x53: {  	_ =	shalt  }
0x54: {  	_ =	shalt  }
0x55: {  	_ =	shalt  }
0x56: {  	_ =	shalt  }
0x57: {  	_ =	shalt  }
0x58: {  	_ =	shalt  }
0x59: {  	_ =	shalt  }
0x5a: {  	_ =	shalt  }
0x5b: {  	_ =	shalt  }
0x5c: {  	_ =	shalt  }
0x5d: {  	_ =	shalt  }
0x5e: {  	_ =	shalt  }
0x5f: {  	_ =	shalt  }
0x60: {  	_ =	shalt  }
0x61: {  	_ =	shalt  }
0x62: {  	_ =	shalt  }
0x63: {  	_ =	shalt  }
0x64: {  	_ =	shalt  }
0x65: {  	_ =	shalt  }
0x66: {  	_ =	shalt  }
0x67: {  	_ =	shalt  }
0x68: {  	_ =	shalt  }
0x69: {  	_ =	shalt  }
0x6a: {  	_ =	shalt  }
0x6b: {  	_ =	shalt  }
0x6c: {  	_ =	shalt  }
0x6d: {  	_ =	shalt  }
0x6e: {  	_ =	shalt  }
0x6f: {  	_ =	shalt  }
0x70: {  	_ =	shalt  }
0x71: {  	_ =	shalt  }
0x72: {  	_ =	shalt  }
0x73: {  	_ =	shalt  }
0x74: {  	_ =	shalt  }
0x75: {  	_ =	shalt  }
0x76: {  	_ =	shalt  }
0x77: {  	_ =	shalt  }
0x78: {  	_ =	shalt  }
0x79: {  	_ =	shalt  }
0x7a: {  	_ =	shalt  }
0x7b: {  	_ =	shalt  }
0x7c: {  	_ =	shalt  }
0x7d: {  	_ =	shalt  }
0x7e: {  	_ =	shalt  }
0x7f: {  	_ =	shalt  }
0x80: {  	_ =	shalt  }
0x81: {  	_ =	shalt  }
0x82: {  	_ =	shalt  }
0x83: {  	_ =	shalt  }
0x84: {  	_ =	shalt  }
0x85: {  	_ =	shalt  }
0x86: {  	_ =	shalt  }
0x87: {  	_ =	shalt  }
.Lfunc_end0:
.L_simem_size_0:
called_computation_lowered:
.L_overlay_start_0:
0x88: {  	s2 =	sld [smem:$0x3FD9]  }
0x89: {  	s3 =	sld [smem:$0x3FFE];
	_ =	sdelay $0x1  }
0x8a: {  	s1 =	srdreg.scid  }
0x8b: {  	s0 =	sand.u32 $0x1, s1  }
0x8c: {  	s17 =	sshll.u32 s0, $0xA;
	s2 =	sadd.s32 s3, s2  }
0x8d: {  	s2 =	sadd.s32 s2, s17  }
0x8e: {  	[smem:$0x3FB2] =	sst s2  }
0x8f: {  	_ = 	snop  }
0x90: {  	s2 =	sld [smem:$0x3FD0];
	(tm) =	ssettm $0x1  }
0x91: {  	s18 =	sld [smem:$0x3FFB];
	_ =	sdelay $0x3  }
0x92: {  	_ =	strace s18  }
0x93: {  	s3 =	sld [smem:$0x3FFC];
	_ =	sdelay $0x3  }
0x94: {  	_ =	strace s3  }
0x95: {  	s3 =	sld [smem:$0x3FFD];
	_ =	sdelay $0x3  }
0x96: {  	_ =	strace s3  }
0x97: {  	_ =	strace $0x8FFFFFFF  }
0x98: {  	s19 =	sld [smem:$0x3FDB];
	_ =	sdelay $0x1  }
0x99: {  	s4 =	simm.s32 $_scs_section_size  }
0x9a: {  	s5 =	simm.s32 $_size__tile_overlayer_lowered;
	s6 =	simm.s32 $_tile_overlayer_lowered  }
0x9b: {  	s22 =	simm.s32 $0x1BFF;
	s21 =	sshll.u32 s6, $0x1;
	s3 =	sadd.s32 s4, s19  }
0x9c: {  	s7 =	simm.s32 $0x0;
	s20 =	sshll.u32 s5, $0x1;
	s5 =	sadd.s32 s21, s3  }
0x9d: {  	[timem:s7], [sflag:s22] =	dma.local [hbm:s5], s20  }
0x9e: {  	_ =	swait.ge [sflag:s22], s20  }
0x9f: {  	s4 =	ssub.s32 $0x0, s20;
	[sflag:s22] =	ssyncset.done $0x0  }
0xa0: {  	[sflag:s22] =	ssyncadd.s32 s4;
	_ =	sdelay $0x1  }
0xa1: {  	s23 =	simm.s32 $0x1B8B  }
0xa2: {  	_ =	swait.ge [sflag:s23], $0x1  }
0xa3: {  	[sflag:s23] =	ssyncset.done $0x0  }
0xa4: {  	s25 =	simm.s32 $0x1B8E;
	s24 =	sld [smem:$0x3FFE];
	[sflag:s23] =	ssyncadd.s32 $0xFFFFFFFF  }
0xa5: {  	s26 =	simm.s32 $execute0_lowered;
	[smem:$0x3FD2] =	sst s25  }
0xa6: {  	s5 =	sshll.u32 s26, $0x1;
	_ =	strace $0x80000046;
	[dreg:$0x1] =	wrdreg $0xFFFFFFFF  }
0xa7: {  	s28 =	simm.s32 $_size_execute0_lowered;
	s3 =	sadd.s32 s3, s5;
	[dreg:$0x0] =	wrdreg $0x0  }
0xa8: {  	s5 =	sshll.u32 s28, $0x1;
	[dreg:$0x2] =	wrdreg s3  }
0xa9: {  	[dreg:$0x3] =	wrdreg s5  }
0xaa: {  	[dreg:$0x4] =	wrdreg $0xC0  }
0xab: {  	_ =	task [dreg:s7], $0x5FFFF  }
0xac: {  	[dreg:$0x1] =	wrdreg $0xFFFFFFFF  }
0xad: {  	[dreg:$0x0] =	wrdreg $0x60  }
0xae: {  	[dreg:$0x2] =	wrdreg s24  }
0xaf: {  	[dreg:$0x3] =	wrdreg s2  }
0xb0: {  	[dreg:$0x4] =	wrdreg $0xA  }
0xb1: {  	_ =	task.clear_ibuf [dreg:s7], $0x5FFFF;
	_ =	strace $0x90000046  }
0xb2: {  	s29 =	simm.s32 $0xA;
	_ =	strace $0x80000048  }
0xb3: {  	_ =	swait.ge [sflag:s29], $0x1  }
0xb4: {  	[sflag:s29] =	ssyncadd.s32 $0xFFFFFFFF  }
0xb5: {  	_ =	strace $0x90000048  }
0xb6: {  	_ =	sfence  }
0xb7: {  	s30 =	sld [smem:$0x0];
	_ =	sdelay $0x2  }
0xb8: {  	s31 =	sshll.u32 s1, $0xD;
	s1 =	sshrl.u32 s1, $0x2  }
0xb9: {  	s3 =	sand.u32 $0x4000, s31;
	s1 =	sadd.s32 s1, s30  }
0xba: {  	s0 =	sor.u32 s3, s0;
	s1 =	sshll.u32 s1, $0x11  }
0xbb: {  	s0 =	sor.u32 s1, s0  }
0xbc: {  	s0 =	sadd.s32 $0x8F2B, s0  }
0xbd: {  	[sflag:s0] =	ssyncadd.remote.s32 $0x1  }
0xbe: {  	_ =	sfence.sel $0xFFFF  }
0xbf: {  	[dreg:$0x0] =	wrdreg $0xFFFFFFFF;
	(pc) =	sbr.abs _section_cstart, $3  }
0xc0: {  	[dreg:$0x1] =	wrdreg $0xFFFFFFFF  }
0xc1: {  	_ =	task.clear_ibuf [dreg:s7], $0x2FFFF;
	_ =	strace $0x9FFFFFFF  }
0xc2: {  	(tm) =	ssettm $0x7FFFFFFF  }
0xc3: {  	_ =	shalt  }
tec
execute0_lowered:
.L_overlay_start_1:
0x0: {  	(tag) =	ssettag $0x1  }
0x1: {  	s0 =	rddreg [dreg:$0x0]  }
0x2: {  	s2 =	rddreg [dreg:$0x1]  }
0x3: {  	s3 =	simm.s32 $0x0;
	s4 =	srdreg.scid;
	s1 =	stileid.u32  }
0x4: {  	s17 =	simm.s32 $0x2;
	s18 =	simm.s32 $0x680;
	s19 =	simm.s32 $0xD00  }
0x5: {  	s20 =	simm.s32 $0x80;
	s21 =	simm.s32 $0x1380;
	s22 =	simm.s32 $0x5380  }
0x6: {  	s23 =	simm.s32 $0x9380;
	s24 =	simm.s32 $0x1;
	s25 =	simm.s32 $0x0  }
0x7: {  	[smem:$0x7FF] =	sst s3;
	s10 =	sand.u32 $0x1, s4;
	s4 =	sadd.s32 $0x1E5200, s0  }
0x8: {  	s5 =	sshll.u32 s1, $0x1;
	s6 =	sadd.s32 $0x1E5400, s0;
	s8 =	sadd.s32 $0x58C00, s0  }
0x9: {  	s12 =	smul.u32 $0xD000, s1;
	s9 =	sadd.s32 $0xA7600, s0;
	s7 =	sor.u32 s10, s5  }
0xa: {  	_ =	strace $0x80000047;
	s5 =	sadd.s32 $0xA200, s0;
	s11 =	smul.u32 $0xD0, s7  }
0xb: {  	s13 =	ssub.s32 $0x2, s10;
	s14 =	smul.u32 $0x6800, s10;
	s7 =	sadd.s32 $0x1E1200, s0  }
0xc: {  	s31 =	sshrl.u32 s13, $0x1;
	s15 =	sadd.s32 s11, s0;
	s0 =	sadd.s32 s12, s0  }
0xd: {  	s16 =	ssub.s32 s13, s31;
	s10 =	sadd.s32 $0x8800, s15;
	s0 =	sadd.s32 s14, s0  }
0xe: {  	s11 =	sadd.s32 $0x5400, s15;
	s12 =	sadd.s32 $0x6E00, s15;
	s13 =	sadd.s32 $0x2B5600, s0  }
0xf: {  	s14 =	smax.u32 s16, $0x1;
	s15 =	sadd.s32 $0xF6000, s0;
	s16 =	sadd.s32 $0x1E5600, s0  }
.LBB2_1:
0x10: {  	[tilespmem:s3], [sflag:$0x2] =	stream.linear.gather [hbm4b:s10+s3], $0x680, $0x38;
	[tilespmem:$0xD380] =	vst v63  }
0x11: {  	_ =	swait.ge [sflag:s17], $0x680  }
0x12: {  	[sflag:s17] =	ssyncset.done $0x0  }
0x13: {  	[sflag:s17] =	ssyncadd.s32 $0xFFFFF980  }
0x14: {  	[tilespmem:s18], [sflag:$0x2] =	stream.linear.gather [hbm4b:s11+s3], $0x680, $0x38;
	[tilespmem:$0xD380] =	vst v63  }
0x15: {  	_ =	swait.ge [sflag:s17], $0x680  }
0x16: {  	[sflag:s17] =	ssyncset.done $0x0  }
0x17: {  	[sflag:s17] =	ssyncadd.s32 $0xFFFFF980  }
0x18: {  	[tilespmem:s19], [sflag:$0x2] =	stream.linear.gather [hbm4b:s12+s3], $0x680, $0x38;
	[tilespmem:$0xD380] =	vst v63  }
0x19: {  	_ =	swait.ge [sflag:s17], $0x680  }
0x1a: {  	[sflag:s17] =	ssyncset.done $0x0  }
0x1b: {  	s0 =	simm.s32 $0x0;
	[sflag:s17] =	ssyncadd.s32 $0xFFFFF980  }
0x1c: {  	[tilespmem:s21], [sflag:$0x1] =	stream.indirect.gather [hbm4b:s4+s20], $0x80, s0, s20, $0xb8;
	[tilespmem:$0xD380] =	vst v63  }
0x1d: {  	_ = 	snop  }
0x1e: {  	[tilespmem:s22], [sflag:$0x1] =	stream.indirect.gather [hbm4b:s6+s20], $0x80, s0, s20, $0xb8;
	[tilespmem:$0xD380] =	vst v63  }
0x1f: {  	s1 =	simm.s32 $0xD00  }
0x20: {  	[tilespmem:s23], [sflag:$0x1] =	stream.indirect.gather [hbm4b:s9+s20], $0x80, s1, s20, $0xb8;
	[tilespmem:$0xD380] =	vst v63  }
0x21: {  	_ =	swait.ge [sflag:s24], $0x4000  }
0x22: {  	[sflag:s24] =	ssyncset.done $0x0  }
0x23: {  	[sflag:s24] =	ssyncadd.s32 $0xFFFFC000  }
0x24: {  	_ =	swait.ge [sflag:s24], $0x4000  }
0x25: {  	[sflag:s24] =	ssyncset.done $0x0  }
0x26: {  	[sflag:s24] =	ssyncadd.s32 $0xFFFFC000  }
0x27: {  	_ =	swait.ge [sflag:s24], $0x4000  }
0x28: {  	[sflag:s24] =	ssyncset.done $0x0  }
0x29: {  	s26 =	simm.s32 $0x680;
	[sflag:s24] =	ssyncadd.s32 $0xFFFFC000  }
0x2a: {  	[tilespmem:s21], [sflag:$0x1] =	stream.indirect.gather.add.f32 [hbm:s2], $0x80, s26, s20, $0xb8;
	[tilespmem:$0xD380] =	vst v63  }
0x2b: {  	_ = 	snop  }
0x2c: {  	[tilespmem:s21], [sflag:$0x1] =	stream.indirect.gather.add.f32 [hbm:s5], $0x80, s1, s20, $0xb8;
	[tilespmem:$0xD380] =	vst v63  }
0x2d: {  	_ = 	snop  }
0x2e: {  	[tilespmem:s22], [sflag:$0x1] =	stream.indirect.gather.add.f32 [hbm:s7], $0x80, s26, s20, $0xb8;
	[tilespmem:$0xD380] =	vst v63  }
0x2f: {  	_ = 	snop  }
0x30: {  	[tilespmem:s22], [sflag:$0x1] =	stream.indirect.gather.add.f32 [hbm:s8], $0x80, s1, s20, $0xb8;
	[tilespmem:$0xD380] =	vst v63  }
0x31: {  	_ =	swait.ge [sflag:s24], $0x4000  }
0x32: {  	[sflag:s24] =	ssyncset.done $0x0  }
0x33: {  	[sflag:s24] =	ssyncadd.s32 $0xFFFFC000  }
0x34: {  	_ =	swait.ge [sflag:s24], $0x4000  }
0x35: {  	[sflag:s24] =	ssyncset.done $0x0  }
0x36: {  	[sflag:s24] =	ssyncadd.s32 $0xFFFFC000  }
0x37: {  	_ =	swait.ge [sflag:s24], $0x4000  }
0x38: {  	[sflag:s24] =	ssyncset.done $0x0  }
0x39: {  	[sflag:s24] =	ssyncadd.s32 $0xFFFFC000  }
0x3a: {  	_ =	swait.ge [sflag:s24], $0x4000  }
0x3b: {  	[sflag:s24] =	ssyncset.done $0x0  }
0x3c: {  	[sflag:s24] =	ssyncadd.s32 $0xFFFFC000  }
0x3d: {  	[hbm4b:s16+s3] =	stream.linear.scatter [tilespmem:s21], [sflag:$0x2], $0x4000, $0x38;
	[tilespmem:$0xD380] =	vst v63  }
0x3e: {  	_ =	swait.ge [sflag:s17], $0x4000  }
0x3f: {  	[sflag:s17] =	ssyncset.done $0x0  }
0x40: {  	[sflag:s17] =	ssyncadd.s32 $0xFFFFC000  }
0x41: {  	[hbm4b:s15+s3] =	stream.linear.scatter [tilespmem:s22], [sflag:$0x2], $0x4000, $0x38;
	[tilespmem:$0xD380] =	vst v63  }
0x42: {  	_ =	swait.ge [sflag:s17], $0x4000  }
0x43: {  	[sflag:s17] =	ssyncset.done $0x0  }
0x44: {  	s30 =	simm.s32 $0x200;
	[sflag:s17] =	ssyncadd.s32 $0xFFFFC000  }
0x45: {  	[hbm4b:s13+s3] =	stream.linear.scatter [tilespmem:s23], [sflag:$0x2], $0x4000, $0x38;
	[tilespmem:$0xD380] =	vst v63  }
0x46: {  	s31 =	simm.s32 $0x400;
	s29 =	sadd.s32 $0x800, s16;
	_ =	swait.ge [sflag:s17], $0x4000  }
0x47: {  	s28 =	sadd.s32 $0x800, s15;
	s26 =	sadd.s32 $0x800, s13;
	[sflag:s17] =	ssyncset.done $0x0  }
.LBB2_2:
0x48: {  	s1 =	sshra.s32 s30, $0x2  }
0x49: {  	[sflag:s17] =	ssyncadd.s32 $0xFFFFC000;
	s30 =	smov.u32 s31;
	s0 =	sadd.s32 $0x200, s31  }
0x4a: {  	[tilespmem:s21], [sflag:$0x1] =	stream.indirect.gather [hbm4b:s4+s20], $0x80, s1, s20, $0xb8;
	[tilespmem:$0xD380] =	vst v63  }
0x4b: {  	p0 =	sne.s32 s31, $0x1800  }
0x4c: {  	[tilespmem:s22], [sflag:$0x1] =	stream.indirect.gather [hbm4b:s6+s20], $0x80, s1, s20, $0xb8;
	[tilespmem:$0xD380] =	vst v63  }
0x4d: {  	s31 =	sadd.s32 $0xD00, s1  }
0x4e: {  	[tilespmem:s23], [sflag:$0x1] =	stream.indirect.gather [hbm4b:s9+s20], $0x80, s31, s20, $0xb8;
	[tilespmem:$0xD380] =	vst v63  }
0x4f: {  	_ =	swait.ge [sflag:s24], $0x4000  }
0x50: {  	[sflag:s24] =	ssyncset.done $0x0  }
0x51: {  	[sflag:s24] =	ssyncadd.s32 $0xFFFFC000  }
0x52: {  	_ =	swait.ge [sflag:s24], $0x4000  }
0x53: {  	[sflag:s24] =	ssyncset.done $0x0  }
0x54: {  	[sflag:s24] =	ssyncadd.s32 $0xFFFFC000  }
0x55: {  	_ =	swait.ge [sflag:s24], $0x4000  }
0x56: {  	[sflag:s24] =	ssyncset.done $0x0  }
0x57: {  	s1 =	sadd.s32 $0x680, s1;
	[sflag:s24] =	ssyncadd.s32 $0xFFFFC000  }
0x58: {  	[tilespmem:s21], [sflag:$0x1] =	stream.indirect.gather.add.f32 [hbm:s2], $0x80, s1, s20, $0xb8;
	[tilespmem:$0xD380] =	vst v63  }
0x59: {  	_ = 	snop  }
0x5a: {  	[tilespmem:s21], [sflag:$0x1] =	stream.indirect.gather.add.f32 [hbm:s5], $0x80, s31, s20, $0xb8;
	[tilespmem:$0xD380] =	vst v63  }
0x5b: {  	_ = 	snop  }
0x5c: {  	[tilespmem:s22], [sflag:$0x1] =	stream.indirect.gather.add.f32 [hbm:s7], $0x80, s1, s20, $0xb8;
	[tilespmem:$0xD380] =	vst v63  }
0x5d: {  	_ = 	snop  }
0x5e: {  	[tilespmem:s22], [sflag:$0x1] =	stream.indirect.gather.add.f32 [hbm:s8], $0x80, s31, s20, $0xb8;
	[tilespmem:$0xD380] =	vst v63  }
0x5f: {  	_ =	swait.ge [sflag:s24], $0x4000  }
0x60: {  	[sflag:s24] =	ssyncset.done $0x0  }
0x61: {  	[sflag:s24] =	ssyncadd.s32 $0xFFFFC000  }
0x62: {  	_ =	swait.ge [sflag:s24], $0x4000  }
0x63: {  	[sflag:s24] =	ssyncset.done $0x0  }
0x64: {  	[sflag:s24] =	ssyncadd.s32 $0xFFFFC000  }
0x65: {  	_ =	swait.ge [sflag:s24], $0x4000  }
0x66: {  	[sflag:s24] =	ssyncset.done $0x0  }
0x67: {  	[sflag:s24] =	ssyncadd.s32 $0xFFFFC000  }
0x68: {  	_ =	swait.ge [sflag:s24], $0x4000  }
0x69: {  	[sflag:s24] =	ssyncset.done $0x0  }
0x6a: {  	[sflag:s24] =	ssyncadd.s32 $0xFFFFC000  }
0x6b: {  	[hbm4b:s29+s3] =	stream.linear.scatter [tilespmem:s21], [sflag:$0x2], $0x4000, $0x38;
	[tilespmem:$0xD380] =	vst v63  }
0x6c: {  	_ =	swait.ge [sflag:s17], $0x4000  }
0x6d: {  	[sflag:s17] =	ssyncset.done $0x0  }
0x6e: {  	[sflag:s17] =	ssyncadd.s32 $0xFFFFC000  }
0x6f: {  	[hbm4b:s28+s3] =	stream.linear.scatter [tilespmem:s22], [sflag:$0x2], $0x4000, $0x38;
	[tilespmem:$0xD380] =	vst v63  }
0x70: {  	_ =	swait.ge [sflag:s17], $0x4000  }
.Ltmp0:
0x71: {  	[sflag:s17] =	ssyncset.done $0x0;
	(pc) =	sbr.rel @p0 .LBB2_2-.Ltmp0, $4  }
0x72: {  	[sflag:s17] =	ssyncadd.s32 $0xFFFFC000  }
0x73: {  	[hbm4b:s26+s3] =	stream.linear.scatter [tilespmem:s23], [sflag:$0x2], $0x4000, $0x38;
	[tilespmem:$0xD380] =	vst v63  }
0x74: {  	s31 =	smov.u32 s0;
	s29 =	sadd.s32 $0x800, s29;
	_ =	swait.ge [sflag:s17], $0x4000  }
0x75: {  	s28 =	sadd.s32 $0x800, s28;
	s26 =	sadd.s32 $0x800, s26;
	[sflag:s17] =	ssyncset.done $0x0  }
0x76: {  	s0 =	sshra.s32 s30, $0x2;
	[sflag:s17] =	ssyncadd.s32 $0xFFFFC000  }
0x77: {  	[tilespmem:s21], [sflag:$0x1] =	stream.indirect.gather [hbm4b:s4+s20], $0x80, s0, s20, $0xb8;
	[tilespmem:$0xD380] =	vst v63  }
0x78: {  	_ = 	snop  }
0x79: {  	[tilespmem:s22], [sflag:$0x1] =	stream.indirect.gather [hbm4b:s6+s20], $0x80, s0, s20, $0xb8;
	[tilespmem:$0xD380] =	vst v63  }
0x7a: {  	s1 =	sadd.s32 $0xD00, s0  }
0x7b: {  	[tilespmem:s23], [sflag:$0x1] =	stream.indirect.gather [hbm4b:s9+s20], $0x80, s1, s20, $0xb8;
	[tilespmem:$0xD380] =	vst v63  }
0x7c: {  	_ =	swait.ge [sflag:s24], $0x4000  }
0x7d: {  	[sflag:s24] =	ssyncset.done $0x0  }
0x7e: {  	[sflag:s24] =	ssyncadd.s32 $0xFFFFC000  }
0x7f: {  	_ =	swait.ge [sflag:s24], $0x4000  }
0x80: {  	[sflag:s24] =	ssyncset.done $0x0  }
0x81: {  	[sflag:s24] =	ssyncadd.s32 $0xFFFFC000  }
0x82: {  	_ =	swait.ge [sflag:s24], $0x4000  }
0x83: {  	[sflag:s24] =	ssyncset.done $0x0  }
0x84: {  	s0 =	sadd.s32 $0x680, s0;
	[sflag:s24] =	ssyncadd.s32 $0xFFFFC000  }
0x85: {  	[tilespmem:s21], [sflag:$0x1] =	stream.indirect.gather.add.f32 [hbm:s2], $0x80, s0, s20, $0xb8;
	[tilespmem:$0xD380] =	vst v63  }
0x86: {  	_ = 	snop  }
0x87: {  	[tilespmem:s21], [sflag:$0x1] =	stream.indirect.gather.add.f32 [hbm:s5], $0x80, s1, s20, $0xb8;
	[tilespmem:$0xD380] =	vst v63  }
0x88: {  	_ = 	snop  }
0x89: {  	[tilespmem:s22], [sflag:$0x1] =	stream.indirect.gather.add.f32 [hbm:s7], $0x80, s0, s20, $0xb8;
	[tilespmem:$0xD380] =	vst v63  }
0x8a: {  	_ = 	snop  }
0x8b: {  	[tilespmem:s22], [sflag:$0x1] =	stream.indirect.gather.add.f32 [hbm:s8], $0x80, s1, s20, $0xb8;
	[tilespmem:$0xD380] =	vst v63  }
0x8c: {  	_ =	swait.ge [sflag:s24], $0x4000  }
0x8d: {  	[sflag:s24] =	ssyncset.done $0x0  }
0x8e: {  	[sflag:s24] =	ssyncadd.s32 $0xFFFFC000  }
0x8f: {  	_ =	swait.ge [sflag:s24], $0x4000  }
0x90: {  	[sflag:s24] =	ssyncset.done $0x0  }
0x91: {  	[sflag:s24] =	ssyncadd.s32 $0xFFFFC000  }
0x92: {  	_ =	swait.ge [sflag:s24], $0x4000  }
0x93: {  	[sflag:s24] =	ssyncset.done $0x0  }
0x94: {  	[sflag:s24] =	ssyncadd.s32 $0xFFFFC000  }
0x95: {  	_ =	swait.ge [sflag:s24], $0x4000  }
0x96: {  	[sflag:s24] =	ssyncset.done $0x0  }
0x97: {  	[sflag:s24] =	ssyncadd.s32 $0xFFFFC000  }
0x98: {  	[hbm4b:s29+s3] =	stream.linear.scatter [tilespmem:s21], [sflag:$0x2], $0x4000, $0x38;
	[tilespmem:$0xD380] =	vst v63  }
0x99: {  	_ =	swait.ge [sflag:s17], $0x4000  }
0x9a: {  	[sflag:s17] =	ssyncset.done $0x0  }
0x9b: {  	[sflag:s17] =	ssyncadd.s32 $0xFFFFC000  }
0x9c: {  	[hbm4b:s28+s3] =	stream.linear.scatter [tilespmem:s22], [sflag:$0x2], $0x4000, $0x38;
	[tilespmem:$0xD380] =	vst v63  }
0x9d: {  	s25 =	sadd.s32 $0x1, s25;
	_ =	swait.ge [sflag:s17], $0x4000  }
0x9e: {  	p0 =	sne.s32 s25, s14;
	[sflag:s17] =	ssyncset.done $0x0  }
.Ltmp1:
0x9f: {  	[sflag:s17] =	ssyncadd.s32 $0xFFFFC000;
	(pc) =	sbr.rel @p0 .LBB2_1-.Ltmp1, $4  }
0xa0: {  	[hbm4b:s26+s3] =	stream.linear.scatter [tilespmem:s23], [sflag:$0x2], $0x4000, $0x38;
	[tilespmem:$0xD380] =	vst v63  }
0xa1: {  	_ =	swait.ge [sflag:s17], $0x4000  }
0xa2: {  	[sflag:s17] =	ssyncset.done $0x0  }
0xa3: {  	[sflag:s17] =	ssyncadd.s32 $0xFFFFC000  }
0xa4: {  	_ =	sfence.sel $0x180000  }
0xa5: {  	[bflag:$0x0] =	sbarrier.arrive $0xFFFF  }
0xa6: {  	_ =	strace $0x90000047  }
0xa7: {  	s0 =	stileid.u32;
	[bflag:$0x2] =	sbarrier.arrive $0xFFFF  }
0xa8: {  	p0 =	sne.s32 s0, $0x0;
	s0 =	rddreg [dreg:$0x2]  }
0xa9: {  	s0 =	sadd.s32 @!p0 $0x100000, s0  }
0xaa: {  	[sflag:s0] =	ssyncadd.tile.s32 @!p0 $0x1;
	_ =	shalt  }
.Lfunc_end2:
_tile_overlayer_lowered:
.L_overlay_start_2:
0xab: {  	(tag) =	ssettag $0x2  }
0xac: {  	s0 =	rddreg [dreg:$0x0];
	s2 =	stileid.u32  }
0xad: {  	s1 =	rddreg [dreg:$0x1];
	p0 =	sne.s32 s2, $0x0  }
0xae: {  	s3 =	rddreg [dreg:$0x2];
	[bflag:$0x3] =	sbarrier.arrive $0xFFFF;
	s2 =	simm.s32 @!p0 $0x1C02  }
0xaf: {  	[timem:s3], [sflag:s2] =	dma.local @!p0 [hbm:s0], s1  }
0xb0: {  	s0 =	simm.s32 @!p0 $0x2  }
0xb1: {  	_ =	swait.ge @!p0 [sflag:s0], s1  }
0xb2: {  	s1 =	ssub.s32 @!p0 $0x0, s1;
	[sflag:s0] =	ssyncset.done @!p0 $0x0  }
0xb3: {  	[sflag:s0] =	ssyncadd.s32 @!p0 s1  }
0xb4: {  	[bflag:$0x3] =	sbarrier.arrive $0xFFFF  }
0xb5: {  	_ =	shalt  }

// kernel: kernel.13.cloned.1.call-start
scs
__scs_entry_jumppad:
0x0: {  	(pc) =	sbr.rel $0x88, $3  }
0x1: {  	(tag) =	ssettag $0x0;
	lr =	simm.s32 $0x1  }
0x2: {  	[smem:$0x3F8B] =	sst lr;
	_ =	strace $0xD0000000  }
0x3: {  	_ = 	snop  }
0x4: {  	_ = 	snop  }
0x5: {  	_ = 	snop  }
0x6: {  	_ = 	snop  }
0x7: {  	_ = 	snop  }
__scs_overlays_trampoline_lowered:
0x8: {  	[smem:$0x3F9A] =	sst s0  }
0x9: {  	[smem:$0x3F9B] =	sst s1  }
0xa: {  	[smem:$0x3F9C] =	sst s2  }
0xb: {  	[smem:$0x3F9D] =	sst s3  }
0xc: {  	[smem:$0x3F9E] =	sst s4  }
0xd: {  	[smem:$0x3F9F] =	sst s5  }
0xe: {  	[smem:$0x3FA0] =	sst s6  }
0xf: {  	[smem:$0x3FA1] =	sst s7  }
0x10: {  	[smem:$0x3FA2] =	sst s8  }
0x11: {  	[smem:$0x3FA3] =	sst s9;
	s0 =	simm.s32 @!p0 $0x0  }
0x12: {  	s1 =	sld [smem:$0x3F89];
	s0 =	simm.s32 @p0 $0x1  }
0x13: {  	[smem:$0x3FA4] =	sst s0;
	s0 =	simm.s32 @!p1 $0x0  }
0x14: {  	s2 =	sld [smem:$0x3F88];
	s0 =	simm.s32 @p1 $0x1  }
0x15: {  	[smem:$0x3FA5] =	sst s0;
	s0 =	simm.s32 @!p2 $0x0  }
0x16: {  	s3 =	sld [smem:$0x3FDB];
	s0 =	simm.s32 @p2 $0x1  }
0x17: {  	s4 =	simm.s32 $0x1BF5;
	[smem:$0x3FA7] =	sst s0  }
0x18: {  	s0 =	sld [smem:$0x3F8A];
	_ =	swait.ge [sflag:s4], $0x0  }
0x19: {  	s7 =	sld [smem:$0x3F8B]  }
0x1a: {  	s8 =	sadd.s32 $0xFFFFE003, lr  }
0x1b: {  	s9 =	sadd.s32 $0xFFFFFEF7, lr;
	s5 =	simm.s32 $0xFFFFFFFF;
	p2 =	slt.u32 s8, $0xFFFFF086  }
0x1c: {  	p1 =	slt.u32 s9, $0xF7A;
	s5 =	simm.s32 @!p2 $0x0  }
0x1d: {  	s5 =	simm.s32 @p1 $0x1;
	p0 =	seq.s32 s7, s2  }
0x1e: {  	s7 =	smul.u32 @!p0 $0xF7A, s2;
	p2 =	seq.s32 @!p0 s5, $0x0  }
0x1f: {  	s9 =	smul.u32 $0xF7A, s1;
	s8 =	simm.s32 @!p0 $0x1BF5;
	p2 =	por !p2, p0  }
0x20: {  	[sflag:s8] =	ssyncset.s32 @!p0 $0xFFFFF086;
	s6 =	sadd.s32 @!p0 s3, s7;
	s7 =	simm.s32 @!p0 $0x108  }
0x21: {  	s3 =	sadd.s32 s3, s9;
	s6 =	sadd.s32 @!p0 $0x88, s6;
	s7 =	simm.s32 @p2 $0x1082  }
0x22: {  	[simem:s7], [sflag:s8] =	dma.local @!p0 [hbm:s6], $0xF7A  }
0x23: {  	s9 =	sor.u32 $0xD0000000, s2;
	s6 =	simm.s32 $0x108;
	_ =	swait.ge @!p0 [sflag:s8], $0x0  }
0x24: {  	s3 =	sadd.s32 $0x88, s3;
	s6 =	simm.s32 @!p1 $0x1082;
	[sflag:s4] =	ssyncset.s32 $0xFFFFF086  }
0x25: {  	[simem:s6], [sflag:s4] =	dma.local [hbm:s3], $0xF7A  }
0x26: {  	[smem:$0x3F8B] =	sst s1;
	(tag) =	ssettag s2;
	_ =	strace s9  }
0x27: {  	s1 =	sld [smem:$0x3F9B]  }
0x28: {  	s2 =	sld [smem:$0x3F9C]  }
0x29: {  	s4 =	sld [smem:$0x3F9E]  }
0x2a: {  	p0 =	seq.s32 s5, $0x0;
	s5 =	sld [smem:$0x3F9F]  }
0x2b: {  	s6 =	sld [smem:$0x3FA0]  }
0x2c: {  	s7 =	sld [smem:$0x3FA1]  }
0x2d: {  	s3 =	simm.s32 $0x108;
	s8 =	sld [smem:$0x3FA2]  }
0x2e: {  	s3 =	simm.s32 @!p0 $0x1082;
	s9 =	sld [smem:$0x3FA3]  }
0x2f: {  	lr =	sadd.s32 s0, s3;
	s0 =	sld [smem:$0x3F9A]  }
0x30: {  	s3 =	sld [smem:$0x3F9D]  }
0x31: {  	[smem:$0x3FA6] =	sst s10  }
0x32: {  	s10 =	sld [smem:$0x3FA4];
	_ =	sdelay $0x3  }
0x33: {  	p0 =	seq.s32 s10, $0x1;
	s10 =	sld [smem:$0x3FA6];
	_ =	sdelay $0x3  }
0x34: {  	[smem:$0x3FA6] =	sst s10  }
0x35: {  	s10 =	sld [smem:$0x3FA5];
	_ =	sdelay $0x3  }
0x36: {  	p1 =	seq.s32 s10, $0x1;
	s10 =	sld [smem:$0x3FA6];
	_ =	sdelay $0x3  }
0x37: {  	[smem:$0x3FA6] =	sst s10  }
0x38: {  	s10 =	sld [smem:$0x3FA7]  }
0x39: {  	_ = 	snop;
	(pc) =	sbr.ind lr, $3  }
0x3a: {  	_ = 	snop  }
0x3b: {  	_ = 	snop  }
0x3c: {  	p2 =	seq.s32 s10, $0x1;
	s10 =	sld [smem:$0x3FA6]  }
0x3d: {  	_ =	shalt  }
0x3e: {  	_ =	shalt  }
0x3f: {  	_ =	shalt  }
0x40: {  	_ =	shalt  }
0x41: {  	_ =	shalt  }
0x42: {  	_ =	shalt  }
0x43: {  	_ =	shalt  }
0x44: {  	_ =	shalt  }
0x45: {  	_ =	shalt  }
0x46: {  	_ =	shalt  }
0x47: {  	_ =	shalt  }
0x48: {  	_ =	shalt  }
0x49: {  	_ =	shalt  }
0x4a: {  	_ =	shalt  }
0x4b: {  	_ =	shalt  }
0x4c: {  	_ =	shalt  }
0x4d: {  	_ =	shalt  }
0x4e: {  	_ =	shalt  }
0x4f: {  	_ =	shalt  }
0x50: {  	_ =	shalt  }
0x51: {  	_ =	shalt  }
0x52: {  	_ =	shalt  }
0x53: {  	_ =	shalt  }
0x54: {  	_ =	shalt  }
0x55: {  	_ =	shalt  }
0x56: {  	_ =	shalt  }
0x57: {  	_ =	shalt  }
0x58: {  	_ =	shalt  }
0x59: {  	_ =	shalt  }
0x5a: {  	_ =	shalt  }
0x5b: {  	_ =	shalt  }
0x5c: {  	_ =	shalt  }
0x5d: {  	_ =	shalt  }
0x5e: {  	_ =	shalt  }
0x5f: {  	_ =	shalt  }
0x60: {  	_ =	shalt  }
0x61: {  	_ =	shalt  }
0x62: {  	_ =	shalt  }
0x63: {  	_ =	shalt  }
0x64: {  	_ =	shalt  }
0x65: {  	_ =	shalt  }
0x66: {  	_ =	shalt  }
0x67: {  	_ =	shalt  }
0x68: {  	_ =	shalt  }
0x69: {  	_ =	shalt  }
0x6a: {  	_ =	shalt  }
0x6b: {  	_ =	shalt  }
0x6c: {  	_ =	shalt  }
0x6d: {  	_ =	shalt  }
0x6e: {  	_ =	shalt  }
0x6f: {  	_ =	shalt  }
0x70: {  	_ =	shalt  }
0x71: {  	_ =	shalt  }
0x72: {  	_ =	shalt  }
0x73: {  	_ =	shalt  }
0x74: {  	_ =	shalt  }
0x75: {  	_ =	shalt  }
0x76: {  	_ =	shalt  }
0x77: {  	_ =	shalt  }
0x78: {  	_ =	shalt  }
0x79: {  	_ =	shalt  }
0x7a: {  	_ =	shalt  }
0x7b: {  	_ =	shalt  }
0x7c: {  	_ =	shalt  }
0x7d: {  	_ =	shalt  }
0x7e: {  	_ =	shalt  }
0x7f: {  	_ =	shalt  }
0x80: {  	_ =	shalt  }
0x81: {  	_ =	shalt  }
0x82: {  	_ =	shalt  }
0x83: {  	_ =	shalt  }
0x84: {  	_ =	shalt  }
0x85: {  	_ =	shalt  }
0x86: {  	_ =	shalt  }
0x87: {  	_ =	shalt  }
.Lfunc_end0:
.L_simem_size_0:
called_computation.1_lowered:
.L_overlay_start_0:
0x88: {  	s2 =	sld [smem:$0x3FD9]  }
0x89: {  	s3 =	sld [smem:$0x3FFE];
	_ =	sdelay $0x1  }
0x8a: {  	s1 =	srdreg.scid  }
0x8b: {  	s0 =	sand.u32 $0x1, s1  }
0x8c: {  	s17 =	sshll.u32 s0, $0xA;
	s2 =	sadd.s32 s3, s2  }
0x8d: {  	s2 =	sadd.s32 s2, s17  }
0x8e: {  	[smem:$0x3FB2] =	sst s2  }
0x8f: {  	_ = 	snop  }
0x90: {  	(tm) =	ssettm $0x1  }
0x91: {  	s18 =	sld [smem:$0x3FFB];
	_ =	sdelay $0x3  }
0x92: {  	_ =	strace s18  }
0x93: {  	s2 =	sld [smem:$0x3FFC];
	_ =	sdelay $0x3  }
0x94: {  	_ =	strace s2  }
0x95: {  	s2 =	sld [smem:$0x3FFD];
	_ =	sdelay $0x3  }
0x96: {  	_ =	strace s2  }
0x97: {  	_ =	strace $0x8FFFFFFF  }
0x98: {  	s19 =	sld [smem:$0x3FDB];
	_ =	sdelay $0x1  }
0x99: {  	s20 =	simm.s32 $_scs_section_size  }
0x9a: {  	s4 =	simm.s32 $_size__tile_overlayer_lowered;
	s5 =	simm.s32 $_tile_overlayer_lowered  }
0x9b: {  	s6 =	simm.s32 $0x1BFF;
	s21 =	sshll.u32 s5, $0x1;
	s3 =	sadd.s32 s20, s19  }
0x9c: {  	s22 =	simm.s32 $0x0;
	s4 =	sshll.u32 s4, $0x1;
	s5 =	sadd.s32 s21, s3  }
0x9d: {  	[timem:s22], [sflag:s6] =	dma.local [hbm:s5], s4  }
0x9e: {  	_ =	swait.ge [sflag:s6], s4  }
0x9f: {  	s4 =	ssub.s32 $0x0, s4;
	[sflag:s6] =	ssyncset.done $0x0  }
0xa0: {  	[sflag:s6] =	ssyncadd.s32 s4;
	_ =	sdelay $0x1  }
0xa1: {  	s23 =	simm.s32 $0x1B8B  }
0xa2: {  	_ =	swait.ge [sflag:s23], $0x1  }
0xa3: {  	[sflag:s23] =	ssyncset.done $0x0  }
0xa4: {  	[sflag:s23] =	ssyncadd.s32 $0xFFFFFFFF  }
0xa5: {  	s4 =	sld [smem:$0x0]  }
0xa6: {  	s5 =	sand.u32 $0xFFFFFFFE, s1  }
0xa7: {  	p0 =	sne.s32 s1, s5  }
0xa8: {  	s5 =	sshll.u32 @p0 s5, $0xE  }
0xa9: {  	s5 =	sadd.s32 @p0 $0x11B8D, s5;
	s6 =	sshll.u32 @p0 s4, $0x11  }
0xaa: {  	s5 =	sor.u32 @p0 s6, s5  }
0xab: {  	[sflag:s5] =	ssyncadd.remote.s32 @p0 $0x1;
	_ =	sdelay $0x1  }
0xac: {  	s5 =	simm.s32 @p0 $0x1B8D  }
0xad: {  	_ =	swait.eq @p0 [sflag:s5], $0x1  }
0xae: {  	[sflag:s5] =	ssyncadd.s32 @p0 $0xFFFFFFFF  }
0xaf: {  	s6 =	sshll.u32 @!p0 s1, $0xE  }
0xb0: {  	s6 =	sor.u32 @!p0 $0x4000, s6;
	s5 =	simm.s32 @!p0 $0x1B8D  }
0xb1: {  	s4 =	sshll.u32 @!p0 s4, $0x11;
	s6 =	sadd.s32 @!p0 $0x11B8D, s6;
	_ =	swait.eq @!p0 [sflag:s5], $0x1  }
0xb2: {  	s4 =	sor.u32 @!p0 s4, s6;
	[sflag:s5] =	ssyncadd.s32 @!p0 $0xFFFFFFFF  }
0xb3: {  	s25 =	simm.s32 $0x1B8E;
	s24 =	sld [smem:$0x3FFE];
	[sflag:s4] =	ssyncadd.remote.s32 @!p0 $0x1  }
0xb4: {  	s26 =	simm.s32 $execute0_lowered;
	[smem:$0x3FD2] =	sst s25  }
0xb5: {  	s5 =	sshll.u32 s26, $0x1;
	_ =	strace $0x80000049;
	[dreg:$0x1] =	wrdreg $0xFFFFFFFF  }
0xb6: {  	s28 =	simm.s32 $_size_execute0_lowered;
	s3 =	sadd.s32 s3, s5;
	[dreg:$0x0] =	wrdreg $0x0  }
0xb7: {  	s5 =	sshll.u32 s28, $0x1;
	[dreg:$0x2] =	wrdreg s3  }
0xb8: {  	[dreg:$0x3] =	wrdreg s5  }
0xb9: {  	[dreg:$0x4] =	wrdreg $0xC0  }
0xba: {  	_ =	task [dreg:s22], $0x5FFFF  }
0xbb: {  	[dreg:$0x1] =	wrdreg $0xFFFFFFFF  }
0xbc: {  	[dreg:$0x0] =	wrdreg $0x60  }
0xbd: {  	[dreg:$0x2] =	wrdreg s24  }
0xbe: {  	[dreg:$0x3] =	wrdreg $0x154000  }
0xbf: {  	[dreg:$0x4] =	wrdreg $0x9  }
0xc0: {  	_ =	task.clear_ibuf [dreg:s22], $0x5FFFF;
	_ =	strace $0x90000049  }
0xc1: {  	s29 =	simm.s32 $0x9;
	_ =	strace $0x8000004B  }
0xc2: {  	_ =	swait.ge [sflag:s29], $0x1  }
0xc3: {  	[sflag:s29] =	ssyncadd.s32 $0xFFFFFFFF  }
0xc4: {  	_ =	strace $0x9000004B  }
0xc5: {  	_ =	sfence  }
0xc6: {  	s30 =	sld [smem:$0x0];
	_ =	sdelay $0x2  }
0xc7: {  	s31 =	sshll.u32 s1, $0xD;
	s1 =	sshrl.u32 s1, $0x2  }
0xc8: {  	s4 =	sand.u32 $0x4000, s31;
	s1 =	sadd.s32 s1, s30  }
0xc9: {  	s0 =	sor.u32 s4, s0;
	s1 =	sshll.u32 s1, $0x11  }
0xca: {  	s0 =	sor.u32 s1, s0  }
0xcb: {  	s0 =	sadd.s32 $0x8F2B, s0  }
0xcc: {  	[sflag:s0] =	ssyncadd.remote.s32 $0x1  }
0xcd: {  	_ =	sfence.sel $0xFFFF  }
0xce: {  	[dreg:$0x0] =	wrdreg $0xFFFFFFFF;
	(pc) =	sbr.abs _section_cstart, $3  }
0xcf: {  	[dreg:$0x1] =	wrdreg $0xFFFFFFFF  }
0xd0: {  	_ =	task.clear_ibuf [dreg:s22], $0x2FFFF;
	_ =	strace $0x9FFFFFFF  }
0xd1: {  	(tm) =	ssettm $0x7FFFFFFF  }
tec
execute0_lowered:
.L_overlay_start_1:
0x0: {  	(tag) =	ssettag $0x1  }
0x1: {  	s8 =	stileid.u32  }
0x2: {  	s3 =	smul.u32 $0xC800, s8  }
0x3: {  	s1 =	srdreg.scid;
	s0 =	sand.u32 $0x3, s8;
	s6 =	smul.u32 $0x1900, s8  }
0x4: {  	s5 =	rddreg [dreg:$0x0];
	s1 =	sand.u32 $0x1, s1;
	s0 =	smul.u32 $0xC8000, s0  }
0x5: {  	s2 =	rddreg [dreg:$0x1];
	s26 =	simm.s32 $0xA80;
	s4 =	smul.u32 $0x6400, s1  }
0x6: {  	s7 =	smul.u32 $0xC80, s1;
	s0 =	sadd.s32 s3, s0;
	s3 =	simm.s32 $0x0  }
0x7: {  	s25 =	sadd.s32 s6, s5;
	s6 =	simm.s32 $0xB80;
	[smem:$0x7FF] =	sst s3  }
0x8: {  	s0 =	sadd.s32 s4, s0;
	_ =	strace $0x8000004A;
	[dreg:$0x5] =	wrdreg s26  }
0x9: {  	s4 =	sadd.s32 s7, s25;
	s7 =	simm.s32 $0xC00;
	[dreg:$0x7] =	wrdreg s6  }
0xa: {  	s9 =	simm.s32 $0xC80;
	[dreg:$0x8] =	wrdreg s7  }
0xb: {  	s10 =	simm.s32 $0xD00;
	[dreg:$0x9] =	wrdreg s9  }
0xc: {  	s11 =	simm.s32 $0xD80;
	[dreg:$0xa] =	wrdreg s10  }
0xd: {  	s12 =	simm.s32 $0xE00;
	[dreg:$0xb] =	wrdreg s11  }
0xe: {  	s14 =	simm.s32 $0xE80;
	[dreg:$0xc] =	wrdreg s12  }
0xf: {  	s16 =	simm.s32 $0xF00;
	s17 =	simm.s32 $0xF80;
	[dreg:$0xd] =	wrdreg s14  }
0x10: {  	s18 =	simm.s32 $0x1000;
	s19 =	simm.s32 $0x1080;
	[dreg:$0xe] =	wrdreg s16  }
0x11: {  	s20 =	simm.s32 $0x1100;
	s21 =	simm.s32 $0x1180;
	[dreg:$0xf] =	wrdreg s17  }
0x12: {  	s23 =	simm.s32 $0x1200;
	s24 =	simm.s32 $0x1280;
	[dreg:$0x10] =	wrdreg s18  }
0x13: {  	s28 =	simm.s32 $0xF400;
	s29 =	simm.s32 $0x10400;
	[dreg:$0x11] =	wrdreg s19  }
0x14: {  	s30 =	simm.s32 $0x11400;
	s31 =	simm.s32 $0x12400;
	[dreg:$0x12] =	wrdreg s20  }
0x15: {  	s15 =	smul.u32 $0x31000, s1;
	s1 =	ssub.s32 $0x2, s1;
	[dreg:$0x13] =	wrdreg s21  }
0x16: {  	s13 =	smul.u32 $0x3100, s8;
	s22 =	sshrl.u32 s1, $0x1;
	[dreg:$0x14] =	wrdreg s23  }
0x17: {  	s1 =	ssub.s32 s1, s22;
	s25 =	simm.s32 $0x1300;
	[dreg:$0x15] =	wrdreg s24  }
0x18: {  	s22 =	simm.s32 $0x780;
	s1 =	smax.u32 s1, $0x1;
	[dreg:$0x16] =	wrdreg s25  }
0x19: {  	s0 =	sshrl.u32 s0, $0x3;
	s4 =	sadd.s32 $0x1C6200, s4;
	[smem:$0x7F1] =	sst s1  }
0x1a: {  	s9 =	sadd.s32 $0x1DF200, s5;
	s7 =	sadd.s32 s13, s15;
	[smem:$0x7F7] =	sst s22  }
0x1b: {  	s6 =	sadd.s32 s13, s2;
	s26 =	sshll.u32 s8, $0x6;
	[dreg:$0x3] =	wrdreg s4  }
0x1c: {  	s8 =	simm.s32 $0x1380;
	s10 =	simm.s32 $0x180;
	[smem:$0x7EF] =	sst s9  }
0x1d: {  	s11 =	simm.s32 $0x200;
	s12 =	simm.s32 $0x280;
	[dreg:$0x17] =	wrdreg s8  }
0x1e: {  	s13 =	simm.s32 $0x300;
	s14 =	simm.s32 $0x380;
	[dreg:$0x19] =	wrdreg s10  }
0x1f: {  	s15 =	simm.s32 $0x400;
	s16 =	simm.s32 $0x480;
	[dreg:$0x1a] =	wrdreg s11  }
0x20: {  	s17 =	simm.s32 $0x500;
	s18 =	simm.s32 $0x580;
	[dreg:$0x1b] =	wrdreg s12  }
0x21: {  	s19 =	simm.s32 $0x600;
	s20 =	simm.s32 $0x680;
	[dreg:$0x1c] =	wrdreg s13  }
0x22: {  	s21 =	simm.s32 $0x700;
	s23 =	simm.s32 $0x800;
	[dreg:$0x1d] =	wrdreg s14  }
0x23: {  	s24 =	simm.s32 $0x880;
	s22 =	simm.s32 $0xA400;
	[dreg:$0x1e] =	wrdreg s15  }
0x24: {  	s25 =	simm.s32 $0x900;
	s1 =	simm.s32 $0x13400;
	[dreg:$0x1f] =	wrdreg s16  }
0x25: {  	s0 =	sadd.s32 s0, s5;
	s4 =	simm.s32 $0xB00;
	[smem:$0x7F2] =	sst s17  }
0x26: {  	s7 =	sshrl.u32 s7, $0x3;
	s9 =	simm.s32 $0x100;
	[smem:$0x7F3] =	sst s18  }
0x27: {  	s8 =	sshrl.u32 s6, $0x3;
	s10 =	simm.s32 $0x2;
	[smem:$0x7F4] =	sst s19  }
0x28: {  	s11 =	simm.s32 $0xA00;
	s12 =	simm.s32 $0x80;
	[smem:$0x7F5] =	sst s20  }
0x29: {  	s13 =	simm.s32 $0x1400;
	s14 =	simm.s32 $0x2400;
	[smem:$0x7F6] =	sst s21  }
0x2a: {  	s15 =	simm.s32 $0x3400;
	s16 =	simm.s32 $0x4400;
	[smem:$0x7F8] =	sst s23  }
0x2b: {  	s17 =	simm.s32 $0x5400;
	s18 =	simm.s32 $0x6400;
	[smem:$0x7F9] =	sst s24  }
0x2c: {  	s19 =	simm.s32 $0x7400;
	s20 =	simm.s32 $0x8400;
	[smem:$0x7FA] =	sst s25  }
0x2d: {  	s21 =	simm.s32 $0x9400;
	s23 =	simm.s32 $0xB400;
	[dreg:$0x6] =	wrdreg s4  }
0x2e: {  	s24 =	simm.s32 $0xC400;
	s0 =	sadd.s32 $0x39E600, s0;
	[dreg:$0x18] =	wrdreg s9  }
0x2f: {  	s4 =	sadd.s32 $0x1C6000, s5;
	s5 =	sadd.s32 s7, s5;
	[smem:$0x7FD] =	sst s8  }
0x30: {  	s7 =	sor.u32 $0x1C02, s26;
	s26 =	simm.s32 $0x980;
	[dreg:$0x4] =	wrdreg s0  }
0x31: {  	s25 =	simm.s32 $0xD400;
	s9 =	simm.s32 $0x0;
	[smem:$0x7FB] =	sst s26  }
0x32: {  	s5 =	sadd.s32 $0x402600, s5;
	s26 =	simm.s32 $0xE400;
	[smem:$0x7FC] =	sst s7  }
0x33: {  	s0 =	simm.s32 $0x14400;
	[smem:$0x7F0] =	sst s5;
	s5 =	simm.s32 $0x1  }
.LBB2_1:
0x34: {  	s6 =	sld [smem:$0x7EF];
	_ =	sdelay $0x1  }
0x35: {  	[smem:$0x7EE] =	sst s9  }
0x36: {  	[spmem:s8], [sflag:s7] =	dma.local [hbm:s6], $0x620  }
0x37: {  	_ =	swait.ge [sflag:s10], $0x620  }
0x38: {  	[sflag:s10] =	ssyncset.done $0x0  }
0x39: {  	[sflag:s10] =	ssyncadd.s32 $0xFFFFF9E0  }
0x3a: {  	[bflag:$0x0] =	sbarrier.arrive $0xFFFF  }
0x3b: {  	s9 =	rddreg [dreg:$0x4]  }
0x3c: {  	s6 =	sadd.s32 $0x0, s9  }
0x3d: {  	[tilespmem:s3], [sflag:$0x2] =	stream.linear.gather [hbm4b:s6+s3], $0xA00, $0x38;
	[tilespmem:$0x18500] =	vst v63  }
0x3e: {  	_ =	swait.ge [sflag:s10], $0xA00  }
0x3f: {  	s7 =	rddreg [dreg:$0x3];
	[sflag:s10] =	ssyncset.done $0x0  }
0x40: {  	[sflag:s10] =	ssyncadd.s32 $0xFFFFF600;
	s6 =	sadd.s32 $0x0, s7  }
0x41: {  	[tilespmem:s11], [sflag:$0x2] =	stream.linear.gather [hbm4b:s6+s3], $0xA00, $0x38;
	[tilespmem:$0x18500] =	vst v63  }
0x42: {  	_ =	swait.ge [sflag:s10], $0xA00  }
0x43: {  	[sflag:s10] =	ssyncset.done $0x0  }
0x44: {  	[sflag:s10] =	ssyncadd.s32 $0xFFFFF600  }
0x45: {  	[tilespmem:s13], [sflag:$0x1] =	stream.indirect.gather [hbm4b:s4+s12], $0x20, s11, s12, $0xb8;
	[tilespmem:$0x18500] =	vst v63  }
0x46: {  	s8 =	rddreg [dreg:$0x5]  }
0x47: {  	[tilespmem:s14], [sflag:$0x1] =	stream.indirect.gather [hbm4b:s4+s12], $0x20, s8, s12, $0xb8;
	[tilespmem:$0x18500] =	vst v63  }
0x48: {  	s9 =	rddreg [dreg:$0x6]  }
0x49: {  	[tilespmem:s15], [sflag:$0x1] =	stream.indirect.gather [hbm4b:s4+s12], $0x20, s9, s12, $0xb8;
	[tilespmem:$0x18500] =	vst v63  }
0x4a: {  	s7 =	rddreg [dreg:$0x7]  }
0x4b: {  	[tilespmem:s16], [sflag:$0x1] =	stream.indirect.gather [hbm4b:s4+s12], $0x20, s7, s12, $0xb8;
	[tilespmem:$0x18500] =	vst v63  }
0x4c: {  	s9 =	rddreg [dreg:$0x8]  }
0x4d: {  	[tilespmem:s17], [sflag:$0x1] =	stream.indirect.gather [hbm4b:s4+s12], $0x20, s9, s12, $0xb8;
	[tilespmem:$0x18500] =	vst v63  }
0x4e: {  	s7 =	rddreg [dreg:$0x9]  }
0x4f: {  	[tilespmem:s18], [sflag:$0x1] =	stream.indirect.gather [hbm4b:s4+s12], $0x20, s7, s12, $0xb8;
	[tilespmem:$0x18500] =	vst v63  }
0x50: {  	s9 =	rddreg [dreg:$0xa]  }
0x51: {  	[tilespmem:s19], [sflag:$0x1] =	stream.indirect.gather [hbm4b:s4+s12], $0x20, s9, s12, $0xb8;
	[tilespmem:$0x18500] =	vst v63  }
0x52: {  	s7 =	rddreg [dreg:$0xb]  }
0x53: {  	[tilespmem:s20], [sflag:$0x1] =	stream.indirect.gather [hbm4b:s4+s12], $0x20, s7, s12, $0xb8;
	[tilespmem:$0x18500] =	vst v63  }
0x54: {  	s9 =	rddreg [dreg:$0xc]  }
0x55: {  	[tilespmem:s21], [sflag:$0x1] =	stream.indirect.gather [hbm4b:s4+s12], $0x20, s9, s12, $0xb8;
	[tilespmem:$0x18500] =	vst v63  }
0x56: {  	s7 =	rddreg [dreg:$0xd]  }
0x57: {  	[tilespmem:s22], [sflag:$0x1] =	stream.indirect.gather [hbm4b:s4+s12], $0x20, s7, s12, $0xb8;
	[tilespmem:$0x18500] =	vst v63  }
0x58: {  	s9 =	rddreg [dreg:$0xe]  }
0x59: {  	[tilespmem:s23], [sflag:$0x1] =	stream.indirect.gather [hbm4b:s4+s12], $0x20, s9, s12, $0xb8;
	[tilespmem:$0x18500] =	vst v63  }
0x5a: {  	s7 =	rddreg [dreg:$0xf]  }
0x5b: {  	[tilespmem:s24], [sflag:$0x1] =	stream.indirect.gather [hbm4b:s4+s12], $0x20, s7, s12, $0xb8;
	[tilespmem:$0x18500] =	vst v63  }
0x5c: {  	s9 =	rddreg [dreg:$0x10]  }
0x5d: {  	[tilespmem:s25], [sflag:$0x1] =	stream.indirect.gather [hbm4b:s4+s12], $0x20, s9, s12, $0xb8;
	[tilespmem:$0x18500] =	vst v63  }
0x5e: {  	s7 =	rddreg [dreg:$0x11]  }
0x5f: {  	[tilespmem:s26], [sflag:$0x1] =	stream.indirect.gather [hbm4b:s4+s12], $0x20, s7, s12, $0xb8;
	[tilespmem:$0x18500] =	vst v63  }
0x60: {  	s9 =	rddreg [dreg:$0x12]  }
0x61: {  	[tilespmem:s28], [sflag:$0x1] =	stream.indirect.gather [hbm4b:s4+s12], $0x20, s9, s12, $0xb8;
	[tilespmem:$0x18500] =	vst v63  }
0x62: {  	s7 =	rddreg [dreg:$0x13]  }
0x63: {  	[tilespmem:s29], [sflag:$0x1] =	stream.indirect.gather [hbm4b:s4+s12], $0x20, s7, s12, $0xb8;
	[tilespmem:$0x18500] =	vst v63  }
0x64: {  	s9 =	rddreg [dreg:$0x14]  }
0x65: {  	[tilespmem:s30], [sflag:$0x1] =	stream.indirect.gather [hbm4b:s4+s12], $0x20, s9, s12, $0xb8;
	[tilespmem:$0x18500] =	vst v63  }
0x66: {  	s7 =	rddreg [dreg:$0x15]  }
0x67: {  	[tilespmem:s31], [sflag:$0x1] =	stream.indirect.gather [hbm4b:s4+s12], $0x20, s7, s12, $0xb8;
	[tilespmem:$0x18500] =	vst v63  }
0x68: {  	s9 =	rddreg [dreg:$0x16]  }
0x69: {  	[tilespmem:s1], [sflag:$0x1] =	stream.indirect.gather [hbm4b:s4+s12], $0x20, s9, s12, $0xb8;
	[tilespmem:$0x18500] =	vst v63  }
0x6a: {  	s7 =	rddreg [dreg:$0x17]  }
0x6b: {  	[tilespmem:s0], [sflag:$0x1] =	stream.indirect.gather [hbm4b:s4+s12], $0x20, s7, s12, $0xb8;
	[tilespmem:$0x18500] =	vst v63  }
0x6c: {  	_ =	swait.ge [sflag:s5], $0x1000  }
0x6d: {  	[sflag:s5] =	ssyncset.done $0x0  }
0x6e: {  	[sflag:s5] =	ssyncadd.s32 $0xFFFFF000  }
0x6f: {  	_ =	swait.ge [sflag:s5], $0x1000  }
0x70: {  	[sflag:s5] =	ssyncset.done $0x0  }
0x71: {  	[sflag:s5] =	ssyncadd.s32 $0xFFFFF000  }
0x72: {  	_ =	swait.ge [sflag:s5], $0x1000  }
0x73: {  	[sflag:s5] =	ssyncset.done $0x0  }
0x74: {  	[sflag:s5] =	ssyncadd.s32 $0xFFFFF000  }
0x75: {  	_ =	swait.ge [sflag:s5], $0x1000  }
0x76: {  	[sflag:s5] =	ssyncset.done $0x0  }
0x77: {  	[sflag:s5] =	ssyncadd.s32 $0xFFFFF000  }
0x78: {  	_ =	swait.ge [sflag:s5], $0x1000  }
0x79: {  	[sflag:s5] =	ssyncset.done $0x0  }
0x7a: {  	[sflag:s5] =	ssyncadd.s32 $0xFFFFF000  }
0x7b: {  	_ =	swait.ge [sflag:s5], $0x1000  }
0x7c: {  	[sflag:s5] =	ssyncset.done $0x0  }
0x7d: {  	[sflag:s5] =	ssyncadd.s32 $0xFFFFF000  }
0x7e: {  	_ =	swait.ge [sflag:s5], $0x1000  }
0x7f: {  	[sflag:s5] =	ssyncset.done $0x0  }
0x80: {  	[sflag:s5] =	ssyncadd.s32 $0xFFFFF000  }
0x81: {  	_ =	swait.ge [sflag:s5], $0x1000  }
0x82: {  	[sflag:s5] =	ssyncset.done $0x0  }
0x83: {  	[sflag:s5] =	ssyncadd.s32 $0xFFFFF000  }
0x84: {  	_ =	swait.ge [sflag:s5], $0x1000  }
0x85: {  	[sflag:s5] =	ssyncset.done $0x0  }
0x86: {  	[sflag:s5] =	ssyncadd.s32 $0xFFFFF000  }
0x87: {  	_ =	swait.ge [sflag:s5], $0x1000  }
0x88: {  	[sflag:s5] =	ssyncset.done $0x0  }
0x89: {  	[sflag:s5] =	ssyncadd.s32 $0xFFFFF000  }
0x8a: {  	_ =	swait.ge [sflag:s5], $0x1000  }
0x8b: {  	[sflag:s5] =	ssyncset.done $0x0  }
0x8c: {  	[sflag:s5] =	ssyncadd.s32 $0xFFFFF000  }
0x8d: {  	_ =	swait.ge [sflag:s5], $0x1000  }
0x8e: {  	[sflag:s5] =	ssyncset.done $0x0  }
0x8f: {  	[sflag:s5] =	ssyncadd.s32 $0xFFFFF000  }
0x90: {  	_ =	swait.ge [sflag:s5], $0x1000  }
0x91: {  	[sflag:s5] =	ssyncset.done $0x0  }
0x92: {  	[sflag:s5] =	ssyncadd.s32 $0xFFFFF000  }
0x93: {  	_ =	swait.ge [sflag:s5], $0x1000  }
0x94: {  	[sflag:s5] =	ssyncset.done $0x0  }
0x95: {  	[sflag:s5] =	ssyncadd.s32 $0xFFFFF000  }
0x96: {  	_ =	swait.ge [sflag:s5], $0x1000  }
0x97: {  	[sflag:s5] =	ssyncset.done $0x0  }
0x98: {  	[sflag:s5] =	ssyncadd.s32 $0xFFFFF000  }
0x99: {  	_ =	swait.ge [sflag:s5], $0x1000  }
0x9a: {  	[sflag:s5] =	ssyncset.done $0x0  }
0x9b: {  	[sflag:s5] =	ssyncadd.s32 $0xFFFFF000  }
0x9c: {  	_ =	swait.ge [sflag:s5], $0x1000  }
0x9d: {  	[sflag:s5] =	ssyncset.done $0x0  }
0x9e: {  	[sflag:s5] =	ssyncadd.s32 $0xFFFFF000  }
0x9f: {  	_ =	swait.ge [sflag:s5], $0x1000  }
0xa0: {  	[sflag:s5] =	ssyncset.done $0x0  }
0xa1: {  	[sflag:s5] =	ssyncadd.s32 $0xFFFFF000  }
0xa2: {  	_ =	swait.ge [sflag:s5], $0x1000  }
0xa3: {  	[sflag:s5] =	ssyncset.done $0x0  }
0xa4: {  	[sflag:s5] =	ssyncadd.s32 $0xFFFFF000  }
0xa5: {  	_ =	swait.ge [sflag:s5], $0x1000  }
0xa6: {  	[sflag:s5] =	ssyncset.done $0x0  }
0xa7: {  	[sflag:s5] =	ssyncadd.s32 $0xFFFFF000  }
0xa8: {  	[spmem:s2] =	stream.indirect.scatter.add.f32 [tilespmem:s13], [sflag:$0x1], $0x20, s3, s12, $0xb8;
	[tilespmem:$0x18500] =	vst v63  }
0xa9: {  	s8 =	rddreg [dreg:$0x18]  }
0xaa: {  	[spmem:s2] =	stream.indirect.scatter.add.f32 [tilespmem:s14], [sflag:$0x1], $0x20, s12, s12, $0xb8;
	[tilespmem:$0x18500] =	vst v63  }
0xab: {  	s9 =	rddreg [dreg:$0x19]  }
0xac: {  	[spmem:s2] =	stream.indirect.scatter.add.f32 [tilespmem:s15], [sflag:$0x1], $0x20, s8, s12, $0xb8;
	[tilespmem:$0x18500] =	vst v63  }
0xad: {  	s7 =	rddreg [dreg:$0x1a]  }
0xae: {  	[spmem:s2] =	stream.indirect.scatter.add.f32 [tilespmem:s16], [sflag:$0x1], $0x20, s9, s12, $0xb8;
	[tilespmem:$0x18500] =	vst v63  }
0xaf: {  	s9 =	rddreg [dreg:$0x1b]  }
0xb0: {  	[spmem:s2] =	stream.indirect.scatter.add.f32 [tilespmem:s17], [sflag:$0x1], $0x20, s7, s12, $0xb8;
	[tilespmem:$0x18500] =	vst v63  }
0xb1: {  	s7 =	rddreg [dreg:$0x1c]  }
0xb2: {  	[spmem:s2] =	stream.indirect.scatter.add.f32 [tilespmem:s18], [sflag:$0x1], $0x20, s9, s12, $0xb8;
	[tilespmem:$0x18500] =	vst v63  }
0xb3: {  	s9 =	rddreg [dreg:$0x1d]  }
0xb4: {  	[spmem:s2] =	stream.indirect.scatter.add.f32 [tilespmem:s19], [sflag:$0x1], $0x20, s7, s12, $0xb8;
	[tilespmem:$0x18500] =	vst v63  }
0xb5: {  	s7 =	rddreg [dreg:$0x1e]  }
0xb6: {  	[spmem:s2] =	stream.indirect.scatter.add.f32 [tilespmem:s20], [sflag:$0x1], $0x20, s9, s12, $0xb8;
	[tilespmem:$0x18500] =	vst v63  }
0xb7: {  	s9 =	rddreg [dreg:$0x1f]  }
0xb8: {  	[spmem:s2] =	stream.indirect.scatter.add.f32 [tilespmem:s21], [sflag:$0x1], $0x20, s7, s12, $0xb8;
	[tilespmem:$0x18500] =	vst v63  }
0xb9: {  	s7 =	sld [smem:$0x7F2]  }
0xba: {  	[spmem:s2] =	stream.indirect.scatter.add.f32 [tilespmem:s22], [sflag:$0x1], $0x20, s9, s12, $0xb8;
	[tilespmem:$0x18500] =	vst v63  }
0xbb: {  	s9 =	sld [smem:$0x7F3]  }
0xbc: {  	[spmem:s2] =	stream.indirect.scatter.add.f32 [tilespmem:s23], [sflag:$0x1], $0x20, s7, s12, $0xb8;
	[tilespmem:$0x18500] =	vst v63  }
0xbd: {  	s7 =	sld [smem:$0x7F4]  }
0xbe: {  	[spmem:s2] =	stream.indirect.scatter.add.f32 [tilespmem:s24], [sflag:$0x1], $0x20, s9, s12, $0xb8;
	[tilespmem:$0x18500] =	vst v63  }
0xbf: {  	s9 =	sld [smem:$0x7F5]  }
0xc0: {  	[spmem:s2] =	stream.indirect.scatter.add.f32 [tilespmem:s25], [sflag:$0x1], $0x20, s7, s12, $0xb8;
	[tilespmem:$0x18500] =	vst v63  }
0xc1: {  	s7 =	sld [smem:$0x7F6]  }
0xc2: {  	[spmem:s2] =	stream.indirect.scatter.add.f32 [tilespmem:s26], [sflag:$0x1], $0x20, s9, s12, $0xb8;
	[tilespmem:$0x18500] =	vst v63  }
0xc3: {  	s9 =	sld [smem:$0x7F7]  }
0xc4: {  	[spmem:s2] =	stream.indirect.scatter.add.f32 [tilespmem:s28], [sflag:$0x1], $0x20, s7, s12, $0xb8;
	[tilespmem:$0x18500] =	vst v63  }
0xc5: {  	s7 =	sld [smem:$0x7F8]  }
0xc6: {  	[spmem:s2] =	stream.indirect.scatter.add.f32 [tilespmem:s29], [sflag:$0x1], $0x20, s9, s12, $0xb8;
	[tilespmem:$0x18500] =	vst v63  }
0xc7: {  	s9 =	sld [smem:$0x7F9]  }
0xc8: {  	[spmem:s2] =	stream.indirect.scatter.add.f32 [tilespmem:s30], [sflag:$0x1], $0x20, s7, s12, $0xb8;
	[tilespmem:$0x18500] =	vst v63  }
0xc9: {  	s7 =	sld [smem:$0x7FA]  }
0xca: {  	[spmem:s2] =	stream.indirect.scatter.add.f32 [tilespmem:s31], [sflag:$0x1], $0x20, s9, s12, $0xb8;
	[tilespmem:$0x18500] =	vst v63  }
0xcb: {  	s9 =	sld [smem:$0x7FB]  }
0xcc: {  	[spmem:s2] =	stream.indirect.scatter.add.f32 [tilespmem:s1], [sflag:$0x1], $0x20, s7, s12, $0xb8;
	[tilespmem:$0x18500] =	vst v63  }
0xcd: {  	_ = 	snop  }
0xce: {  	[spmem:s2] =	stream.indirect.scatter.add.f32 [tilespmem:s0], [sflag:$0x1], $0x20, s9, s12, $0xb8;
	[tilespmem:$0x18500] =	vst v63  }
0xcf: {  	_ =	swait.ge [sflag:s5], $0x1000  }
0xd0: {  	[sflag:s5] =	ssyncset.done $0x0  }
0xd1: {  	[sflag:s5] =	ssyncadd.s32 $0xFFFFF000  }
0xd2: {  	_ =	swait.ge [sflag:s5], $0x1000  }
0xd3: {  	[sflag:s5] =	ssyncset.done $0x0  }
0xd4: {  	[sflag:s5] =	ssyncadd.s32 $0xFFFFF000  }
0xd5: {  	_ =	swait.ge [sflag:s5], $0x1000  }
0xd6: {  	[sflag:s5] =	ssyncset.done $0x0  }
0xd7: {  	[sflag:s5] =	ssyncadd.s32 $0xFFFFF000  }
0xd8: {  	_ =	swait.ge [sflag:s5], $0x1000  }
0xd9: {  	[sflag:s5] =	ssyncset.done $0x0  }
0xda: {  	[sflag:s5] =	ssyncadd.s32 $0xFFFFF000  }
0xdb: {  	_ =	swait.ge [sflag:s5], $0x1000  }
0xdc: {  	[sflag:s5] =	ssyncset.done $0x0  }
0xdd: {  	[sflag:s5] =	ssyncadd.s32 $0xFFFFF000  }
0xde: {  	_ =	swait.ge [sflag:s5], $0x1000  }
0xdf: {  	[sflag:s5] =	ssyncset.done $0x0  }
0xe0: {  	[sflag:s5] =	ssyncadd.s32 $0xFFFFF000  }
0xe1: {  	_ =	swait.ge [sflag:s5], $0x1000  }
0xe2: {  	[sflag:s5] =	ssyncset.done $0x0  }
0xe3: {  	[sflag:s5] =	ssyncadd.s32 $0xFFFFF000  }
0xe4: {  	_ =	swait.ge [sflag:s5], $0x1000  }
0xe5: {  	[sflag:s5] =	ssyncset.done $0x0  }
0xe6: {  	[sflag:s5] =	ssyncadd.s32 $0xFFFFF000  }
0xe7: {  	_ =	swait.ge [sflag:s5], $0x1000  }
0xe8: {  	[sflag:s5] =	ssyncset.done $0x0  }
0xe9: {  	[sflag:s5] =	ssyncadd.s32 $0xFFFFF000  }
0xea: {  	_ =	swait.ge [sflag:s5], $0x1000  }
0xeb: {  	[sflag:s5] =	ssyncset.done $0x0  }
0xec: {  	[sflag:s5] =	ssyncadd.s32 $0xFFFFF000  }
0xed: {  	_ =	swait.ge [sflag:s5], $0x1000  }
0xee: {  	[sflag:s5] =	ssyncset.done $0x0  }
0xef: {  	[sflag:s5] =	ssyncadd.s32 $0xFFFFF000  }
0xf0: {  	_ =	swait.ge [sflag:s5], $0x1000  }
0xf1: {  	[sflag:s5] =	ssyncset.done $0x0  }
0xf2: {  	[sflag:s5] =	ssyncadd.s32 $0xFFFFF000  }
0xf3: {  	_ =	swait.ge [sflag:s5], $0x1000  }
0xf4: {  	[sflag:s5] =	ssyncset.done $0x0  }
0xf5: {  	[sflag:s5] =	ssyncadd.s32 $0xFFFFF000  }
0xf6: {  	_ =	swait.ge [sflag:s5], $0x1000  }
0xf7: {  	[sflag:s5] =	ssyncset.done $0x0  }
0xf8: {  	[sflag:s5] =	ssyncadd.s32 $0xFFFFF000  }
0xf9: {  	_ =	swait.ge [sflag:s5], $0x1000  }
0xfa: {  	[sflag:s5] =	ssyncset.done $0x0  }
0xfb: {  	[sflag:s5] =	ssyncadd.s32 $0xFFFFF000  }
0xfc: {  	_ =	swait.ge [sflag:s5], $0x1000  }
0xfd: {  	[sflag:s5] =	ssyncset.done $0x0  }
0xfe: {  	[sflag:s5] =	ssyncadd.s32 $0xFFFFF000  }
0xff: {  	_ =	swait.ge [sflag:s5], $0x1000  }
0x100: {  	[sflag:s5] =	ssyncset.done $0x0  }
0x101: {  	[sflag:s5] =	ssyncadd.s32 $0xFFFFF000  }
0x102: {  	_ =	swait.ge [sflag:s5], $0x1000  }
0x103: {  	[sflag:s5] =	ssyncset.done $0x0  }
0x104: {  	[sflag:s5] =	ssyncadd.s32 $0xFFFFF000  }
0x105: {  	_ =	swait.ge [sflag:s5], $0x1000  }
0x106: {  	[sflag:s5] =	ssyncset.done $0x0  }
0x107: {  	[sflag:s5] =	ssyncadd.s32 $0xFFFFF000  }
0x108: {  	s6 =	simm.s32 $0x280;
	_ =	swait.ge [sflag:s5], $0x1000  }
0x109: {  	s8 =	simm.s32 $0x140;
	s9 =	rddreg [dreg:$0x4];
	[sflag:s5] =	ssyncset.done $0x0  }
.LBB2_2:
0x10a: {  	[sflag:s5] =	ssyncadd.s32 $0xFFFFF000;
	s9 =	sadd.s32 s8, s9  }
0x10b: {  	[tilespmem:s3], [sflag:$0x2] =	stream.linear.gather [hbm4b:s9+s3], $0xA00, $0x38;
	[tilespmem:$0x18500] =	vst v63  }
0x10c: {  	_ =	swait.ge [sflag:s10], $0xA00  }
0x10d: {  	s9 =	rddreg [dreg:$0x3];
	[sflag:s10] =	ssyncset.done $0x0  }
0x10e: {  	[sflag:s10] =	ssyncadd.s32 $0xFFFFF600;
	s9 =	sadd.s32 s8, s9  }
0x10f: {  	[tilespmem:s11], [sflag:$0x2] =	stream.linear.gather [hbm4b:s9+s3], $0xA00, $0x38;
	[tilespmem:$0x18500] =	vst v63  }
0x110: {  	_ =	swait.ge [sflag:s10], $0xA00  }
0x111: {  	[sflag:s10] =	ssyncset.done $0x0  }
0x112: {  	s7 =	smov.u32 s6;
	[sflag:s10] =	ssyncadd.s32 $0xFFFFF600  }
0x113: {  	[tilespmem:s13], [sflag:$0x1] =	stream.indirect.gather [hbm4b:s4+s12], $0x20, s11, s12, $0xb8;
	[tilespmem:$0x18500] =	vst v63  }
0x114: {  	s8 =	smov.u32 s7;
	s7 =	rddreg [dreg:$0x5]  }
0x115: {  	[tilespmem:s14], [sflag:$0x1] =	stream.indirect.gather [hbm4b:s4+s12], $0x20, s7, s12, $0xb8;
	[tilespmem:$0x18500] =	vst v63  }
0x116: {  	s9 =	rddreg [dreg:$0x6]  }
0x117: {  	[tilespmem:s15], [sflag:$0x1] =	stream.indirect.gather [hbm4b:s4+s12], $0x20, s9, s12, $0xb8;
	[tilespmem:$0x18500] =	vst v63  }
0x118: {  	s7 =	rddreg [dreg:$0x7]  }
0x119: {  	[tilespmem:s16], [sflag:$0x1] =	stream.indirect.gather [hbm4b:s4+s12], $0x20, s7, s12, $0xb8;
	[tilespmem:$0x18500] =	vst v63  }
0x11a: {  	s9 =	rddreg [dreg:$0x8]  }
0x11b: {  	[tilespmem:s17], [sflag:$0x1] =	stream.indirect.gather [hbm4b:s4+s12], $0x20, s9, s12, $0xb8;
	[tilespmem:$0x18500] =	vst v63  }
0x11c: {  	s7 =	rddreg [dreg:$0x9]  }
0x11d: {  	[tilespmem:s18], [sflag:$0x1] =	stream.indirect.gather [hbm4b:s4+s12], $0x20, s7, s12, $0xb8;
	[tilespmem:$0x18500] =	vst v63  }
0x11e: {  	s9 =	rddreg [dreg:$0xa]  }
0x11f: {  	[tilespmem:s19], [sflag:$0x1] =	stream.indirect.gather [hbm4b:s4+s12], $0x20, s9, s12, $0xb8;
	[tilespmem:$0x18500] =	vst v63  }
0x120: {  	s7 =	rddreg [dreg:$0xb]  }
0x121: {  	[tilespmem:s20], [sflag:$0x1] =	stream.indirect.gather [hbm4b:s4+s12], $0x20, s7, s12, $0xb8;
	[tilespmem:$0x18500] =	vst v63  }
0x122: {  	s9 =	rddreg [dreg:$0xc]  }
0x123: {  	[tilespmem:s21], [sflag:$0x1] =	stream.indirect.gather [hbm4b:s4+s12], $0x20, s9, s12, $0xb8;
	[tilespmem:$0x18500] =	vst v63  }
0x124: {  	s7 =	rddreg [dreg:$0xd]  }
0x125: {  	[tilespmem:s22], [sflag:$0x1] =	stream.indirect.gather [hbm4b:s4+s12], $0x20, s7, s12, $0xb8;
	[tilespmem:$0x18500] =	vst v63  }
0x126: {  	s9 =	rddreg [dreg:$0xe]  }
0x127: {  	[tilespmem:s23], [sflag:$0x1] =	stream.indirect.gather [hbm4b:s4+s12], $0x20, s9, s12, $0xb8;
	[tilespmem:$0x18500] =	vst v63  }
0x128: {  	s7 =	rddreg [dreg:$0xf]  }
0x129: {  	[tilespmem:s24], [sflag:$0x1] =	stream.indirect.gather [hbm4b:s4+s12], $0x20, s7, s12, $0xb8;
	[tilespmem:$0x18500] =	vst v63  }
0x12a: {  	s9 =	rddreg [dreg:$0x10]  }
0x12b: {  	[tilespmem:s25], [sflag:$0x1] =	stream.indirect.gather [hbm4b:s4+s12], $0x20, s9, s12, $0xb8;
	[tilespmem:$0x18500] =	vst v63  }
0x12c: {  	s7 =	rddreg [dreg:$0x11]  }
0x12d: {  	[tilespmem:s26], [sflag:$0x1] =	stream.indirect.gather [hbm4b:s4+s12], $0x20, s7, s12, $0xb8;
	[tilespmem:$0x18500] =	vst v63  }
0x12e: {  	s9 =	rddreg [dreg:$0x12]  }
0x12f: {  	[tilespmem:s28], [sflag:$0x1] =	stream.indirect.gather [hbm4b:s4+s12], $0x20, s9, s12, $0xb8;
	[tilespmem:$0x18500] =	vst v63  }
0x130: {  	s7 =	rddreg [dreg:$0x13]  }
0x131: {  	[tilespmem:s29], [sflag:$0x1] =	stream.indirect.gather [hbm4b:s4+s12], $0x20, s7, s12, $0xb8;
	[tilespmem:$0x18500] =	vst v63  }
0x132: {  	s9 =	rddreg [dreg:$0x14]  }
0x133: {  	[tilespmem:s30], [sflag:$0x1] =	stream.indirect.gather [hbm4b:s4+s12], $0x20, s9, s12, $0xb8;
	[tilespmem:$0x18500] =	vst v63  }
0x134: {  	s7 =	rddreg [dreg:$0x15]  }
0x135: {  	[tilespmem:s31], [sflag:$0x1] =	stream.indirect.gather [hbm4b:s4+s12], $0x20, s7, s12, $0xb8;
	[tilespmem:$0x18500] =	vst v63  }
0x136: {  	s9 =	rddreg [dreg:$0x16]  }
0x137: {  	[tilespmem:s1], [sflag:$0x1] =	stream.indirect.gather [hbm4b:s4+s12], $0x20, s9, s12, $0xb8;
	[tilespmem:$0x18500] =	vst v63  }
0x138: {  	s7 =	rddreg [dreg:$0x17]  }
0x139: {  	[tilespmem:s0], [sflag:$0x1] =	stream.indirect.gather [hbm4b:s4+s12], $0x20, s7, s12, $0xb8;
	[tilespmem:$0x18500] =	vst v63  }
0x13a: {  	_ =	swait.ge [sflag:s5], $0x1000  }
0x13b: {  	[sflag:s5] =	ssyncset.done $0x0  }
0x13c: {  	[sflag:s5] =	ssyncadd.s32 $0xFFFFF000  }
0x13d: {  	_ =	swait.ge [sflag:s5], $0x1000  }
0x13e: {  	[sflag:s5] =	ssyncset.done $0x0  }
0x13f: {  	[sflag:s5] =	ssyncadd.s32 $0xFFFFF000  }
0x140: {  	_ =	swait.ge [sflag:s5], $0x1000  }
0x141: {  	[sflag:s5] =	ssyncset.done $0x0  }
0x142: {  	[sflag:s5] =	ssyncadd.s32 $0xFFFFF000  }
0x143: {  	_ =	swait.ge [sflag:s5], $0x1000  }
0x144: {  	[sflag:s5] =	ssyncset.done $0x0  }
0x145: {  	[sflag:s5] =	ssyncadd.s32 $0xFFFFF000  }
0x146: {  	_ =	swait.ge [sflag:s5], $0x1000  }
0x147: {  	[sflag:s5] =	ssyncset.done $0x0  }
0x148: {  	[sflag:s5] =	ssyncadd.s32 $0xFFFFF000  }
0x149: {  	_ =	swait.ge [sflag:s5], $0x1000  }
0x14a: {  	[sflag:s5] =	ssyncset.done $0x0  }
0x14b: {  	[sflag:s5] =	ssyncadd.s32 $0xFFFFF000  }
0x14c: {  	_ =	swait.ge [sflag:s5], $0x1000  }
0x14d: {  	[sflag:s5] =	ssyncset.done $0x0  }
0x14e: {  	[sflag:s5] =	ssyncadd.s32 $0xFFFFF000  }
0x14f: {  	_ =	swait.ge [sflag:s5], $0x1000  }
0x150: {  	[sflag:s5] =	ssyncset.done $0x0  }
0x151: {  	[sflag:s5] =	ssyncadd.s32 $0xFFFFF000  }
0x152: {  	_ =	swait.ge [sflag:s5], $0x1000  }
0x153: {  	[sflag:s5] =	ssyncset.done $0x0  }
0x154: {  	[sflag:s5] =	ssyncadd.s32 $0xFFFFF000  }
0x155: {  	_ =	swait.ge [sflag:s5], $0x1000  }
0x156: {  	[sflag:s5] =	ssyncset.done $0x0  }
0x157: {  	[sflag:s5] =	ssyncadd.s32 $0xFFFFF000  }
0x158: {  	_ =	swait.ge [sflag:s5], $0x1000  }
0x159: {  	[sflag:s5] =	ssyncset.done $0x0  }
0x15a: {  	[sflag:s5] =	ssyncadd.s32 $0xFFFFF000  }
0x15b: {  	_ =	swait.ge [sflag:s5], $0x1000  }
0x15c: {  	[sflag:s5] =	ssyncset.done $0x0  }
0x15d: {  	[sflag:s5] =	ssyncadd.s32 $0xFFFFF000  }
0x15e: {  	_ =	swait.ge [sflag:s5], $0x1000  }
0x15f: {  	[sflag:s5] =	ssyncset.done $0x0  }
0x160: {  	[sflag:s5] =	ssyncadd.s32 $0xFFFFF000  }
0x161: {  	_ =	swait.ge [sflag:s5], $0x1000  }
0x162: {  	[sflag:s5] =	ssyncset.done $0x0  }
0x163: {  	[sflag:s5] =	ssyncadd.s32 $0xFFFFF000  }
0x164: {  	_ =	swait.ge [sflag:s5], $0x1000  }
0x165: {  	[sflag:s5] =	ssyncset.done $0x0  }
0x166: {  	[sflag:s5] =	ssyncadd.s32 $0xFFFFF000  }
0x167: {  	_ =	swait.ge [sflag:s5], $0x1000  }
0x168: {  	[sflag:s5] =	ssyncset.done $0x0  }
0x169: {  	[sflag:s5] =	ssyncadd.s32 $0xFFFFF000  }
0x16a: {  	_ =	swait.ge [sflag:s5], $0x1000  }
0x16b: {  	[sflag:s5] =	ssyncset.done $0x0  }
0x16c: {  	[sflag:s5] =	ssyncadd.s32 $0xFFFFF000  }
0x16d: {  	_ =	swait.ge [sflag:s5], $0x1000  }
0x16e: {  	[sflag:s5] =	ssyncset.done $0x0  }
0x16f: {  	[sflag:s5] =	ssyncadd.s32 $0xFFFFF000  }
0x170: {  	_ =	swait.ge [sflag:s5], $0x1000  }
0x171: {  	[sflag:s5] =	ssyncset.done $0x0  }
0x172: {  	[sflag:s5] =	ssyncadd.s32 $0xFFFFF000  }
0x173: {  	_ =	swait.ge [sflag:s5], $0x1000  }
0x174: {  	[sflag:s5] =	ssyncset.done $0x0  }
0x175: {  	[sflag:s5] =	ssyncadd.s32 $0xFFFFF000  }
0x176: {  	[spmem:s2] =	stream.indirect.scatter.add.f32 [tilespmem:s13], [sflag:$0x1], $0x20, s3, s12, $0xb8;
	[tilespmem:$0x18500] =	vst v63  }
0x177: {  	s7 =	rddreg [dreg:$0x18]  }
0x178: {  	[spmem:s2] =	stream.indirect.scatter.add.f32 [tilespmem:s14], [sflag:$0x1], $0x20, s12, s12, $0xb8;
	[tilespmem:$0x18500] =	vst v63  }
0x179: {  	s9 =	rddreg [dreg:$0x19]  }
0x17a: {  	[spmem:s2] =	stream.indirect.scatter.add.f32 [tilespmem:s15], [sflag:$0x1], $0x20, s7, s12, $0xb8;
	[tilespmem:$0x18500] =	vst v63  }
0x17b: {  	s7 =	rddreg [dreg:$0x1a]  }
0x17c: {  	[spmem:s2] =	stream.indirect.scatter.add.f32 [tilespmem:s16], [sflag:$0x1], $0x20, s9, s12, $0xb8;
	[tilespmem:$0x18500] =	vst v63  }
0x17d: {  	s9 =	rddreg [dreg:$0x1b]  }
0x17e: {  	[spmem:s2] =	stream.indirect.scatter.add.f32 [tilespmem:s17], [sflag:$0x1], $0x20, s7, s12, $0xb8;
	[tilespmem:$0x18500] =	vst v63  }
0x17f: {  	s7 =	rddreg [dreg:$0x1c]  }
0x180: {  	[spmem:s2] =	stream.indirect.scatter.add.f32 [tilespmem:s18], [sflag:$0x1], $0x20, s9, s12, $0xb8;
	[tilespmem:$0x18500] =	vst v63  }
0x181: {  	s9 =	rddreg [dreg:$0x1d]  }
0x182: {  	[spmem:s2] =	stream.indirect.scatter.add.f32 [tilespmem:s19], [sflag:$0x1], $0x20, s7, s12, $0xb8;
	[tilespmem:$0x18500] =	vst v63  }
0x183: {  	s7 =	rddreg [dreg:$0x1e]  }
0x184: {  	[spmem:s2] =	stream.indirect.scatter.add.f32 [tilespmem:s20], [sflag:$0x1], $0x20, s9, s12, $0xb8;
	[tilespmem:$0x18500] =	vst v63  }
0x185: {  	s9 =	rddreg [dreg:$0x1f]  }
0x186: {  	[spmem:s2] =	stream.indirect.scatter.add.f32 [tilespmem:s21], [sflag:$0x1], $0x20, s7, s12, $0xb8;
	[tilespmem:$0x18500] =	vst v63  }
0x187: {  	s7 =	sld [smem:$0x7F2]  }
0x188: {  	[spmem:s2] =	stream.indirect.scatter.add.f32 [tilespmem:s22], [sflag:$0x1], $0x20, s9, s12, $0xb8;
	[tilespmem:$0x18500] =	vst v63  }
0x189: {  	s9 =	sld [smem:$0x7F3]  }
0x18a: {  	[spmem:s2] =	stream.indirect.scatter.add.f32 [tilespmem:s23], [sflag:$0x1], $0x20, s7, s12, $0xb8;
	[tilespmem:$0x18500] =	vst v63  }
0x18b: {  	s7 =	sld [smem:$0x7F4]  }
0x18c: {  	[spmem:s2] =	stream.indirect.scatter.add.f32 [tilespmem:s24], [sflag:$0x1], $0x20, s9, s12, $0xb8;
	[tilespmem:$0x18500] =	vst v63  }
0x18d: {  	s9 =	sld [smem:$0x7F5]  }
0x18e: {  	[spmem:s2] =	stream.indirect.scatter.add.f32 [tilespmem:s25], [sflag:$0x1], $0x20, s7, s12, $0xb8;
	[tilespmem:$0x18500] =	vst v63  }
0x18f: {  	s7 =	sld [smem:$0x7F6]  }
0x190: {  	[spmem:s2] =	stream.indirect.scatter.add.f32 [tilespmem:s26], [sflag:$0x1], $0x20, s9, s12, $0xb8;
	[tilespmem:$0x18500] =	vst v63  }
0x191: {  	s9 =	sld [smem:$0x7F7]  }
0x192: {  	[spmem:s2] =	stream.indirect.scatter.add.f32 [tilespmem:s28], [sflag:$0x1], $0x20, s7, s12, $0xb8;
	[tilespmem:$0x18500] =	vst v63  }
0x193: {  	s7 =	sld [smem:$0x7F8]  }
0x194: {  	[spmem:s2] =	stream.indirect.scatter.add.f32 [tilespmem:s29], [sflag:$0x1], $0x20, s9, s12, $0xb8;
	[tilespmem:$0x18500] =	vst v63  }
0x195: {  	s9 =	sld [smem:$0x7F9]  }
0x196: {  	[spmem:s2] =	stream.indirect.scatter.add.f32 [tilespmem:s30], [sflag:$0x1], $0x20, s7, s12, $0xb8;
	[tilespmem:$0x18500] =	vst v63  }
0x197: {  	s7 =	sld [smem:$0x7FA]  }
0x198: {  	[spmem:s2] =	stream.indirect.scatter.add.f32 [tilespmem:s31], [sflag:$0x1], $0x20, s9, s12, $0xb8;
	[tilespmem:$0x18500] =	vst v63  }
0x199: {  	s9 =	sld [smem:$0x7FB]  }
0x19a: {  	[spmem:s2] =	stream.indirect.scatter.add.f32 [tilespmem:s1], [sflag:$0x1], $0x20, s7, s12, $0xb8;
	[tilespmem:$0x18500] =	vst v63  }
0x19b: {  	_ = 	snop  }
0x19c: {  	[spmem:s2] =	stream.indirect.scatter.add.f32 [tilespmem:s0], [sflag:$0x1], $0x20, s9, s12, $0xb8;
	[tilespmem:$0x18500] =	vst v63  }
0x19d: {  	_ =	swait.ge [sflag:s5], $0x1000  }
0x19e: {  	[sflag:s5] =	ssyncset.done $0x0  }
0x19f: {  	[sflag:s5] =	ssyncadd.s32 $0xFFFFF000  }
0x1a0: {  	_ =	swait.ge [sflag:s5], $0x1000  }
0x1a1: {  	[sflag:s5] =	ssyncset.done $0x0  }
0x1a2: {  	[sflag:s5] =	ssyncadd.s32 $0xFFFFF000  }
0x1a3: {  	_ =	swait.ge [sflag:s5], $0x1000  }
0x1a4: {  	[sflag:s5] =	ssyncset.done $0x0  }
0x1a5: {  	[sflag:s5] =	ssyncadd.s32 $0xFFFFF000  }
0x1a6: {  	_ =	swait.ge [sflag:s5], $0x1000  }
0x1a7: {  	[sflag:s5] =	ssyncset.done $0x0  }
0x1a8: {  	[sflag:s5] =	ssyncadd.s32 $0xFFFFF000  }
0x1a9: {  	_ =	swait.ge [sflag:s5], $0x1000  }
0x1aa: {  	[sflag:s5] =	ssyncset.done $0x0  }
0x1ab: {  	[sflag:s5] =	ssyncadd.s32 $0xFFFFF000  }
0x1ac: {  	_ =	swait.ge [sflag:s5], $0x1000  }
0x1ad: {  	[sflag:s5] =	ssyncset.done $0x0  }
0x1ae: {  	[sflag:s5] =	ssyncadd.s32 $0xFFFFF000  }
0x1af: {  	_ =	swait.ge [sflag:s5], $0x1000  }
0x1b0: {  	[sflag:s5] =	ssyncset.done $0x0  }
0x1b1: {  	[sflag:s5] =	ssyncadd.s32 $0xFFFFF000  }
0x1b2: {  	_ =	swait.ge [sflag:s5], $0x1000  }
0x1b3: {  	[sflag:s5] =	ssyncset.done $0x0  }
0x1b4: {  	[sflag:s5] =	ssyncadd.s32 $0xFFFFF000  }
0x1b5: {  	_ =	swait.ge [sflag:s5], $0x1000  }
0x1b6: {  	[sflag:s5] =	ssyncset.done $0x0  }
0x1b7: {  	[sflag:s5] =	ssyncadd.s32 $0xFFFFF000  }
0x1b8: {  	_ =	swait.ge [sflag:s5], $0x1000  }
0x1b9: {  	[sflag:s5] =	ssyncset.done $0x0  }
0x1ba: {  	[sflag:s5] =	ssyncadd.s32 $0xFFFFF000  }
0x1bb: {  	_ =	swait.ge [sflag:s5], $0x1000  }
0x1bc: {  	[sflag:s5] =	ssyncset.done $0x0  }
0x1bd: {  	[sflag:s5] =	ssyncadd.s32 $0xFFFFF000  }
0x1be: {  	_ =	swait.ge [sflag:s5], $0x1000  }
0x1bf: {  	[sflag:s5] =	ssyncset.done $0x0  }
0x1c0: {  	[sflag:s5] =	ssyncadd.s32 $0xFFFFF000  }
0x1c1: {  	_ =	swait.ge [sflag:s5], $0x1000  }
0x1c2: {  	[sflag:s5] =	ssyncset.done $0x0  }
0x1c3: {  	[sflag:s5] =	ssyncadd.s32 $0xFFFFF000  }
0x1c4: {  	_ =	swait.ge [sflag:s5], $0x1000  }
0x1c5: {  	[sflag:s5] =	ssyncset.done $0x0  }
0x1c6: {  	[sflag:s5] =	ssyncadd.s32 $0xFFFFF000  }
0x1c7: {  	_ =	swait.ge [sflag:s5], $0x1000  }
0x1c8: {  	[sflag:s5] =	ssyncset.done $0x0  }
0x1c9: {  	[sflag:s5] =	ssyncadd.s32 $0xFFFFF000  }
0x1ca: {  	_ =	swait.ge [sflag:s5], $0x1000  }
0x1cb: {  	[sflag:s5] =	ssyncset.done $0x0  }
0x1cc: {  	[sflag:s5] =	ssyncadd.s32 $0xFFFFF000  }
0x1cd: {  	_ =	swait.ge [sflag:s5], $0x1000  }
0x1ce: {  	[sflag:s5] =	ssyncset.done $0x0  }
0x1cf: {  	[sflag:s5] =	ssyncadd.s32 $0xFFFFF000  }
0x1d0: {  	_ =	swait.ge [sflag:s5], $0x1000  }
0x1d1: {  	[sflag:s5] =	ssyncset.done $0x0  }
0x1d2: {  	p0 =	sne.s32 s6, $0xB40;
	[sflag:s5] =	ssyncadd.s32 $0xFFFFF000  }
.Ltmp0:
0x1d3: {  	_ =	swait.ge [sflag:s5], $0x1000;
	(pc) =	sbr.rel @p0 .LBB2_2-.Ltmp0, $4  }
0x1d4: {  	[sflag:s5] =	ssyncset.done $0x0  }
0x1d5: {  	[sflag:s5] =	ssyncadd.s32 $0xFFFFF000  }
0x1d6: {  	_ =	swait.ge [sflag:s5], $0x1000  }
0x1d7: {  	s6 =	sadd.s32 $0x140, s6;
	s9 =	rddreg [dreg:$0x4];
	[sflag:s5] =	ssyncset.done $0x0  }
0x1d8: {  	[sflag:s5] =	ssyncadd.s32 $0xFFFFF000;
	s6 =	sadd.s32 s8, s9  }
0x1d9: {  	[tilespmem:s3], [sflag:$0x2] =	stream.linear.gather [hbm4b:s6+s3], $0xA00, $0x38;
	[tilespmem:$0x18500] =	vst v63  }
0x1da: {  	_ =	swait.ge [sflag:s10], $0xA00  }
0x1db: {  	s7 =	rddreg [dreg:$0x3];
	[sflag:s10] =	ssyncset.done $0x0  }
0x1dc: {  	[sflag:s10] =	ssyncadd.s32 $0xFFFFF600;
	s6 =	sadd.s32 s8, s7  }
0x1dd: {  	[tilespmem:s11], [sflag:$0x2] =	stream.linear.gather [hbm4b:s6+s3], $0xA00, $0x38;
	[tilespmem:$0x18500] =	vst v63  }
0x1de: {  	_ =	swait.ge [sflag:s10], $0xA00  }
0x1df: {  	[sflag:s10] =	ssyncset.done $0x0  }
0x1e0: {  	[sflag:s10] =	ssyncadd.s32 $0xFFFFF600  }
0x1e1: {  	[tilespmem:s13], [sflag:$0x1] =	stream.indirect.gather [hbm4b:s4+s12], $0x20, s11, s12, $0xb8;
	[tilespmem:$0x18500] =	vst v63  }
0x1e2: {  	s8 =	rddreg [dreg:$0x5]  }
0x1e3: {  	[tilespmem:s14], [sflag:$0x1] =	stream.indirect.gather [hbm4b:s4+s12], $0x20, s8, s12, $0xb8;
	[tilespmem:$0x18500] =	vst v63  }
0x1e4: {  	s7 =	rddreg [dreg:$0x6]  }
0x1e5: {  	[tilespmem:s15], [sflag:$0x1] =	stream.indirect.gather [hbm4b:s4+s12], $0x20, s7, s12, $0xb8;
	[tilespmem:$0x18500] =	vst v63  }
0x1e6: {  	s9 =	rddreg [dreg:$0x7]  }
0x1e7: {  	[tilespmem:s16], [sflag:$0x1] =	stream.indirect.gather [hbm4b:s4+s12], $0x20, s9, s12, $0xb8;
	[tilespmem:$0x18500] =	vst v63  }
0x1e8: {  	s8 =	rddreg [dreg:$0x8]  }
0x1e9: {  	[tilespmem:s17], [sflag:$0x1] =	stream.indirect.gather [hbm4b:s4+s12], $0x20, s8, s12, $0xb8;
	[tilespmem:$0x18500] =	vst v63  }
0x1ea: {  	s9 =	rddreg [dreg:$0x9]  }
0x1eb: {  	[tilespmem:s18], [sflag:$0x1] =	stream.indirect.gather [hbm4b:s4+s12], $0x20, s9, s12, $0xb8;
	[tilespmem:$0x18500] =	vst v63  }
0x1ec: {  	s8 =	rddreg [dreg:$0xa]  }
0x1ed: {  	[tilespmem:s19], [sflag:$0x1] =	stream.indirect.gather [hbm4b:s4+s12], $0x20, s8, s12, $0xb8;
	[tilespmem:$0x18500] =	vst v63  }
0x1ee: {  	s9 =	rddreg [dreg:$0xb]  }
0x1ef: {  	[tilespmem:s20], [sflag:$0x1] =	stream.indirect.gather [hbm4b:s4+s12], $0x20, s9, s12, $0xb8;
	[tilespmem:$0x18500] =	vst v63  }
0x1f0: {  	s8 =	rddreg [dreg:$0xc]  }
0x1f1: {  	[tilespmem:s21], [sflag:$0x1] =	stream.indirect.gather [hbm4b:s4+s12], $0x20, s8, s12, $0xb8;
	[tilespmem:$0x18500] =	vst v63  }
0x1f2: {  	s9 =	rddreg [dreg:$0xd]  }
0x1f3: {  	[tilespmem:s22], [sflag:$0x1] =	stream.indirect.gather [hbm4b:s4+s12], $0x20, s9, s12, $0xb8;
	[tilespmem:$0x18500] =	vst v63  }
0x1f4: {  	s8 =	rddreg [dreg:$0xe]  }
0x1f5: {  	[tilespmem:s23], [sflag:$0x1] =	stream.indirect.gather [hbm4b:s4+s12], $0x20, s8, s12, $0xb8;
	[tilespmem:$0x18500] =	vst v63  }
0x1f6: {  	s9 =	rddreg [dreg:$0xf]  }
0x1f7: {  	[tilespmem:s24], [sflag:$0x1] =	stream.indirect.gather [hbm4b:s4+s12], $0x20, s9, s12, $0xb8;
	[tilespmem:$0x18500] =	vst v63  }
0x1f8: {  	s8 =	rddreg [dreg:$0x10]  }
0x1f9: {  	[tilespmem:s25], [sflag:$0x1] =	stream.indirect.gather [hbm4b:s4+s12], $0x20, s8, s12, $0xb8;
	[tilespmem:$0x18500] =	vst v63  }
0x1fa: {  	s9 =	rddreg [dreg:$0x11]  }
0x1fb: {  	[tilespmem:s26], [sflag:$0x1] =	stream.indirect.gather [hbm4b:s4+s12], $0x20, s9, s12, $0xb8;
	[tilespmem:$0x18500] =	vst v63  }
0x1fc: {  	s8 =	rddreg [dreg:$0x12]  }
0x1fd: {  	[tilespmem:s28], [sflag:$0x1] =	stream.indirect.gather [hbm4b:s4+s12], $0x20, s8, s12, $0xb8;
	[tilespmem:$0x18500] =	vst v63  }
0x1fe: {  	s9 =	rddreg [dreg:$0x13]  }
0x1ff: {  	[tilespmem:s29], [sflag:$0x1] =	stream.indirect.gather [hbm4b:s4+s12], $0x20, s9, s12, $0xb8;
	[tilespmem:$0x18500] =	vst v63  }
0x200: {  	s8 =	rddreg [dreg:$0x14]  }
0x201: {  	[tilespmem:s30], [sflag:$0x1] =	stream.indirect.gather [hbm4b:s4+s12], $0x20, s8, s12, $0xb8;
	[tilespmem:$0x18500] =	vst v63  }
0x202: {  	s9 =	rddreg [dreg:$0x15]  }
0x203: {  	[tilespmem:s31], [sflag:$0x1] =	stream.indirect.gather [hbm4b:s4+s12], $0x20, s9, s12, $0xb8;
	[tilespmem:$0x18500] =	vst v63  }
0x204: {  	s8 =	rddreg [dreg:$0x16]  }
0x205: {  	[tilespmem:s1], [sflag:$0x1] =	stream.indirect.gather [hbm4b:s4+s12], $0x20, s8, s12, $0xb8;
	[tilespmem:$0x18500] =	vst v63  }
0x206: {  	s9 =	rddreg [dreg:$0x17]  }
0x207: {  	[tilespmem:s0], [sflag:$0x1] =	stream.indirect.gather [hbm4b:s4+s12], $0x20, s9, s12, $0xb8;
	[tilespmem:$0x18500] =	vst v63  }
0x208: {  	_ =	swait.ge [sflag:s5], $0x1000  }
0x209: {  	[sflag:s5] =	ssyncset.done $0x0  }
0x20a: {  	[sflag:s5] =	ssyncadd.s32 $0xFFFFF000  }
0x20b: {  	_ =	swait.ge [sflag:s5], $0x1000  }
0x20c: {  	[sflag:s5] =	ssyncset.done $0x0  }
0x20d: {  	[sflag:s5] =	ssyncadd.s32 $0xFFFFF000  }
0x20e: {  	_ =	swait.ge [sflag:s5], $0x1000  }
0x20f: {  	[sflag:s5] =	ssyncset.done $0x0  }
0x210: {  	[sflag:s5] =	ssyncadd.s32 $0xFFFFF000  }
0x211: {  	_ =	swait.ge [sflag:s5], $0x1000  }
0x212: {  	[sflag:s5] =	ssyncset.done $0x0  }
0x213: {  	[sflag:s5] =	ssyncadd.s32 $0xFFFFF000  }
0x214: {  	_ =	swait.ge [sflag:s5], $0x1000  }
0x215: {  	[sflag:s5] =	ssyncset.done $0x0  }
0x216: {  	[sflag:s5] =	ssyncadd.s32 $0xFFFFF000  }
0x217: {  	_ =	swait.ge [sflag:s5], $0x1000  }
0x218: {  	[sflag:s5] =	ssyncset.done $0x0  }
0x219: {  	[sflag:s5] =	ssyncadd.s32 $0xFFFFF000  }
0x21a: {  	_ =	swait.ge [sflag:s5], $0x1000  }
0x21b: {  	[sflag:s5] =	ssyncset.done $0x0  }
0x21c: {  	[sflag:s5] =	ssyncadd.s32 $0xFFFFF000  }
0x21d: {  	_ =	swait.ge [sflag:s5], $0x1000  }
0x21e: {  	[sflag:s5] =	ssyncset.done $0x0  }
0x21f: {  	[sflag:s5] =	ssyncadd.s32 $0xFFFFF000  }
0x220: {  	_ =	swait.ge [sflag:s5], $0x1000  }
0x221: {  	[sflag:s5] =	ssyncset.done $0x0  }
0x222: {  	[sflag:s5] =	ssyncadd.s32 $0xFFFFF000  }
0x223: {  	_ =	swait.ge [sflag:s5], $0x1000  }
0x224: {  	[sflag:s5] =	ssyncset.done $0x0  }
0x225: {  	[sflag:s5] =	ssyncadd.s32 $0xFFFFF000  }
0x226: {  	_ =	swait.ge [sflag:s5], $0x1000  }
0x227: {  	[sflag:s5] =	ssyncset.done $0x0  }
0x228: {  	[sflag:s5] =	ssyncadd.s32 $0xFFFFF000  }
0x229: {  	_ =	swait.ge [sflag:s5], $0x1000  }
0x22a: {  	[sflag:s5] =	ssyncset.done $0x0  }
0x22b: {  	[sflag:s5] =	ssyncadd.s32 $0xFFFFF000  }
0x22c: {  	_ =	swait.ge [sflag:s5], $0x1000  }
0x22d: {  	[sflag:s5] =	ssyncset.done $0x0  }
0x22e: {  	[sflag:s5] =	ssyncadd.s32 $0xFFFFF000  }
0x22f: {  	_ =	swait.ge [sflag:s5], $0x1000  }
0x230: {  	[sflag:s5] =	ssyncset.done $0x0  }
0x231: {  	[sflag:s5] =	ssyncadd.s32 $0xFFFFF000  }
0x232: {  	_ =	swait.ge [sflag:s5], $0x1000  }
0x233: {  	[sflag:s5] =	ssyncset.done $0x0  }
0x234: {  	[sflag:s5] =	ssyncadd.s32 $0xFFFFF000  }
0x235: {  	_ =	swait.ge [sflag:s5], $0x1000  }
0x236: {  	[sflag:s5] =	ssyncset.done $0x0  }
0x237: {  	[sflag:s5] =	ssyncadd.s32 $0xFFFFF000  }
0x238: {  	_ =	swait.ge [sflag:s5], $0x1000  }
0x239: {  	[sflag:s5] =	ssyncset.done $0x0  }
0x23a: {  	[sflag:s5] =	ssyncadd.s32 $0xFFFFF000  }
0x23b: {  	_ =	swait.ge [sflag:s5], $0x1000  }
0x23c: {  	[sflag:s5] =	ssyncset.done $0x0  }
0x23d: {  	[sflag:s5] =	ssyncadd.s32 $0xFFFFF000  }
0x23e: {  	_ =	swait.ge [sflag:s5], $0x1000  }
0x23f: {  	[sflag:s5] =	ssyncset.done $0x0  }
0x240: {  	[sflag:s5] =	ssyncadd.s32 $0xFFFFF000  }
0x241: {  	_ =	swait.ge [sflag:s5], $0x1000  }
0x242: {  	[sflag:s5] =	ssyncset.done $0x0  }
0x243: {  	[sflag:s5] =	ssyncadd.s32 $0xFFFFF000  }
0x244: {  	[spmem:s2] =	stream.indirect.scatter.add.f32 [tilespmem:s13], [sflag:$0x1], $0x20, s3, s12, $0xb8;
	[tilespmem:$0x18500] =	vst v63  }
0x245: {  	s7 =	rddreg [dreg:$0x18]  }
0x246: {  	[spmem:s2] =	stream.indirect.scatter.add.f32 [tilespmem:s14], [sflag:$0x1], $0x20, s12, s12, $0xb8;
	[tilespmem:$0x18500] =	vst v63  }
0x247: {  	s8 =	rddreg [dreg:$0x19]  }
0x248: {  	[spmem:s2] =	stream.indirect.scatter.add.f32 [tilespmem:s15], [sflag:$0x1], $0x20, s7, s12, $0xb8;
	[tilespmem:$0x18500] =	vst v63  }
0x249: {  	s9 =	rddreg [dreg:$0x1a]  }
0x24a: {  	[spmem:s2] =	stream.indirect.scatter.add.f32 [tilespmem:s16], [sflag:$0x1], $0x20, s8, s12, $0xb8;
	[tilespmem:$0x18500] =	vst v63  }
0x24b: {  	s8 =	rddreg [dreg:$0x1b]  }
0x24c: {  	[spmem:s2] =	stream.indirect.scatter.add.f32 [tilespmem:s17], [sflag:$0x1], $0x20, s9, s12, $0xb8;
	[tilespmem:$0x18500] =	vst v63  }
0x24d: {  	s9 =	rddreg [dreg:$0x1c]  }
0x24e: {  	[spmem:s2] =	stream.indirect.scatter.add.f32 [tilespmem:s18], [sflag:$0x1], $0x20, s8, s12, $0xb8;
	[tilespmem:$0x18500] =	vst v63  }
0x24f: {  	s8 =	rddreg [dreg:$0x1d]  }
0x250: {  	[spmem:s2] =	stream.indirect.scatter.add.f32 [tilespmem:s19], [sflag:$0x1], $0x20, s9, s12, $0xb8;
	[tilespmem:$0x18500] =	vst v63  }
0x251: {  	s9 =	rddreg [dreg:$0x1e]  }
0x252: {  	[spmem:s2] =	stream.indirect.scatter.add.f32 [tilespmem:s20], [sflag:$0x1], $0x20, s8, s12, $0xb8;
	[tilespmem:$0x18500] =	vst v63  }
0x253: {  	s8 =	rddreg [dreg:$0x1f]  }
0x254: {  	[spmem:s2] =	stream.indirect.scatter.add.f32 [tilespmem:s21], [sflag:$0x1], $0x20, s9, s12, $0xb8;
	[tilespmem:$0x18500] =	vst v63  }
0x255: {  	s9 =	sld [smem:$0x7F2]  }
0x256: {  	[spmem:s2] =	stream.indirect.scatter.add.f32 [tilespmem:s22], [sflag:$0x1], $0x20, s8, s12, $0xb8;
	[tilespmem:$0x18500] =	vst v63  }
0x257: {  	s8 =	sld [smem:$0x7F3]  }
0x258: {  	[spmem:s2] =	stream.indirect.scatter.add.f32 [tilespmem:s23], [sflag:$0x1], $0x20, s9, s12, $0xb8;
	[tilespmem:$0x18500] =	vst v63  }
0x259: {  	s9 =	sld [smem:$0x7F4]  }
0x25a: {  	[spmem:s2] =	stream.indirect.scatter.add.f32 [tilespmem:s24], [sflag:$0x1], $0x20, s8, s12, $0xb8;
	[tilespmem:$0x18500] =	vst v63  }
0x25b: {  	s8 =	sld [smem:$0x7F5]  }
0x25c: {  	[spmem:s2] =	stream.indirect.scatter.add.f32 [tilespmem:s25], [sflag:$0x1], $0x20, s9, s12, $0xb8;
	[tilespmem:$0x18500] =	vst v63  }
0x25d: {  	s9 =	sld [smem:$0x7F6]  }
0x25e: {  	[spmem:s2] =	stream.indirect.scatter.add.f32 [tilespmem:s26], [sflag:$0x1], $0x20, s8, s12, $0xb8;
	[tilespmem:$0x18500] =	vst v63  }
0x25f: {  	s8 =	sld [smem:$0x7F7]  }
0x260: {  	[spmem:s2] =	stream.indirect.scatter.add.f32 [tilespmem:s28], [sflag:$0x1], $0x20, s9, s12, $0xb8;
	[tilespmem:$0x18500] =	vst v63  }
0x261: {  	s9 =	sld [smem:$0x7F8]  }
0x262: {  	[spmem:s2] =	stream.indirect.scatter.add.f32 [tilespmem:s29], [sflag:$0x1], $0x20, s8, s12, $0xb8;
	[tilespmem:$0x18500] =	vst v63  }
0x263: {  	s8 =	sld [smem:$0x7F9]  }
0x264: {  	[spmem:s2] =	stream.indirect.scatter.add.f32 [tilespmem:s30], [sflag:$0x1], $0x20, s9, s12, $0xb8;
	[tilespmem:$0x18500] =	vst v63  }
0x265: {  	s9 =	sld [smem:$0x7FA]  }
0x266: {  	[spmem:s2] =	stream.indirect.scatter.add.f32 [tilespmem:s31], [sflag:$0x1], $0x20, s8, s12, $0xb8;
	[tilespmem:$0x18500] =	vst v63  }
0x267: {  	s8 =	sld [smem:$0x7FB]  }
0x268: {  	[spmem:s2] =	stream.indirect.scatter.add.f32 [tilespmem:s1], [sflag:$0x1], $0x20, s9, s12, $0xb8;
	[tilespmem:$0x18500] =	vst v63  }
0x269: {  	_ = 	snop  }
0x26a: {  	[spmem:s2] =	stream.indirect.scatter.add.f32 [tilespmem:s0], [sflag:$0x1], $0x20, s8, s12, $0xb8;
	[tilespmem:$0x18500] =	vst v63  }
0x26b: {  	_ =	swait.ge [sflag:s5], $0x1000  }
0x26c: {  	[sflag:s5] =	ssyncset.done $0x0  }
0x26d: {  	[sflag:s5] =	ssyncadd.s32 $0xFFFFF000  }
0x26e: {  	_ =	swait.ge [sflag:s5], $0x1000  }
0x26f: {  	[sflag:s5] =	ssyncset.done $0x0  }
0x270: {  	[sflag:s5] =	ssyncadd.s32 $0xFFFFF000  }
0x271: {  	_ =	swait.ge [sflag:s5], $0x1000  }
0x272: {  	[sflag:s5] =	ssyncset.done $0x0  }
0x273: {  	[sflag:s5] =	ssyncadd.s32 $0xFFFFF000  }
0x274: {  	_ =	swait.ge [sflag:s5], $0x1000  }
0x275: {  	[sflag:s5] =	ssyncset.done $0x0  }
0x276: {  	[sflag:s5] =	ssyncadd.s32 $0xFFFFF000  }
0x277: {  	_ =	swait.ge [sflag:s5], $0x1000  }
0x278: {  	[sflag:s5] =	ssyncset.done $0x0  }
0x279: {  	[sflag:s5] =	ssyncadd.s32 $0xFFFFF000  }
0x27a: {  	_ =	swait.ge [sflag:s5], $0x1000  }
0x27b: {  	[sflag:s5] =	ssyncset.done $0x0  }
0x27c: {  	[sflag:s5] =	ssyncadd.s32 $0xFFFFF000  }
0x27d: {  	_ =	swait.ge [sflag:s5], $0x1000  }
0x27e: {  	[sflag:s5] =	ssyncset.done $0x0  }
0x27f: {  	[sflag:s5] =	ssyncadd.s32 $0xFFFFF000  }
0x280: {  	_ =	swait.ge [sflag:s5], $0x1000  }
0x281: {  	[sflag:s5] =	ssyncset.done $0x0  }
0x282: {  	[sflag:s5] =	ssyncadd.s32 $0xFFFFF000  }
0x283: {  	_ =	swait.ge [sflag:s5], $0x1000  }
0x284: {  	[sflag:s5] =	ssyncset.done $0x0  }
0x285: {  	[sflag:s5] =	ssyncadd.s32 $0xFFFFF000  }
0x286: {  	_ =	swait.ge [sflag:s5], $0x1000  }
0x287: {  	[sflag:s5] =	ssyncset.done $0x0  }
0x288: {  	[sflag:s5] =	ssyncadd.s32 $0xFFFFF000  }
0x289: {  	_ =	swait.ge [sflag:s5], $0x1000  }
0x28a: {  	[sflag:s5] =	ssyncset.done $0x0  }
0x28b: {  	[sflag:s5] =	ssyncadd.s32 $0xFFFFF000  }
0x28c: {  	_ =	swait.ge [sflag:s5], $0x1000  }
0x28d: {  	[sflag:s5] =	ssyncset.done $0x0  }
0x28e: {  	[sflag:s5] =	ssyncadd.s32 $0xFFFFF000  }
0x28f: {  	_ =	swait.ge [sflag:s5], $0x1000  }
0x290: {  	[sflag:s5] =	ssyncset.done $0x0  }
0x291: {  	[sflag:s5] =	ssyncadd.s32 $0xFFFFF000  }
0x292: {  	_ =	swait.ge [sflag:s5], $0x1000  }
0x293: {  	[sflag:s5] =	ssyncset.done $0x0  }
0x294: {  	[sflag:s5] =	ssyncadd.s32 $0xFFFFF000  }
0x295: {  	_ =	swait.ge [sflag:s5], $0x1000  }
0x296: {  	[sflag:s5] =	ssyncset.done $0x0  }
0x297: {  	[sflag:s5] =	ssyncadd.s32 $0xFFFFF000  }
0x298: {  	_ =	swait.ge [sflag:s5], $0x1000  }
0x299: {  	[sflag:s5] =	ssyncset.done $0x0  }
0x29a: {  	[sflag:s5] =	ssyncadd.s32 $0xFFFFF000  }
0x29b: {  	_ =	swait.ge [sflag:s5], $0x1000  }
0x29c: {  	[sflag:s5] =	ssyncset.done $0x0  }
0x29d: {  	[sflag:s5] =	ssyncadd.s32 $0xFFFFF000  }
0x29e: {  	_ =	swait.ge [sflag:s5], $0x1000  }
0x29f: {  	[sflag:s5] =	ssyncset.done $0x0  }
0x2a0: {  	[sflag:s5] =	ssyncadd.s32 $0xFFFFF000  }
0x2a1: {  	_ =	swait.ge [sflag:s5], $0x1000  }
0x2a2: {  	[sflag:s5] =	ssyncset.done $0x0  }
0x2a3: {  	[sflag:s5] =	ssyncadd.s32 $0xFFFFF000  }
0x2a4: {  	_ =	swait.ge [sflag:s5], $0x1000  }
0x2a5: {  	[sflag:s5] =	ssyncset.done $0x0  }
0x2a6: {  	[sflag:s5] =	ssyncadd.s32 $0xFFFFF000  }
0x2a7: {  	[bflag:$0x0] =	sbarrier.arrive $0xFFFF  }
0x2a8: {  	s7 =	sld [smem:$0x7FC]  }
0x2a9: {  	s9 =	sld [smem:$0x7F0]  }
0x2aa: {  	s8 =	sld [smem:$0x7FD];
	_ =	sdelay $0x2  }
0x2ab: {  	[hbm:s9], [sflag:s7] =	dma.local [spmem:s8], $0x620  }
0x2ac: {  	_ =	swait.ge [sflag:s10], $0x620  }
0x2ad: {  	s6 =	sld [smem:$0x7EE];
	_ =	sdelay $0x2  }
0x2ae: {  	s9 =	sadd.s32 $0x1, s6;
	s6 =	sld [smem:$0x7F1];
	_ =	sdelay $0x2  }
0x2af: {  	p0 =	sne.s32 s9, s6  }
.Ltmp1:
0x2b0: {  	_ = 	snop;
	(pc) =	sbr.rel @p0 .LBB2_1-.Ltmp1, $3  }
0x2b1: {  	_ =	sdelay $0x1  }
0x2b2: {  	[sflag:s10] =	ssyncset.done $0x0  }
0x2b3: {  	[sflag:s10] =	ssyncadd.s32 $0xFFFFF9E0  }
0x2b4: {  	_ =	sfence.sel $0x180000  }
0x2b5: {  	[bflag:$0x0] =	sbarrier.arrive $0xFFFF  }
0x2b6: {  	_ =	strace $0x9000004A  }
0x2b7: {  	s0 =	stileid.u32;
	[bflag:$0x2] =	sbarrier.arrive $0xFFFF  }
0x2b8: {  	p0 =	sne.s32 s0, $0x0;
	s0 =	rddreg [dreg:$0x2]  }
0x2b9: {  	s0 =	sadd.s32 @!p0 $0x100000, s0  }
0x2ba: {  	[sflag:s0] =	ssyncadd.tile.s32 @!p0 $0x1;
	_ =	shalt  }
.Lfunc_end2:
_tile_overlayer_lowered:
.L_overlay_start_2:
0x2bb: {  	(tag) =	ssettag $0x2  }
0x2bc: {  	s0 =	rddreg [dreg:$0x0];
	s2 =	stileid.u32  }
0x2bd: {  	s1 =	rddreg [dreg:$0x1];
	p0 =	sne.s32 s2, $0x0  }
0x2be: {  	s3 =	rddreg [dreg:$0x2];
	[bflag:$0x3] =	sbarrier.arrive $0xFFFF;
	s2 =	simm.s32 @!p0 $0x1C02  }
0x2bf: {  	[timem:s3], [sflag:s2] =	dma.local @!p0 [hbm:s0], s1  }
0x2c0: {  	s0 =	simm.s32 @!p0 $0x2  }
0x2c1: {  	_ =	swait.ge @!p0 [sflag:s0], s1  }
0x2c2: {  	s1 =	ssub.s32 @!p0 $0x0, s1;
	[sflag:s0] =	ssyncset.done @!p0 $0x0  }
0x2c3: {  	[sflag:s0] =	ssyncadd.s32 @!p0 s1  }
0x2c4: {  	[bflag:$0x3] =	sbarrier.arrive $0xFFFF  }
0x2c5: {  	_ =	shalt  }

// kernel: kernel.16.cloned.1.call-start
scs
__scs_entry_jumppad:
0x0: {  	(pc) =	sbr.rel $0x88, $3  }
0x1: {  	(tag) =	ssettag $0x0;
	lr =	simm.s32 $0x1  }
0x2: {  	[smem:$0x3F8B] =	sst lr;
	_ =	strace $0xD0000000  }
0x3: {  	_ = 	snop  }
0x4: {  	_ = 	snop  }
0x5: {  	_ = 	snop  }
0x6: {  	_ = 	snop  }
0x7: {  	_ = 	snop  }
__scs_overlays_trampoline_lowered:
0x8: {  	[smem:$0x3F9A] =	sst s0  }
0x9: {  	[smem:$0x3F9B] =	sst s1  }
0xa: {  	[smem:$0x3F9C] =	sst s2  }
0xb: {  	[smem:$0x3F9D] =	sst s3  }
0xc: {  	[smem:$0x3F9E] =	sst s4  }
0xd: {  	[smem:$0x3F9F] =	sst s5  }
0xe: {  	[smem:$0x3FA0] =	sst s6  }
0xf: {  	[smem:$0x3FA1] =	sst s7  }
0x10: {  	[smem:$0x3FA2] =	sst s8  }
0x11: {  	[smem:$0x3FA3] =	sst s9;
	s0 =	simm.s32 @!p0 $0x0  }
0x12: {  	s1 =	sld [smem:$0x3F89];
	s0 =	simm.s32 @p0 $0x1  }
0x13: {  	[smem:$0x3FA4] =	sst s0;
	s0 =	simm.s32 @!p1 $0x0  }
0x14: {  	s2 =	sld [smem:$0x3F88];
	s0 =	simm.s32 @p1 $0x1  }
0x15: {  	[smem:$0x3FA5] =	sst s0;
	s0 =	simm.s32 @!p2 $0x0  }
0x16: {  	s3 =	sld [smem:$0x3FDB];
	s0 =	simm.s32 @p2 $0x1  }
0x17: {  	s4 =	simm.s32 $0x1BF5;
	[smem:$0x3FA7] =	sst s0  }
0x18: {  	s0 =	sld [smem:$0x3F8A];
	_ =	swait.ge [sflag:s4], $0x0  }
0x19: {  	s7 =	sld [smem:$0x3F8B]  }
0x1a: {  	s8 =	sadd.s32 $0xFFFFE003, lr  }
0x1b: {  	s9 =	sadd.s32 $0xFFFFFEF7, lr;
	s5 =	simm.s32 $0xFFFFFFFF;
	p2 =	slt.u32 s8, $0xFFFFF086  }
0x1c: {  	p1 =	slt.u32 s9, $0xF7A;
	s5 =	simm.s32 @!p2 $0x0  }
0x1d: {  	s5 =	simm.s32 @p1 $0x1;
	p0 =	seq.s32 s7, s2  }
0x1e: {  	s7 =	smul.u32 @!p0 $0xF7A, s2;
	p2 =	seq.s32 @!p0 s5, $0x0  }
0x1f: {  	s9 =	smul.u32 $0xF7A, s1;
	s8 =	simm.s32 @!p0 $0x1BF5;
	p2 =	por !p2, p0  }
0x20: {  	[sflag:s8] =	ssyncset.s32 @!p0 $0xFFFFF086;
	s6 =	sadd.s32 @!p0 s3, s7;
	s7 =	simm.s32 @!p0 $0x108  }
0x21: {  	s3 =	sadd.s32 s3, s9;
	s6 =	sadd.s32 @!p0 $0x88, s6;
	s7 =	simm.s32 @p2 $0x1082  }
0x22: {  	[simem:s7], [sflag:s8] =	dma.local @!p0 [hbm:s6], $0xF7A  }
0x23: {  	s9 =	sor.u32 $0xD0000000, s2;
	s6 =	simm.s32 $0x108;
	_ =	swait.ge @!p0 [sflag:s8], $0x0  }
0x24: {  	s3 =	sadd.s32 $0x88, s3;
	s6 =	simm.s32 @!p1 $0x1082;
	[sflag:s4] =	ssyncset.s32 $0xFFFFF086  }
0x25: {  	[simem:s6], [sflag:s4] =	dma.local [hbm:s3], $0xF7A  }
0x26: {  	[smem:$0x3F8B] =	sst s1;
	(tag) =	ssettag s2;
	_ =	strace s9  }
0x27: {  	s1 =	sld [smem:$0x3F9B]  }
0x28: {  	s2 =	sld [smem:$0x3F9C]  }
0x29: {  	s4 =	sld [smem:$0x3F9E]  }
0x2a: {  	p0 =	seq.s32 s5, $0x0;
	s5 =	sld [smem:$0x3F9F]  }
0x2b: {  	s6 =	sld [smem:$0x3FA0]  }
0x2c: {  	s7 =	sld [smem:$0x3FA1]  }
0x2d: {  	s3 =	simm.s32 $0x108;
	s8 =	sld [smem:$0x3FA2]  }
0x2e: {  	s3 =	simm.s32 @!p0 $0x1082;
	s9 =	sld [smem:$0x3FA3]  }
0x2f: {  	lr =	sadd.s32 s0, s3;
	s0 =	sld [smem:$0x3F9A]  }
0x30: {  	s3 =	sld [smem:$0x3F9D]  }
0x31: {  	[smem:$0x3FA6] =	sst s10  }
0x32: {  	s10 =	sld [smem:$0x3FA4];
	_ =	sdelay $0x3  }
0x33: {  	p0 =	seq.s32 s10, $0x1;
	s10 =	sld [smem:$0x3FA6];
	_ =	sdelay $0x3  }
0x34: {  	[smem:$0x3FA6] =	sst s10  }
0x35: {  	s10 =	sld [smem:$0x3FA5];
	_ =	sdelay $0x3  }
0x36: {  	p1 =	seq.s32 s10, $0x1;
	s10 =	sld [smem:$0x3FA6];
	_ =	sdelay $0x3  }
0x37: {  	[smem:$0x3FA6] =	sst s10  }
0x38: {  	s10 =	sld [smem:$0x3FA7]  }
0x39: {  	_ = 	snop;
	(pc) =	sbr.ind lr, $3  }
0x3a: {  	_ = 	snop  }
0x3b: {  	_ = 	snop  }
0x3c: {  	p2 =	seq.s32 s10, $0x1;
	s10 =	sld [smem:$0x3FA6]  }
0x3d: {  	_ =	shalt  }
0x3e: {  	_ =	shalt  }
0x3f: {  	_ =	shalt  }
0x40: {  	_ =	shalt  }
0x41: {  	_ =	shalt  }
0x42: {  	_ =	shalt  }
0x43: {  	_ =	shalt  }
0x44: {  	_ =	shalt  }
0x45: {  	_ =	shalt  }
0x46: {  	_ =	shalt  }
0x47: {  	_ =	shalt  }
0x48: {  	_ =	shalt  }
0x49: {  	_ =	shalt  }
0x4a: {  	_ =	shalt  }
0x4b: {  	_ =	shalt  }
0x4c: {  	_ =	shalt  }
0x4d: {  	_ =	shalt  }
0x4e: {  	_ =	shalt  }
0x4f: {  	_ =	shalt  }
0x50: {  	_ =	shalt  }
0x51: {  	_ =	shalt  }
0x52: {  	_ =	shalt  }
0x53: {  	_ =	shalt  }
0x54: {  	_ =	shalt  }
0x55: {  	_ =	shalt  }
0x56: {  	_ =	shalt  }
0x57: {  	_ =	shalt  }
0x58: {  	_ =	shalt  }
0x59: {  	_ =	shalt  }
0x5a: {  	_ =	shalt  }
0x5b: {  	_ =	shalt  }
0x5c: {  	_ =	shalt  }
0x5d: {  	_ =	shalt  }
0x5e: {  	_ =	shalt  }
0x5f: {  	_ =	shalt  }
0x60: {  	_ =	shalt  }
0x61: {  	_ =	shalt  }
0x62: {  	_ =	shalt  }
0x63: {  	_ =	shalt  }
0x64: {  	_ =	shalt  }
0x65: {  	_ =	shalt  }
0x66: {  	_ =	shalt  }
0x67: {  	_ =	shalt  }
0x68: {  	_ =	shalt  }
0x69: {  	_ =	shalt  }
0x6a: {  	_ =	shalt  }
0x6b: {  	_ =	shalt  }
0x6c: {  	_ =	shalt  }
0x6d: {  	_ =	shalt  }
0x6e: {  	_ =	shalt  }
0x6f: {  	_ =	shalt  }
0x70: {  	_ =	shalt  }
0x71: {  	_ =	shalt  }
0x72: {  	_ =	shalt  }
0x73: {  	_ =	shalt  }
0x74: {  	_ =	shalt  }
0x75: {  	_ =	shalt  }
0x76: {  	_ =	shalt  }
0x77: {  	_ =	shalt  }
0x78: {  	_ =	shalt  }
0x79: {  	_ =	shalt  }
0x7a: {  	_ =	shalt  }
0x7b: {  	_ =	shalt  }
0x7c: {  	_ =	shalt  }
0x7d: {  	_ =	shalt  }
0x7e: {  	_ =	shalt  }
0x7f: {  	_ =	shalt  }
0x80: {  	_ =	shalt  }
0x81: {  	_ =	shalt  }
0x82: {  	_ =	shalt  }
0x83: {  	_ =	shalt  }
0x84: {  	_ =	shalt  }
0x85: {  	_ =	shalt  }
0x86: {  	_ =	shalt  }
0x87: {  	_ =	shalt  }
.Lfunc_end0:
.L_simem_size_0:
called_computation.2_lowered:
.L_overlay_start_0:
0x88: {  	s2 =	sld [smem:$0x3FD9]  }
0x89: {  	s3 =	sld [smem:$0x3FFE];
	_ =	sdelay $0x1  }
0x8a: {  	s1 =	srdreg.scid  }
0x8b: {  	s0 =	sand.u32 $0x1, s1  }
0x8c: {  	s17 =	sshll.u32 s0, $0xA;
	s2 =	sadd.s32 s3, s2  }
0x8d: {  	s2 =	sadd.s32 s2, s17  }
0x8e: {  	[smem:$0x3FB2] =	sst s2  }
0x8f: {  	_ = 	snop  }
0x90: {  	s18 =	sld [smem:$0x3FD0];
	(tm) =	ssettm $0x1  }
0x91: {  	s19 =	sld [smem:$0x3FFB];
	_ =	sdelay $0x3  }
0x92: {  	_ =	strace s19  }
0x93: {  	s2 =	sld [smem:$0x3FFC];
	_ =	sdelay $0x3  }
0x94: {  	_ =	strace s2  }
0x95: {  	s2 =	sld [smem:$0x3FFD];
	_ =	sdelay $0x3  }
0x96: {  	_ =	strace s2  }
0x97: {  	_ =	strace $0x8FFFFFFF  }
0x98: {  	s20 =	sld [smem:$0x3FDB];
	_ =	sdelay $0x1  }
0x99: {  	s4 =	simm.s32 $_scs_section_size  }
0x9a: {  	s5 =	simm.s32 $_size__tile_overlayer_lowered;
	s6 =	simm.s32 $_tile_overlayer_lowered  }
0x9b: {  	s7 =	simm.s32 $0x1BFF;
	s21 =	sshll.u32 s6, $0x1;
	s4 =	sadd.s32 s4, s20  }
0x9c: {  	s22 =	simm.s32 $0x0;
	s5 =	sshll.u32 s5, $0x1;
	s6 =	sadd.s32 s21, s4  }
0x9d: {  	[timem:s22], [sflag:s7] =	dma.local [hbm:s6], s5  }
0x9e: {  	_ =	swait.ge [sflag:s7], s5  }
0x9f: {  	s5 =	ssub.s32 $0x0, s5;
	[sflag:s7] =	ssyncset.done $0x0  }
0xa0: {  	[sflag:s7] =	ssyncadd.s32 s5;
	_ =	sdelay $0x1  }
0xa1: {  	s23 =	simm.s32 $0x1B8B  }
0xa2: {  	_ =	swait.ge [sflag:s23], $0x1  }
0xa3: {  	[sflag:s23] =	ssyncset.done $0x0  }
0xa4: {  	[sflag:s23] =	ssyncadd.s32 $0xFFFFFFFF  }
0xa5: {  	s5 =	sld [smem:$0x0]  }
0xa6: {  	s6 =	sand.u32 $0xFFFFFFFE, s1  }
0xa7: {  	p0 =	sne.s32 s1, s6  }
0xa8: {  	s6 =	sshll.u32 @p0 s6, $0xE  }
0xa9: {  	s6 =	sadd.s32 @p0 $0x11B8D, s6;
	s7 =	sshll.u32 @p0 s5, $0x11  }
0xaa: {  	s6 =	sor.u32 @p0 s7, s6  }
0xab: {  	[sflag:s6] =	ssyncadd.remote.s32 @p0 $0x1;
	_ =	sdelay $0x1  }
0xac: {  	s6 =	simm.s32 @p0 $0x1B8D  }
0xad: {  	_ =	swait.eq @p0 [sflag:s6], $0x1  }
0xae: {  	[sflag:s6] =	ssyncadd.s32 @p0 $0xFFFFFFFF  }
0xaf: {  	s7 =	sshll.u32 @!p0 s1, $0xE  }
0xb0: {  	s7 =	sor.u32 @!p0 $0x4000, s7;
	s6 =	simm.s32 @!p0 $0x1B8D  }
0xb1: {  	s5 =	sshll.u32 @!p0 s5, $0x11;
	s7 =	sadd.s32 @!p0 $0x11B8D, s7;
	_ =	swait.eq @!p0 [sflag:s6], $0x1  }
0xb2: {  	s5 =	sor.u32 @!p0 s5, s7;
	[sflag:s6] =	ssyncadd.s32 @!p0 $0xFFFFFFFF  }
0xb3: {  	s25 =	simm.s32 $0x1B8E;
	s24 =	sld [smem:$0x3FFE];
	[sflag:s5] =	ssyncadd.remote.s32 @!p0 $0x1  }
0xb4: {  	s26 =	simm.s32 $execute0_lowered;
	[smem:$0x3FD2] =	sst s25  }
0xb5: {  	s6 =	sshll.u32 s26, $0x1;
	_ =	strace $0x8000004C;
	[dreg:$0x1] =	wrdreg $0xFFFFFFFF  }
0xb6: {  	s28 =	simm.s32 $_size_execute0_lowered;
	s4 =	sadd.s32 s4, s6;
	[dreg:$0x0] =	wrdreg $0x0  }
0xb7: {  	s6 =	sshll.u32 s28, $0x1;
	[dreg:$0x2] =	wrdreg s4  }
0xb8: {  	[dreg:$0x3] =	wrdreg s6  }
0xb9: {  	[dreg:$0x4] =	wrdreg $0xC0  }
0xba: {  	_ =	task [dreg:s22], $0x5FFFF  }
0xbb: {  	[dreg:$0x1] =	wrdreg $0xFFFFFFFF  }
0xbc: {  	[dreg:$0x0] =	wrdreg $0x60  }
0xbd: {  	[dreg:$0x2] =	wrdreg s24  }
0xbe: {  	[dreg:$0x3] =	wrdreg s18  }
0xbf: {  	[dreg:$0x4] =	wrdreg $0x44000  }
0xc0: {  	[dreg:$0x5] =	wrdreg $0xA  }
0xc1: {  	_ =	task.clear_ibuf [dreg:s22], $0x6FFFF;
	_ =	strace $0x9000004C  }
0xc2: {  	s29 =	simm.s32 $0xA;
	_ =	strace $0x8000004E  }
0xc3: {  	_ =	swait.ge [sflag:s29], $0x1  }
0xc4: {  	[sflag:s29] =	ssyncadd.s32 $0xFFFFFFFF  }
0xc5: {  	_ =	strace $0x9000004E  }
0xc6: {  	_ =	sfence  }
0xc7: {  	s30 =	sld [smem:$0x0];
	_ =	sdelay $0x2  }
0xc8: {  	s31 =	sshll.u32 s1, $0xD;
	s1 =	sshrl.u32 s1, $0x2  }
0xc9: {  	s4 =	sand.u32 $0x4000, s31;
	s1 =	sadd.s32 s1, s30  }
0xca: {  	s0 =	sor.u32 s4, s0;
	s1 =	sshll.u32 s1, $0x11  }
0xcb: {  	s0 =	sor.u32 s1, s0  }
0xcc: {  	s0 =	sadd.s32 $0x8F2B, s0  }
0xcd: {  	[sflag:s0] =	ssyncadd.remote.s32 $0x1  }
0xce: {  	_ =	sfence.sel $0xFFFF  }
0xcf: {  	[dreg:$0x0] =	wrdreg $0xFFFFFFFF;
	(pc) =	sbr.abs _section_cstart, $3  }
0xd0: {  	[dreg:$0x1] =	wrdreg $0xFFFFFFFF  }
0xd1: {  	_ =	task.clear_ibuf [dreg:s22], $0x2FFFF;
	_ =	strace $0x9FFFFFFF  }
0xd2: {  	(tm) =	ssettm $0x7FFFFFFF  }
0xd3: {  	_ =	shalt  }
tec
execute0_lowered:
.L_overlay_start_1:
0x0: {  	(tag) =	ssettag $0x1  }
0x1: {  	s6 =	rddreg [dreg:$0x0]  }
0x2: {  	s1 =	rddreg [dreg:$0x1]  }
0x3: {  	s2 =	rddreg [dreg:$0x2];
	s4 =	simm.s32 $0x0  }
0x4: {  	s0 =	stileid.u32;
	s8 =	srdreg.scid;
	s17 =	simm.s32 $0x400  }
0x5: {  	s18 =	simm.s32 $0x1400;
	s19 =	simm.s32 $0x100;
	s20 =	simm.s32 $0x2400  }
0x6: {  	s21 =	simm.s32 $0x180;
	s28 =	simm.s32 $0x0;
	s7 =	smul.u32 $0x1900, s0  }
0x7: {  	[smem:$0x7FF] =	sst s4;
	s5 =	sadd.s32 $0x5400, s6;
	s9 =	smul.u32 $0x18800, s0  }
0x8: {  	s12 =	sadd.s32 $0x40EA00, s6;
	s8 =	sand.u32 $0x1, s8;
	s11 =	smul.u32 $0xC800, s0  }
0x9: {  	s16 =	sadd.s32 $0xC9400, s6;
	s25 =	sshll.u32 s0, $0x6;
	_ =	strace $0x8000004D  }
0xa: {  	s22 =	ssub.s32 $0x2, s8;
	s14 =	smul.u32 $0x310000, s8;
	s15 =	sshllo.u32 s8, $0x1  }
0xb: {  	s8 =	smul.u32 $0x190000, s8;
	s10 =	sadd.s32 s7, s6;
	s13 =	sshrl.u32 s22, $0x1  }
0xc: {  	s23 =	smul.u32 $0x188000, s15;
	s24 =	sadd.s32 s9, s2;
	s6 =	sor.u32 $0x1C02, s25  }
0xd: {  	s15 =	simm.s32 $0x200;
	s25 =	simm.s32 $0x300;
	s13 =	ssub.s32 s22, s13  }
0xe: {  	s14 =	sadd.s32 s9, s14;
	s11 =	sadd.s32 s11, s8;
	s10 =	sadd.s32 $0x385600, s10  }
0xf: {  	s22 =	simm.s32 $0x3400;
	s7 =	sadd.s32 s9, s23;
	s26 =	sshrl.u32 s14, $0x3  }
0x10: {  	s30 =	sadd.s32 $0xC8000, s11;
	s9 =	smax.u32 s13, $0x1;
	s11 =	sshrl.u32 s11, $0x3  }
0x11: {  	s13 =	sshrl.u32 s24, $0x3;
	s14 =	simm.s32 $0x2;
	s23 =	simm.s32 $0x1  }
0x12: {  	s24 =	simm.s32 $0x280;
	s29 =	sshrl.u32 s7, $0x3;
	s7 =	sadd.s32 s16, s26  }
0x13: {  	s31 =	sshrl.u32 s30, $0x3;
	s11 =	sadd.s32 s11, s12;
	s26 =	simm.s32 $0x380  }
0x14: {  	s8 =	sadd.s32 s16, s29;
	s12 =	sadd.s32 s31, s12;
	s16 =	simm.s32 $0x80  }
.LBB2_1:
0x15: {  	[spmem:s13], [sflag:s6] =	dma.local [hbm:s1], $0x3100  }
0x16: {  	_ =	swait.ge [sflag:s14], $0x3100  }
0x17: {  	[sflag:s14] =	ssyncset.done $0x0  }
0x18: {  	[sflag:s14] =	ssyncadd.s32 $0xFFFFCF00  }
0x19: {  	s29 =	sadd.s32 $0x0, s11;
	[bflag:$0x0] =	sbarrier.arrive $0xFFFF  }
0x1a: {  	[tilespmem:s4], [sflag:$0x2] =	stream.linear.gather [hbm4b:s29+s4], $0x200, $0x38;
	[tilespmem:$0x1CC00] =	vst v63  }
0x1b: {  	_ =	swait.ge [sflag:s14], $0x200  }
0x1c: {  	[sflag:s14] =	ssyncset.done $0x0  }
0x1d: {  	s29 =	sadd.s32 $0x0, s10;
	[sflag:s14] =	ssyncadd.s32 $0xFFFFFE00  }
0x1e: {  	[tilespmem:s15], [sflag:$0x2] =	stream.linear.gather [hbm4b:s29+s4], $0x200, $0x38;
	[tilespmem:$0x1CC00] =	vst v63  }
0x1f: {  	_ =	swait.ge [sflag:s14], $0x200  }
0x20: {  	[sflag:s14] =	ssyncset.done $0x0  }
0x21: {  	[sflag:s14] =	ssyncadd.s32 $0xFFFFFE00  }
0x22: {  	[tilespmem:s17], [sflag:$0x1] =	stream.indirect.gather [hbm4b:s5+s16], $0x20, s4, s16, $0xb8;
	[tilespmem:$0x1CC00] =	vst v63  }
0x23: {  	_ = 	snop  }
0x24: {  	[tilespmem:s18], [sflag:$0x1] =	stream.indirect.gather [hbm4b:s5+s16], $0x20, s16, s16, $0xb8;
	[tilespmem:$0x1CC00] =	vst v63  }
0x25: {  	_ = 	snop  }
0x26: {  	[tilespmem:s20], [sflag:$0x1] =	stream.indirect.gather [hbm4b:s5+s16], $0x20, s19, s16, $0xb8;
	[tilespmem:$0x1CC00] =	vst v63  }
0x27: {  	_ = 	snop  }
0x28: {  	[tilespmem:s22], [sflag:$0x1] =	stream.indirect.gather [hbm4b:s5+s16], $0x20, s21, s16, $0xb8;
	[tilespmem:$0x1CC00] =	vst v63  }
0x29: {  	_ =	swait.ge [sflag:s23], $0x1000  }
0x2a: {  	[sflag:s23] =	ssyncset.done $0x0  }
0x2b: {  	[sflag:s23] =	ssyncadd.s32 $0xFFFFF000  }
0x2c: {  	_ =	swait.ge [sflag:s23], $0x1000  }
0x2d: {  	[sflag:s23] =	ssyncset.done $0x0  }
0x2e: {  	[sflag:s23] =	ssyncadd.s32 $0xFFFFF000  }
0x2f: {  	_ =	swait.ge [sflag:s23], $0x1000  }
0x30: {  	[sflag:s23] =	ssyncset.done $0x0  }
0x31: {  	[sflag:s23] =	ssyncadd.s32 $0xFFFFF000  }
0x32: {  	_ =	swait.ge [sflag:s23], $0x1000  }
0x33: {  	[sflag:s23] =	ssyncset.done $0x0  }
0x34: {  	[sflag:s23] =	ssyncadd.s32 $0xFFFFF000  }
0x35: {  	[spmem:s2] =	stream.indirect.scatter.add.f32 [tilespmem:s17], [sflag:$0x1], $0x20, s15, s16, $0xb8;
	[tilespmem:$0x1CC00] =	vst v63  }
0x36: {  	_ = 	snop  }
0x37: {  	[spmem:s2] =	stream.indirect.scatter.add.f32 [tilespmem:s18], [sflag:$0x1], $0x20, s24, s16, $0xb8;
	[tilespmem:$0x1CC00] =	vst v63  }
0x38: {  	_ = 	snop  }
0x39: {  	[spmem:s2] =	stream.indirect.scatter.add.f32 [tilespmem:s20], [sflag:$0x1], $0x20, s25, s16, $0xb8;
	[tilespmem:$0x1CC00] =	vst v63  }
0x3a: {  	_ = 	snop  }
0x3b: {  	[spmem:s2] =	stream.indirect.scatter.add.f32 [tilespmem:s22], [sflag:$0x1], $0x20, s26, s16, $0xb8;
	[tilespmem:$0x1CC00] =	vst v63  }
0x3c: {  	_ =	swait.ge [sflag:s23], $0x1000  }
0x3d: {  	[sflag:s23] =	ssyncset.done $0x0  }
0x3e: {  	[sflag:s23] =	ssyncadd.s32 $0xFFFFF000  }
0x3f: {  	_ =	swait.ge [sflag:s23], $0x1000  }
0x40: {  	[sflag:s23] =	ssyncset.done $0x0  }
0x41: {  	[sflag:s23] =	ssyncadd.s32 $0xFFFFF000  }
0x42: {  	_ =	swait.ge [sflag:s23], $0x1000  }
0x43: {  	[sflag:s23] =	ssyncset.done $0x0  }
0x44: {  	[sflag:s23] =	ssyncadd.s32 $0xFFFFF000  }
0x45: {  	_ =	swait.ge [sflag:s23], $0x1000  }
0x46: {  	s31 =	simm.s32 $0x80;
	s29 =	simm.s32 $0x40;
	[sflag:s23] =	ssyncset.done $0x0  }
.LBB2_2:
0x47: {  	s0 =	sadd.s32 s29, s11  }
0x48: {  	[sflag:s23] =	ssyncadd.s32 $0xFFFFF000;
	s3 =	smov.u32 s31;
	s30 =	sadd.s32 $0x40, s31  }
0x49: {  	[tilespmem:s4], [sflag:$0x2] =	stream.linear.gather [hbm4b:s0+s4], $0x200, $0x38;
	[tilespmem:$0x1CC00] =	vst v63  }
0x4a: {  	p0 =	sne.s32 s31, $0x18C0;
	_ =	swait.ge [sflag:s14], $0x200  }
0x4b: {  	[sflag:s14] =	ssyncset.done $0x0  }
0x4c: {  	s0 =	sadd.s32 s29, s10;
	s29 =	smov.u32 s3;
	[sflag:s14] =	ssyncadd.s32 $0xFFFFFE00  }
0x4d: {  	[tilespmem:s15], [sflag:$0x2] =	stream.linear.gather [hbm4b:s0+s4], $0x200, $0x38;
	[tilespmem:$0x1CC00] =	vst v63  }
0x4e: {  	_ =	swait.ge [sflag:s14], $0x200  }
0x4f: {  	[sflag:s14] =	ssyncset.done $0x0  }
0x50: {  	[sflag:s14] =	ssyncadd.s32 $0xFFFFFE00  }
0x51: {  	[tilespmem:s17], [sflag:$0x1] =	stream.indirect.gather [hbm4b:s5+s16], $0x20, s4, s16, $0xb8;
	[tilespmem:$0x1CC00] =	vst v63  }
0x52: {  	_ = 	snop  }
0x53: {  	[tilespmem:s18], [sflag:$0x1] =	stream.indirect.gather [hbm4b:s5+s16], $0x20, s16, s16, $0xb8;
	[tilespmem:$0x1CC00] =	vst v63  }
0x54: {  	_ = 	snop  }
0x55: {  	[tilespmem:s20], [sflag:$0x1] =	stream.indirect.gather [hbm4b:s5+s16], $0x20, s19, s16, $0xb8;
	[tilespmem:$0x1CC00] =	vst v63  }
0x56: {  	_ = 	snop  }
0x57: {  	[tilespmem:s22], [sflag:$0x1] =	stream.indirect.gather [hbm4b:s5+s16], $0x20, s21, s16, $0xb8;
	[tilespmem:$0x1CC00] =	vst v63  }
0x58: {  	_ =	swait.ge [sflag:s23], $0x1000  }
0x59: {  	[sflag:s23] =	ssyncset.done $0x0  }
0x5a: {  	[sflag:s23] =	ssyncadd.s32 $0xFFFFF000  }
0x5b: {  	_ =	swait.ge [sflag:s23], $0x1000  }
0x5c: {  	[sflag:s23] =	ssyncset.done $0x0  }
0x5d: {  	[sflag:s23] =	ssyncadd.s32 $0xFFFFF000  }
0x5e: {  	_ =	swait.ge [sflag:s23], $0x1000  }
0x5f: {  	[sflag:s23] =	ssyncset.done $0x0  }
0x60: {  	[sflag:s23] =	ssyncadd.s32 $0xFFFFF000  }
0x61: {  	_ =	swait.ge [sflag:s23], $0x1000  }
0x62: {  	[sflag:s23] =	ssyncset.done $0x0  }
0x63: {  	[sflag:s23] =	ssyncadd.s32 $0xFFFFF000  }
0x64: {  	[spmem:s2] =	stream.indirect.scatter.add.f32 [tilespmem:s17], [sflag:$0x1], $0x20, s15, s16, $0xb8;
	[tilespmem:$0x1CC00] =	vst v63  }
0x65: {  	_ = 	snop  }
0x66: {  	[spmem:s2] =	stream.indirect.scatter.add.f32 [tilespmem:s18], [sflag:$0x1], $0x20, s24, s16, $0xb8;
	[tilespmem:$0x1CC00] =	vst v63  }
0x67: {  	_ = 	snop  }
0x68: {  	[spmem:s2] =	stream.indirect.scatter.add.f32 [tilespmem:s20], [sflag:$0x1], $0x20, s25, s16, $0xb8;
	[tilespmem:$0x1CC00] =	vst v63  }
0x69: {  	_ = 	snop  }
0x6a: {  	[spmem:s2] =	stream.indirect.scatter.add.f32 [tilespmem:s22], [sflag:$0x1], $0x20, s26, s16, $0xb8;
	[tilespmem:$0x1CC00] =	vst v63  }
0x6b: {  	_ =	swait.ge [sflag:s23], $0x1000  }
0x6c: {  	[sflag:s23] =	ssyncset.done $0x0  }
0x6d: {  	[sflag:s23] =	ssyncadd.s32 $0xFFFFF000  }
0x6e: {  	_ =	swait.ge [sflag:s23], $0x1000  }
0x6f: {  	[sflag:s23] =	ssyncset.done $0x0  }
0x70: {  	[sflag:s23] =	ssyncadd.s32 $0xFFFFF000  }
.Ltmp0:
0x71: {  	_ =	swait.ge [sflag:s23], $0x1000;
	(pc) =	sbr.rel @p0 .LBB2_2-.Ltmp0, $4  }
0x72: {  	[sflag:s23] =	ssyncset.done $0x0  }
0x73: {  	[sflag:s23] =	ssyncadd.s32 $0xFFFFF000  }
0x74: {  	_ =	swait.ge [sflag:s23], $0x1000  }
0x75: {  	s31 =	smov.u32 s30;
	[sflag:s23] =	ssyncset.done $0x0  }
0x76: {  	s0 =	sadd.s32 s29, s11;
	[sflag:s23] =	ssyncadd.s32 $0xFFFFF000  }
0x77: {  	[tilespmem:s4], [sflag:$0x2] =	stream.linear.gather [hbm4b:s0+s4], $0x200, $0x38;
	[tilespmem:$0x1CC00] =	vst v63  }
0x78: {  	_ =	swait.ge [sflag:s14], $0x200  }
0x79: {  	[sflag:s14] =	ssyncset.done $0x0  }
0x7a: {  	s30 =	sadd.s32 s29, s10;
	[sflag:s14] =	ssyncadd.s32 $0xFFFFFE00  }
0x7b: {  	[tilespmem:s15], [sflag:$0x2] =	stream.linear.gather [hbm4b:s30+s4], $0x200, $0x38;
	[tilespmem:$0x1CC00] =	vst v63  }
0x7c: {  	_ =	swait.ge [sflag:s14], $0x200  }
0x7d: {  	[sflag:s14] =	ssyncset.done $0x0  }
0x7e: {  	[sflag:s14] =	ssyncadd.s32 $0xFFFFFE00  }
0x7f: {  	[tilespmem:s17], [sflag:$0x1] =	stream.indirect.gather [hbm4b:s5+s16], $0x20, s4, s16, $0xb8;
	[tilespmem:$0x1CC00] =	vst v63  }
0x80: {  	_ = 	snop  }
0x81: {  	[tilespmem:s18], [sflag:$0x1] =	stream.indirect.gather [hbm4b:s5+s16], $0x20, s16, s16, $0xb8;
	[tilespmem:$0x1CC00] =	vst v63  }
0x82: {  	_ = 	snop  }
0x83: {  	[tilespmem:s20], [sflag:$0x1] =	stream.indirect.gather [hbm4b:s5+s16], $0x20, s19, s16, $0xb8;
	[tilespmem:$0x1CC00] =	vst v63  }
0x84: {  	_ = 	snop  }
0x85: {  	[tilespmem:s22], [sflag:$0x1] =	stream.indirect.gather [hbm4b:s5+s16], $0x20, s21, s16, $0xb8;
	[tilespmem:$0x1CC00] =	vst v63  }
0x86: {  	_ =	swait.ge [sflag:s23], $0x1000  }
0x87: {  	[sflag:s23] =	ssyncset.done $0x0  }
0x88: {  	[sflag:s23] =	ssyncadd.s32 $0xFFFFF000  }
0x89: {  	_ =	swait.ge [sflag:s23], $0x1000  }
0x8a: {  	[sflag:s23] =	ssyncset.done $0x0  }
0x8b: {  	[sflag:s23] =	ssyncadd.s32 $0xFFFFF000  }
0x8c: {  	_ =	swait.ge [sflag:s23], $0x1000  }
0x8d: {  	[sflag:s23] =	ssyncset.done $0x0  }
0x8e: {  	[sflag:s23] =	ssyncadd.s32 $0xFFFFF000  }
0x8f: {  	_ =	swait.ge [sflag:s23], $0x1000  }
0x90: {  	[sflag:s23] =	ssyncset.done $0x0  }
0x91: {  	[sflag:s23] =	ssyncadd.s32 $0xFFFFF000  }
0x92: {  	[spmem:s2] =	stream.indirect.scatter.add.f32 [tilespmem:s17], [sflag:$0x1], $0x20, s15, s16, $0xb8;
	[tilespmem:$0x1CC00] =	vst v63  }
0x93: {  	_ = 	snop  }
0x94: {  	[spmem:s2] =	stream.indirect.scatter.add.f32 [tilespmem:s18], [sflag:$0x1], $0x20, s24, s16, $0xb8;
	[tilespmem:$0x1CC00] =	vst v63  }
0x95: {  	_ = 	snop  }
0x96: {  	[spmem:s2] =	stream.indirect.scatter.add.f32 [tilespmem:s20], [sflag:$0x1], $0x20, s25, s16, $0xb8;
	[tilespmem:$0x1CC00] =	vst v63  }
0x97: {  	_ = 	snop  }
0x98: {  	[spmem:s2] =	stream.indirect.scatter.add.f32 [tilespmem:s22], [sflag:$0x1], $0x20, s26, s16, $0xb8;
	[tilespmem:$0x1CC00] =	vst v63  }
0x99: {  	_ =	swait.ge [sflag:s23], $0x1000  }
0x9a: {  	[sflag:s23] =	ssyncset.done $0x0  }
0x9b: {  	[sflag:s23] =	ssyncadd.s32 $0xFFFFF000  }
0x9c: {  	_ =	swait.ge [sflag:s23], $0x1000  }
0x9d: {  	[sflag:s23] =	ssyncset.done $0x0  }
0x9e: {  	[sflag:s23] =	ssyncadd.s32 $0xFFFFF000  }
0x9f: {  	_ =	swait.ge [sflag:s23], $0x1000  }
0xa0: {  	[sflag:s23] =	ssyncset.done $0x0  }
0xa1: {  	[sflag:s23] =	ssyncadd.s32 $0xFFFFF000  }
0xa2: {  	_ =	swait.ge [sflag:s23], $0x1000  }
0xa3: {  	[sflag:s23] =	ssyncset.done $0x0  }
0xa4: {  	[sflag:s23] =	ssyncadd.s32 $0xFFFFF000  }
0xa5: {  	[bflag:$0x0] =	sbarrier.arrive $0xFFFF  }
0xa6: {  	[hbm:s7], [sflag:s6] =	dma.local [spmem:s13], $0x3100  }
0xa7: {  	_ =	swait.ge [sflag:s14], $0x3100  }
0xa8: {  	[sflag:s14] =	ssyncset.done $0x0  }
0xa9: {  	[sflag:s14] =	ssyncadd.s32 $0xFFFFCF00  }
0xaa: {  	[bflag:$0x0] =	sbarrier.arrive $0xFFFF  }
0xab: {  	[spmem:s13], [sflag:s6] =	dma.local [hbm:s1], $0x3100  }
0xac: {  	_ =	swait.ge [sflag:s14], $0x3100  }
0xad: {  	[sflag:s14] =	ssyncset.done $0x0  }
0xae: {  	[sflag:s14] =	ssyncadd.s32 $0xFFFFCF00  }
0xaf: {  	s3 =	sadd.s32 $0x0, s12;
	[bflag:$0x0] =	sbarrier.arrive $0xFFFF  }
0xb0: {  	[tilespmem:s4], [sflag:$0x2] =	stream.linear.gather [hbm4b:s3+s4], $0x200, $0x38;
	[tilespmem:$0x1CC00] =	vst v63  }
0xb1: {  	_ =	swait.ge [sflag:s14], $0x200  }
0xb2: {  	[sflag:s14] =	ssyncset.done $0x0  }
0xb3: {  	s30 =	sadd.s32 $0x0, s10;
	[sflag:s14] =	ssyncadd.s32 $0xFFFFFE00  }
0xb4: {  	[tilespmem:s15], [sflag:$0x2] =	stream.linear.gather [hbm4b:s30+s4], $0x200, $0x38;
	[tilespmem:$0x1CC00] =	vst v63  }
0xb5: {  	_ =	swait.ge [sflag:s14], $0x200  }
0xb6: {  	[sflag:s14] =	ssyncset.done $0x0  }
0xb7: {  	[sflag:s14] =	ssyncadd.s32 $0xFFFFFE00  }
0xb8: {  	[tilespmem:s17], [sflag:$0x1] =	stream.indirect.gather [hbm4b:s5+s16], $0x20, s4, s16, $0xb8;
	[tilespmem:$0x1CC00] =	vst v63  }
0xb9: {  	_ = 	snop  }
0xba: {  	[tilespmem:s18], [sflag:$0x1] =	stream.indirect.gather [hbm4b:s5+s16], $0x20, s16, s16, $0xb8;
	[tilespmem:$0x1CC00] =	vst v63  }
0xbb: {  	_ = 	snop  }
0xbc: {  	[tilespmem:s20], [sflag:$0x1] =	stream.indirect.gather [hbm4b:s5+s16], $0x20, s19, s16, $0xb8;
	[tilespmem:$0x1CC00] =	vst v63  }
0xbd: {  	_ = 	snop  }
0xbe: {  	[tilespmem:s22], [sflag:$0x1] =	stream.indirect.gather [hbm4b:s5+s16], $0x20, s21, s16, $0xb8;
	[tilespmem:$0x1CC00] =	vst v63  }
0xbf: {  	_ =	swait.ge [sflag:s23], $0x1000  }
0xc0: {  	[sflag:s23] =	ssyncset.done $0x0  }
0xc1: {  	[sflag:s23] =	ssyncadd.s32 $0xFFFFF000  }
0xc2: {  	_ =	swait.ge [sflag:s23], $0x1000  }
0xc3: {  	[sflag:s23] =	ssyncset.done $0x0  }
0xc4: {  	[sflag:s23] =	ssyncadd.s32 $0xFFFFF000  }
0xc5: {  	_ =	swait.ge [sflag:s23], $0x1000  }
0xc6: {  	[sflag:s23] =	ssyncset.done $0x0  }
0xc7: {  	[sflag:s23] =	ssyncadd.s32 $0xFFFFF000  }
0xc8: {  	_ =	swait.ge [sflag:s23], $0x1000  }
0xc9: {  	[sflag:s23] =	ssyncset.done $0x0  }
0xca: {  	[sflag:s23] =	ssyncadd.s32 $0xFFFFF000  }
0xcb: {  	[spmem:s2] =	stream.indirect.scatter.add.f32 [tilespmem:s17], [sflag:$0x1], $0x20, s15, s16, $0xb8;
	[tilespmem:$0x1CC00] =	vst v63  }
0xcc: {  	_ = 	snop  }
0xcd: {  	[spmem:s2] =	stream.indirect.scatter.add.f32 [tilespmem:s18], [sflag:$0x1], $0x20, s24, s16, $0xb8;
	[tilespmem:$0x1CC00] =	vst v63  }
0xce: {  	_ = 	snop  }
0xcf: {  	[spmem:s2] =	stream.indirect.scatter.add.f32 [tilespmem:s20], [sflag:$0x1], $0x20, s25, s16, $0xb8;
	[tilespmem:$0x1CC00] =	vst v63  }
0xd0: {  	_ = 	snop  }
0xd1: {  	[spmem:s2] =	stream.indirect.scatter.add.f32 [tilespmem:s22], [sflag:$0x1], $0x20, s26, s16, $0xb8;
	[tilespmem:$0x1CC00] =	vst v63  }
0xd2: {  	_ =	swait.ge [sflag:s23], $0x1000  }
0xd3: {  	[sflag:s23] =	ssyncset.done $0x0  }
0xd4: {  	[sflag:s23] =	ssyncadd.s32 $0xFFFFF000  }
0xd5: {  	_ =	swait.ge [sflag:s23], $0x1000  }
0xd6: {  	[sflag:s23] =	ssyncset.done $0x0  }
0xd7: {  	[sflag:s23] =	ssyncadd.s32 $0xFFFFF000  }
0xd8: {  	_ =	swait.ge [sflag:s23], $0x1000  }
0xd9: {  	[sflag:s23] =	ssyncset.done $0x0  }
0xda: {  	[sflag:s23] =	ssyncadd.s32 $0xFFFFF000  }
0xdb: {  	_ =	swait.ge [sflag:s23], $0x1000  }
0xdc: {  	s29 =	simm.s32 $0x40;
	s31 =	simm.s32 $0x80;
	[sflag:s23] =	ssyncset.done $0x0  }
.LBB2_4:
0xdd: {  	s0 =	sadd.s32 s29, s12  }
0xde: {  	[sflag:s23] =	ssyncadd.s32 $0xFFFFF000;
	s3 =	smov.u32 s31;
	s30 =	sadd.s32 $0x40, s31  }
0xdf: {  	[tilespmem:s4], [sflag:$0x2] =	stream.linear.gather [hbm4b:s0+s4], $0x200, $0x38;
	[tilespmem:$0x1CC00] =	vst v63  }
0xe0: {  	p0 =	sne.s32 s31, $0x18C0;
	_ =	swait.ge [sflag:s14], $0x200  }
0xe1: {  	[sflag:s14] =	ssyncset.done $0x0  }
0xe2: {  	s0 =	sadd.s32 s29, s10;
	s29 =	smov.u32 s3;
	[sflag:s14] =	ssyncadd.s32 $0xFFFFFE00  }
0xe3: {  	[tilespmem:s15], [sflag:$0x2] =	stream.linear.gather [hbm4b:s0+s4], $0x200, $0x38;
	[tilespmem:$0x1CC00] =	vst v63  }
0xe4: {  	_ =	swait.ge [sflag:s14], $0x200  }
0xe5: {  	[sflag:s14] =	ssyncset.done $0x0  }
0xe6: {  	[sflag:s14] =	ssyncadd.s32 $0xFFFFFE00  }
0xe7: {  	[tilespmem:s17], [sflag:$0x1] =	stream.indirect.gather [hbm4b:s5+s16], $0x20, s4, s16, $0xb8;
	[tilespmem:$0x1CC00] =	vst v63  }
0xe8: {  	_ = 	snop  }
0xe9: {  	[tilespmem:s18], [sflag:$0x1] =	stream.indirect.gather [hbm4b:s5+s16], $0x20, s16, s16, $0xb8;
	[tilespmem:$0x1CC00] =	vst v63  }
0xea: {  	_ = 	snop  }
0xeb: {  	[tilespmem:s20], [sflag:$0x1] =	stream.indirect.gather [hbm4b:s5+s16], $0x20, s19, s16, $0xb8;
	[tilespmem:$0x1CC00] =	vst v63  }
0xec: {  	_ = 	snop  }
0xed: {  	[tilespmem:s22], [sflag:$0x1] =	stream.indirect.gather [hbm4b:s5+s16], $0x20, s21, s16, $0xb8;
	[tilespmem:$0x1CC00] =	vst v63  }
0xee: {  	_ =	swait.ge [sflag:s23], $0x1000  }
0xef: {  	[sflag:s23] =	ssyncset.done $0x0  }
0xf0: {  	[sflag:s23] =	ssyncadd.s32 $0xFFFFF000  }
0xf1: {  	_ =	swait.ge [sflag:s23], $0x1000  }
0xf2: {  	[sflag:s23] =	ssyncset.done $0x0  }
0xf3: {  	[sflag:s23] =	ssyncadd.s32 $0xFFFFF000  }
0xf4: {  	_ =	swait.ge [sflag:s23], $0x1000  }
0xf5: {  	[sflag:s23] =	ssyncset.done $0x0  }
0xf6: {  	[sflag:s23] =	ssyncadd.s32 $0xFFFFF000  }
0xf7: {  	_ =	swait.ge [sflag:s23], $0x1000  }
0xf8: {  	[sflag:s23] =	ssyncset.done $0x0  }
0xf9: {  	[sflag:s23] =	ssyncadd.s32 $0xFFFFF000  }
0xfa: {  	[spmem:s2] =	stream.indirect.scatter.add.f32 [tilespmem:s17], [sflag:$0x1], $0x20, s15, s16, $0xb8;
	[tilespmem:$0x1CC00] =	vst v63  }
0xfb: {  	_ = 	snop  }
0xfc: {  	[spmem:s2] =	stream.indirect.scatter.add.f32 [tilespmem:s18], [sflag:$0x1], $0x20, s24, s16, $0xb8;
	[tilespmem:$0x1CC00] =	vst v63  }
0xfd: {  	_ = 	snop  }
0xfe: {  	[spmem:s2] =	stream.indirect.scatter.add.f32 [tilespmem:s20], [sflag:$0x1], $0x20, s25, s16, $0xb8;
	[tilespmem:$0x1CC00] =	vst v63  }
0xff: {  	_ = 	snop  }
0x100: {  	[spmem:s2] =	stream.indirect.scatter.add.f32 [tilespmem:s22], [sflag:$0x1], $0x20, s26, s16, $0xb8;
	[tilespmem:$0x1CC00] =	vst v63  }
0x101: {  	_ =	swait.ge [sflag:s23], $0x1000  }
0x102: {  	[sflag:s23] =	ssyncset.done $0x0  }
0x103: {  	[sflag:s23] =	ssyncadd.s32 $0xFFFFF000  }
0x104: {  	_ =	swait.ge [sflag:s23], $0x1000  }
0x105: {  	[sflag:s23] =	ssyncset.done $0x0  }
0x106: {  	[sflag:s23] =	ssyncadd.s32 $0xFFFFF000  }
.Ltmp1:
0x107: {  	_ =	swait.ge [sflag:s23], $0x1000;
	(pc) =	sbr.rel @p0 .LBB2_4-.Ltmp1, $4  }
0x108: {  	[sflag:s23] =	ssyncset.done $0x0  }
0x109: {  	[sflag:s23] =	ssyncadd.s32 $0xFFFFF000  }
0x10a: {  	_ =	swait.ge [sflag:s23], $0x1000  }
0x10b: {  	s31 =	smov.u32 s30;
	[sflag:s23] =	ssyncset.done $0x0  }
0x10c: {  	s0 =	sadd.s32 s29, s12;
	[sflag:s23] =	ssyncadd.s32 $0xFFFFF000  }
0x10d: {  	[tilespmem:s4], [sflag:$0x2] =	stream.linear.gather [hbm4b:s0+s4], $0x200, $0x38;
	[tilespmem:$0x1CC00] =	vst v63  }
0x10e: {  	_ =	swait.ge [sflag:s14], $0x200  }
0x10f: {  	[sflag:s14] =	ssyncset.done $0x0  }
0x110: {  	s31 =	sadd.s32 s29, s10;
	[sflag:s14] =	ssyncadd.s32 $0xFFFFFE00  }
0x111: {  	[tilespmem:s15], [sflag:$0x2] =	stream.linear.gather [hbm4b:s31+s4], $0x200, $0x38;
	[tilespmem:$0x1CC00] =	vst v63  }
0x112: {  	_ =	swait.ge [sflag:s14], $0x200  }
0x113: {  	[sflag:s14] =	ssyncset.done $0x0  }
0x114: {  	[sflag:s14] =	ssyncadd.s32 $0xFFFFFE00  }
0x115: {  	[tilespmem:s17], [sflag:$0x1] =	stream.indirect.gather [hbm4b:s5+s16], $0x20, s4, s16, $0xb8;
	[tilespmem:$0x1CC00] =	vst v63  }
0x116: {  	_ = 	snop  }
0x117: {  	[tilespmem:s18], [sflag:$0x1] =	stream.indirect.gather [hbm4b:s5+s16], $0x20, s16, s16, $0xb8;
	[tilespmem:$0x1CC00] =	vst v63  }
0x118: {  	_ = 	snop  }
0x119: {  	[tilespmem:s20], [sflag:$0x1] =	stream.indirect.gather [hbm4b:s5+s16], $0x20, s19, s16, $0xb8;
	[tilespmem:$0x1CC00] =	vst v63  }
0x11a: {  	_ = 	snop  }
0x11b: {  	[tilespmem:s22], [sflag:$0x1] =	stream.indirect.gather [hbm4b:s5+s16], $0x20, s21, s16, $0xb8;
	[tilespmem:$0x1CC00] =	vst v63  }
0x11c: {  	_ =	swait.ge [sflag:s23], $0x1000  }
0x11d: {  	[sflag:s23] =	ssyncset.done $0x0  }
0x11e: {  	[sflag:s23] =	ssyncadd.s32 $0xFFFFF000  }
0x11f: {  	_ =	swait.ge [sflag:s23], $0x1000  }
0x120: {  	[sflag:s23] =	ssyncset.done $0x0  }
0x121: {  	[sflag:s23] =	ssyncadd.s32 $0xFFFFF000  }
0x122: {  	_ =	swait.ge [sflag:s23], $0x1000  }
0x123: {  	[sflag:s23] =	ssyncset.done $0x0  }
0x124: {  	[sflag:s23] =	ssyncadd.s32 $0xFFFFF000  }
0x125: {  	_ =	swait.ge [sflag:s23], $0x1000  }
0x126: {  	[sflag:s23] =	ssyncset.done $0x0  }
0x127: {  	[sflag:s23] =	ssyncadd.s32 $0xFFFFF000  }
0x128: {  	[spmem:s2] =	stream.indirect.scatter.add.f32 [tilespmem:s17], [sflag:$0x1], $0x20, s15, s16, $0xb8;
	[tilespmem:$0x1CC00] =	vst v63  }
0x129: {  	_ = 	snop  }
0x12a: {  	[spmem:s2] =	stream.indirect.scatter.add.f32 [tilespmem:s18], [sflag:$0x1], $0x20, s24, s16, $0xb8;
	[tilespmem:$0x1CC00] =	vst v63  }
0x12b: {  	_ = 	snop  }
0x12c: {  	[spmem:s2] =	stream.indirect.scatter.add.f32 [tilespmem:s20], [sflag:$0x1], $0x20, s25, s16, $0xb8;
	[tilespmem:$0x1CC00] =	vst v63  }
0x12d: {  	_ = 	snop  }
0x12e: {  	[spmem:s2] =	stream.indirect.scatter.add.f32 [tilespmem:s22], [sflag:$0x1], $0x20, s26, s16, $0xb8;
	[tilespmem:$0x1CC00] =	vst v63  }
0x12f: {  	_ =	swait.ge [sflag:s23], $0x1000  }
0x130: {  	[sflag:s23] =	ssyncset.done $0x0  }
0x131: {  	[sflag:s23] =	ssyncadd.s32 $0xFFFFF000  }
0x132: {  	_ =	swait.ge [sflag:s23], $0x1000  }
0x133: {  	[sflag:s23] =	ssyncset.done $0x0  }
0x134: {  	[sflag:s23] =	ssyncadd.s32 $0xFFFFF000  }
0x135: {  	_ =	swait.ge [sflag:s23], $0x1000  }
0x136: {  	[sflag:s23] =	ssyncset.done $0x0  }
0x137: {  	[sflag:s23] =	ssyncadd.s32 $0xFFFFF000  }
0x138: {  	_ =	swait.ge [sflag:s23], $0x1000  }
0x139: {  	[sflag:s23] =	ssyncset.done $0x0  }
0x13a: {  	s28 =	sadd.s32 $0x1, s28;
	[sflag:s23] =	ssyncadd.s32 $0xFFFFF000  }
0x13b: {  	p0 =	sne.s32 s28, s9;
	[bflag:$0x0] =	sbarrier.arrive $0xFFFF  }
0x13c: {  	[hbm:s8], [sflag:s6] =	dma.local [spmem:s13], $0x3100  }
.Ltmp2:
0x13d: {  	_ =	swait.ge [sflag:s14], $0x3100;
	(pc) =	sbr.rel @p0 .LBB2_1-.Ltmp2, $3  }
0x13e: {  	[sflag:s14] =	ssyncset.done $0x0  }
0x13f: {  	[sflag:s14] =	ssyncadd.s32 $0xFFFFCF00  }
0x140: {  	[bflag:$0x0] =	sbarrier.arrive $0xFFFF;
	_ =	sdelay $0x1  }
0x141: {  	_ =	sfence.sel $0x180000  }
0x142: {  	[bflag:$0x0] =	sbarrier.arrive $0xFFFF  }
0x143: {  	_ =	strace $0x9000004D  }
0x144: {  	s0 =	stileid.u32;
	[bflag:$0x2] =	sbarrier.arrive $0xFFFF  }
0x145: {  	p0 =	sne.s32 s0, $0x0;
	s0 =	rddreg [dreg:$0x3]  }
0x146: {  	s0 =	sadd.s32 @!p0 $0x100000, s0  }
0x147: {  	[sflag:s0] =	ssyncadd.tile.s32 @!p0 $0x1;
	_ =	shalt  }
.Lfunc_end2:
_tile_overlayer_lowered:
.L_overlay_start_2:
0x148: {  	(tag) =	ssettag $0x2  }
0x149: {  	s0 =	rddreg [dreg:$0x0];
	s2 =	stileid.u32  }
0x14a: {  	s1 =	rddreg [dreg:$0x1];
	p0 =	sne.s32 s2, $0x0  }
0x14b: {  	s3 =	rddreg [dreg:$0x2];
	[bflag:$0x3] =	sbarrier.arrive $0xFFFF;
	s2 =	simm.s32 @!p0 $0x1C02  }
0x14c: {  	[timem:s3], [sflag:s2] =	dma.local @!p0 [hbm:s0], s1  }
0x14d: {  	s0 =	simm.s32 @!p0 $0x2  }
0x14e: {  	_ =	swait.ge @!p0 [sflag:s0], s1  }
0x14f: {  	s1 =	ssub.s32 @!p0 $0x0, s1;
	[sflag:s0] =	ssyncset.done @!p0 $0x0  }
0x150: {  	[sflag:s0] =	ssyncadd.s32 @!p0 s1  }
0x151: {  	[bflag:$0x3] =	sbarrier.arrive $0xFFFF  }
0x152: {  	_ =	shalt  }

// kernel: kernel.19.cloned.1.call-start
scs
__scs_entry_jumppad:
0x0: {  	(pc) =	sbr.rel $0x88, $3  }
0x1: {  	(tag) =	ssettag $0x0;
	lr =	simm.s32 $0x1  }
0x2: {  	[smem:$0x3F8B] =	sst lr;
	_ =	strace $0xD0000000  }
0x3: {  	_ = 	snop  }
0x4: {  	_ = 	snop  }
0x5: {  	_ = 	snop  }
0x6: {  	_ = 	snop  }
0x7: {  	_ = 	snop  }
__scs_overlays_trampoline_lowered:
0x8: {  	[smem:$0x3F9A] =	sst s0  }
0x9: {  	[smem:$0x3F9B] =	sst s1  }
0xa: {  	[smem:$0x3F9C] =	sst s2  }
0xb: {  	[smem:$0x3F9D] =	sst s3  }
0xc: {  	[smem:$0x3F9E] =	sst s4  }
0xd: {  	[smem:$0x3F9F] =	sst s5  }
0xe: {  	[smem:$0x3FA0] =	sst s6  }
0xf: {  	[smem:$0x3FA1] =	sst s7  }
0x10: {  	[smem:$0x3FA2] =	sst s8  }
0x11: {  	[smem:$0x3FA3] =	sst s9;
	s0 =	simm.s32 @!p0 $0x0  }
0x12: {  	s1 =	sld [smem:$0x3F89];
	s0 =	simm.s32 @p0 $0x1  }
0x13: {  	[smem:$0x3FA4] =	sst s0;
	s0 =	simm.s32 @!p1 $0x0  }
0x14: {  	s2 =	sld [smem:$0x3F88];
	s0 =	simm.s32 @p1 $0x1  }
0x15: {  	[smem:$0x3FA5] =	sst s0;
	s0 =	simm.s32 @!p2 $0x0  }
0x16: {  	s3 =	sld [smem:$0x3FDB];
	s0 =	simm.s32 @p2 $0x1  }
0x17: {  	s4 =	simm.s32 $0x1BF5;
	[smem:$0x3FA7] =	sst s0  }
0x18: {  	s0 =	sld [smem:$0x3F8A];
	_ =	swait.ge [sflag:s4], $0x0  }
0x19: {  	s7 =	sld [smem:$0x3F8B]  }
0x1a: {  	s8 =	sadd.s32 $0xFFFFE003, lr  }
0x1b: {  	s9 =	sadd.s32 $0xFFFFFEF7, lr;
	s5 =	simm.s32 $0xFFFFFFFF;
	p2 =	slt.u32 s8, $0xFFFFF086  }
0x1c: {  	p1 =	slt.u32 s9, $0xF7A;
	s5 =	simm.s32 @!p2 $0x0  }
0x1d: {  	s5 =	simm.s32 @p1 $0x1;
	p0 =	seq.s32 s7, s2  }
0x1e: {  	s7 =	smul.u32 @!p0 $0xF7A, s2;
	p2 =	seq.s32 @!p0 s5, $0x0  }
0x1f: {  	s9 =	smul.u32 $0xF7A, s1;
	s8 =	simm.s32 @!p0 $0x1BF5;
	p2 =	por !p2, p0  }
0x20: {  	[sflag:s8] =	ssyncset.s32 @!p0 $0xFFFFF086;
	s6 =	sadd.s32 @!p0 s3, s7;
	s7 =	simm.s32 @!p0 $0x108  }
0x21: {  	s3 =	sadd.s32 s3, s9;
	s6 =	sadd.s32 @!p0 $0x88, s6;
	s7 =	simm.s32 @p2 $0x1082  }
0x22: {  	[simem:s7], [sflag:s8] =	dma.local @!p0 [hbm:s6], $0xF7A  }
0x23: {  	s9 =	sor.u32 $0xD0000000, s2;
	s6 =	simm.s32 $0x108;
	_ =	swait.ge @!p0 [sflag:s8], $0x0  }
0x24: {  	s3 =	sadd.s32 $0x88, s3;
	s6 =	simm.s32 @!p1 $0x1082;
	[sflag:s4] =	ssyncset.s32 $0xFFFFF086  }
0x25: {  	[simem:s6], [sflag:s4] =	dma.local [hbm:s3], $0xF7A  }
0x26: {  	[smem:$0x3F8B] =	sst s1;
	(tag) =	ssettag s2;
	_ =	strace s9  }
0x27: {  	s1 =	sld [smem:$0x3F9B]  }
0x28: {  	s2 =	sld [smem:$0x3F9C]  }
0x29: {  	s4 =	sld [smem:$0x3F9E]  }
0x2a: {  	p0 =	seq.s32 s5, $0x0;
	s5 =	sld [smem:$0x3F9F]  }
0x2b: {  	s6 =	sld [smem:$0x3FA0]  }
0x2c: {  	s7 =	sld [smem:$0x3FA1]  }
0x2d: {  	s3 =	simm.s32 $0x108;
	s8 =	sld [smem:$0x3FA2]  }
0x2e: {  	s3 =	simm.s32 @!p0 $0x1082;
	s9 =	sld [smem:$0x3FA3]  }
0x2f: {  	lr =	sadd.s32 s0, s3;
	s0 =	sld [smem:$0x3F9A]  }
0x30: {  	s3 =	sld [smem:$0x3F9D]  }
0x31: {  	[smem:$0x3FA6] =	sst s10  }
0x32: {  	s10 =	sld [smem:$0x3FA4];
	_ =	sdelay $0x3  }
0x33: {  	p0 =	seq.s32 s10, $0x1;
	s10 =	sld [smem:$0x3FA6];
	_ =	sdelay $0x3  }
0x34: {  	[smem:$0x3FA6] =	sst s10  }
0x35: {  	s10 =	sld [smem:$0x3FA5];
	_ =	sdelay $0x3  }
0x36: {  	p1 =	seq.s32 s10, $0x1;
	s10 =	sld [smem:$0x3FA6];
	_ =	sdelay $0x3  }
0x37: {  	[smem:$0x3FA6] =	sst s10  }
0x38: {  	s10 =	sld [smem:$0x3FA7]  }
0x39: {  	_ = 	snop;
	(pc) =	sbr.ind lr, $3  }
0x3a: {  	_ = 	snop  }
0x3b: {  	_ = 	snop  }
0x3c: {  	p2 =	seq.s32 s10, $0x1;
	s10 =	sld [smem:$0x3FA6]  }
0x3d: {  	_ =	shalt  }
0x3e: {  	_ =	shalt  }
0x3f: {  	_ =	shalt  }
0x40: {  	_ =	shalt  }
0x41: {  	_ =	shalt  }
0x42: {  	_ =	shalt  }
0x43: {  	_ =	shalt  }
0x44: {  	_ =	shalt  }
0x45: {  	_ =	shalt  }
0x46: {  	_ =	shalt  }
0x47: {  	_ =	shalt  }
0x48: {  	_ =	shalt  }
0x49: {  	_ =	shalt  }
0x4a: {  	_ =	shalt  }
0x4b: {  	_ =	shalt  }
0x4c: {  	_ =	shalt  }
0x4d: {  	_ =	shalt  }
0x4e: {  	_ =	shalt  }
0x4f: {  	_ =	shalt  }
0x50: {  	_ =	shalt  }
0x51: {  	_ =	shalt  }
0x52: {  	_ =	shalt  }
0x53: {  	_ =	shalt  }
0x54: {  	_ =	shalt  }
0x55: {  	_ =	shalt  }
0x56: {  	_ =	shalt  }
0x57: {  	_ =	shalt  }
0x58: {  	_ =	shalt  }
0x59: {  	_ =	shalt  }
0x5a: {  	_ =	shalt  }
0x5b: {  	_ =	shalt  }
0x5c: {  	_ =	shalt  }
0x5d: {  	_ =	shalt  }
0x5e: {  	_ =	shalt  }
0x5f: {  	_ =	shalt  }
0x60: {  	_ =	shalt  }
0x61: {  	_ =	shalt  }
0x62: {  	_ =	shalt  }
0x63: {  	_ =	shalt  }
0x64: {  	_ =	shalt  }
0x65: {  	_ =	shalt  }
0x66: {  	_ =	shalt  }
0x67: {  	_ =	shalt  }
0x68: {  	_ =	shalt  }
0x69: {  	_ =	shalt  }
0x6a: {  	_ =	shalt  }
0x6b: {  	_ =	shalt  }
0x6c: {  	_ =	shalt  }
0x6d: {  	_ =	shalt  }
0x6e: {  	_ =	shalt  }
0x6f: {  	_ =	shalt  }
0x70: {  	_ =	shalt  }
0x71: {  	_ =	shalt  }
0x72: {  	_ =	shalt  }
0x73: {  	_ =	shalt  }
0x74: {  	_ =	shalt  }
0x75: {  	_ =	shalt  }
0x76: {  	_ =	shalt  }
0x77: {  	_ =	shalt  }
0x78: {  	_ =	shalt  }
0x79: {  	_ =	shalt  }
0x7a: {  	_ =	shalt  }
0x7b: {  	_ =	shalt  }
0x7c: {  	_ =	shalt  }
0x7d: {  	_ =	shalt  }
0x7e: {  	_ =	shalt  }
0x7f: {  	_ =	shalt  }
0x80: {  	_ =	shalt  }
0x81: {  	_ =	shalt  }
0x82: {  	_ =	shalt  }
0x83: {  	_ =	shalt  }
0x84: {  	_ =	shalt  }
0x85: {  	_ =	shalt  }
0x86: {  	_ =	shalt  }
0x87: {  	_ =	shalt  }
.Lfunc_end0:
.L_simem_size_0:
called_computation.3_lowered:
.L_overlay_start_0:
0x88: {  	s2 =	sld [smem:$0x3FD9]  }
0x89: {  	s3 =	sld [smem:$0x3FFE];
	_ =	sdelay $0x1  }
0x8a: {  	s1 =	srdreg.scid  }
0x8b: {  	s0 =	sand.u32 $0x1, s1  }
0x8c: {  	s17 =	sshll.u32 s0, $0xA;
	s2 =	sadd.s32 s3, s2  }
0x8d: {  	s2 =	sadd.s32 s2, s17  }
0x8e: {  	[smem:$0x3FB2] =	sst s2  }
0x8f: {  	_ = 	snop  }
0x90: {  	s2 =	sld [smem:$0x3FD0];
	(tm) =	ssettm $0x1  }
0x91: {  	s18 =	sld [smem:$0x3FFB];
	_ =	sdelay $0x3  }
0x92: {  	_ =	strace s18  }
0x93: {  	s3 =	sld [smem:$0x3FFC];
	_ =	sdelay $0x3  }
0x94: {  	_ =	strace s3  }
0x95: {  	s3 =	sld [smem:$0x3FFD];
	_ =	sdelay $0x3  }
0x96: {  	_ =	strace s3  }
0x97: {  	_ =	strace $0x8FFFFFFF  }
0x98: {  	s19 =	sld [smem:$0x3FDB];
	_ =	sdelay $0x1  }
0x99: {  	s4 =	simm.s32 $_scs_section_size  }
0x9a: {  	s5 =	simm.s32 $_size__tile_overlayer_lowered;
	s6 =	simm.s32 $_tile_overlayer_lowered  }
0x9b: {  	s22 =	simm.s32 $0x1BFF;
	s21 =	sshll.u32 s6, $0x1;
	s3 =	sadd.s32 s4, s19  }
0x9c: {  	s7 =	simm.s32 $0x0;
	s20 =	sshll.u32 s5, $0x1;
	s5 =	sadd.s32 s21, s3  }
0x9d: {  	[timem:s7], [sflag:s22] =	dma.local [hbm:s5], s20  }
0x9e: {  	_ =	swait.ge [sflag:s22], s20  }
0x9f: {  	s4 =	ssub.s32 $0x0, s20;
	[sflag:s22] =	ssyncset.done $0x0  }
0xa0: {  	[sflag:s22] =	ssyncadd.s32 s4;
	_ =	sdelay $0x1  }
0xa1: {  	s23 =	simm.s32 $0x1B8B  }
0xa2: {  	_ =	swait.ge [sflag:s23], $0x1  }
0xa3: {  	[sflag:s23] =	ssyncset.done $0x0  }
0xa4: {  	s25 =	simm.s32 $0x1B8E;
	s24 =	sld [smem:$0x3FFE];
	[sflag:s23] =	ssyncadd.s32 $0xFFFFFFFF  }
0xa5: {  	s26 =	simm.s32 $execute0_lowered;
	[smem:$0x3FD2] =	sst s25  }
0xa6: {  	s5 =	sshll.u32 s26, $0x1;
	_ =	strace $0x8000004F;
	[dreg:$0x1] =	wrdreg $0xFFFFFFFF  }
0xa7: {  	s28 =	simm.s32 $_size_execute0_lowered;
	s3 =	sadd.s32 s3, s5;
	[dreg:$0x0] =	wrdreg $0x0  }
0xa8: {  	s5 =	sshll.u32 s28, $0x1;
	[dreg:$0x2] =	wrdreg s3  }
0xa9: {  	[dreg:$0x3] =	wrdreg s5  }
0xaa: {  	[dreg:$0x4] =	wrdreg $0xC0  }
0xab: {  	_ =	task [dreg:s7], $0x5FFFF  }
0xac: {  	[dreg:$0x1] =	wrdreg $0xFFFFFFFF  }
0xad: {  	[dreg:$0x0] =	wrdreg $0x60  }
0xae: {  	[dreg:$0x2] =	wrdreg s24  }
0xaf: {  	[dreg:$0x3] =	wrdreg s2  }
0xb0: {  	[dreg:$0x4] =	wrdreg $0x44000  }
0xb1: {  	[dreg:$0x5] =	wrdreg $0x9  }
0xb2: {  	_ =	task.clear_ibuf [dreg:s7], $0x6FFFF;
	_ =	strace $0x9000004F  }
0xb3: {  	s29 =	simm.s32 $0x9;
	_ =	strace $0x80000051  }
0xb4: {  	_ =	swait.ge [sflag:s29], $0x1  }
0xb5: {  	[sflag:s29] =	ssyncadd.s32 $0xFFFFFFFF  }
0xb6: {  	_ =	strace $0x90000051  }
0xb7: {  	_ =	sfence  }
0xb8: {  	s30 =	sld [smem:$0x0];
	_ =	sdelay $0x2  }
0xb9: {  	s31 =	sshll.u32 s1, $0xD;
	s1 =	sshrl.u32 s1, $0x2  }
0xba: {  	s3 =	sand.u32 $0x4000, s31;
	s1 =	sadd.s32 s1, s30  }
0xbb: {  	s0 =	sor.u32 s3, s0;
	s1 =	sshll.u32 s1, $0x11  }
0xbc: {  	s0 =	sor.u32 s1, s0  }
0xbd: {  	s0 =	sadd.s32 $0x8F2B, s0  }
0xbe: {  	[sflag:s0] =	ssyncadd.remote.s32 $0x1  }
0xbf: {  	_ =	sfence.sel $0xFFFF  }
0xc0: {  	[dreg:$0x0] =	wrdreg $0xFFFFFFFF;
	(pc) =	sbr.abs _section_cstart, $3  }
0xc1: {  	[dreg:$0x1] =	wrdreg $0xFFFFFFFF  }
0xc2: {  	_ =	task.clear_ibuf [dreg:s7], $0x2FFFF;
	_ =	strace $0x9FFFFFFF  }
0xc3: {  	(tm) =	ssettm $0x7FFFFFFF  }
tec
execute0_lowered:
.L_overlay_start_1:
0x0: {  	(tag) =	ssettag $0x1  }
0x1: {  	s6 =	rddreg [dreg:$0x0]  }
0x2: {  	s1 =	rddreg [dreg:$0x1]  }
0x3: {  	s2 =	rddreg [dreg:$0x2];
	s4 =	simm.s32 $0x0  }
0x4: {  	s0 =	stileid.u32;
	s8 =	srdreg.scid;
	s17 =	simm.s32 $0x400  }
0x5: {  	s18 =	simm.s32 $0x1400;
	s19 =	simm.s32 $0x100;
	s20 =	simm.s32 $0x2400  }
0x6: {  	s21 =	simm.s32 $0x180;
	s28 =	simm.s32 $0x0;
	s7 =	smul.u32 $0x1900, s0  }
0x7: {  	[smem:$0x7FF] =	sst s4;
	s5 =	sadd.s32 $0x5400, s6;
	s9 =	smul.u32 $0x18800, s0  }
0x8: {  	s12 =	sadd.s32 $0x40EA00, s6;
	s8 =	sand.u32 $0x1, s8;
	s11 =	smul.u32 $0xC800, s0  }
0x9: {  	s16 =	sadd.s32 $0x199800, s6;
	s25 =	sshll.u32 s0, $0x6;
	_ =	strace $0x80000050  }
0xa: {  	s22 =	ssub.s32 $0x2, s8;
	s14 =	smul.u32 $0x310000, s8;
	s15 =	sshllo.u32 s8, $0x1  }
0xb: {  	s8 =	smul.u32 $0x190000, s8;
	s10 =	sadd.s32 s7, s6;
	s13 =	sshrl.u32 s22, $0x1  }
0xc: {  	s23 =	smul.u32 $0x188000, s15;
	s24 =	sadd.s32 s9, s2;
	s6 =	sor.u32 $0x1C02, s25  }
0xd: {  	s15 =	simm.s32 $0x200;
	s25 =	simm.s32 $0x300;
	s13 =	ssub.s32 s22, s13  }
0xe: {  	s14 =	sadd.s32 s9, s14;
	s11 =	sadd.s32 s11, s8;
	s10 =	sadd.s32 $0x385600, s10  }
0xf: {  	s22 =	simm.s32 $0x3400;
	s7 =	sadd.s32 s9, s23;
	s26 =	sshrl.u32 s14, $0x3  }
0x10: {  	s30 =	sadd.s32 $0xC8000, s11;
	s9 =	smax.u32 s13, $0x1;
	s11 =	sshrl.u32 s11, $0x3  }
0x11: {  	s13 =	sshrl.u32 s24, $0x3;
	s14 =	simm.s32 $0x2;
	s23 =	simm.s32 $0x1  }
0x12: {  	s24 =	simm.s32 $0x280;
	s29 =	sshrl.u32 s7, $0x3;
	s7 =	sadd.s32 s16, s26  }
0x13: {  	s31 =	sshrl.u32 s30, $0x3;
	s11 =	sadd.s32 s11, s12;
	s26 =	simm.s32 $0x380  }
0x14: {  	s8 =	sadd.s32 s16, s29;
	s12 =	sadd.s32 s31, s12;
	s16 =	simm.s32 $0x80  }
.LBB2_1:
0x15: {  	[spmem:s13], [sflag:s6] =	dma.local [hbm:s1], $0x3100  }
0x16: {  	_ =	swait.ge [sflag:s14], $0x3100  }
0x17: {  	[sflag:s14] =	ssyncset.done $0x0  }
0x18: {  	[sflag:s14] =	ssyncadd.s32 $0xFFFFCF00  }
0x19: {  	s29 =	sadd.s32 $0x0, s11;
	[bflag:$0x0] =	sbarrier.arrive $0xFFFF  }
0x1a: {  	[tilespmem:s4], [sflag:$0x2] =	stream.linear.gather [hbm4b:s29+s4], $0x200, $0x38;
	[tilespmem:$0x1CC00] =	vst v63  }
0x1b: {  	_ =	swait.ge [sflag:s14], $0x200  }
0x1c: {  	[sflag:s14] =	ssyncset.done $0x0  }
0x1d: {  	s29 =	sadd.s32 $0x0, s10;
	[sflag:s14] =	ssyncadd.s32 $0xFFFFFE00  }
0x1e: {  	[tilespmem:s15], [sflag:$0x2] =	stream.linear.gather [hbm4b:s29+s4], $0x200, $0x38;
	[tilespmem:$0x1CC00] =	vst v63  }
0x1f: {  	_ =	swait.ge [sflag:s14], $0x200  }
0x20: {  	[sflag:s14] =	ssyncset.done $0x0  }
0x21: {  	[sflag:s14] =	ssyncadd.s32 $0xFFFFFE00  }
0x22: {  	[tilespmem:s17], [sflag:$0x1] =	stream.indirect.gather [hbm4b:s5+s16], $0x20, s4, s16, $0xb8;
	[tilespmem:$0x1CC00] =	vst v63  }
0x23: {  	_ = 	snop  }
0x24: {  	[tilespmem:s18], [sflag:$0x1] =	stream.indirect.gather [hbm4b:s5+s16], $0x20, s16, s16, $0xb8;
	[tilespmem:$0x1CC00] =	vst v63  }
0x25: {  	_ = 	snop  }
0x26: {  	[tilespmem:s20], [sflag:$0x1] =	stream.indirect.gather [hbm4b:s5+s16], $0x20, s19, s16, $0xb8;
	[tilespmem:$0x1CC00] =	vst v63  }
0x27: {  	_ = 	snop  }
0x28: {  	[tilespmem:s22], [sflag:$0x1] =	stream.indirect.gather [hbm4b:s5+s16], $0x20, s21, s16, $0xb8;
	[tilespmem:$0x1CC00] =	vst v63  }
0x29: {  	_ =	swait.ge [sflag:s23], $0x1000  }
0x2a: {  	[sflag:s23] =	ssyncset.done $0x0  }
0x2b: {  	[sflag:s23] =	ssyncadd.s32 $0xFFFFF000  }
0x2c: {  	_ =	swait.ge [sflag:s23], $0x1000  }
0x2d: {  	[sflag:s23] =	ssyncset.done $0x0  }
0x2e: {  	[sflag:s23] =	ssyncadd.s32 $0xFFFFF000  }
0x2f: {  	_ =	swait.ge [sflag:s23], $0x1000  }
0x30: {  	[sflag:s23] =	ssyncset.done $0x0  }
0x31: {  	[sflag:s23] =	ssyncadd.s32 $0xFFFFF000  }
0x32: {  	_ =	swait.ge [sflag:s23], $0x1000  }
0x33: {  	[sflag:s23] =	ssyncset.done $0x0  }
0x34: {  	[sflag:s23] =	ssyncadd.s32 $0xFFFFF000  }
0x35: {  	[spmem:s2] =	stream.indirect.scatter.add.f32 [tilespmem:s17], [sflag:$0x1], $0x20, s15, s16, $0xb8;
	[tilespmem:$0x1CC00] =	vst v63  }
0x36: {  	_ = 	snop  }
0x37: {  	[spmem:s2] =	stream.indirect.scatter.add.f32 [tilespmem:s18], [sflag:$0x1], $0x20, s24, s16, $0xb8;
	[tilespmem:$0x1CC00] =	vst v63  }
0x38: {  	_ = 	snop  }
0x39: {  	[spmem:s2] =	stream.indirect.scatter.add.f32 [tilespmem:s20], [sflag:$0x1], $0x20, s25, s16, $0xb8;
	[tilespmem:$0x1CC00] =	vst v63  }
0x3a: {  	_ = 	snop  }
0x3b: {  	[spmem:s2] =	stream.indirect.scatter.add.f32 [tilespmem:s22], [sflag:$0x1], $0x20, s26, s16, $0xb8;
	[tilespmem:$0x1CC00] =	vst v63  }
0x3c: {  	_ =	swait.ge [sflag:s23], $0x1000  }
0x3d: {  	[sflag:s23] =	ssyncset.done $0x0  }
0x3e: {  	[sflag:s23] =	ssyncadd.s32 $0xFFFFF000  }
0x3f: {  	_ =	swait.ge [sflag:s23], $0x1000  }
0x40: {  	[sflag:s23] =	ssyncset.done $0x0  }
0x41: {  	[sflag:s23] =	ssyncadd.s32 $0xFFFFF000  }
0x42: {  	_ =	swait.ge [sflag:s23], $0x1000  }
0x43: {  	[sflag:s23] =	ssyncset.done $0x0  }
0x44: {  	[sflag:s23] =	ssyncadd.s32 $0xFFFFF000  }
0x45: {  	_ =	swait.ge [sflag:s23], $0x1000  }
0x46: {  	s31 =	simm.s32 $0x80;
	s29 =	simm.s32 $0x40;
	[sflag:s23] =	ssyncset.done $0x0  }
.LBB2_2:
0x47: {  	s0 =	sadd.s32 s29, s11  }
0x48: {  	[sflag:s23] =	ssyncadd.s32 $0xFFFFF000;
	s3 =	smov.u32 s31;
	s30 =	sadd.s32 $0x40, s31  }
0x49: {  	[tilespmem:s4], [sflag:$0x2] =	stream.linear.gather [hbm4b:s0+s4], $0x200, $0x38;
	[tilespmem:$0x1CC00] =	vst v63  }
0x4a: {  	p0 =	sne.s32 s31, $0x18C0;
	_ =	swait.ge [sflag:s14], $0x200  }
0x4b: {  	[sflag:s14] =	ssyncset.done $0x0  }
0x4c: {  	s0 =	sadd.s32 s29, s10;
	s29 =	smov.u32 s3;
	[sflag:s14] =	ssyncadd.s32 $0xFFFFFE00  }
0x4d: {  	[tilespmem:s15], [sflag:$0x2] =	stream.linear.gather [hbm4b:s0+s4], $0x200, $0x38;
	[tilespmem:$0x1CC00] =	vst v63  }
0x4e: {  	_ =	swait.ge [sflag:s14], $0x200  }
0x4f: {  	[sflag:s14] =	ssyncset.done $0x0  }
0x50: {  	[sflag:s14] =	ssyncadd.s32 $0xFFFFFE00  }
0x51: {  	[tilespmem:s17], [sflag:$0x1] =	stream.indirect.gather [hbm4b:s5+s16], $0x20, s4, s16, $0xb8;
	[tilespmem:$0x1CC00] =	vst v63  }
0x52: {  	_ = 	snop  }
0x53: {  	[tilespmem:s18], [sflag:$0x1] =	stream.indirect.gather [hbm4b:s5+s16], $0x20, s16, s16, $0xb8;
	[tilespmem:$0x1CC00] =	vst v63  }
0x54: {  	_ = 	snop  }
0x55: {  	[tilespmem:s20], [sflag:$0x1] =	stream.indirect.gather [hbm4b:s5+s16], $0x20, s19, s16, $0xb8;
	[tilespmem:$0x1CC00] =	vst v63  }
0x56: {  	_ = 	snop  }
0x57: {  	[tilespmem:s22], [sflag:$0x1] =	stream.indirect.gather [hbm4b:s5+s16], $0x20, s21, s16, $0xb8;
	[tilespmem:$0x1CC00] =	vst v63  }
0x58: {  	_ =	swait.ge [sflag:s23], $0x1000  }
0x59: {  	[sflag:s23] =	ssyncset.done $0x0  }
0x5a: {  	[sflag:s23] =	ssyncadd.s32 $0xFFFFF000  }
0x5b: {  	_ =	swait.ge [sflag:s23], $0x1000  }
0x5c: {  	[sflag:s23] =	ssyncset.done $0x0  }
0x5d: {  	[sflag:s23] =	ssyncadd.s32 $0xFFFFF000  }
0x5e: {  	_ =	swait.ge [sflag:s23], $0x1000  }
0x5f: {  	[sflag:s23] =	ssyncset.done $0x0  }
0x60: {  	[sflag:s23] =	ssyncadd.s32 $0xFFFFF000  }
0x61: {  	_ =	swait.ge [sflag:s23], $0x1000  }
0x62: {  	[sflag:s23] =	ssyncset.done $0x0  }
0x63: {  	[sflag:s23] =	ssyncadd.s32 $0xFFFFF000  }
0x64: {  	[spmem:s2] =	stream.indirect.scatter.add.f32 [tilespmem:s17], [sflag:$0x1], $0x20, s15, s16, $0xb8;
	[tilespmem:$0x1CC00] =	vst v63  }
0x65: {  	_ = 	snop  }
0x66: {  	[spmem:s2] =	stream.indirect.scatter.add.f32 [tilespmem:s18], [sflag:$0x1], $0x20, s24, s16, $0xb8;
	[tilespmem:$0x1CC00] =	vst v63  }
0x67: {  	_ = 	snop  }
0x68: {  	[spmem:s2] =	stream.indirect.scatter.add.f32 [tilespmem:s20], [sflag:$0x1], $0x20, s25, s16, $0xb8;
	[tilespmem:$0x1CC00] =	vst v63  }
0x69: {  	_ = 	snop  }
0x6a: {  	[spmem:s2] =	stream.indirect.scatter.add.f32 [tilespmem:s22], [sflag:$0x1], $0x20, s26, s16, $0xb8;
	[tilespmem:$0x1CC00] =	vst v63  }
0x6b: {  	_ =	swait.ge [sflag:s23], $0x1000  }
0x6c: {  	[sflag:s23] =	ssyncset.done $0x0  }
0x6d: {  	[sflag:s23] =	ssyncadd.s32 $0xFFFFF000  }
0x6e: {  	_ =	swait.ge [sflag:s23], $0x1000  }
0x6f: {  	[sflag:s23] =	ssyncset.done $0x0  }
0x70: {  	[sflag:s23] =	ssyncadd.s32 $0xFFFFF000  }
.Ltmp0:
0x71: {  	_ =	swait.ge [sflag:s23], $0x1000;
	(pc) =	sbr.rel @p0 .LBB2_2-.Ltmp0, $4  }
0x72: {  	[sflag:s23] =	ssyncset.done $0x0  }
0x73: {  	[sflag:s23] =	ssyncadd.s32 $0xFFFFF000  }
0x74: {  	_ =	swait.ge [sflag:s23], $0x1000  }
0x75: {  	s31 =	smov.u32 s30;
	[sflag:s23] =	ssyncset.done $0x0  }
0x76: {  	s0 =	sadd.s32 s29, s11;
	[sflag:s23] =	ssyncadd.s32 $0xFFFFF000  }
0x77: {  	[tilespmem:s4], [sflag:$0x2] =	stream.linear.gather [hbm4b:s0+s4], $0x200, $0x38;
	[tilespmem:$0x1CC00] =	vst v63  }
0x78: {  	_ =	swait.ge [sflag:s14], $0x200  }
0x79: {  	[sflag:s14] =	ssyncset.done $0x0  }
0x7a: {  	s30 =	sadd.s32 s29, s10;
	[sflag:s14] =	ssyncadd.s32 $0xFFFFFE00  }
0x7b: {  	[tilespmem:s15], [sflag:$0x2] =	stream.linear.gather [hbm4b:s30+s4], $0x200, $0x38;
	[tilespmem:$0x1CC00] =	vst v63  }
0x7c: {  	_ =	swait.ge [sflag:s14], $0x200  }
0x7d: {  	[sflag:s14] =	ssyncset.done $0x0  }
0x7e: {  	[sflag:s14] =	ssyncadd.s32 $0xFFFFFE00  }
0x7f: {  	[tilespmem:s17], [sflag:$0x1] =	stream.indirect.gather [hbm4b:s5+s16], $0x20, s4, s16, $0xb8;
	[tilespmem:$0x1CC00] =	vst v63  }
0x80: {  	_ = 	snop  }
0x81: {  	[tilespmem:s18], [sflag:$0x1] =	stream.indirect.gather [hbm4b:s5+s16], $0x20, s16, s16, $0xb8;
	[tilespmem:$0x1CC00] =	vst v63  }
0x82: {  	_ = 	snop  }
0x83: {  	[tilespmem:s20], [sflag:$0x1] =	stream.indirect.gather [hbm4b:s5+s16], $0x20, s19, s16, $0xb8;
	[tilespmem:$0x1CC00] =	vst v63  }
0x84: {  	_ = 	snop  }
0x85: {  	[tilespmem:s22], [sflag:$0x1] =	stream.indirect.gather [hbm4b:s5+s16], $0x20, s21, s16, $0xb8;
	[tilespmem:$0x1CC00] =	vst v63  }
0x86: {  	_ =	swait.ge [sflag:s23], $0x1000  }
0x87: {  	[sflag:s23] =	ssyncset.done $0x0  }
0x88: {  	[sflag:s23] =	ssyncadd.s32 $0xFFFFF000  }
0x89: {  	_ =	swait.ge [sflag:s23], $0x1000  }
0x8a: {  	[sflag:s23] =	ssyncset.done $0x0  }
0x8b: {  	[sflag:s23] =	ssyncadd.s32 $0xFFFFF000  }
0x8c: {  	_ =	swait.ge [sflag:s23], $0x1000  }
0x8d: {  	[sflag:s23] =	ssyncset.done $0x0  }
0x8e: {  	[sflag:s23] =	ssyncadd.s32 $0xFFFFF000  }
0x8f: {  	_ =	swait.ge [sflag:s23], $0x1000  }
0x90: {  	[sflag:s23] =	ssyncset.done $0x0  }
0x91: {  	[sflag:s23] =	ssyncadd.s32 $0xFFFFF000  }
0x92: {  	[spmem:s2] =	stream.indirect.scatter.add.f32 [tilespmem:s17], [sflag:$0x1], $0x20, s15, s16, $0xb8;
	[tilespmem:$0x1CC00] =	vst v63  }
0x93: {  	_ = 	snop  }
0x94: {  	[spmem:s2] =	stream.indirect.scatter.add.f32 [tilespmem:s18], [sflag:$0x1], $0x20, s24, s16, $0xb8;
	[tilespmem:$0x1CC00] =	vst v63  }
0x95: {  	_ = 	snop  }
0x96: {  	[spmem:s2] =	stream.indirect.scatter.add.f32 [tilespmem:s20], [sflag:$0x1], $0x20, s25, s16, $0xb8;
	[tilespmem:$0x1CC00] =	vst v63  }
0x97: {  	_ = 	snop  }
0x98: {  	[spmem:s2] =	stream.indirect.scatter.add.f32 [tilespmem:s22], [sflag:$0x1], $0x20, s26, s16, $0xb8;
	[tilespmem:$0x1CC00] =	vst v63  }
0x99: {  	_ =	swait.ge [sflag:s23], $0x1000  }
0x9a: {  	[sflag:s23] =	ssyncset.done $0x0  }
0x9b: {  	[sflag:s23] =	ssyncadd.s32 $0xFFFFF000  }
0x9c: {  	_ =	swait.ge [sflag:s23], $0x1000  }
0x9d: {  	[sflag:s23] =	ssyncset.done $0x0  }
0x9e: {  	[sflag:s23] =	ssyncadd.s32 $0xFFFFF000  }
0x9f: {  	_ =	swait.ge [sflag:s23], $0x1000  }
0xa0: {  	[sflag:s23] =	ssyncset.done $0x0  }
0xa1: {  	[sflag:s23] =	ssyncadd.s32 $0xFFFFF000  }
0xa2: {  	_ =	swait.ge [sflag:s23], $0x1000  }
0xa3: {  	[sflag:s23] =	ssyncset.done $0x0  }
0xa4: {  	[sflag:s23] =	ssyncadd.s32 $0xFFFFF000  }
0xa5: {  	[bflag:$0x0] =	sbarrier.arrive $0xFFFF  }
0xa6: {  	[hbm:s7], [sflag:s6] =	dma.local [spmem:s13], $0x3100  }
0xa7: {  	_ =	swait.ge [sflag:s14], $0x3100  }
0xa8: {  	[sflag:s14] =	ssyncset.done $0x0  }
0xa9: {  	[sflag:s14] =	ssyncadd.s32 $0xFFFFCF00  }
0xaa: {  	[bflag:$0x0] =	sbarrier.arrive $0xFFFF  }
0xab: {  	[spmem:s13], [sflag:s6] =	dma.local [hbm:s1], $0x3100  }
0xac: {  	_ =	swait.ge [sflag:s14], $0x3100  }
0xad: {  	[sflag:s14] =	ssyncset.done $0x0  }
0xae: {  	[sflag:s14] =	ssyncadd.s32 $0xFFFFCF00  }
0xaf: {  	s3 =	sadd.s32 $0x0, s12;
	[bflag:$0x0] =	sbarrier.arrive $0xFFFF  }
0xb0: {  	[tilespmem:s4], [sflag:$0x2] =	stream.linear.gather [hbm4b:s3+s4], $0x200, $0x38;
	[tilespmem:$0x1CC00] =	vst v63  }
0xb1: {  	_ =	swait.ge [sflag:s14], $0x200  }
0xb2: {  	[sflag:s14] =	ssyncset.done $0x0  }
0xb3: {  	s30 =	sadd.s32 $0x0, s10;
	[sflag:s14] =	ssyncadd.s32 $0xFFFFFE00  }
0xb4: {  	[tilespmem:s15], [sflag:$0x2] =	stream.linear.gather [hbm4b:s30+s4], $0x200, $0x38;
	[tilespmem:$0x1CC00] =	vst v63  }
0xb5: {  	_ =	swait.ge [sflag:s14], $0x200  }
0xb6: {  	[sflag:s14] =	ssyncset.done $0x0  }
0xb7: {  	[sflag:s14] =	ssyncadd.s32 $0xFFFFFE00  }
0xb8: {  	[tilespmem:s17], [sflag:$0x1] =	stream.indirect.gather [hbm4b:s5+s16], $0x20, s4, s16, $0xb8;
	[tilespmem:$0x1CC00] =	vst v63  }
0xb9: {  	_ = 	snop  }
0xba: {  	[tilespmem:s18], [sflag:$0x1] =	stream.indirect.gather [hbm4b:s5+s16], $0x20, s16, s16, $0xb8;
	[tilespmem:$0x1CC00] =	vst v63  }
0xbb: {  	_ = 	snop  }
0xbc: {  	[tilespmem:s20], [sflag:$0x1] =	stream.indirect.gather [hbm4b:s5+s16], $0x20, s19, s16, $0xb8;
	[tilespmem:$0x1CC00] =	vst v63  }
0xbd: {  	_ = 	snop  }
0xbe: {  	[tilespmem:s22], [sflag:$0x1] =	stream.indirect.gather [hbm4b:s5+s16], $0x20, s21, s16, $0xb8;
	[tilespmem:$0x1CC00] =	vst v63  }
0xbf: {  	_ =	swait.ge [sflag:s23], $0x1000  }
0xc0: {  	[sflag:s23] =	ssyncset.done $0x0  }
0xc1: {  	[sflag:s23] =	ssyncadd.s32 $0xFFFFF000  }
0xc2: {  	_ =	swait.ge [sflag:s23], $0x1000  }
0xc3: {  	[sflag:s23] =	ssyncset.done $0x0  }
0xc4: {  	[sflag:s23] =	ssyncadd.s32 $0xFFFFF000  }
0xc5: {  	_ =	swait.ge [sflag:s23], $0x1000  }
0xc6: {  	[sflag:s23] =	ssyncset.done $0x0  }
0xc7: {  	[sflag:s23] =	ssyncadd.s32 $0xFFFFF000  }
0xc8: {  	_ =	swait.ge [sflag:s23], $0x1000  }
0xc9: {  	[sflag:s23] =	ssyncset.done $0x0  }
0xca: {  	[sflag:s23] =	ssyncadd.s32 $0xFFFFF000  }
0xcb: {  	[spmem:s2] =	stream.indirect.scatter.add.f32 [tilespmem:s17], [sflag:$0x1], $0x20, s15, s16, $0xb8;
	[tilespmem:$0x1CC00] =	vst v63  }
0xcc: {  	_ = 	snop  }
0xcd: {  	[spmem:s2] =	stream.indirect.scatter.add.f32 [tilespmem:s18], [sflag:$0x1], $0x20, s24, s16, $0xb8;
	[tilespmem:$0x1CC00] =	vst v63  }
0xce: {  	_ = 	snop  }
0xcf: {  	[spmem:s2] =	stream.indirect.scatter.add.f32 [tilespmem:s20], [sflag:$0x1], $0x20, s25, s16, $0xb8;
	[tilespmem:$0x1CC00] =	vst v63  }
0xd0: {  	_ = 	snop  }
0xd1: {  	[spmem:s2] =	stream.indirect.scatter.add.f32 [tilespmem:s22], [sflag:$0x1], $0x20, s26, s16, $0xb8;
	[tilespmem:$0x1CC00] =	vst v63  }
0xd2: {  	_ =	swait.ge [sflag:s23], $0x1000  }
0xd3: {  	[sflag:s23] =	ssyncset.done $0x0  }
0xd4: {  	[sflag:s23] =	ssyncadd.s32 $0xFFFFF000  }
0xd5: {  	_ =	swait.ge [sflag:s23], $0x1000  }
0xd6: {  	[sflag:s23] =	ssyncset.done $0x0  }
0xd7: {  	[sflag:s23] =	ssyncadd.s32 $0xFFFFF000  }
0xd8: {  	_ =	swait.ge [sflag:s23], $0x1000  }
0xd9: {  	[sflag:s23] =	ssyncset.done $0x0  }
0xda: {  	[sflag:s23] =	ssyncadd.s32 $0xFFFFF000  }
0xdb: {  	_ =	swait.ge [sflag:s23], $0x1000  }
0xdc: {  	s29 =	simm.s32 $0x40;
	s31 =	simm.s32 $0x80;
	[sflag:s23] =	ssyncset.done $0x0  }
.LBB2_4:
0xdd: {  	s0 =	sadd.s32 s29, s12  }
0xde: {  	[sflag:s23] =	ssyncadd.s32 $0xFFFFF000;
	s3 =	smov.u32 s31;
	s30 =	sadd.s32 $0x40, s31  }
0xdf: {  	[tilespmem:s4], [sflag:$0x2] =	stream.linear.gather [hbm4b:s0+s4], $0x200, $0x38;
	[tilespmem:$0x1CC00] =	vst v63  }
0xe0: {  	p0 =	sne.s32 s31, $0x18C0;
	_ =	swait.ge [sflag:s14], $0x200  }
0xe1: {  	[sflag:s14] =	ssyncset.done $0x0  }
0xe2: {  	s0 =	sadd.s32 s29, s10;
	s29 =	smov.u32 s3;
	[sflag:s14] =	ssyncadd.s32 $0xFFFFFE00  }
0xe3: {  	[tilespmem:s15], [sflag:$0x2] =	stream.linear.gather [hbm4b:s0+s4], $0x200, $0x38;
	[tilespmem:$0x1CC00] =	vst v63  }
0xe4: {  	_ =	swait.ge [sflag:s14], $0x200  }
0xe5: {  	[sflag:s14] =	ssyncset.done $0x0  }
0xe6: {  	[sflag:s14] =	ssyncadd.s32 $0xFFFFFE00  }
0xe7: {  	[tilespmem:s17], [sflag:$0x1] =	stream.indirect.gather [hbm4b:s5+s16], $0x20, s4, s16, $0xb8;
	[tilespmem:$0x1CC00] =	vst v63  }
0xe8: {  	_ = 	snop  }
0xe9: {  	[tilespmem:s18], [sflag:$0x1] =	stream.indirect.gather [hbm4b:s5+s16], $0x20, s16, s16, $0xb8;
	[tilespmem:$0x1CC00] =	vst v63  }
0xea: {  	_ = 	snop  }
0xeb: {  	[tilespmem:s20], [sflag:$0x1] =	stream.indirect.gather [hbm4b:s5+s16], $0x20, s19, s16, $0xb8;
	[tilespmem:$0x1CC00] =	vst v63  }
0xec: {  	_ = 	snop  }
0xed: {  	[tilespmem:s22], [sflag:$0x1] =	stream.indirect.gather [hbm4b:s5+s16], $0x20, s21, s16, $0xb8;
	[tilespmem:$0x1CC00] =	vst v63  }
0xee: {  	_ =	swait.ge [sflag:s23], $0x1000  }
0xef: {  	[sflag:s23] =	ssyncset.done $0x0  }
0xf0: {  	[sflag:s23] =	ssyncadd.s32 $0xFFFFF000  }
0xf1: {  	_ =	swait.ge [sflag:s23], $0x1000  }
0xf2: {  	[sflag:s23] =	ssyncset.done $0x0  }
0xf3: {  	[sflag:s23] =	ssyncadd.s32 $0xFFFFF000  }
0xf4: {  	_ =	swait.ge [sflag:s23], $0x1000  }
0xf5: {  	[sflag:s23] =	ssyncset.done $0x0  }
0xf6: {  	[sflag:s23] =	ssyncadd.s32 $0xFFFFF000  }
0xf7: {  	_ =	swait.ge [sflag:s23], $0x1000  }
0xf8: {  	[sflag:s23] =	ssyncset.done $0x0  }
0xf9: {  	[sflag:s23] =	ssyncadd.s32 $0xFFFFF000  }
0xfa: {  	[spmem:s2] =	stream.indirect.scatter.add.f32 [tilespmem:s17], [sflag:$0x1], $0x20, s15, s16, $0xb8;
	[tilespmem:$0x1CC00] =	vst v63  }
0xfb: {  	_ = 	snop  }
0xfc: {  	[spmem:s2] =	stream.indirect.scatter.add.f32 [tilespmem:s18], [sflag:$0x1], $0x20, s24, s16, $0xb8;
	[tilespmem:$0x1CC00] =	vst v63  }
0xfd: {  	_ = 	snop  }
0xfe: {  	[spmem:s2] =	stream.indirect.scatter.add.f32 [tilespmem:s20], [sflag:$0x1], $0x20, s25, s16, $0xb8;
	[tilespmem:$0x1CC00] =	vst v63  }
0xff: {  	_ = 	snop  }
0x100: {  	[spmem:s2] =	stream.indirect.scatter.add.f32 [tilespmem:s22], [sflag:$0x1], $0x20, s26, s16, $0xb8;
	[tilespmem:$0x1CC00] =	vst v63  }
0x101: {  	_ =	swait.ge [sflag:s23], $0x1000  }
0x102: {  	[sflag:s23] =	ssyncset.done $0x0  }
0x103: {  	[sflag:s23] =	ssyncadd.s32 $0xFFFFF000  }
0x104: {  	_ =	swait.ge [sflag:s23], $0x1000  }
0x105: {  	[sflag:s23] =	ssyncset.done $0x0  }
0x106: {  	[sflag:s23] =	ssyncadd.s32 $0xFFFFF000  }
.Ltmp1:
0x107: {  	_ =	swait.ge [sflag:s23], $0x1000;
	(pc) =	sbr.rel @p0 .LBB2_4-.Ltmp1, $4  }
0x108: {  	[sflag:s23] =	ssyncset.done $0x0  }
0x109: {  	[sflag:s23] =	ssyncadd.s32 $0xFFFFF000  }
0x10a: {  	_ =	swait.ge [sflag:s23], $0x1000  }
0x10b: {  	s31 =	smov.u32 s30;
	[sflag:s23] =	ssyncset.done $0x0  }
0x10c: {  	s0 =	sadd.s32 s29, s12;
	[sflag:s23] =	ssyncadd.s32 $0xFFFFF000  }
0x10d: {  	[tilespmem:s4], [sflag:$0x2] =	stream.linear.gather [hbm4b:s0+s4], $0x200, $0x38;
	[tilespmem:$0x1CC00] =	vst v63  }
0x10e: {  	_ =	swait.ge [sflag:s14], $0x200  }
0x10f: {  	[sflag:s14] =	ssyncset.done $0x0  }
0x110: {  	s31 =	sadd.s32 s29, s10;
	[sflag:s14] =	ssyncadd.s32 $0xFFFFFE00  }
0x111: {  	[tilespmem:s15], [sflag:$0x2] =	stream.linear.gather [hbm4b:s31+s4], $0x200, $0x38;
	[tilespmem:$0x1CC00] =	vst v63  }
0x112: {  	_ =	swait.ge [sflag:s14], $0x200  }
0x113: {  	[sflag:s14] =	ssyncset.done $0x0  }
0x114: {  	[sflag:s14] =	ssyncadd.s32 $0xFFFFFE00  }
0x115: {  	[tilespmem:s17], [sflag:$0x1] =	stream.indirect.gather [hbm4b:s5+s16], $0x20, s4, s16, $0xb8;
	[tilespmem:$0x1CC00] =	vst v63  }
0x116: {  	_ = 	snop  }
0x117: {  	[tilespmem:s18], [sflag:$0x1] =	stream.indirect.gather [hbm4b:s5+s16], $0x20, s16, s16, $0xb8;
	[tilespmem:$0x1CC00] =	vst v63  }
0x118: {  	_ = 	snop  }
0x119: {  	[tilespmem:s20], [sflag:$0x1] =	stream.indirect.gather [hbm4b:s5+s16], $0x20, s19, s16, $0xb8;
	[tilespmem:$0x1CC00] =	vst v63  }
0x11a: {  	_ = 	snop  }
0x11b: {  	[tilespmem:s22], [sflag:$0x1] =	stream.indirect.gather [hbm4b:s5+s16], $0x20, s21, s16, $0xb8;
	[tilespmem:$0x1CC00] =	vst v63  }
0x11c: {  	_ =	swait.ge [sflag:s23], $0x1000  }
0x11d: {  	[sflag:s23] =	ssyncset.done $0x0  }
0x11e: {  	[sflag:s23] =	ssyncadd.s32 $0xFFFFF000  }
0x11f: {  	_ =	swait.ge [sflag:s23], $0x1000  }
0x120: {  	[sflag:s23] =	ssyncset.done $0x0  }
0x121: {  	[sflag:s23] =	ssyncadd.s32 $0xFFFFF000  }
0x122: {  	_ =	swait.ge [sflag:s23], $0x1000  }
0x123: {  	[sflag:s23] =	ssyncset.done $0x0  }
0x124: {  	[sflag:s23] =	ssyncadd.s32 $0xFFFFF000  }
0x125: {  	_ =	swait.ge [sflag:s23], $0x1000  }
0x126: {  	[sflag:s23] =	ssyncset.done $0x0  }
0x127: {  	[sflag:s23] =	ssyncadd.s32 $0xFFFFF000  }
0x128: {  	[spmem:s2] =	stream.indirect.scatter.add.f32 [tilespmem:s17], [sflag:$0x1], $0x20, s15, s16, $0xb8;
	[tilespmem:$0x1CC00] =	vst v63  }
0x129: {  	_ = 	snop  }
0x12a: {  	[spmem:s2] =	stream.indirect.scatter.add.f32 [tilespmem:s18], [sflag:$0x1], $0x20, s24, s16, $0xb8;
	[tilespmem:$0x1CC00] =	vst v63  }
0x12b: {  	_ = 	snop  }
0x12c: {  	[spmem:s2] =	stream.indirect.scatter.add.f32 [tilespmem:s20], [sflag:$0x1], $0x20, s25, s16, $0xb8;
	[tilespmem:$0x1CC00] =	vst v63  }
0x12d: {  	_ = 	snop  }
0x12e: {  	[spmem:s2] =	stream.indirect.scatter.add.f32 [tilespmem:s22], [sflag:$0x1], $0x20, s26, s16, $0xb8;
	[tilespmem:$0x1CC00] =	vst v63  }
0x12f: {  	_ =	swait.ge [sflag:s23], $0x1000  }
0x130: {  	[sflag:s23] =	ssyncset.done $0x0  }
0x131: {  	[sflag:s23] =	ssyncadd.s32 $0xFFFFF000  }
0x132: {  	_ =	swait.ge [sflag:s23], $0x1000  }
0x133: {  	[sflag:s23] =	ssyncset.done $0x0  }
0x134: {  	[sflag:s23] =	ssyncadd.s32 $0xFFFFF000  }
0x135: {  	_ =	swait.ge [sflag:s23], $0x1000  }
0x136: {  	[sflag:s23] =	ssyncset.done $0x0  }
0x137: {  	[sflag:s23] =	ssyncadd.s32 $0xFFFFF000  }
0x138: {  	_ =	swait.ge [sflag:s23], $0x1000  }
0x139: {  	[sflag:s23] =	ssyncset.done $0x0  }
0x13a: {  	s28 =	sadd.s32 $0x1, s28;
	[sflag:s23] =	ssyncadd.s32 $0xFFFFF000  }
0x13b: {  	p0 =	sne.s32 s28, s9;
	[bflag:$0x0] =	sbarrier.arrive $0xFFFF  }
0x13c: {  	[hbm:s8], [sflag:s6] =	dma.local [spmem:s13], $0x3100  }
.Ltmp2:
0x13d: {  	_ =	swait.ge [sflag:s14], $0x3100;
	(pc) =	sbr.rel @p0 .LBB2_1-.Ltmp2, $3  }
0x13e: {  	[sflag:s14] =	ssyncset.done $0x0  }
0x13f: {  	[sflag:s14] =	ssyncadd.s32 $0xFFFFCF00  }
0x140: {  	[bflag:$0x0] =	sbarrier.arrive $0xFFFF;
	_ =	sdelay $0x1  }
0x141: {  	_ =	sfence.sel $0x180000  }
0x142: {  	[bflag:$0x0] =	sbarrier.arrive $0xFFFF  }
0x143: {  	_ =	strace $0x90000050  }
0x144: {  	s0 =	stileid.u32;
	[bflag:$0x2] =	sbarrier.arrive $0xFFFF  }
0x145: {  	p0 =	sne.s32 s0, $0x0;
	s0 =	rddreg [dreg:$0x3]  }
0x146: {  	s0 =	sadd.s32 @!p0 $0x100000, s0  }
0x147: {  	[sflag:s0] =	ssyncadd.tile.s32 @!p0 $0x1;
	_ =	shalt  }
.Lfunc_end2:
_tile_overlayer_lowered:
.L_overlay_start_2:
0x148: {  	(tag) =	ssettag $0x2  }
0x149: {  	s0 =	rddreg [dreg:$0x0];
	s2 =	stileid.u32  }
0x14a: {  	s1 =	rddreg [dreg:$0x1];
	p0 =	sne.s32 s2, $0x0  }
0x14b: {  	s3 =	rddreg [dreg:$0x2];
	[bflag:$0x3] =	sbarrier.arrive $0xFFFF;
	s2 =	simm.s32 @!p0 $0x1C02  }
0x14c: {  	[timem:s3], [sflag:s2] =	dma.local @!p0 [hbm:s0], s1  }
0x14d: {  	s0 =	simm.s32 @!p0 $0x2  }
0x14e: {  	_ =	swait.ge @!p0 [sflag:s0], s1  }
0x14f: {  	s1 =	ssub.s32 @!p0 $0x0, s1;
	[sflag:s0] =	ssyncset.done @!p0 $0x0  }
0x150: {  	[sflag:s0] =	ssyncadd.s32 @!p0 s1  }
0x151: {  	[bflag:$0x3] =	sbarrier.arrive $0xFFFF  }
0x152: {  	_ =	shalt  }

</sc_bundles>
